<compile_context>
chip_gen: v7x
topology: tpu7x:2x2x1
jax: 0.10.2.dev20260603
libtpu: 0.0.44.dev20260713+nightly
codegen_flags: <defaults>
</compile_context>

<pallas_src>
import functools

import jax
import jax.numpy as jnp
from jax import lax
from jax.experimental import pallas as pl
from jax.experimental.pallas import tpu as pltpu
from jax.experimental.pallas import tpu_sc as plsc

NC = 2
NS = 16
NW = NC * NS
L = 16

CHUNK = 128
NB = 3


def _dense_body(e_ref, q_ref, k_ref, v_ref, res_ref, att_ref, zero_ref):
    e = e_ref[...]
    q = jnp.dot(e, q_ref[...], preferred_element_type=jnp.float32)
    k = jnp.dot(e, k_ref[...], preferred_element_type=jnp.float32)
    v = jnp.dot(e, v_ref[...], preferred_element_type=jnp.float32)
    att = jnp.sum(q * k, axis=1, keepdims=True)
    att = jnp.clip(att, -10.0, 10.0)
    ex = jnp.exp(att)
    an = ex / (ex + 1e-8)
    res_ref[...] = an * v
    att_ref[...] = an
    zero_ref[...] = jnp.zeros_like(zero_ref)


def _dense(embeds, qT, kT, vT):
    n, d = embeds.shape
    rb = 2000
    grid = n // rb
    return pl.pallas_call(
        _dense_body,
        grid=(grid,),
        in_specs=[
            pl.BlockSpec((rb, d), lambda i: (i, 0)),
            pl.BlockSpec((d, d), lambda i: (0, 0)),
            pl.BlockSpec((d, d), lambda i: (0, 0)),
            pl.BlockSpec((d, d), lambda i: (0, 0)),
        ],
        out_specs=[
            pl.BlockSpec((rb, d), lambda i: (i, 0)),
            pl.BlockSpec((rb, 1), lambda i: (i, 0)),
            pl.BlockSpec((rb, d), lambda i: (i, 0)),
        ],
        out_shape=[
            jax.ShapeDtypeStruct((n, d), jnp.float32),
            jax.ShapeDtypeStruct((n, 1), jnp.float32),
            jax.ShapeDtypeStruct((n, d), jnp.float32),
        ],
    )(embeds, qT, kT, vT)


def _spmm_body(n, ept, res_hbm, row_hbm, col_hbm, val_hbm, zero_hbm,
               out_hbm, idx_v, val_v, tidx_v, tval_v, rows_b, acc_sh,
               isem, zsem, gsem, gsem2, ssem):
    c = lax.axis_index("c")
    s = lax.axis_index("s")
    wid = s * NC + c
    d = res_hbm.shape[1]
    ndv = d // L
    nchunks = ept // CHUNK
    tail_e = ept - nchunks * CHUNK
    base_e = wid * ept

    rpt = (n // NS) // 8 * 8
    rtail = n - NS * rpt
    pltpu.async_copy(zero_hbm.at[pl.ds(s * rpt, rpt)],
                     acc_sh.at[pl.ds(s * rpt, rpt)], zsem)

    @pl.when(s == NS - 1)
    def _():
        if rtail > 0:
            pltpu.sync_copy(zero_hbm.at[pl.ds(NS * rpt, rtail)],
                            acc_sh.at[pl.ds(NS * rpt, rtail)])

    def idx_start(j, sl):
        off = base_e + j * CHUNK
        pltpu.async_copy(row_hbm.at[pl.ds(off, CHUNK)], idx_v.at[sl, 0],
                         isem.at[sl])
        pltpu.async_copy(col_hbm.at[pl.ds(off, CHUNK)], idx_v.at[sl, 1],
                         isem.at[sl])
        pltpu.async_copy(val_hbm.at[pl.ds(off, CHUNK)], val_v.at[sl],
                         isem.at[sl])

    def idx_wait(j, sl):
        off = base_e + j * CHUNK
        pltpu.make_async_copy(row_hbm.at[pl.ds(off, CHUNK)], idx_v.at[sl, 0],
                              isem.at[sl]).wait()
        pltpu.make_async_copy(col_hbm.at[pl.ds(off, CHUNK)], idx_v.at[sl, 1],
                              isem.at[sl]).wait()
        pltpu.make_async_copy(val_hbm.at[pl.ds(off, CHUNK)], val_v.at[sl],
                              isem.at[sl]).wait()

    h = CHUNK // 2

    def gather_start(b):
        pltpu.async_copy(res_hbm.at[idx_v.at[b, 1, pl.ds(0, h)]],
                         rows_b.at[b, pl.ds(0, h)], gsem.at[b])
        pltpu.async_copy(res_hbm.at[idx_v.at[b, 1, pl.ds(h, h)]],
                         rows_b.at[b, pl.ds(h, h)], gsem2.at[b])

    def gather_wait_a(b):
        pltpu.make_async_copy(res_hbm.at[idx_v.at[b, 1, pl.ds(0, h)]],
                              rows_b.at[b, pl.ds(0, h)], gsem.at[b]).wait()

    def gather_wait_b(b):
        pltpu.make_async_copy(res_hbm.at[idx_v.at[b, 1, pl.ds(h, h)]],
                              rows_b.at[b, pl.ds(h, h)], gsem2.at[b]).wait()

    def scatter_start(b):
        pltpu.async_copy(rows_b.at[b], acc_sh.at[idx_v.at[b, 0]],
                         ssem.at[b], add=True)

    def scatter_wait(b):
        pltpu.make_async_copy(rows_b.at[b], acc_sh.at[idx_v.at[b, 0]],
                              ssem.at[b]).wait()

    idx_start(0, 0)
    idx_start(1, 1)
    pltpu.make_async_copy(zero_hbm.at[pl.ds(s * rpt, rpt)],
                          acc_sh.at[pl.ds(s * rpt, rpt)], zsem).wait()
    plsc.subcore_barrier()
    idx_wait(0, 0)
    gather_start(0)

    def outer(g, _):
        for k in range(NB):
            j = g * NB + k
            k1 = (k + 1) % NB
            k2 = (k + 2) % NB

            @pl.when(j + 1 < nchunks)
            def _():
                idx_wait(j + 1, k1)
                gather_start(k1)

            @pl.when(j >= 1)
            def _():
                scatter_wait(k2)

            @pl.when(j + 2 < nchunks)
            def _():
                idx_start(j + 2, k2)

            kk = jnp.full((L,), k, jnp.int32)
            rb = rows_b.at[k]

            gather_wait_a(k)

            @plsc.parallel_loop(0, h, unroll=4,
                                carry=jnp.zeros((L,), jnp.int32))
            def _mul_a(e, ev):
                vs = plsc.load_gather(val_v, [kk, ev])
                for grp in range(ndv):
                    sl = pl.ds(grp * L, L)
                    rb[e, sl] = rb[e, sl] * vs
                return ev + 1
            del _mul_a

            gather_wait_b(k)

            @plsc.parallel_loop(h, CHUNK, unroll=4,
                                carry=jnp.full((L,), h, jnp.int32))
            def _mul_b(e, ev):
                vs = plsc.load_gather(val_v, [kk, ev])
                for grp in range(ndv):
                    sl = pl.ds(grp * L, L)
                    rb[e, sl] = rb[e, sl] * vs
                return ev + 1
            del _mul_b

            scatter_start(k)
        return _

    lax.fori_loop(0, nchunks // NB, outer, None)
    scatter_wait((nchunks - 1) % NB)

    if tail_e > 0:
        toff = base_e + nchunks * CHUNK
        pltpu.sync_copy(row_hbm.at[pl.ds(toff, tail_e)], tidx_v.at[0])
        pltpu.sync_copy(col_hbm.at[pl.ds(toff, tail_e)], tidx_v.at[1])
        pltpu.sync_copy(val_hbm.at[pl.ds(toff, tail_e)], tval_v)
        trows = rows_b.at[0, pl.ds(0, tail_e)]
        pltpu.async_copy(res_hbm.at[tidx_v.at[1]], trows, gsem.at[0]).wait()
        rb0 = rows_b.at[0]

        @plsc.parallel_loop(0, tail_e, unroll=2)
        def _(e):
            ee = jnp.broadcast_to(e, (L,)).astype(jnp.int32)
            vs = plsc.load_gather(tval_v, [ee])
            for grp in range(ndv):
                sl = pl.ds(grp * L, L)
                rb0[e, sl] = rb0[e, sl] * vs

        pltpu.async_copy(trows, acc_sh.at[tidx_v.at[0]], ssem.at[0],
                         add=True).wait()

    plsc.subcore_barrier()

    pltpu.sync_copy(acc_sh.at[pl.ds(s * rpt, rpt)],
                    out_hbm.at[c, pl.ds(s * rpt, rpt)])

    @pl.when(s == NS - 1)
    def _():
        if rtail > 0:
            pltpu.sync_copy(acc_sh.at[pl.ds(NS * rpt, rtail)],
                            out_hbm.at[c, pl.ds(NS * rpt, rtail)])


def _spmm(res, rows, cols, vals, zeros):
    n, d = res.shape
    e = rows.shape[0]
    ept = e // NW
    tail_e = ept - (ept // CHUNK) * CHUNK
    tail_e = max(tail_e, L)
    mesh = plsc.VectorSubcoreMesh(core_axis_name="c", subcore_axis_name="s")
    kern = pl.kernel(
        functools.partial(_spmm_body, n, ept),
        out_type=jax.ShapeDtypeStruct((NC, n, d), jnp.float32),
        mesh=mesh,
        scratch_types=[
            pltpu.VMEM((NB, 2, CHUNK), jnp.int32),
            pltpu.VMEM((NB, CHUNK), jnp.float32),
            pltpu.VMEM((2, tail_e), jnp.int32),
            pltpu.VMEM((tail_e,), jnp.float32),
            pltpu.VMEM((NB, CHUNK, d), jnp.float32),
            pltpu.VMEM_SHARED((n, d), jnp.float32),
            pltpu.SemaphoreType.DMA((NB,)),
            pltpu.SemaphoreType.DMA,
            pltpu.SemaphoreType.DMA((NB,)),
            pltpu.SemaphoreType.DMA((NB,)),
            pltpu.SemaphoreType.DMA((NB,)),
        ],
        compiler_params=pltpu.CompilerParams(needs_layout_passes=False),
    )
    return kern(res, rows, cols, vals, zeros)


def _combine_body(p_ref, o_ref):
    o_ref[...] = p_ref[0] + p_ref[1]


def _combine(partials):
    _, n, d = partials.shape
    rb = 2000
    return pl.pallas_call(
        _combine_body,
        grid=(n // rb,),
        in_specs=[pl.BlockSpec((2, rb, d), lambda i: (0, i, 0))],
        out_specs=pl.BlockSpec((rb, d), lambda i: (i, 0)),
        out_shape=jax.ShapeDtypeStruct((n, d), jnp.float32),
    )(partials)


def kernel(adj_indices, adj_values, embeds, qTrans, kTrans, vTrans):
    n, d = embeds.shape

    res, att_norm, zeros = _dense(embeds, qTrans, kTrans, vTrans)

    rows = adj_indices[0].astype(jnp.int32)
    cols = adj_indices[1].astype(jnp.int32)

    partials = _spmm(res, rows, cols, adj_values, zeros)
    out = _combine(partials)
    return (out, att_norm)

# --- scband reference (transcript-rebuilt; emitter-appended) ---
"""Pipeline reference for scband-gtlayer-9268539425408 (READ-ONLY COPY).

The authoritative reference and input builder live on the scoring server;
editing this copy changes nothing except your own understanding.
"""

import jax, jax.numpy as jnp
import numpy as np

N = 10000
E = 320000
LATDIM = 128

def _xavier_uniform(key, shape):
    fan_in, fan_out = shape[0], shape[1]
    bound = float(np.sqrt(6.0 / (fan_in + fan_out)))
    return jax.random.uniform(key, shape, dtype=jnp.float32, minval=-bound, maxval=bound)

def setup_inputs(seed: int = 0) -> dict:
    key = jax.random.key(seed)
    k1, k2, k3, k4, k5, k6 = jax.random.split(key, 6)
    adj_indices = jax.random.randint(k1, (2, E), 0, N, dtype=jnp.int64)
    adj_values = jax.random.uniform(k2, (E,), dtype=jnp.float32)
    embeds = jax.random.normal(k3, (N, LATDIM), dtype=jnp.float32)
    qTrans = _xavier_uniform(k4, (LATDIM, LATDIM))
    kTrans = _xavier_uniform(k5, (LATDIM, LATDIM))
    vTrans = _xavier_uniform(k6, (LATDIM, LATDIM))
    return {"adj_indices": adj_indices, "adj_values": adj_values, "embeds": embeds,
            "qTrans": qTrans, "kTrans": kTrans, "vTrans": vTrans}

def reference(adj_indices, adj_values, embeds, qTrans, kTrans, vTrans):
    n, latdim = embeds.shape
    qEmbeds = (embeds @ qTrans).reshape(n, -1, latdim)
    kEmbeds = (embeds @ kTrans).reshape(n, -1, latdim)
    vEmbeds = (embeds @ vTrans).reshape(n, -1, latdim)
    att = jnp.einsum('bhd,bhd->bh', qEmbeds, kEmbeds)
    att = jnp.clip(att, -10.0, 10.0)
    expAtt = jnp.exp(att)
    attNorm = expAtt / (expAtt.sum(axis=-1, keepdims=True) + 1e-08)
    resEmbeds = jnp.einsum('bh,bhd->bd', attNorm, vEmbeds).reshape(-1, latdim)
    # sparse matmul: out[row] += adj_values * resEmbeds[col]
    row = adj_indices[0]
    col = adj_indices[1]
    gathered = jnp.take(resEmbeds, col, axis=0) * adj_values[:, None]
    out = jax.ops.segment_sum(gathered, row, num_segments=n)
    return (out, attNorm)

if __name__ == "__main__":
    import jax
    _d = setup_inputs()
    print(jax.jit(kernel)(*tuple(_d.values())))

</pallas_src>

<mosaic_0001>
#map = affine_map<(d0, d1) -> (0, 0)>
#map1 = affine_map<(d0, d1) -> (0)>
#map2 = affine_map<(d0, d1) -> (0, 0, 0)>
module attributes {stable_mosaic.version = 14 : i64} {
  func.func @_spmm_body(%arg0: i32, %arg1: i32, %arg2: memref<10000x128xf32, #tpu.memory_space<hbm>>, %arg3: memref<320000xi32, #tpu.memory_space<hbm>>, %arg4: memref<320000xi32, #tpu.memory_space<hbm>>, %arg5: memref<320000xf32, #tpu.memory_space<hbm>>, %arg6: memref<10000x128xf32, #tpu.memory_space<hbm>>, %arg7: memref<2x10000x128xf32, #tpu.memory_space<hbm>>, %arg8: memref<3x2x128xi32, #tpu.memory_space<vmem>>, %arg9: memref<3x128xf32, #tpu.memory_space<vmem>>, %arg10: memref<2x16xi32, #tpu.memory_space<vmem>>, %arg11: memref<16xf32, #tpu.memory_space<vmem>>, %arg12: memref<3x128x128xf32, #tpu.memory_space<vmem>>, %arg13: memref<10000x128xf32, #tpu.memory_space<vmem_shared>>, %arg14: memref<3x!tpu.dma_semaphore, #tpu.memory_space<semaphore_mem>>, %arg15: memref<!tpu.dma_semaphore, #tpu.memory_space<semaphore_mem>>, %arg16: memref<3x!tpu.dma_semaphore, #tpu.memory_space<semaphore_mem>>, %arg17: memref<3x!tpu.dma_semaphore, #tpu.memory_space<semaphore_mem>>, %arg18: memref<3x!tpu.dma_semaphore, #tpu.memory_space<semaphore_mem>>) attributes {dimension_semantics = [#tpu.dimension_semantics<core_parallel>, #tpu.dimension_semantics<subcore_parallel>], iteration_bounds = array<i64: 2, 16>, scalar_prefetch = 0 : i64, scratch_operands = 11 : i64, tpu.core_type = #tpu.core_type<sc_vector_subcore>, window_params = [{transform_indices = #map}, {transform_indices = #map1}, {transform_indices = #map1}, {transform_indices = #map1}, {transform_indices = #map}, {transform_indices = #map2}]} {
    %mul3A = arith.constant 2 : i32
    %mul3A_0 = arith.muli %arg1, %mul3A : i32
    %add3A = arith.addi %mul3A_0, %arg0 : i32
    %mul3A_1 = arith.constant 10000 : i32
    %mul3A_2 = arith.muli %add3A, %mul3A_1 : i32
    %mul3A_3 = arith.constant 624 : i32
    %mul3A_4 = arith.muli %arg1, %mul3A_3 : i32
    %mul3A_5 = arith.constant 624 : i32
    %mul3A_6 = arith.muli %arg1, %mul3A_5 : i32
    %dma_start3A = arith.constant 0 : i32
    %dma_start3A_7 = tpu.memref_slice %arg13[%mul3A_6, %dma_start3A] : memref<10000x128xf32, #tpu.memory_space<vmem_shared>> -> memref<624x128xf32, #tpu.memory_space<vmem_shared>>
    %dma_start3A_8 = arith.constant 0 : i32
    %dma_start3A_9 = tpu.memref_slice %arg6[%mul3A_4, %dma_start3A_8] : memref<10000x128xf32, #tpu.memory_space<hbm>> -> memref<624x128xf32, #tpu.memory_space<hbm>>
    tpu.enqueue_dma source(%dma_start3A_9 : memref<624x128xf32, #tpu.memory_space<hbm>>) target(%dma_start3A_7 : memref<624x128xf32, #tpu.memory_space<vmem_shared>>) target_semaphore(%arg15 : memref<!tpu.dma_semaphore, #tpu.memory_space<semaphore_mem>>)
    %eq3A = arith.constant 15 : i32
    %eq3A_10 = arith.cmpi eq, %arg1, %eq3A : i32
    %convert_element_type3A = arith.extui %eq3A_10 : i1 to i32
    %cond3A = arith.constant 0 : i32
    %cond3A_11 = arith.cmpi ne, %convert_element_type3A, %cond3A : i32
    scf.if %cond3A_11 {
      "tpu.region"() ({
        %run_scoped3A_267 = tpu.sem_alloc : memref<!tpu.dma_semaphore, #tpu.memory_space<semaphore_mem>>
        %dma_start3A_268 = arith.constant 9984 : i32
        %dma_start3A_269 = arith.constant 0 : i32
        %dma_start3A_270 = tpu.memref_slice %arg13[%dma_start3A_268, %dma_start3A_269] : memref<10000x128xf32, #tpu.memory_space<vmem_shared>> -> memref<16x128xf32, #tpu.memory_space<vmem_shared>>
        %dma_start3A_271 = arith.constant 9984 : i32
        %dma_start3A_272 = arith.constant 0 : i32
        %dma_start3A_273 = tpu.memref_slice %arg6[%dma_start3A_271, %dma_start3A_272] : memref<10000x128xf32, #tpu.memory_space<hbm>> -> memref<16x128xf32, #tpu.memory_space<hbm>>
        tpu.enqueue_dma source(%dma_start3A_273 : memref<16x128xf32, #tpu.memory_space<hbm>>) target(%dma_start3A_270 : memref<16x128xf32, #tpu.memory_space<vmem_shared>>) target_semaphore(%run_scoped3A_267 : memref<!tpu.dma_semaphore, #tpu.memory_space<semaphore_mem>>)
        %dma_wait3A_274 = arith.constant 9984 : i32
        %dma_wait3A_275 = arith.constant 0 : i32
        %dma_wait3A_276 = tpu.memref_slice %arg13[%dma_wait3A_274, %dma_wait3A_275] : memref<10000x128xf32, #tpu.memory_space<vmem_shared>> -> memref<16x128xf32, #tpu.memory_space<vmem_shared>>
        %dma_wait3A_277 = arith.constant 9984 : i32
        %dma_wait3A_278 = arith.constant 0 : i32
        %dma_wait3A_279 = tpu.memref_slice %arg6[%dma_wait3A_277, %dma_wait3A_278] : memref<10000x128xf32, #tpu.memory_space<hbm>> -> memref<16x128xf32, #tpu.memory_space<hbm>>
        tpu.wait_dma2 semaphore(%run_scoped3A_267 : memref<!tpu.dma_semaphore, #tpu.memory_space<semaphore_mem>>) src(%dma_wait3A_279 : memref<16x128xf32, #tpu.memory_space<hbm>>) dst(%dma_wait3A_276 : memref<16x128xf32, #tpu.memory_space<vmem_shared>>)
        tpu.yield
      }) : () -> ()
    } else {
    }
    %add3A_12 = arith.constant 0 : i32
    %add3A_13 = arith.addi %mul3A_2, %add3A_12 : i32
    %dma_start3A_14 = arith.constant 0 : i32
    %dma_start3A_15 = arith.constant 0 : i32
    %dma_start3A_16 = arith.constant 0 : i32
    %dma_start3A_17 = arith.constant 0 : i32
    %dma_start3A_18 = tpu.memref_slice %arg8[%dma_start3A_14, %dma_start3A_15, %dma_start3A_17] : memref<3x2x128xi32, #tpu.memory_space<vmem>> -> memref<1x1x128xi32, #tpu.memory_space<vmem>>
    %dma_start3A_19 = tpu.memref_squeeze %dma_start3A_18 : memref<1x1x128xi32, #tpu.memory_space<vmem>> -> memref<128xi32, #tpu.memory_space<vmem>>
    %dma_start3A_20 = tpu.memref_slice %arg3[%add3A_13] : memref<320000xi32, #tpu.memory_space<hbm>> -> memref<128xi32, #tpu.memory_space<hbm>>
    %dma_start3A_21 = tpu.memref_slice %arg14[%dma_start3A_16] : memref<3x!tpu.dma_semaphore, #tpu.memory_space<semaphore_mem>> -> memref<1x!tpu.dma_semaphore, #tpu.memory_space<semaphore_mem>>
    %dma_start3A_22 = tpu.memref_squeeze %dma_start3A_21 : memref<1x!tpu.dma_semaphore, #tpu.memory_space<semaphore_mem>> -> memref<!tpu.dma_semaphore, #tpu.memory_space<semaphore_mem>>
    %dma_start3A_23 = arith.constant 0 : i32
    %dma_start3A_24 = tpu.memref_slice %arg8[%dma_start3A_14, %dma_start3A_15, %dma_start3A_23] : memref<3x2x128xi32, #tpu.memory_space<vmem>> -> memref<1x1x128xi32, #tpu.memory_space<vmem>>
    %dma_start3A_25 = tpu.memref_squeeze %dma_start3A_24 : memref<1x1x128xi32, #tpu.memory_space<vmem>> -> memref<128xi32, #tpu.memory_space<vmem>>
    %dma_start3A_26 = tpu.memref_slice %arg3[%add3A_13] : memref<320000xi32, #tpu.memory_space<hbm>> -> memref<128xi32, #tpu.memory_space<hbm>>
    tpu.enqueue_dma source(%dma_start3A_26 : memref<128xi32, #tpu.memory_space<hbm>>) target(%dma_start3A_25 : memref<128xi32, #tpu.memory_space<vmem>>) target_semaphore(%dma_start3A_22 : memref<!tpu.dma_semaphore, #tpu.memory_space<semaphore_mem>>)
    %dma_start3A_27 = arith.constant 0 : i32
    %dma_start3A_28 = arith.constant 1 : i32
    %dma_start3A_29 = arith.constant 0 : i32
    %dma_start3A_30 = arith.constant 0 : i32
    %dma_start3A_31 = tpu.memref_slice %arg8[%dma_start3A_27, %dma_start3A_28, %dma_start3A_30] : memref<3x2x128xi32, #tpu.memory_space<vmem>> -> memref<1x1x128xi32, #tpu.memory_space<vmem>>
    %dma_start3A_32 = tpu.memref_squeeze %dma_start3A_31 : memref<1x1x128xi32, #tpu.memory_space<vmem>> -> memref<128xi32, #tpu.memory_space<vmem>>
    %dma_start3A_33 = tpu.memref_slice %arg4[%add3A_13] : memref<320000xi32, #tpu.memory_space<hbm>> -> memref<128xi32, #tpu.memory_space<hbm>>
    %dma_start3A_34 = tpu.memref_slice %arg14[%dma_start3A_29] : memref<3x!tpu.dma_semaphore, #tpu.memory_space<semaphore_mem>> -> memref<1x!tpu.dma_semaphore, #tpu.memory_space<semaphore_mem>>
    %dma_start3A_35 = tpu.memref_squeeze %dma_start3A_34 : memref<1x!tpu.dma_semaphore, #tpu.memory_space<semaphore_mem>> -> memref<!tpu.dma_semaphore, #tpu.memory_space<semaphore_mem>>
    %dma_start3A_36 = arith.constant 0 : i32
    %dma_start3A_37 = tpu.memref_slice %arg8[%dma_start3A_27, %dma_start3A_28, %dma_start3A_36] : memref<3x2x128xi32, #tpu.memory_space<vmem>> -> memref<1x1x128xi32, #tpu.memory_space<vmem>>
    %dma_start3A_38 = tpu.memref_squeeze %dma_start3A_37 : memref<1x1x128xi32, #tpu.memory_space<vmem>> -> memref<128xi32, #tpu.memory_space<vmem>>
    %dma_start3A_39 = tpu.memref_slice %arg4[%add3A_13] : memref<320000xi32, #tpu.memory_space<hbm>> -> memref<128xi32, #tpu.memory_space<hbm>>
    tpu.enqueue_dma source(%dma_start3A_39 : memref<128xi32, #tpu.memory_space<hbm>>) target(%dma_start3A_38 : memref<128xi32, #tpu.memory_space<vmem>>) target_semaphore(%dma_start3A_35 : memref<!tpu.dma_semaphore, #tpu.memory_space<semaphore_mem>>)
    %dma_start3A_40 = arith.constant 0 : i32
    %dma_start3A_41 = arith.constant 0 : i32
    %dma_start3A_42 = arith.constant 0 : i32
    %dma_start3A_43 = tpu.memref_slice %arg9[%dma_start3A_40, %dma_start3A_42] : memref<3x128xf32, #tpu.memory_space<vmem>> -> memref<1x128xf32, #tpu.memory_space<vmem>>
    %dma_start3A_44 = tpu.memref_squeeze %dma_start3A_43 : memref<1x128xf32, #tpu.memory_space<vmem>> -> memref<128xf32, #tpu.memory_space<vmem>>
    %dma_start3A_45 = tpu.memref_slice %arg5[%add3A_13] : memref<320000xf32, #tpu.memory_space<hbm>> -> memref<128xf32, #tpu.memory_space<hbm>>
    %dma_start3A_46 = tpu.memref_slice %arg14[%dma_start3A_41] : memref<3x!tpu.dma_semaphore, #tpu.memory_space<semaphore_mem>> -> memref<1x!tpu.dma_semaphore, #tpu.memory_space<semaphore_mem>>
    %dma_start3A_47 = tpu.memref_squeeze %dma_start3A_46 : memref<1x!tpu.dma_semaphore, #tpu.memory_space<semaphore_mem>> -> memref<!tpu.dma_semaphore, #tpu.memory_space<semaphore_mem>>
    %dma_start3A_48 = arith.constant 0 : i32
    %dma_start3A_49 = tpu.memref_slice %arg9[%dma_start3A_40, %dma_start3A_48] : memref<3x128xf32, #tpu.memory_space<vmem>> -> memref<1x128xf32, #tpu.memory_space<vmem>>
    %dma_start3A_50 = tpu.memref_squeeze %dma_start3A_49 : memref<1x128xf32, #tpu.memory_space<vmem>> -> memref<128xf32, #tpu.memory_space<vmem>>
    %dma_start3A_51 = tpu.memref_slice %arg5[%add3A_13] : memref<320000xf32, #tpu.memory_space<hbm>> -> memref<128xf32, #tpu.memory_space<hbm>>
    tpu.enqueue_dma source(%dma_start3A_51 : memref<128xf32, #tpu.memory_space<hbm>>) target(%dma_start3A_50 : memref<128xf32, #tpu.memory_space<vmem>>) target_semaphore(%dma_start3A_47 : memref<!tpu.dma_semaphore, #tpu.memory_space<semaphore_mem>>)
    %add3A_52 = arith.constant 128 : i32
    %add3A_53 = arith.addi %mul3A_2, %add3A_52 : i32
    %dma_start3A_54 = arith.constant 1 : i32
    %dma_start3A_55 = arith.constant 0 : i32
    %dma_start3A_56 = arith.constant 1 : i32
    %dma_start3A_57 = arith.constant 0 : i32
    %dma_start3A_58 = tpu.memref_slice %arg8[%dma_start3A_54, %dma_start3A_55, %dma_start3A_57] : memref<3x2x128xi32, #tpu.memory_space<vmem>> -> memref<1x1x128xi32, #tpu.memory_space<vmem>>
    %dma_start3A_59 = tpu.memref_squeeze %dma_start3A_58 : memref<1x1x128xi32, #tpu.memory_space<vmem>> -> memref<128xi32, #tpu.memory_space<vmem>>
    %dma_start3A_60 = tpu.memref_slice %arg3[%add3A_53] : memref<320000xi32, #tpu.memory_space<hbm>> -> memref<128xi32, #tpu.memory_space<hbm>>
    %dma_start3A_61 = tpu.memref_slice %arg14[%dma_start3A_56] : memref<3x!tpu.dma_semaphore, #tpu.memory_space<semaphore_mem>> -> memref<1x!tpu.dma_semaphore, #tpu.memory_space<semaphore_mem>>
    %dma_start3A_62 = tpu.memref_squeeze %dma_start3A_61 : memref<1x!tpu.dma_semaphore, #tpu.memory_space<semaphore_mem>> -> memref<!tpu.dma_semaphore, #tpu.memory_space<semaphore_mem>>
    %dma_start3A_63 = arith.constant 0 : i32
    %dma_start3A_64 = tpu.memref_slice %arg8[%dma_start3A_54, %dma_start3A_55, %dma_start3A_63] : memref<3x2x128xi32, #tpu.memory_space<vmem>> -> memref<1x1x128xi32, #tpu.memory_space<vmem>>
    %dma_start3A_65 = tpu.memref_squeeze %dma_start3A_64 : memref<1x1x128xi32, #tpu.memory_space<vmem>> -> memref<128xi32, #tpu.memory_space<vmem>>
    %dma_start3A_66 = tpu.memref_slice %arg3[%add3A_53] : memref<320000xi32, #tpu.memory_space<hbm>> -> memref<128xi32, #tpu.memory_space<hbm>>
    tpu.enqueue_dma source(%dma_start3A_66 : memref<128xi32, #tpu.memory_space<hbm>>) target(%dma_start3A_65 : memref<128xi32, #tpu.memory_space<vmem>>) target_semaphore(%dma_start3A_62 : memref<!tpu.dma_semaphore, #tpu.memory_space<semaphore_mem>>)
    %dma_start3A_67 = arith.constant 1 : i32
    %dma_start3A_68 = arith.constant 1 : i32
    %dma_start3A_69 = arith.constant 1 : i32
    %dma_start3A_70 = arith.constant 0 : i32
    %dma_start3A_71 = tpu.memref_slice %arg8[%dma_start3A_67, %dma_start3A_68, %dma_start3A_70] : memref<3x2x128xi32, #tpu.memory_space<vmem>> -> memref<1x1x128xi32, #tpu.memory_space<vmem>>
    %dma_start3A_72 = tpu.memref_squeeze %dma_start3A_71 : memref<1x1x128xi32, #tpu.memory_space<vmem>> -> memref<128xi32, #tpu.memory_space<vmem>>
    %dma_start3A_73 = tpu.memref_slice %arg4[%add3A_53] : memref<320000xi32, #tpu.memory_space<hbm>> -> memref<128xi32, #tpu.memory_space<hbm>>
    %dma_start3A_74 = tpu.memref_slice %arg14[%dma_start3A_69] : memref<3x!tpu.dma_semaphore, #tpu.memory_space<semaphore_mem>> -> memref<1x!tpu.dma_semaphore, #tpu.memory_space<semaphore_mem>>
    %dma_start3A_75 = tpu.memref_squeeze %dma_start3A_74 : memref<1x!tpu.dma_semaphore, #tpu.memory_space<semaphore_mem>> -> memref<!tpu.dma_semaphore, #tpu.memory_space<semaphore_mem>>
    %dma_start3A_76 = arith.constant 0 : i32
    %dma_start3A_77 = tpu.memref_slice %arg8[%dma_start3A_67, %dma_start3A_68, %dma_start3A_76] : memref<3x2x128xi32, #tpu.memory_space<vmem>> -> memref<1x1x128xi32, #tpu.memory_space<vmem>>
    %dma_start3A_78 = tpu.memref_squeeze %dma_start3A_77 : memref<1x1x128xi32, #tpu.memory_space<vmem>> -> memref<128xi32, #tpu.memory_space<vmem>>
    %dma_start3A_79 = tpu.memref_slice %arg4[%add3A_53] : memref<320000xi32, #tpu.memory_space<hbm>> -> memref<128xi32, #tpu.memory_space<hbm>>
    tpu.enqueue_dma source(%dma_start3A_79 : memref<128xi32, #tpu.memory_space<hbm>>) target(%dma_start3A_78 : memref<128xi32, #tpu.memory_space<vmem>>) target_semaphore(%dma_start3A_75 : memref<!tpu.dma_semaphore, #tpu.memory_space<semaphore_mem>>)
    %dma_start3A_80 = arith.constant 1 : i32
    %dma_start3A_81 = arith.constant 1 : i32
    %dma_start3A_82 = arith.constant 0 : i32
    %dma_start3A_83 = tpu.memref_slice %arg9[%dma_start3A_80, %dma_start3A_82] : memref<3x128xf32, #tpu.memory_space<vmem>> -> memref<1x128xf32, #tpu.memory_space<vmem>>
    %dma_start3A_84 = tpu.memref_squeeze %dma_start3A_83 : memref<1x128xf32, #tpu.memory_space<vmem>> -> memref<128xf32, #tpu.memory_space<vmem>>
    %dma_start3A_85 = tpu.memref_slice %arg5[%add3A_53] : memref<320000xf32, #tpu.memory_space<hbm>> -> memref<128xf32, #tpu.memory_space<hbm>>
    %dma_start3A_86 = tpu.memref_slice %arg14[%dma_start3A_81] : memref<3x!tpu.dma_semaphore, #tpu.memory_space<semaphore_mem>> -> memref<1x!tpu.dma_semaphore, #tpu.memory_space<semaphore_mem>>
    %dma_start3A_87 = tpu.memref_squeeze %dma_start3A_86 : memref<1x!tpu.dma_semaphore, #tpu.memory_space<semaphore_mem>> -> memref<!tpu.dma_semaphore, #tpu.memory_space<semaphore_mem>>
    %dma_start3A_88 = arith.constant 0 : i32
    %dma_start3A_89 = tpu.memref_slice %arg9[%dma_start3A_80, %dma_start3A_88] : memref<3x128xf32, #tpu.memory_space<vmem>> -> memref<1x128xf32, #tpu.memory_space<vmem>>
    %dma_start3A_90 = tpu.memref_squeeze %dma_start3A_89 : memref<1x128xf32, #tpu.memory_space<vmem>> -> memref<128xf32, #tpu.memory_space<vmem>>
    %dma_start3A_91 = tpu.memref_slice %arg5[%add3A_53] : memref<320000xf32, #tpu.memory_space<hbm>> -> memref<128xf32, #tpu.memory_space<hbm>>
    tpu.enqueue_dma source(%dma_start3A_91 : memref<128xf32, #tpu.memory_space<hbm>>) target(%dma_start3A_90 : memref<128xf32, #tpu.memory_space<vmem>>) target_semaphore(%dma_start3A_87 : memref<!tpu.dma_semaphore, #tpu.memory_space<semaphore_mem>>)
    %mul3A_92 = arith.constant 624 : i32
    %mul3A_93 = arith.muli %arg1, %mul3A_92 : i32
    %mul3A_94 = arith.constant 624 : i32
    %mul3A_95 = arith.muli %arg1, %mul3A_94 : i32
    %dma_wait3A = arith.constant 0 : i32
    %dma_wait3A_96 = tpu.memref_slice %arg13[%mul3A_95, %dma_wait3A] : memref<10000x128xf32, #tpu.memory_space<vmem_shared>> -> memref<624x128xf32, #tpu.memory_space<vmem_shared>>
    %dma_wait3A_97 = arith.constant 0 : i32
    %dma_wait3A_98 = tpu.memref_slice %arg6[%mul3A_93, %dma_wait3A_97] : memref<10000x128xf32, #tpu.memory_space<hbm>> -> memref<624x128xf32, #tpu.memory_space<hbm>>
    tpu.wait_dma2 semaphore(%arg15 : memref<!tpu.dma_semaphore, #tpu.memory_space<semaphore_mem>>) src(%dma_wait3A_98 : memref<624x128xf32, #tpu.memory_space<hbm>>) dst(%dma_wait3A_96 : memref<624x128xf32, #tpu.memory_space<vmem_shared>>)
    %barrier3A = arith.constant 0 : index
    tpu.barrier barrier_id(%barrier3A)
    %add3A_99 = arith.constant 0 : i32
    %add3A_100 = arith.addi %mul3A_2, %add3A_99 : i32
    %dma_wait3A_101 = arith.constant 0 : i32
    %dma_wait3A_102 = arith.constant 0 : i32
    %dma_wait3A_103 = arith.constant 0 : i32
    %dma_wait3A_104 = arith.constant 0 : i32
    %dma_wait3A_105 = tpu.memref_slice %arg8[%dma_wait3A_101, %dma_wait3A_102, %dma_wait3A_104] : memref<3x2x128xi32, #tpu.memory_space<vmem>> -> memref<1x1x128xi32, #tpu.memory_space<vmem>>
    %dma_wait3A_106 = tpu.memref_squeeze %dma_wait3A_105 : memref<1x1x128xi32, #tpu.memory_space<vmem>> -> memref<128xi32, #tpu.memory_space<vmem>>
    %dma_wait3A_107 = tpu.memref_slice %arg3[%add3A_100] : memref<320000xi32, #tpu.memory_space<hbm>> -> memref<128xi32, #tpu.memory_space<hbm>>
    %dma_wait3A_108 = tpu.memref_slice %arg14[%dma_wait3A_103] : memref<3x!tpu.dma_semaphore, #tpu.memory_space<semaphore_mem>> -> memref<1x!tpu.dma_semaphore, #tpu.memory_space<semaphore_mem>>
    %dma_wait3A_109 = tpu.memref_squeeze %dma_wait3A_108 : memref<1x!tpu.dma_semaphore, #tpu.memory_space<semaphore_mem>> -> memref<!tpu.dma_semaphore, #tpu.memory_space<semaphore_mem>>
    %dma_wait3A_110 = arith.constant 0 : i32
    %dma_wait3A_111 = tpu.memref_slice %arg8[%dma_wait3A_101, %dma_wait3A_102, %dma_wait3A_110] : memref<3x2x128xi32, #tpu.memory_space<vmem>> -> memref<1x1x128xi32, #tpu.memory_space<vmem>>
    %dma_wait3A_112 = tpu.memref_squeeze %dma_wait3A_111 : memref<1x1x128xi32, #tpu.memory_space<vmem>> -> memref<128xi32, #tpu.memory_space<vmem>>
    %dma_wait3A_113 = tpu.memref_slice %arg3[%add3A_100] : memref<320000xi32, #tpu.memory_space<hbm>> -> memref<128xi32, #tpu.memory_space<hbm>>
    tpu.wait_dma2 semaphore(%dma_wait3A_109 : memref<!tpu.dma_semaphore, #tpu.memory_space<semaphore_mem>>) src(%dma_wait3A_113 : memref<128xi32, #tpu.memory_space<hbm>>) dst(%dma_wait3A_112 : memref<128xi32, #tpu.memory_space<vmem>>)
    %dma_wait3A_114 = arith.constant 0 : i32
    %dma_wait3A_115 = arith.constant 1 : i32
    %dma_wait3A_116 = arith.constant 0 : i32
    %dma_wait3A_117 = arith.constant 0 : i32
    %dma_wait3A_118 = tpu.memref_slice %arg8[%dma_wait3A_114, %dma_wait3A_115, %dma_wait3A_117] : memref<3x2x128xi32, #tpu.memory_space<vmem>> -> memref<1x1x128xi32, #tpu.memory_space<vmem>>
    %dma_wait3A_119 = tpu.memref_squeeze %dma_wait3A_118 : memref<1x1x128xi32, #tpu.memory_space<vmem>> -> memref<128xi32, #tpu.memory_space<vmem>>
    %dma_wait3A_120 = tpu.memref_slice %arg4[%add3A_100] : memref<320000xi32, #tpu.memory_space<hbm>> -> memref<128xi32, #tpu.memory_space<hbm>>
    %dma_wait3A_121 = tpu.memref_slice %arg14[%dma_wait3A_116] : memref<3x!tpu.dma_semaphore, #tpu.memory_space<semaphore_mem>> -> memref<1x!tpu.dma_semaphore, #tpu.memory_space<semaphore_mem>>
    %dma_wait3A_122 = tpu.memref_squeeze %dma_wait3A_121 : memref<1x!tpu.dma_semaphore, #tpu.memory_space<semaphore_mem>> -> memref<!tpu.dma_semaphore, #tpu.memory_space<semaphore_mem>>
    %dma_wait3A_123 = arith.constant 0 : i32
    %dma_wait3A_124 = tpu.memref_slice %arg8[%dma_wait3A_114, %dma_wait3A_115, %dma_wait3A_123] : memref<3x2x128xi32, #tpu.memory_space<vmem>> -> memref<1x1x128xi32, #tpu.memory_space<vmem>>
    %dma_wait3A_125 = tpu.memref_squeeze %dma_wait3A_124 : memref<1x1x128xi32, #tpu.memory_space<vmem>> -> memref<128xi32, #tpu.memory_space<vmem>>
    %dma_wait3A_126 = tpu.memref_slice %arg4[%add3A_100] : memref<320000xi32, #tpu.memory_space<hbm>> -> memref<128xi32, #tpu.memory_space<hbm>>
    tpu.wait_dma2 semaphore(%dma_wait3A_122 : memref<!tpu.dma_semaphore, #tpu.memory_space<semaphore_mem>>) src(%dma_wait3A_126 : memref<128xi32, #tpu.memory_space<hbm>>) dst(%dma_wait3A_125 : memref<128xi32, #tpu.memory_space<vmem>>)
    %dma_wait3A_127 = arith.constant 0 : i32
    %dma_wait3A_128 = arith.constant 0 : i32
    %dma_wait3A_129 = arith.constant 0 : i32
    %dma_wait3A_130 = tpu.memref_slice %arg9[%dma_wait3A_127, %dma_wait3A_129] : memref<3x128xf32, #tpu.memory_space<vmem>> -> memref<1x128xf32, #tpu.memory_space<vmem>>
    %dma_wait3A_131 = tpu.memref_squeeze %dma_wait3A_130 : memref<1x128xf32, #tpu.memory_space<vmem>> -> memref<128xf32, #tpu.memory_space<vmem>>
    %dma_wait3A_132 = tpu.memref_slice %arg5[%add3A_100] : memref<320000xf32, #tpu.memory_space<hbm>> -> memref<128xf32, #tpu.memory_space<hbm>>
    %dma_wait3A_133 = tpu.memref_slice %arg14[%dma_wait3A_128] : memref<3x!tpu.dma_semaphore, #tpu.memory_space<semaphore_mem>> -> memref<1x!tpu.dma_semaphore, #tpu.memory_space<semaphore_mem>>
    %dma_wait3A_134 = tpu.memref_squeeze %dma_wait3A_133 : memref<1x!tpu.dma_semaphore, #tpu.memory_space<semaphore_mem>> -> memref<!tpu.dma_semaphore, #tpu.memory_space<semaphore_mem>>
    %dma_wait3A_135 = arith.constant 0 : i32
    %dma_wait3A_136 = tpu.memref_slice %arg9[%dma_wait3A_127, %dma_wait3A_135] : memref<3x128xf32, #tpu.memory_space<vmem>> -> memref<1x128xf32, #tpu.memory_space<vmem>>
    %dma_wait3A_137 = tpu.memref_squeeze %dma_wait3A_136 : memref<1x128xf32, #tpu.memory_space<vmem>> -> memref<128xf32, #tpu.memory_space<vmem>>
    %dma_wait3A_138 = tpu.memref_slice %arg5[%add3A_100] : memref<320000xf32, #tpu.memory_space<hbm>> -> memref<128xf32, #tpu.memory_space<hbm>>
    tpu.wait_dma2 semaphore(%dma_wait3A_134 : memref<!tpu.dma_semaphore, #tpu.memory_space<semaphore_mem>>) src(%dma_wait3A_138 : memref<128xf32, #tpu.memory_space<hbm>>) dst(%dma_wait3A_137 : memref<128xf32, #tpu.memory_space<vmem>>)
    %dma_start3A_139 = arith.constant 0 : i32
    %dma_start3A_140 = arith.constant 1 : i32
    %dma_start3A_141 = arith.constant 0 : i32
    %dma_start3A_142 = arith.constant 0 : i32
    %dma_start3A_143 = arith.constant 0 : i32
    %dma_start3A_144 = arith.constant 0 : i32
    %dma_start3A_145 = tpu.memref_slice %arg12[%dma_start3A_141, %dma_start3A_143, %dma_start3A_144] : memref<3x128x128xf32, #tpu.memory_space<vmem>> -> memref<1x64x128xf32, #tpu.memory_space<vmem>>
    %dma_start3A_146 = tpu.memref_squeeze %dma_start3A_145 : memref<1x64x128xf32, #tpu.memory_space<vmem>> -> memref<64x128xf32, #tpu.memory_space<vmem>>
    %dma_start3A_147 = arith.constant 0 : i32
    %dma_start3A_148 = tpu.memref_slice %arg8[%dma_start3A_139, %dma_start3A_140, %dma_start3A_147] : memref<3x2x128xi32, #tpu.memory_space<vmem>> -> memref<1x1x64xi32, #tpu.memory_space<vmem>>
    %dma_start3A_149 = tpu.memref_squeeze %dma_start3A_148 : memref<1x1x64xi32, #tpu.memory_space<vmem>> -> memref<64xi32, #tpu.memory_space<vmem>>
    %dma_start3A_150 = arith.constant 0 : i32
    %dma_start3A_151 = arith.constant 0 : i32
    %dma_start3A_152 = tpu.memref_slice %arg2[%dma_start3A_150, %dma_start3A_151] : memref<10000x128xf32, #tpu.memory_space<hbm>> -> memref<10000x128xf32, #tpu.memory_space<hbm>>
    %dma_start3A_153 = tpu.memref_slice %arg16[%dma_start3A_142] : memref<3x!tpu.dma_semaphore, #tpu.memory_space<semaphore_mem>> -> memref<1x!tpu.dma_semaphore, #tpu.memory_space<semaphore_mem>>
    %dma_start3A_154 = tpu.memref_squeeze %dma_start3A_153 : memref<1x!tpu.dma_semaphore, #tpu.memory_space<semaphore_mem>> -> memref<!tpu.dma_semaphore, #tpu.memory_space<semaphore_mem>>
    tpu.enqueue_indirect_dma source(%dma_start3A_152 : memref<10000x128xf32, #tpu.memory_space<hbm>>) target(%dma_start3A_146 : memref<64x128xf32, #tpu.memory_space<vmem>>) offsets(%dma_start3A_149 : memref<64xi32, #tpu.memory_space<vmem>>) semaphore(%dma_start3A_154 : memref<!tpu.dma_semaphore, #tpu.memory_space<semaphore_mem>>)
    %dma_start3A_155 = arith.constant 0 : i32
    %dma_start3A_156 = arith.constant 1 : i32
    %dma_start3A_157 = arith.constant 0 : i32
    %dma_start3A_158 = arith.constant 0 : i32
    %dma_start3A_159 = arith.constant 64 : i32
    %dma_start3A_160 = arith.constant 0 : i32
    %dma_start3A_161 = tpu.memref_slice %arg12[%dma_start3A_157, %dma_start3A_159, %dma_start3A_160] : memref<3x128x128xf32, #tpu.memory_space<vmem>> -> memref<1x64x128xf32, #tpu.memory_space<vmem>>
    %dma_start3A_162 = tpu.memref_squeeze %dma_start3A_161 : memref<1x64x128xf32, #tpu.memory_space<vmem>> -> memref<64x128xf32, #tpu.memory_space<vmem>>
    %dma_start3A_163 = arith.constant 64 : i32
    %dma_start3A_164 = tpu.memref_slice %arg8[%dma_start3A_155, %dma_start3A_156, %dma_start3A_163] : memref<3x2x128xi32, #tpu.memory_space<vmem>> -> memref<1x1x64xi32, #tpu.memory_space<vmem>>
    %dma_start3A_165 = tpu.memref_squeeze %dma_start3A_164 : memref<1x1x64xi32, #tpu.memory_space<vmem>> -> memref<64xi32, #tpu.memory_space<vmem>>
    %dma_start3A_166 = arith.constant 0 : i32
    %dma_start3A_167 = arith.constant 0 : i32
    %dma_start3A_168 = tpu.memref_slice %arg2[%dma_start3A_166, %dma_start3A_167] : memref<10000x128xf32, #tpu.memory_space<hbm>> -> memref<10000x128xf32, #tpu.memory_space<hbm>>
    %dma_start3A_169 = tpu.memref_slice %arg17[%dma_start3A_158] : memref<3x!tpu.dma_semaphore, #tpu.memory_space<semaphore_mem>> -> memref<1x!tpu.dma_semaphore, #tpu.memory_space<semaphore_mem>>
    %dma_start3A_170 = tpu.memref_squeeze %dma_start3A_169 : memref<1x!tpu.dma_semaphore, #tpu.memory_space<semaphore_mem>> -> memref<!tpu.dma_semaphore, #tpu.memory_space<semaphore_mem>>
    tpu.enqueue_indirect_dma source(%dma_start3A_168 : memref<10000x128xf32, #tpu.memory_space<hbm>>) target(%dma_start3A_162 : memref<64x128xf32, #tpu.memory_space<vmem>>) offsets(%dma_start3A_165 : memref<64xi32, #tpu.memory_space<vmem>>) semaphore(%dma_start3A_170 : memref<!tpu.dma_semaphore, #tpu.memory_space<semaphore_mem>>)
    %scan3A = arith.constant 0 : i32
    %scan3A_171 = arith.constant 26 : i32
    %scan3A_172 = arith.addi %scan3A, %scan3A_171 : i32
    %scan3A_173 = arith.constant 1 : i32
    scf.for %scan3A_267 = %scan3A to %scan3A_172 step %scan3A_173  : i32 {
      %mul3A_268 = arith.constant 3 : i32
      %mul3A_269 = arith.muli %scan3A_267, %mul3A_268 : i32
      %add3A_270 = arith.constant 0 : i32
      %add3A_271 = arith.addi %mul3A_269, %add3A_270 : i32
      %add3A_272 = arith.constant 1 : i32
      %add3A_273 = arith.addi %add3A_271, %add3A_272 : i32
      %lt3A = arith.constant 78 : i32
      %lt3A_274 = arith.cmpi slt, %add3A_273, %lt3A : i32
      %convert_element_type3A_275 = arith.extui %lt3A_274 : i1 to i32
      %cond3A_276 = arith.constant 0 : i32
      %cond3A_277 = arith.cmpi ne, %convert_element_type3A_275, %cond3A_276 : i32
      scf.if %cond3A_277 {
        %add3A_526 = arith.constant 1 : i32
        %add3A_527 = arith.addi %add3A_271, %add3A_526 : i32
        %mul3A_528 = arith.constant 128 : i32
        %mul3A_529 = arith.muli %add3A_527, %mul3A_528 : i32
        %add3A_530 = arith.addi %mul3A_2, %mul3A_529 : i32
        %dma_wait3A_531 = arith.constant 1 : i32
        %dma_wait3A_532 = arith.constant 0 : i32
        %dma_wait3A_533 = arith.constant 1 : i32
        %dma_wait3A_534 = arith.constant 0 : i32
        %dma_wait3A_535 = tpu.memref_slice %arg8[%dma_wait3A_531, %dma_wait3A_532, %dma_wait3A_534] : memref<3x2x128xi32, #tpu.memory_space<vmem>> -> memref<1x1x128xi32, #tpu.memory_space<vmem>>
        %dma_wait3A_536 = tpu.memref_squeeze %dma_wait3A_535 : memref<1x1x128xi32, #tpu.memory_space<vmem>> -> memref<128xi32, #tpu.memory_space<vmem>>
        %dma_wait3A_537 = tpu.memref_slice %arg3[%add3A_530] : memref<320000xi32, #tpu.memory_space<hbm>> -> memref<128xi32, #tpu.memory_space<hbm>>
        %dma_wait3A_538 = tpu.memref_slice %arg14[%dma_wait3A_533] : memref<3x!tpu.dma_semaphore, #tpu.memory_space<semaphore_mem>> -> memref<1x!tpu.dma_semaphore, #tpu.memory_space<semaphore_mem>>
        %dma_wait3A_539 = tpu.memref_squeeze %dma_wait3A_538 : memref<1x!tpu.dma_semaphore, #tpu.memory_space<semaphore_mem>> -> memref<!tpu.dma_semaphore, #tpu.memory_space<semaphore_mem>>
        %dma_wait3A_540 = arith.constant 0 : i32
        %dma_wait3A_541 = tpu.memref_slice %arg8[%dma_wait3A_531, %dma_wait3A_532, %dma_wait3A_540] : memref<3x2x128xi32, #tpu.memory_space<vmem>> -> memref<1x1x128xi32, #tpu.memory_space<vmem>>
        %dma_wait3A_542 = tpu.memref_squeeze %dma_wait3A_541 : memref<1x1x128xi32, #tpu.memory_space<vmem>> -> memref<128xi32, #tpu.memory_space<vmem>>
        %dma_wait3A_543 = tpu.memref_slice %arg3[%add3A_530] : memref<320000xi32, #tpu.memory_space<hbm>> -> memref<128xi32, #tpu.memory_space<hbm>>
        tpu.wait_dma2 semaphore(%dma_wait3A_539 : memref<!tpu.dma_semaphore, #tpu.memory_space<semaphore_mem>>) src(%dma_wait3A_543 : memref<128xi32, #tpu.memory_space<hbm>>) dst(%dma_wait3A_542 : memref<128xi32, #tpu.memory_space<vmem>>)
        %dma_wait3A_544 = arith.constant 1 : i32
        %dma_wait3A_545 = arith.constant 1 : i32
        %dma_wait3A_546 = arith.constant 1 : i32
        %dma_wait3A_547 = arith.constant 0 : i32
        %dma_wait3A_548 = tpu.memref_slice %arg8[%dma_wait3A_544, %dma_wait3A_545, %dma_wait3A_547] : memref<3x2x128xi32, #tpu.memory_space<vmem>> -> memref<1x1x128xi32, #tpu.memory_space<vmem>>
        %dma_wait3A_549 = tpu.memref_squeeze %dma_wait3A_548 : memref<1x1x128xi32, #tpu.memory_space<vmem>> -> memref<128xi32, #tpu.memory_space<vmem>>
        %dma_wait3A_550 = tpu.memref_slice %arg4[%add3A_530] : memref<320000xi32, #tpu.memory_space<hbm>> -> memref<128xi32, #tpu.memory_space<hbm>>
        %dma_wait3A_551 = tpu.memref_slice %arg14[%dma_wait3A_546] : memref<3x!tpu.dma_semaphore, #tpu.memory_space<semaphore_mem>> -> memref<1x!tpu.dma_semaphore, #tpu.memory_space<semaphore_mem>>
        %dma_wait3A_552 = tpu.memref_squeeze %dma_wait3A_551 : memref<1x!tpu.dma_semaphore, #tpu.memory_space<semaphore_mem>> -> memref<!tpu.dma_semaphore, #tpu.memory_space<semaphore_mem>>
        %dma_wait3A_553 = arith.constant 0 : i32
        %dma_wait3A_554 = tpu.memref_slice %arg8[%dma_wait3A_544, %dma_wait3A_545, %dma_wait3A_553] : memref<3x2x128xi32, #tpu.memory_space<vmem>> -> memref<1x1x128xi32, #tpu.memory_space<vmem>>
        %dma_wait3A_555 = tpu.memref_squeeze %dma_wait3A_554 : memref<1x1x128xi32, #tpu.memory_space<vmem>> -> memref<128xi32, #tpu.memory_space<vmem>>
        %dma_wait3A_556 = tpu.memref_slice %arg4[%add3A_530] : memref<320000xi32, #tpu.memory_space<hbm>> -> memref<128xi32, #tpu.memory_space<hbm>>
        tpu.wait_dma2 semaphore(%dma_wait3A_552 : memref<!tpu.dma_semaphore, #tpu.memory_space<semaphore_mem>>) src(%dma_wait3A_556 : memref<128xi32, #tpu.memory_space<hbm>>) dst(%dma_wait3A_555 : memref<128xi32, #tpu.memory_space<vmem>>)
        %dma_wait3A_557 = arith.constant 1 : i32
        %dma_wait3A_558 = arith.constant 1 : i32
        %dma_wait3A_559 = arith.constant 0 : i32
        %dma_wait3A_560 = tpu.memref_slice %arg9[%dma_wait3A_557, %dma_wait3A_559] : memref<3x128xf32, #tpu.memory_space<vmem>> -> memref<1x128xf32, #tpu.memory_space<vmem>>
        %dma_wait3A_561 = tpu.memref_squeeze %dma_wait3A_560 : memref<1x128xf32, #tpu.memory_space<vmem>> -> memref<128xf32, #tpu.memory_space<vmem>>
        %dma_wait3A_562 = tpu.memref_slice %arg5[%add3A_530] : memref<320000xf32, #tpu.memory_space<hbm>> -> memref<128xf32, #tpu.memory_space<hbm>>
        %dma_wait3A_563 = tpu.memref_slice %arg14[%dma_wait3A_558] : memref<3x!tpu.dma_semaphore, #tpu.memory_space<semaphore_mem>> -> memref<1x!tpu.dma_semaphore, #tpu.memory_space<semaphore_mem>>
        %dma_wait3A_564 = tpu.memref_squeeze %dma_wait3A_563 : memref<1x!tpu.dma_semaphore, #tpu.memory_space<semaphore_mem>> -> memref<!tpu.dma_semaphore, #tpu.memory_space<semaphore_mem>>
        %dma_wait3A_565 = arith.constant 0 : i32
        %dma_wait3A_566 = tpu.memref_slice %arg9[%dma_wait3A_557, %dma_wait3A_565] : memref<3x128xf32, #tpu.memory_space<vmem>> -> memref<1x128xf32, #tpu.memory_space<vmem>>
        %dma_wait3A_567 = tpu.memref_squeeze %dma_wait3A_566 : memref<1x128xf32, #tpu.memory_space<vmem>> -> memref<128xf32, #tpu.memory_space<vmem>>
        %dma_wait3A_568 = tpu.memref_slice %arg5[%add3A_530] : memref<320000xf32, #tpu.memory_space<hbm>> -> memref<128xf32, #tpu.memory_space<hbm>>
        tpu.wait_dma2 semaphore(%dma_wait3A_564 : memref<!tpu.dma_semaphore, #tpu.memory_space<semaphore_mem>>) src(%dma_wait3A_568 : memref<128xf32, #tpu.memory_space<hbm>>) dst(%dma_wait3A_567 : memref<128xf32, #tpu.memory_space<vmem>>)
        %dma_start3A_569 = arith.constant 1 : i32
        %dma_start3A_570 = arith.constant 1 : i32
        %dma_start3A_571 = arith.constant 1 : i32
        %dma_start3A_572 = arith.constant 1 : i32
        %dma_start3A_573 = arith.constant 0 : i32
        %dma_start3A_574 = arith.constant 0 : i32
        %dma_start3A_575 = tpu.memref_slice %arg12[%dma_start3A_571, %dma_start3A_573, %dma_start3A_574] : memref<3x128x128xf32, #tpu.memory_space<vmem>> -> memref<1x64x128xf32, #tpu.memory_space<vmem>>
        %dma_start3A_576 = tpu.memref_squeeze %dma_start3A_575 : memref<1x64x128xf32, #tpu.memory_space<vmem>> -> memref<64x128xf32, #tpu.memory_space<vmem>>
        %dma_start3A_577 = arith.constant 0 : i32
        %dma_start3A_578 = tpu.memref_slice %arg8[%dma_start3A_569, %dma_start3A_570, %dma_start3A_577] : memref<3x2x128xi32, #tpu.memory_space<vmem>> -> memref<1x1x64xi32, #tpu.memory_space<vmem>>
        %dma_start3A_579 = tpu.memref_squeeze %dma_start3A_578 : memref<1x1x64xi32, #tpu.memory_space<vmem>> -> memref<64xi32, #tpu.memory_space<vmem>>
        %dma_start3A_580 = arith.constant 0 : i32
        %dma_start3A_581 = arith.constant 0 : i32
        %dma_start3A_582 = tpu.memref_slice %arg2[%dma_start3A_580, %dma_start3A_581] : memref<10000x128xf32, #tpu.memory_space<hbm>> -> memref<10000x128xf32, #tpu.memory_space<hbm>>
        %dma_start3A_583 = tpu.memref_slice %arg16[%dma_start3A_572] : memref<3x!tpu.dma_semaphore, #tpu.memory_space<semaphore_mem>> -> memref<1x!tpu.dma_semaphore, #tpu.memory_space<semaphore_mem>>
        %dma_start3A_584 = tpu.memref_squeeze %dma_start3A_583 : memref<1x!tpu.dma_semaphore, #tpu.memory_space<semaphore_mem>> -> memref<!tpu.dma_semaphore, #tpu.memory_space<semaphore_mem>>
        tpu.enqueue_indirect_dma source(%dma_start3A_582 : memref<10000x128xf32, #tpu.memory_space<hbm>>) target(%dma_start3A_576 : memref<64x128xf32, #tpu.memory_space<vmem>>) offsets(%dma_start3A_579 : memref<64xi32, #tpu.memory_space<vmem>>) semaphore(%dma_start3A_584 : memref<!tpu.dma_semaphore, #tpu.memory_space<semaphore_mem>>)
        %dma_start3A_585 = arith.constant 1 : i32
        %dma_start3A_586 = arith.constant 1 : i32
        %dma_start3A_587 = arith.constant 1 : i32
        %dma_start3A_588 = arith.constant 1 : i32
        %dma_start3A_589 = arith.constant 64 : i32
        %dma_start3A_590 = arith.constant 0 : i32
        %dma_start3A_591 = tpu.memref_slice %arg12[%dma_start3A_587, %dma_start3A_589, %dma_start3A_590] : memref<3x128x128xf32, #tpu.memory_space<vmem>> -> memref<1x64x128xf32, #tpu.memory_space<vmem>>
        %dma_start3A_592 = tpu.memref_squeeze %dma_start3A_591 : memref<1x64x128xf32, #tpu.memory_space<vmem>> -> memref<64x128xf32, #tpu.memory_space<vmem>>
        %dma_start3A_593 = arith.constant 64 : i32
        %dma_start3A_594 = tpu.memref_slice %arg8[%dma_start3A_585, %dma_start3A_586, %dma_start3A_593] : memref<3x2x128xi32, #tpu.memory_space<vmem>> -> memref<1x1x64xi32, #tpu.memory_space<vmem>>
        %dma_start3A_595 = tpu.memref_squeeze %dma_start3A_594 : memref<1x1x64xi32, #tpu.memory_space<vmem>> -> memref<64xi32, #tpu.memory_space<vmem>>
        %dma_start3A_596 = arith.constant 0 : i32
        %dma_start3A_597 = arith.constant 0 : i32
        %dma_start3A_598 = tpu.memref_slice %arg2[%dma_start3A_596, %dma_start3A_597] : memref<10000x128xf32, #tpu.memory_space<hbm>> -> memref<10000x128xf32, #tpu.memory_space<hbm>>
        %dma_start3A_599 = tpu.memref_slice %arg17[%dma_start3A_588] : memref<3x!tpu.dma_semaphore, #tpu.memory_space<semaphore_mem>> -> memref<1x!tpu.dma_semaphore, #tpu.memory_space<semaphore_mem>>
        %dma_start3A_600 = tpu.memref_squeeze %dma_start3A_599 : memref<1x!tpu.dma_semaphore, #tpu.memory_space<semaphore_mem>> -> memref<!tpu.dma_semaphore, #tpu.memory_space<semaphore_mem>>
        tpu.enqueue_indirect_dma source(%dma_start3A_598 : memref<10000x128xf32, #tpu.memory_space<hbm>>) target(%dma_start3A_592 : memref<64x128xf32, #tpu.memory_space<vmem>>) offsets(%dma_start3A_595 : memref<64xi32, #tpu.memory_space<vmem>>) semaphore(%dma_start3A_600 : memref<!tpu.dma_semaphore, #tpu.memory_space<semaphore_mem>>)
      } else {
      }
      %ge3A = arith.constant 1 : i32
      %ge3A_278 = arith.cmpi sge, %add3A_271, %ge3A : i32
      %convert_element_type3A_279 = arith.extui %ge3A_278 : i1 to i32
      %cond3A_280 = arith.constant 0 : i32
      %cond3A_281 = arith.cmpi ne, %convert_element_type3A_279, %cond3A_280 : i32
      scf.if %cond3A_281 {
        %dma_wait3A_526 = arith.constant 2 : i32
        %dma_wait3A_527 = arith.constant 2 : i32
        %dma_wait3A_528 = arith.constant 0 : i32
        %dma_wait3A_529 = arith.constant 2 : i32
        %dma_wait3A_530 = arith.constant 0 : i32
        %dma_wait3A_531 = arith.constant 0 : i32
        %dma_wait3A_532 = tpu.memref_slice %arg12[%dma_wait3A_526, %dma_wait3A_530, %dma_wait3A_531] : memref<3x128x128xf32, #tpu.memory_space<vmem>> -> memref<1x128x128xf32, #tpu.memory_space<vmem>>
        %dma_wait3A_533 = tpu.memref_squeeze %dma_wait3A_532 : memref<1x128x128xf32, #tpu.memory_space<vmem>> -> memref<128x128xf32, #tpu.memory_space<vmem>>
        %dma_wait3A_534 = arith.constant 0 : i32
        %dma_wait3A_535 = tpu.memref_slice %arg8[%dma_wait3A_527, %dma_wait3A_528, %dma_wait3A_534] : memref<3x2x128xi32, #tpu.memory_space<vmem>> -> memref<1x1x128xi32, #tpu.memory_space<vmem>>
        %dma_wait3A_536 = tpu.memref_squeeze %dma_wait3A_535 : memref<1x1x128xi32, #tpu.memory_space<vmem>> -> memref<128xi32, #tpu.memory_space<vmem>>
        %dma_wait3A_537 = arith.constant 0 : i32
        %dma_wait3A_538 = arith.constant 0 : i32
        %dma_wait3A_539 = tpu.memref_slice %arg13[%dma_wait3A_537, %dma_wait3A_538] : memref<10000x128xf32, #tpu.memory_space<vmem_shared>> -> memref<10000x128xf32, #tpu.memory_space<vmem_shared>>
        %dma_wait3A_540 = tpu.memref_slice %arg18[%dma_wait3A_529] : memref<3x!tpu.dma_semaphore, #tpu.memory_space<semaphore_mem>> -> memref<1x!tpu.dma_semaphore, #tpu.memory_space<semaphore_mem>>
        %dma_wait3A_541 = tpu.memref_squeeze %dma_wait3A_540 : memref<1x!tpu.dma_semaphore, #tpu.memory_space<semaphore_mem>> -> memref<!tpu.dma_semaphore, #tpu.memory_space<semaphore_mem>>
        tpu.wait_indirect_dma semaphore(%dma_wait3A_541 : memref<!tpu.dma_semaphore, #tpu.memory_space<semaphore_mem>>) src(%dma_wait3A_533 : memref<128x128xf32, #tpu.memory_space<vmem>>) dst(%dma_wait3A_539 : memref<10000x128xf32, #tpu.memory_space<vmem_shared>>)
      } else {
      }
      %add3A_282 = arith.constant 2 : i32
      %add3A_283 = arith.addi %add3A_271, %add3A_282 : i32
      %lt3A_284 = arith.constant 78 : i32
      %lt3A_285 = arith.cmpi slt, %add3A_283, %lt3A_284 : i32
      %convert_element_type3A_286 = arith.extui %lt3A_285 : i1 to i32
      %cond3A_287 = arith.constant 0 : i32
      %cond3A_288 = arith.cmpi ne, %convert_element_type3A_286, %cond3A_287 : i32
      scf.if %cond3A_288 {
        %add3A_526 = arith.constant 2 : i32
        %add3A_527 = arith.addi %add3A_271, %add3A_526 : i32
        %mul3A_528 = arith.constant 128 : i32
        %mul3A_529 = arith.muli %add3A_527, %mul3A_528 : i32
        %add3A_530 = arith.addi %mul3A_2, %mul3A_529 : i32
        %dma_start3A_531 = arith.constant 2 : i32
        %dma_start3A_532 = arith.constant 0 : i32
        %dma_start3A_533 = arith.constant 2 : i32
        %dma_start3A_534 = arith.constant 0 : i32
        %dma_start3A_535 = tpu.memref_slice %arg8[%dma_start3A_531, %dma_start3A_532, %dma_start3A_534] : memref<3x2x128xi32, #tpu.memory_space<vmem>> -> memref<1x1x128xi32, #tpu.memory_space<vmem>>
        %dma_start3A_536 = tpu.memref_squeeze %dma_start3A_535 : memref<1x1x128xi32, #tpu.memory_space<vmem>> -> memref<128xi32, #tpu.memory_space<vmem>>
        %dma_start3A_537 = tpu.memref_slice %arg3[%add3A_530] : memref<320000xi32, #tpu.memory_space<hbm>> -> memref<128xi32, #tpu.memory_space<hbm>>
        %dma_start3A_538 = tpu.memref_slice %arg14[%dma_start3A_533] : memref<3x!tpu.dma_semaphore, #tpu.memory_space<semaphore_mem>> -> memref<1x!tpu.dma_semaphore, #tpu.memory_space<semaphore_mem>>
        %dma_start3A_539 = tpu.memref_squeeze %dma_start3A_538 : memref<1x!tpu.dma_semaphore, #tpu.memory_space<semaphore_mem>> -> memref<!tpu.dma_semaphore, #tpu.memory_space<semaphore_mem>>
        %dma_start3A_540 = arith.constant 0 : i32
        %dma_start3A_541 = tpu.memref_slice %arg8[%dma_start3A_531, %dma_start3A_532, %dma_start3A_540] : memref<3x2x128xi32, #tpu.memory_space<vmem>> -> memref<1x1x128xi32, #tpu.memory_space<vmem>>
        %dma_start3A_542 = tpu.memref_squeeze %dma_start3A_541 : memref<1x1x128xi32, #tpu.memory_space<vmem>> -> memref<128xi32, #tpu.memory_space<vmem>>
        %dma_start3A_543 = tpu.memref_slice %arg3[%add3A_530] : memref<320000xi32, #tpu.memory_space<hbm>> -> memref<128xi32, #tpu.memory_space<hbm>>
        tpu.enqueue_dma source(%dma_start3A_543 : memref<128xi32, #tpu.memory_space<hbm>>) target(%dma_start3A_542 : memref<128xi32, #tpu.memory_space<vmem>>) target_semaphore(%dma_start3A_539 : memref<!tpu.dma_semaphore, #tpu.memory_space<semaphore_mem>>)
        %dma_start3A_544 = arith.constant 2 : i32
        %dma_start3A_545 = arith.constant 1 : i32
        %dma_start3A_546 = arith.constant 2 : i32
        %dma_start3A_547 = arith.constant 0 : i32
        %dma_start3A_548 = tpu.memref_slice %arg8[%dma_start3A_544, %dma_start3A_545, %dma_start3A_547] : memref<3x2x128xi32, #tpu.memory_space<vmem>> -> memref<1x1x128xi32, #tpu.memory_space<vmem>>
        %dma_start3A_549 = tpu.memref_squeeze %dma_start3A_548 : memref<1x1x128xi32, #tpu.memory_space<vmem>> -> memref<128xi32, #tpu.memory_space<vmem>>
        %dma_start3A_550 = tpu.memref_slice %arg4[%add3A_530] : memref<320000xi32, #tpu.memory_space<hbm>> -> memref<128xi32, #tpu.memory_space<hbm>>
        %dma_start3A_551 = tpu.memref_slice %arg14[%dma_start3A_546] : memref<3x!tpu.dma_semaphore, #tpu.memory_space<semaphore_mem>> -> memref<1x!tpu.dma_semaphore, #tpu.memory_space<semaphore_mem>>
        %dma_start3A_552 = tpu.memref_squeeze %dma_start3A_551 : memref<1x!tpu.dma_semaphore, #tpu.memory_space<semaphore_mem>> -> memref<!tpu.dma_semaphore, #tpu.memory_space<semaphore_mem>>
        %dma_start3A_553 = arith.constant 0 : i32
        %dma_start3A_554 = tpu.memref_slice %arg8[%dma_start3A_544, %dma_start3A_545, %dma_start3A_553] : memref<3x2x128xi32, #tpu.memory_space<vmem>> -> memref<1x1x128xi32, #tpu.memory_space<vmem>>
        %dma_start3A_555 = tpu.memref_squeeze %dma_start3A_554 : memref<1x1x128xi32, #tpu.memory_space<vmem>> -> memref<128xi32, #tpu.memory_space<vmem>>
        %dma_start3A_556 = tpu.memref_slice %arg4[%add3A_530] : memref<320000xi32, #tpu.memory_space<hbm>> -> memref<128xi32, #tpu.memory_space<hbm>>
        tpu.enqueue_dma source(%dma_start3A_556 : memref<128xi32, #tpu.memory_space<hbm>>) target(%dma_start3A_555 : memref<128xi32, #tpu.memory_space<vmem>>) target_semaphore(%dma_start3A_552 : memref<!tpu.dma_semaphore, #tpu.memory_space<semaphore_mem>>)
        %dma_start3A_557 = arith.constant 2 : i32
        %dma_start3A_558 = arith.constant 2 : i32
        %dma_start3A_559 = arith.constant 0 : i32
        %dma_start3A_560 = tpu.memref_slice %arg9[%dma_start3A_557, %dma_start3A_559] : memref<3x128xf32, #tpu.memory_space<vmem>> -> memref<1x128xf32, #tpu.memory_space<vmem>>
        %dma_start3A_561 = tpu.memref_squeeze %dma_start3A_560 : memref<1x128xf32, #tpu.memory_space<vmem>> -> memref<128xf32, #tpu.memory_space<vmem>>
        %dma_start3A_562 = tpu.memref_slice %arg5[%add3A_530] : memref<320000xf32, #tpu.memory_space<hbm>> -> memref<128xf32, #tpu.memory_space<hbm>>
        %dma_start3A_563 = tpu.memref_slice %arg14[%dma_start3A_558] : memref<3x!tpu.dma_semaphore, #tpu.memory_space<semaphore_mem>> -> memref<1x!tpu.dma_semaphore, #tpu.memory_space<semaphore_mem>>
        %dma_start3A_564 = tpu.memref_squeeze %dma_start3A_563 : memref<1x!tpu.dma_semaphore, #tpu.memory_space<semaphore_mem>> -> memref<!tpu.dma_semaphore, #tpu.memory_space<semaphore_mem>>
        %dma_start3A_565 = arith.constant 0 : i32
        %dma_start3A_566 = tpu.memref_slice %arg9[%dma_start3A_557, %dma_start3A_565] : memref<3x128xf32, #tpu.memory_space<vmem>> -> memref<1x128xf32, #tpu.memory_space<vmem>>
        %dma_start3A_567 = tpu.memref_squeeze %dma_start3A_566 : memref<1x128xf32, #tpu.memory_space<vmem>> -> memref<128xf32, #tpu.memory_space<vmem>>
        %dma_start3A_568 = tpu.memref_slice %arg5[%add3A_530] : memref<320000xf32, #tpu.memory_space<hbm>> -> memref<128xf32, #tpu.memory_space<hbm>>
        tpu.enqueue_dma source(%dma_start3A_568 : memref<128xf32, #tpu.memory_space<hbm>>) target(%dma_start3A_567 : memref<128xf32, #tpu.memory_space<vmem>>) target_semaphore(%dma_start3A_564 : memref<!tpu.dma_semaphore, #tpu.memory_space<semaphore_mem>>)
      } else {
      }
      %broadcast_in_dim3A = arith.constant 0 : i32
      %broadcast_in_dim3A_289 = vector.broadcast %broadcast_in_dim3A : i32 to vector<16xi32>
      %dma_wait3A_290 = arith.constant 0 : i32
      %dma_wait3A_291 = arith.constant 1 : i32
      %dma_wait3A_292 = arith.constant 0 : i32
      %dma_wait3A_293 = arith.constant 0 : i32
      %dma_wait3A_294 = arith.constant 0 : i32
      %dma_wait3A_295 = arith.constant 0 : i32
      %dma_wait3A_296 = tpu.memref_slice %arg12[%dma_wait3A_292, %dma_wait3A_294, %dma_wait3A_295] : memref<3x128x128xf32, #tpu.memory_space<vmem>> -> memref<1x64x128xf32, #tpu.memory_space<vmem>>
      %dma_wait3A_297 = tpu.memref_squeeze %dma_wait3A_296 : memref<1x64x128xf32, #tpu.memory_space<vmem>> -> memref<64x128xf32, #tpu.memory_space<vmem>>
      %dma_wait3A_298 = arith.constant 0 : i32
      %dma_wait3A_299 = tpu.memref_slice %arg8[%dma_wait3A_290, %dma_wait3A_291, %dma_wait3A_298] : memref<3x2x128xi32, #tpu.memory_space<vmem>> -> memref<1x1x64xi32, #tpu.memory_space<vmem>>
      %dma_wait3A_300 = tpu.memref_squeeze %dma_wait3A_299 : memref<1x1x64xi32, #tpu.memory_space<vmem>> -> memref<64xi32, #tpu.memory_space<vmem>>
      %dma_wait3A_301 = arith.constant 0 : i32
      %dma_wait3A_302 = arith.constant 0 : i32
      %dma_wait3A_303 = tpu.memref_slice %arg2[%dma_wait3A_301, %dma_wait3A_302] : memref<10000x128xf32, #tpu.memory_space<hbm>> -> memref<10000x128xf32, #tpu.memory_space<hbm>>
      %dma_wait3A_304 = tpu.memref_slice %arg16[%dma_wait3A_293] : memref<3x!tpu.dma_semaphore, #tpu.memory_space<semaphore_mem>> -> memref<1x!tpu.dma_semaphore, #tpu.memory_space<semaphore_mem>>
      %dma_wait3A_305 = tpu.memref_squeeze %dma_wait3A_304 : memref<1x!tpu.dma_semaphore, #tpu.memory_space<semaphore_mem>> -> memref<!tpu.dma_semaphore, #tpu.memory_space<semaphore_mem>>
      tpu.wait_indirect_dma semaphore(%dma_wait3A_305 : memref<!tpu.dma_semaphore, #tpu.memory_space<semaphore_mem>>) src(%dma_wait3A_303 : memref<10000x128xf32, #tpu.memory_space<hbm>>) dst(%dma_wait3A_297 : memref<64x128xf32, #tpu.memory_space<vmem>>)
      %broadcast_in_dim3A_306 = arith.constant 0 : i32
      %broadcast_in_dim3A_307 = vector.broadcast %broadcast_in_dim3A_306 : i32 to vector<16xi32>
      %parallel_loop3A_308 = arith.constant 0 : i32
      %parallel_loop3A_309 = arith.constant 64 : i32
      %parallel_loop3A_310 = arith.constant 1 : i32
      %parallel_loop3A_311 = arith.constant 0 : i32
      %parallel_loop3A_312 = scf.for %parallel_loop3A_526 = %parallel_loop3A_308 to %parallel_loop3A_309 step %parallel_loop3A_310 iter_args(%parallel_loop3A_527 = %broadcast_in_dim3A_307) -> (vector<16xi32>)  : i32 {
        %parallel_loop3A_528 = tpu.vector_load_idx %arg9[%broadcast_in_dim3A_289, %parallel_loop3A_527] : memref<3x128xf32, #tpu.memory_space<vmem>>[vector<16xi32>, vector<16xi32>], vector<16xf32>,
        %parallel_loop3A_529 = arith.constant 0 : i32
        %parallel_loop3A_530 = arith.constant 0 : i32
        %parallel_loop3A_531 = tpu.memref_slice %arg12[%parallel_loop3A_311, %parallel_loop3A_529, %parallel_loop3A_530] : memref<3x128x128xf32, #tpu.memory_space<vmem>> -> memref<1x128x128xf32, #tpu.memory_space<vmem>>
        %parallel_loop3A_532 = tpu.memref_squeeze %parallel_loop3A_531 : memref<1x128x128xf32, #tpu.memory_space<vmem>> -> memref<128x128xf32, #tpu.memory_space<vmem>>
        %parallel_loop3A_533 = arith.index_cast %parallel_loop3A_526 : i32 to index
        %parallel_loop3A_534 = arith.constant 0 : index
        %parallel_loop3A_535 = tpu.vector_load %parallel_loop3A_532[%parallel_loop3A_533, %parallel_loop3A_534] {strides = array<i32>} : memref<128x128xf32, #tpu.memory_space<vmem>>, vector<16xf32>,
        %parallel_loop3A_536 = arith.mulf %parallel_loop3A_535, %parallel_loop3A_528 : vector<16xf32>
        %parallel_loop3A_537 = arith.constant 0 : i32
        %parallel_loop3A_538 = arith.constant 0 : i32
        %parallel_loop3A_539 = tpu.memref_slice %arg12[%parallel_loop3A_311, %parallel_loop3A_537, %parallel_loop3A_538] : memref<3x128x128xf32, #tpu.memory_space<vmem>> -> memref<1x128x128xf32, #tpu.memory_space<vmem>>
        %parallel_loop3A_540 = tpu.memref_squeeze %parallel_loop3A_539 : memref<1x128x128xf32, #tpu.memory_space<vmem>> -> memref<128x128xf32, #tpu.memory_space<vmem>>
        %parallel_loop3A_541 = arith.index_cast %parallel_loop3A_526 : i32 to index
        %parallel_loop3A_542 = arith.constant 0 : index
        %parallel_loop3A_543 = tpu.vector_load %parallel_loop3A_540[%parallel_loop3A_541, %parallel_loop3A_542] {strides = array<i32>} : memref<128x128xf32, #tpu.memory_space<vmem>>, vector<16xf32>,
        tpu.vector_store %parallel_loop3A_540[%parallel_loop3A_541, %parallel_loop3A_542], %parallel_loop3A_536 {strides = array<i32>} : memref<128x128xf32, #tpu.memory_space<vmem>>, vector<16xf32>,
        %parallel_loop3A_544 = arith.constant 0 : i32
        %parallel_loop3A_545 = arith.constant 0 : i32
        %parallel_loop3A_546 = tpu.memref_slice %arg12[%parallel_loop3A_311, %parallel_loop3A_544, %parallel_loop3A_545] : memref<3x128x128xf32, #tpu.memory_space<vmem>> -> memref<1x128x128xf32, #tpu.memory_space<vmem>>
        %parallel_loop3A_547 = tpu.memref_squeeze %parallel_loop3A_546 : memref<1x128x128xf32, #tpu.memory_space<vmem>> -> memref<128x128xf32, #tpu.memory_space<vmem>>
        %parallel_loop3A_548 = arith.index_cast %parallel_loop3A_526 : i32 to index
        %parallel_loop3A_549 = arith.constant 16 : index
        %parallel_loop3A_550 = tpu.vector_load %parallel_loop3A_547[%parallel_loop3A_548, %parallel_loop3A_549] {strides = array<i32>} : memref<128x128xf32, #tpu.memory_space<vmem>>, vector<16xf32>,
        %parallel_loop3A_551 = arith.mulf %parallel_loop3A_550, %parallel_loop3A_528 : vector<16xf32>
        %parallel_loop3A_552 = arith.constant 0 : i32
        %parallel_loop3A_553 = arith.constant 0 : i32
        %parallel_loop3A_554 = tpu.memref_slice %arg12[%parallel_loop3A_311, %parallel_loop3A_552, %parallel_loop3A_553] : memref<3x128x128xf32, #tpu.memory_space<vmem>> -> memref<1x128x128xf32, #tpu.memory_space<vmem>>
        %parallel_loop3A_555 = tpu.memref_squeeze %parallel_loop3A_554 : memref<1x128x128xf32, #tpu.memory_space<vmem>> -> memref<128x128xf32, #tpu.memory_space<vmem>>
        %parallel_loop3A_556 = arith.index_cast %parallel_loop3A_526 : i32 to index
        %parallel_loop3A_557 = arith.constant 16 : index
        %parallel_loop3A_558 = tpu.vector_load %parallel_loop3A_555[%parallel_loop3A_556, %parallel_loop3A_557] {strides = array<i32>} : memref<128x128xf32, #tpu.memory_space<vmem>>, vector<16xf32>,
        tpu.vector_store %parallel_loop3A_555[%parallel_loop3A_556, %parallel_loop3A_557], %parallel_loop3A_551 {strides = array<i32>} : memref<128x128xf32, #tpu.memory_space<vmem>>, vector<16xf32>,
        %parallel_loop3A_559 = arith.constant 0 : i32
        %parallel_loop3A_560 = arith.constant 0 : i32
        %parallel_loop3A_561 = tpu.memref_slice %arg12[%parallel_loop3A_311, %parallel_loop3A_559, %parallel_loop3A_560] : memref<3x128x128xf32, #tpu.memory_space<vmem>> -> memref<1x128x128xf32, #tpu.memory_space<vmem>>
        %parallel_loop3A_562 = tpu.memref_squeeze %parallel_loop3A_561 : memref<1x128x128xf32, #tpu.memory_space<vmem>> -> memref<128x128xf32, #tpu.memory_space<vmem>>
        %parallel_loop3A_563 = arith.index_cast %parallel_loop3A_526 : i32 to index
        %parallel_loop3A_564 = arith.constant 32 : index
        %parallel_loop3A_565 = tpu.vector_load %parallel_loop3A_562[%parallel_loop3A_563, %parallel_loop3A_564] {strides = array<i32>} : memref<128x128xf32, #tpu.memory_space<vmem>>, vector<16xf32>,
        %parallel_loop3A_566 = arith.mulf %parallel_loop3A_565, %parallel_loop3A_528 : vector<16xf32>
        %parallel_loop3A_567 = arith.constant 0 : i32
        %parallel_loop3A_568 = arith.constant 0 : i32
        %parallel_loop3A_569 = tpu.memref_slice %arg12[%parallel_loop3A_311, %parallel_loop3A_567, %parallel_loop3A_568] : memref<3x128x128xf32, #tpu.memory_space<vmem>> -> memref<1x128x128xf32, #tpu.memory_space<vmem>>
        %parallel_loop3A_570 = tpu.memref_squeeze %parallel_loop3A_569 : memref<1x128x128xf32, #tpu.memory_space<vmem>> -> memref<128x128xf32, #tpu.memory_space<vmem>>
        %parallel_loop3A_571 = arith.index_cast %parallel_loop3A_526 : i32 to index
        %parallel_loop3A_572 = arith.constant 32 : index
        %parallel_loop3A_573 = tpu.vector_load %parallel_loop3A_570[%parallel_loop3A_571, %parallel_loop3A_572] {strides = array<i32>} : memref<128x128xf32, #tpu.memory_space<vmem>>, vector<16xf32>,
        tpu.vector_store %parallel_loop3A_570[%parallel_loop3A_571, %parallel_loop3A_572], %parallel_loop3A_566 {strides = array<i32>} : memref<128x128xf32, #tpu.memory_space<vmem>>, vector<16xf32>,
        %parallel_loop3A_574 = arith.constant 0 : i32
        %parallel_loop3A_575 = arith.constant 0 : i32
        %parallel_loop3A_576 = tpu.memref_slice %arg12[%parallel_loop3A_311, %parallel_loop3A_574, %parallel_loop3A_575] : memref<3x128x128xf32, #tpu.memory_space<vmem>> -> memref<1x128x128xf32, #tpu.memory_space<vmem>>
        %parallel_loop3A_577 = tpu.memref_squeeze %parallel_loop3A_576 : memref<1x128x128xf32, #tpu.memory_space<vmem>> -> memref<128x128xf32, #tpu.memory_space<vmem>>
        %parallel_loop3A_578 = arith.index_cast %parallel_loop3A_526 : i32 to index
        %parallel_loop3A_579 = arith.constant 48 : index
        %parallel_loop3A_580 = tpu.vector_load %parallel_loop3A_577[%parallel_loop3A_578, %parallel_loop3A_579] {strides = array<i32>} : memref<128x128xf32, #tpu.memory_space<vmem>>, vector<16xf32>,
        %parallel_loop3A_581 = arith.mulf %parallel_loop3A_580, %parallel_loop3A_528 : vector<16xf32>
        %parallel_loop3A_582 = arith.constant 0 : i32
        %parallel_loop3A_583 = arith.constant 0 : i32
        %parallel_loop3A_584 = tpu.memref_slice %arg12[%parallel_loop3A_311, %parallel_loop3A_582, %parallel_loop3A_583] : memref<3x128x128xf32, #tpu.memory_space<vmem>> -> memref<1x128x128xf32, #tpu.memory_space<vmem>>
        %parallel_loop3A_585 = tpu.memref_squeeze %parallel_loop3A_584 : memref<1x128x128xf32, #tpu.memory_space<vmem>> -> memref<128x128xf32, #tpu.memory_space<vmem>>
        %parallel_loop3A_586 = arith.index_cast %parallel_loop3A_526 : i32 to index
        %parallel_loop3A_587 = arith.constant 48 : index
        %parallel_loop3A_588 = tpu.vector_load %parallel_loop3A_585[%parallel_loop3A_586, %parallel_loop3A_587] {strides = array<i32>} : memref<128x128xf32, #tpu.memory_space<vmem>>, vector<16xf32>,
        tpu.vector_store %parallel_loop3A_585[%parallel_loop3A_586, %parallel_loop3A_587], %parallel_loop3A_581 {strides = array<i32>} : memref<128x128xf32, #tpu.memory_space<vmem>>, vector<16xf32>,
        %parallel_loop3A_589 = arith.constant 0 : i32
        %parallel_loop3A_590 = arith.constant 0 : i32
        %parallel_loop3A_591 = tpu.memref_slice %arg12[%parallel_loop3A_311, %parallel_loop3A_589, %parallel_loop3A_590] : memref<3x128x128xf32, #tpu.memory_space<vmem>> -> memref<1x128x128xf32, #tpu.memory_space<vmem>>
        %parallel_loop3A_592 = tpu.memref_squeeze %parallel_loop3A_591 : memref<1x128x128xf32, #tpu.memory_space<vmem>> -> memref<128x128xf32, #tpu.memory_space<vmem>>
        %parallel_loop3A_593 = arith.index_cast %parallel_loop3A_526 : i32 to index
        %parallel_loop3A_594 = arith.constant 64 : index
        %parallel_loop3A_595 = tpu.vector_load %parallel_loop3A_592[%parallel_loop3A_593, %parallel_loop3A_594] {strides = array<i32>} : memref<128x128xf32, #tpu.memory_space<vmem>>, vector<16xf32>,
        %parallel_loop3A_596 = arith.mulf %parallel_loop3A_595, %parallel_loop3A_528 : vector<16xf32>
        %parallel_loop3A_597 = arith.constant 0 : i32
        %parallel_loop3A_598 = arith.constant 0 : i32
        %parallel_loop3A_599 = tpu.memref_slice %arg12[%parallel_loop3A_311, %parallel_loop3A_597, %parallel_loop3A_598] : memref<3x128x128xf32, #tpu.memory_space<vmem>> -> memref<1x128x128xf32, #tpu.memory_space<vmem>>
        %parallel_loop3A_600 = tpu.memref_squeeze %parallel_loop3A_599 : memref<1x128x128xf32, #tpu.memory_space<vmem>> -> memref<128x128xf32, #tpu.memory_space<vmem>>
        %parallel_loop3A_601 = arith.index_cast %parallel_loop3A_526 : i32 to index
        %parallel_loop3A_602 = arith.constant 64 : index
        %parallel_loop3A_603 = tpu.vector_load %parallel_loop3A_600[%parallel_loop3A_601, %parallel_loop3A_602] {strides = array<i32>} : memref<128x128xf32, #tpu.memory_space<vmem>>, vector<16xf32>,
        tpu.vector_store %parallel_loop3A_600[%parallel_loop3A_601, %parallel_loop3A_602], %parallel_loop3A_596 {strides = array<i32>} : memref<128x128xf32, #tpu.memory_space<vmem>>, vector<16xf32>,
        %parallel_loop3A_604 = arith.constant 0 : i32
        %parallel_loop3A_605 = arith.constant 0 : i32
        %parallel_loop3A_606 = tpu.memref_slice %arg12[%parallel_loop3A_311, %parallel_loop3A_604, %parallel_loop3A_605] : memref<3x128x128xf32, #tpu.memory_space<vmem>> -> memref<1x128x128xf32, #tpu.memory_space<vmem>>
        %parallel_loop3A_607 = tpu.memref_squeeze %parallel_loop3A_606 : memref<1x128x128xf32, #tpu.memory_space<vmem>> -> memref<128x128xf32, #tpu.memory_space<vmem>>
        %parallel_loop3A_608 = arith.index_cast %parallel_loop3A_526 : i32 to index
        %parallel_loop3A_609 = arith.constant 80 : index
        %parallel_loop3A_610 = tpu.vector_load %parallel_loop3A_607[%parallel_loop3A_608, %parallel_loop3A_609] {strides = array<i32>} : memref<128x128xf32, #tpu.memory_space<vmem>>, vector<16xf32>,
        %parallel_loop3A_611 = arith.mulf %parallel_loop3A_610, %parallel_loop3A_528 : vector<16xf32>
        %parallel_loop3A_612 = arith.constant 0 : i32
        %parallel_loop3A_613 = arith.constant 0 : i32
        %parallel_loop3A_614 = tpu.memref_slice %arg12[%parallel_loop3A_311, %parallel_loop3A_612, %parallel_loop3A_613] : memref<3x128x128xf32, #tpu.memory_space<vmem>> -> memref<1x128x128xf32, #tpu.memory_space<vmem>>
        %parallel_loop3A_615 = tpu.memref_squeeze %parallel_loop3A_614 : memref<1x128x128xf32, #tpu.memory_space<vmem>> -> memref<128x128xf32, #tpu.memory_space<vmem>>
        %parallel_loop3A_616 = arith.index_cast %parallel_loop3A_526 : i32 to index
        %parallel_loop3A_617 = arith.constant 80 : index
        %parallel_loop3A_618 = tpu.vector_load %parallel_loop3A_615[%parallel_loop3A_616, %parallel_loop3A_617] {strides = array<i32>} : memref<128x128xf32, #tpu.memory_space<vmem>>, vector<16xf32>,
        tpu.vector_store %parallel_loop3A_615[%parallel_loop3A_616, %parallel_loop3A_617], %parallel_loop3A_611 {strides = array<i32>} : memref<128x128xf32, #tpu.memory_space<vmem>>, vector<16xf32>,
        %parallel_loop3A_619 = arith.constant 0 : i32
        %parallel_loop3A_620 = arith.constant 0 : i32
        %parallel_loop3A_621 = tpu.memref_slice %arg12[%parallel_loop3A_311, %parallel_loop3A_619, %parallel_loop3A_620] : memref<3x128x128xf32, #tpu.memory_space<vmem>> -> memref<1x128x128xf32, #tpu.memory_space<vmem>>
        %parallel_loop3A_622 = tpu.memref_squeeze %parallel_loop3A_621 : memref<1x128x128xf32, #tpu.memory_space<vmem>> -> memref<128x128xf32, #tpu.memory_space<vmem>>
        %parallel_loop3A_623 = arith.index_cast %parallel_loop3A_526 : i32 to index
        %parallel_loop3A_624 = arith.constant 96 : index
        %parallel_loop3A_625 = tpu.vector_load %parallel_loop3A_622[%parallel_loop3A_623, %parallel_loop3A_624] {strides = array<i32>} : memref<128x128xf32, #tpu.memory_space<vmem>>, vector<16xf32>,
        %parallel_loop3A_626 = arith.mulf %parallel_loop3A_625, %parallel_loop3A_528 : vector<16xf32>
        %parallel_loop3A_627 = arith.constant 0 : i32
        %parallel_loop3A_628 = arith.constant 0 : i32
        %parallel_loop3A_629 = tpu.memref_slice %arg12[%parallel_loop3A_311, %parallel_loop3A_627, %parallel_loop3A_628] : memref<3x128x128xf32, #tpu.memory_space<vmem>> -> memref<1x128x128xf32, #tpu.memory_space<vmem>>
        %parallel_loop3A_630 = tpu.memref_squeeze %parallel_loop3A_629 : memref<1x128x128xf32, #tpu.memory_space<vmem>> -> memref<128x128xf32, #tpu.memory_space<vmem>>
        %parallel_loop3A_631 = arith.index_cast %parallel_loop3A_526 : i32 to index
        %parallel_loop3A_632 = arith.constant 96 : index
        %parallel_loop3A_633 = tpu.vector_load %parallel_loop3A_630[%parallel_loop3A_631, %parallel_loop3A_632] {strides = array<i32>} : memref<128x128xf32, #tpu.memory_space<vmem>>, vector<16xf32>,
        tpu.vector_store %parallel_loop3A_630[%parallel_loop3A_631, %parallel_loop3A_632], %parallel_loop3A_626 {strides = array<i32>} : memref<128x128xf32, #tpu.memory_space<vmem>>, vector<16xf32>,
        %parallel_loop3A_634 = arith.constant 0 : i32
        %parallel_loop3A_635 = arith.constant 0 : i32
        %parallel_loop3A_636 = tpu.memref_slice %arg12[%parallel_loop3A_311, %parallel_loop3A_634, %parallel_loop3A_635] : memref<3x128x128xf32, #tpu.memory_space<vmem>> -> memref<1x128x128xf32, #tpu.memory_space<vmem>>
        %parallel_loop3A_637 = tpu.memref_squeeze %parallel_loop3A_636 : memref<1x128x128xf32, #tpu.memory_space<vmem>> -> memref<128x128xf32, #tpu.memory_space<vmem>>
        %parallel_loop3A_638 = arith.index_cast %parallel_loop3A_526 : i32 to index
        %parallel_loop3A_639 = arith.constant 112 : index
        %parallel_loop3A_640 = tpu.vector_load %parallel_loop3A_637[%parallel_loop3A_638, %parallel_loop3A_639] {strides = array<i32>} : memref<128x128xf32, #tpu.memory_space<vmem>>, vector<16xf32>,
        %parallel_loop3A_641 = arith.mulf %parallel_loop3A_640, %parallel_loop3A_528 : vector<16xf32>
        %parallel_loop3A_642 = arith.constant 0 : i32
        %parallel_loop3A_643 = arith.constant 0 : i32
        %parallel_loop3A_644 = tpu.memref_slice %arg12[%parallel_loop3A_311, %parallel_loop3A_642, %parallel_loop3A_643] : memref<3x128x128xf32, #tpu.memory_space<vmem>> -> memref<1x128x128xf32, #tpu.memory_space<vmem>>
        %parallel_loop3A_645 = tpu.memref_squeeze %parallel_loop3A_644 : memref<1x128x128xf32, #tpu.memory_space<vmem>> -> memref<128x128xf32, #tpu.memory_space<vmem>>
        %parallel_loop3A_646 = arith.index_cast %parallel_loop3A_526 : i32 to index
        %parallel_loop3A_647 = arith.constant 112 : index
        %parallel_loop3A_648 = tpu.vector_load %parallel_loop3A_645[%parallel_loop3A_646, %parallel_loop3A_647] {strides = array<i32>} : memref<128x128xf32, #tpu.memory_space<vmem>>, vector<16xf32>,
        tpu.vector_store %parallel_loop3A_645[%parallel_loop3A_646, %parallel_loop3A_647], %parallel_loop3A_641 {strides = array<i32>} : memref<128x128xf32, #tpu.memory_space<vmem>>, vector<16xf32>,
        %parallel_loop3A_649 = arith.constant 1 : i32
        %parallel_loop3A_650 = vector.broadcast %parallel_loop3A_649 : i32 to vector<16xi32>
        %parallel_loop3A_651 = arith.addi %parallel_loop3A_527, %parallel_loop3A_650 : vector<16xi32>
        scf.yield %parallel_loop3A_651 : vector<16xi32>
      } {sc.loop_unroll_factor = 4 : i64, sc.parallel_access}
      %dma_wait3A_313 = arith.constant 0 : i32
      %dma_wait3A_314 = arith.constant 1 : i32
      %dma_wait3A_315 = arith.constant 0 : i32
      %dma_wait3A_316 = arith.constant 0 : i32
      %dma_wait3A_317 = arith.constant 64 : i32
      %dma_wait3A_318 = arith.constant 0 : i32
      %dma_wait3A_319 = tpu.memref_slice %arg12[%dma_wait3A_315, %dma_wait3A_317, %dma_wait3A_318] : memref<3x128x128xf32, #tpu.memory_space<vmem>> -> memref<1x64x128xf32, #tpu.memory_space<vmem>>
      %dma_wait3A_320 = tpu.memref_squeeze %dma_wait3A_319 : memref<1x64x128xf32, #tpu.memory_space<vmem>> -> memref<64x128xf32, #tpu.memory_space<vmem>>
      %dma_wait3A_321 = arith.constant 64 : i32
      %dma_wait3A_322 = tpu.memref_slice %arg8[%dma_wait3A_313, %dma_wait3A_314, %dma_wait3A_321] : memref<3x2x128xi32, #tpu.memory_space<vmem>> -> memref<1x1x64xi32, #tpu.memory_space<vmem>>
      %dma_wait3A_323 = tpu.memref_squeeze %dma_wait3A_322 : memref<1x1x64xi32, #tpu.memory_space<vmem>> -> memref<64xi32, #tpu.memory_space<vmem>>
      %dma_wait3A_324 = arith.constant 0 : i32
      %dma_wait3A_325 = arith.constant 0 : i32
      %dma_wait3A_326 = tpu.memref_slice %arg2[%dma_wait3A_324, %dma_wait3A_325] : memref<10000x128xf32, #tpu.memory_space<hbm>> -> memref<10000x128xf32, #tpu.memory_space<hbm>>
      %dma_wait3A_327 = tpu.memref_slice %arg17[%dma_wait3A_316] : memref<3x!tpu.dma_semaphore, #tpu.memory_space<semaphore_mem>> -> memref<1x!tpu.dma_semaphore, #tpu.memory_space<semaphore_mem>>
      %dma_wait3A_328 = tpu.memref_squeeze %dma_wait3A_327 : memref<1x!tpu.dma_semaphore, #tpu.memory_space<semaphore_mem>> -> memref<!tpu.dma_semaphore, #tpu.memory_space<semaphore_mem>>
      tpu.wait_indirect_dma semaphore(%dma_wait3A_328 : memref<!tpu.dma_semaphore, #tpu.memory_space<semaphore_mem>>) src(%dma_wait3A_326 : memref<10000x128xf32, #tpu.memory_space<hbm>>) dst(%dma_wait3A_320 : memref<64x128xf32, #tpu.memory_space<vmem>>)
      %broadcast_in_dim3A_329 = arith.constant 64 : i32
      %broadcast_in_dim3A_330 = vector.broadcast %broadcast_in_dim3A_329 : i32 to vector<16xi32>
      %parallel_loop3A_331 = arith.constant 64 : i32
      %parallel_loop3A_332 = arith.constant 128 : i32
      %parallel_loop3A_333 = arith.constant 1 : i32
      %parallel_loop3A_334 = arith.constant 0 : i32
      %parallel_loop3A_335 = scf.for %parallel_loop3A_526 = %parallel_loop3A_331 to %parallel_loop3A_332 step %parallel_loop3A_333 iter_args(%parallel_loop3A_527 = %broadcast_in_dim3A_330) -> (vector<16xi32>)  : i32 {
        %parallel_loop3A_528 = tpu.vector_load_idx %arg9[%broadcast_in_dim3A_289, %parallel_loop3A_527] : memref<3x128xf32, #tpu.memory_space<vmem>>[vector<16xi32>, vector<16xi32>], vector<16xf32>,
        %parallel_loop3A_529 = arith.constant 0 : i32
        %parallel_loop3A_530 = arith.constant 0 : i32
        %parallel_loop3A_531 = tpu.memref_slice %arg12[%parallel_loop3A_334, %parallel_loop3A_529, %parallel_loop3A_530] : memref<3x128x128xf32, #tpu.memory_space<vmem>> -> memref<1x128x128xf32, #tpu.memory_space<vmem>>
        %parallel_loop3A_532 = tpu.memref_squeeze %parallel_loop3A_531 : memref<1x128x128xf32, #tpu.memory_space<vmem>> -> memref<128x128xf32, #tpu.memory_space<vmem>>
        %parallel_loop3A_533 = arith.index_cast %parallel_loop3A_526 : i32 to index
        %parallel_loop3A_534 = arith.constant 0 : index
        %parallel_loop3A_535 = tpu.vector_load %parallel_loop3A_532[%parallel_loop3A_533, %parallel_loop3A_534] {strides = array<i32>} : memref<128x128xf32, #tpu.memory_space<vmem>>, vector<16xf32>,
        %parallel_loop3A_536 = arith.mulf %parallel_loop3A_535, %parallel_loop3A_528 : vector<16xf32>
        %parallel_loop3A_537 = arith.constant 0 : i32
        %parallel_loop3A_538 = arith.constant 0 : i32
        %parallel_loop3A_539 = tpu.memref_slice %arg12[%parallel_loop3A_334, %parallel_loop3A_537, %parallel_loop3A_538] : memref<3x128x128xf32, #tpu.memory_space<vmem>> -> memref<1x128x128xf32, #tpu.memory_space<vmem>>
        %parallel_loop3A_540 = tpu.memref_squeeze %parallel_loop3A_539 : memref<1x128x128xf32, #tpu.memory_space<vmem>> -> memref<128x128xf32, #tpu.memory_space<vmem>>
        %parallel_loop3A_541 = arith.index_cast %parallel_loop3A_526 : i32 to index
        %parallel_loop3A_542 = arith.constant 0 : index
        %parallel_loop3A_543 = tpu.vector_load %parallel_loop3A_540[%parallel_loop3A_541, %parallel_loop3A_542] {strides = array<i32>} : memref<128x128xf32, #tpu.memory_space<vmem>>, vector<16xf32>,
        tpu.vector_store %parallel_loop3A_540[%parallel_loop3A_541, %parallel_loop3A_542], %parallel_loop3A_536 {strides = array<i32>} : memref<128x128xf32, #tpu.memory_space<vmem>>, vector<16xf32>,
        %parallel_loop3A_544 = arith.constant 0 : i32
        %parallel_loop3A_545 = arith.constant 0 : i32
        %parallel_loop3A_546 = tpu.memref_slice %arg12[%parallel_loop3A_334, %parallel_loop3A_544, %parallel_loop3A_545] : memref<3x128x128xf32, #tpu.memory_space<vmem>> -> memref<1x128x128xf32, #tpu.memory_space<vmem>>
        %parallel_loop3A_547 = tpu.memref_squeeze %parallel_loop3A_546 : memref<1x128x128xf32, #tpu.memory_space<vmem>> -> memref<128x128xf32, #tpu.memory_space<vmem>>
        %parallel_loop3A_548 = arith.index_cast %parallel_loop3A_526 : i32 to index
        %parallel_loop3A_549 = arith.constant 16 : index
        %parallel_loop3A_550 = tpu.vector_load %parallel_loop3A_547[%parallel_loop3A_548, %parallel_loop3A_549] {strides = array<i32>} : memref<128x128xf32, #tpu.memory_space<vmem>>, vector<16xf32>,
        %parallel_loop3A_551 = arith.mulf %parallel_loop3A_550, %parallel_loop3A_528 : vector<16xf32>
        %parallel_loop3A_552 = arith.constant 0 : i32
        %parallel_loop3A_553 = arith.constant 0 : i32
        %parallel_loop3A_554 = tpu.memref_slice %arg12[%parallel_loop3A_334, %parallel_loop3A_552, %parallel_loop3A_553] : memref<3x128x128xf32, #tpu.memory_space<vmem>> -> memref<1x128x128xf32, #tpu.memory_space<vmem>>
        %parallel_loop3A_555 = tpu.memref_squeeze %parallel_loop3A_554 : memref<1x128x128xf32, #tpu.memory_space<vmem>> -> memref<128x128xf32, #tpu.memory_space<vmem>>
        %parallel_loop3A_556 = arith.index_cast %parallel_loop3A_526 : i32 to index
        %parallel_loop3A_557 = arith.constant 16 : index
        %parallel_loop3A_558 = tpu.vector_load %parallel_loop3A_555[%parallel_loop3A_556, %parallel_loop3A_557] {strides = array<i32>} : memref<128x128xf32, #tpu.memory_space<vmem>>, vector<16xf32>,
        tpu.vector_store %parallel_loop3A_555[%parallel_loop3A_556, %parallel_loop3A_557], %parallel_loop3A_551 {strides = array<i32>} : memref<128x128xf32, #tpu.memory_space<vmem>>, vector<16xf32>,
        %parallel_loop3A_559 = arith.constant 0 : i32
        %parallel_loop3A_560 = arith.constant 0 : i32
        %parallel_loop3A_561 = tpu.memref_slice %arg12[%parallel_loop3A_334, %parallel_loop3A_559, %parallel_loop3A_560] : memref<3x128x128xf32, #tpu.memory_space<vmem>> -> memref<1x128x128xf32, #tpu.memory_space<vmem>>
        %parallel_loop3A_562 = tpu.memref_squeeze %parallel_loop3A_561 : memref<1x128x128xf32, #tpu.memory_space<vmem>> -> memref<128x128xf32, #tpu.memory_space<vmem>>
        %parallel_loop3A_563 = arith.index_cast %parallel_loop3A_526 : i32 to index
        %parallel_loop3A_564 = arith.constant 32 : index
        %parallel_loop3A_565 = tpu.vector_load %parallel_loop3A_562[%parallel_loop3A_563, %parallel_loop3A_564] {strides = array<i32>} : memref<128x128xf32, #tpu.memory_space<vmem>>, vector<16xf32>,
        %parallel_loop3A_566 = arith.mulf %parallel_loop3A_565, %parallel_loop3A_528 : vector<16xf32>
        %parallel_loop3A_567 = arith.constant 0 : i32
        %parallel_loop3A_568 = arith.constant 0 : i32
        %parallel_loop3A_569 = tpu.memref_slice %arg12[%parallel_loop3A_334, %parallel_loop3A_567, %parallel_loop3A_568] : memref<3x128x128xf32, #tpu.memory_space<vmem>> -> memref<1x128x128xf32, #tpu.memory_space<vmem>>
        %parallel_loop3A_570 = tpu.memref_squeeze %parallel_loop3A_569 : memref<1x128x128xf32, #tpu.memory_space<vmem>> -> memref<128x128xf32, #tpu.memory_space<vmem>>
        %parallel_loop3A_571 = arith.index_cast %parallel_loop3A_526 : i32 to index
        %parallel_loop3A_572 = arith.constant 32 : index
        %parallel_loop3A_573 = tpu.vector_load %parallel_loop3A_570[%parallel_loop3A_571, %parallel_loop3A_572] {strides = array<i32>} : memref<128x128xf32, #tpu.memory_space<vmem>>, vector<16xf32>,
        tpu.vector_store %parallel_loop3A_570[%parallel_loop3A_571, %parallel_loop3A_572], %parallel_loop3A_566 {strides = array<i32>} : memref<128x128xf32, #tpu.memory_space<vmem>>, vector<16xf32>,
        %parallel_loop3A_574 = arith.constant 0 : i32
        %parallel_loop3A_575 = arith.constant 0 : i32
        %parallel_loop3A_576 = tpu.memref_slice %arg12[%parallel_loop3A_334, %parallel_loop3A_574, %parallel_loop3A_575] : memref<3x128x128xf32, #tpu.memory_space<vmem>> -> memref<1x128x128xf32, #tpu.memory_space<vmem>>
        %parallel_loop3A_577 = tpu.memref_squeeze %parallel_loop3A_576 : memref<1x128x128xf32, #tpu.memory_space<vmem>> -> memref<128x128xf32, #tpu.memory_space<vmem>>
        %parallel_loop3A_578 = arith.index_cast %parallel_loop3A_526 : i32 to index
        %parallel_loop3A_579 = arith.constant 48 : index
        %parallel_loop3A_580 = tpu.vector_load %parallel_loop3A_577[%parallel_loop3A_578, %parallel_loop3A_579] {strides = array<i32>} : memref<128x128xf32, #tpu.memory_space<vmem>>, vector<16xf32>,
        %parallel_loop3A_581 = arith.mulf %parallel_loop3A_580, %parallel_loop3A_528 : vector<16xf32>
        %parallel_loop3A_582 = arith.constant 0 : i32
        %parallel_loop3A_583 = arith.constant 0 : i32
        %parallel_loop3A_584 = tpu.memref_slice %arg12[%parallel_loop3A_334, %parallel_loop3A_582, %parallel_loop3A_583] : memref<3x128x128xf32, #tpu.memory_space<vmem>> -> memref<1x128x128xf32, #tpu.memory_space<vmem>>
        %parallel_loop3A_585 = tpu.memref_squeeze %parallel_loop3A_584 : memref<1x128x128xf32, #tpu.memory_space<vmem>> -> memref<128x128xf32, #tpu.memory_space<vmem>>
        %parallel_loop3A_586 = arith.index_cast %parallel_loop3A_526 : i32 to index
        %parallel_loop3A_587 = arith.constant 48 : index
        %parallel_loop3A_588 = tpu.vector_load %parallel_loop3A_585[%parallel_loop3A_586, %parallel_loop3A_587] {strides = array<i32>} : memref<128x128xf32, #tpu.memory_space<vmem>>, vector<16xf32>,
        tpu.vector_store %parallel_loop3A_585[%parallel_loop3A_586, %parallel_loop3A_587], %parallel_loop3A_581 {strides = array<i32>} : memref<128x128xf32, #tpu.memory_space<vmem>>, vector<16xf32>,
        %parallel_loop3A_589 = arith.constant 0 : i32
        %parallel_loop3A_590 = arith.constant 0 : i32
        %parallel_loop3A_591 = tpu.memref_slice %arg12[%parallel_loop3A_334, %parallel_loop3A_589, %parallel_loop3A_590] : memref<3x128x128xf32, #tpu.memory_space<vmem>> -> memref<1x128x128xf32, #tpu.memory_space<vmem>>
        %parallel_loop3A_592 = tpu.memref_squeeze %parallel_loop3A_591 : memref<1x128x128xf32, #tpu.memory_space<vmem>> -> memref<128x128xf32, #tpu.memory_space<vmem>>
        %parallel_loop3A_593 = arith.index_cast %parallel_loop3A_526 : i32 to index
        %parallel_loop3A_594 = arith.constant 64 : index
        %parallel_loop3A_595 = tpu.vector_load %parallel_loop3A_592[%parallel_loop3A_593, %parallel_loop3A_594] {strides = array<i32>} : memref<128x128xf32, #tpu.memory_space<vmem>>, vector<16xf32>,
        %parallel_loop3A_596 = arith.mulf %parallel_loop3A_595, %parallel_loop3A_528 : vector<16xf32>
        %parallel_loop3A_597 = arith.constant 0 : i32
        %parallel_loop3A_598 = arith.constant 0 : i32
        %parallel_loop3A_599 = tpu.memref_slice %arg12[%parallel_loop3A_334, %parallel_loop3A_597, %parallel_loop3A_598] : memref<3x128x128xf32, #tpu.memory_space<vmem>> -> memref<1x128x128xf32, #tpu.memory_space<vmem>>
        %parallel_loop3A_600 = tpu.memref_squeeze %parallel_loop3A_599 : memref<1x128x128xf32, #tpu.memory_space<vmem>> -> memref<128x128xf32, #tpu.memory_space<vmem>>
        %parallel_loop3A_601 = arith.index_cast %parallel_loop3A_526 : i32 to index
        %parallel_loop3A_602 = arith.constant 64 : index
        %parallel_loop3A_603 = tpu.vector_load %parallel_loop3A_600[%parallel_loop3A_601, %parallel_loop3A_602] {strides = array<i32>} : memref<128x128xf32, #tpu.memory_space<vmem>>, vector<16xf32>,
        tpu.vector_store %parallel_loop3A_600[%parallel_loop3A_601, %parallel_loop3A_602], %parallel_loop3A_596 {strides = array<i32>} : memref<128x128xf32, #tpu.memory_space<vmem>>, vector<16xf32>,
        %parallel_loop3A_604 = arith.constant 0 : i32
        %parallel_loop3A_605 = arith.constant 0 : i32
        %parallel_loop3A_606 = tpu.memref_slice %arg12[%parallel_loop3A_334, %parallel_loop3A_604, %parallel_loop3A_605] : memref<3x128x128xf32, #tpu.memory_space<vmem>> -> memref<1x128x128xf32, #tpu.memory_space<vmem>>
        %parallel_loop3A_607 = tpu.memref_squeeze %parallel_loop3A_606 : memref<1x128x128xf32, #tpu.memory_space<vmem>> -> memref<128x128xf32, #tpu.memory_space<vmem>>
        %parallel_loop3A_608 = arith.index_cast %parallel_loop3A_526 : i32 to index
        %parallel_loop3A_609 = arith.constant 80 : index
        %parallel_loop3A_610 = tpu.vector_load %parallel_loop3A_607[%parallel_loop3A_608, %parallel_loop3A_609] {strides = array<i32>} : memref<128x128xf32, #tpu.memory_space<vmem>>, vector<16xf32>,
        %parallel_loop3A_611 = arith.mulf %parallel_loop3A_610, %parallel_loop3A_528 : vector<16xf32>
        %parallel_loop3A_612 = arith.constant 0 : i32
        %parallel_loop3A_613 = arith.constant 0 : i32
        %parallel_loop3A_614 = tpu.memref_slice %arg12[%parallel_loop3A_334, %parallel_loop3A_612, %parallel_loop3A_613] : memref<3x128x128xf32, #tpu.memory_space<vmem>> -> memref<1x128x128xf32, #tpu.memory_space<vmem>>
        %parallel_loop3A_615 = tpu.memref_squeeze %parallel_loop3A_614 : memref<1x128x128xf32, #tpu.memory_space<vmem>> -> memref<128x128xf32, #tpu.memory_space<vmem>>
        %parallel_loop3A_616 = arith.index_cast %parallel_loop3A_526 : i32 to index
        %parallel_loop3A_617 = arith.constant 80 : index
        %parallel_loop3A_618 = tpu.vector_load %parallel_loop3A_615[%parallel_loop3A_616, %parallel_loop3A_617] {strides = array<i32>} : memref<128x128xf32, #tpu.memory_space<vmem>>, vector<16xf32>,
        tpu.vector_store %parallel_loop3A_615[%parallel_loop3A_616, %parallel_loop3A_617], %parallel_loop3A_611 {strides = array<i32>} : memref<128x128xf32, #tpu.memory_space<vmem>>, vector<16xf32>,
        %parallel_loop3A_619 = arith.constant 0 : i32
        %parallel_loop3A_620 = arith.constant 0 : i32
        %parallel_loop3A_621 = tpu.memref_slice %arg12[%parallel_loop3A_334, %parallel_loop3A_619, %parallel_loop3A_620] : memref<3x128x128xf32, #tpu.memory_space<vmem>> -> memref<1x128x128xf32, #tpu.memory_space<vmem>>
        %parallel_loop3A_622 = tpu.memref_squeeze %parallel_loop3A_621 : memref<1x128x128xf32, #tpu.memory_space<vmem>> -> memref<128x128xf32, #tpu.memory_space<vmem>>
        %parallel_loop3A_623 = arith.index_cast %parallel_loop3A_526 : i32 to index
        %parallel_loop3A_624 = arith.constant 96 : index
        %parallel_loop3A_625 = tpu.vector_load %parallel_loop3A_622[%parallel_loop3A_623, %parallel_loop3A_624] {strides = array<i32>} : memref<128x128xf32, #tpu.memory_space<vmem>>, vector<16xf32>,
        %parallel_loop3A_626 = arith.mulf %parallel_loop3A_625, %parallel_loop3A_528 : vector<16xf32>
        %parallel_loop3A_627 = arith.constant 0 : i32
        %parallel_loop3A_628 = arith.constant 0 : i32
        %parallel_loop3A_629 = tpu.memref_slice %arg12[%parallel_loop3A_334, %parallel_loop3A_627, %parallel_loop3A_628] : memref<3x128x128xf32, #tpu.memory_space<vmem>> -> memref<1x128x128xf32, #tpu.memory_space<vmem>>
        %parallel_loop3A_630 = tpu.memref_squeeze %parallel_loop3A_629 : memref<1x128x128xf32, #tpu.memory_space<vmem>> -> memref<128x128xf32, #tpu.memory_space<vmem>>
        %parallel_loop3A_631 = arith.index_cast %parallel_loop3A_526 : i32 to index
        %parallel_loop3A_632 = arith.constant 96 : index
        %parallel_loop3A_633 = tpu.vector_load %parallel_loop3A_630[%parallel_loop3A_631, %parallel_loop3A_632] {strides = array<i32>} : memref<128x128xf32, #tpu.memory_space<vmem>>, vector<16xf32>,
        tpu.vector_store %parallel_loop3A_630[%parallel_loop3A_631, %parallel_loop3A_632], %parallel_loop3A_626 {strides = array<i32>} : memref<128x128xf32, #tpu.memory_space<vmem>>, vector<16xf32>,
        %parallel_loop3A_634 = arith.constant 0 : i32
        %parallel_loop3A_635 = arith.constant 0 : i32
        %parallel_loop3A_636 = tpu.memref_slice %arg12[%parallel_loop3A_334, %parallel_loop3A_634, %parallel_loop3A_635] : memref<3x128x128xf32, #tpu.memory_space<vmem>> -> memref<1x128x128xf32, #tpu.memory_space<vmem>>
        %parallel_loop3A_637 = tpu.memref_squeeze %parallel_loop3A_636 : memref<1x128x128xf32, #tpu.memory_space<vmem>> -> memref<128x128xf32, #tpu.memory_space<vmem>>
        %parallel_loop3A_638 = arith.index_cast %parallel_loop3A_526 : i32 to index
        %parallel_loop3A_639 = arith.constant 112 : index
        %parallel_loop3A_640 = tpu.vector_load %parallel_loop3A_637[%parallel_loop3A_638, %parallel_loop3A_639] {strides = array<i32>} : memref<128x128xf32, #tpu.memory_space<vmem>>, vector<16xf32>,
        %parallel_loop3A_641 = arith.mulf %parallel_loop3A_640, %parallel_loop3A_528 : vector<16xf32>
        %parallel_loop3A_642 = arith.constant 0 : i32
        %parallel_loop3A_643 = arith.constant 0 : i32
        %parallel_loop3A_644 = tpu.memref_slice %arg12[%parallel_loop3A_334, %parallel_loop3A_642, %parallel_loop3A_643] : memref<3x128x128xf32, #tpu.memory_space<vmem>> -> memref<1x128x128xf32, #tpu.memory_space<vmem>>
        %parallel_loop3A_645 = tpu.memref_squeeze %parallel_loop3A_644 : memref<1x128x128xf32, #tpu.memory_space<vmem>> -> memref<128x128xf32, #tpu.memory_space<vmem>>
        %parallel_loop3A_646 = arith.index_cast %parallel_loop3A_526 : i32 to index
        %parallel_loop3A_647 = arith.constant 112 : index
        %parallel_loop3A_648 = tpu.vector_load %parallel_loop3A_645[%parallel_loop3A_646, %parallel_loop3A_647] {strides = array<i32>} : memref<128x128xf32, #tpu.memory_space<vmem>>, vector<16xf32>,
        tpu.vector_store %parallel_loop3A_645[%parallel_loop3A_646, %parallel_loop3A_647], %parallel_loop3A_641 {strides = array<i32>} : memref<128x128xf32, #tpu.memory_space<vmem>>, vector<16xf32>,
        %parallel_loop3A_649 = arith.constant 1 : i32
        %parallel_loop3A_650 = vector.broadcast %parallel_loop3A_649 : i32 to vector<16xi32>
        %parallel_loop3A_651 = arith.addi %parallel_loop3A_527, %parallel_loop3A_650 : vector<16xi32>
        scf.yield %parallel_loop3A_651 : vector<16xi32>
      } {sc.loop_unroll_factor = 4 : i64, sc.parallel_access}
      %dma_start3A_336 = arith.constant 0 : i32
      %dma_start3A_337 = arith.constant 0 : i32
      %dma_start3A_338 = arith.constant 0 : i32
      %dma_start3A_339 = arith.constant 0 : i32
      %dma_start3A_340 = arith.constant 0 : i32
      %dma_start3A_341 = arith.constant 0 : i32
      %dma_start3A_342 = tpu.memref_slice %arg12[%dma_start3A_336, %dma_start3A_340, %dma_start3A_341] : memref<3x128x128xf32, #tpu.memory_space<vmem>> -> memref<1x128x128xf32, #tpu.memory_space<vmem>>
      %dma_start3A_343 = tpu.memref_squeeze %dma_start3A_342 : memref<1x128x128xf32, #tpu.memory_space<vmem>> -> memref<128x128xf32, #tpu.memory_space<vmem>>
      %dma_start3A_344 = arith.constant 0 : i32
      %dma_start3A_345 = tpu.memref_slice %arg8[%dma_start3A_337, %dma_start3A_338, %dma_start3A_344] : memref<3x2x128xi32, #tpu.memory_space<vmem>> -> memref<1x1x128xi32, #tpu.memory_space<vmem>>
      %dma_start3A_346 = tpu.memref_squeeze %dma_start3A_345 : memref<1x1x128xi32, #tpu.memory_space<vmem>> -> memref<128xi32, #tpu.memory_space<vmem>>
      %dma_start3A_347 = arith.constant 0 : i32
      %dma_start3A_348 = arith.constant 0 : i32
      %dma_start3A_349 = tpu.memref_slice %arg13[%dma_start3A_347, %dma_start3A_348] : memref<10000x128xf32, #tpu.memory_space<vmem_shared>> -> memref<10000x128xf32, #tpu.memory_space<vmem_shared>>
      %dma_start3A_350 = tpu.memref_slice %arg18[%dma_start3A_339] : memref<3x!tpu.dma_semaphore, #tpu.memory_space<semaphore_mem>> -> memref<1x!tpu.dma_semaphore, #tpu.memory_space<semaphore_mem>>
      %dma_start3A_351 = tpu.memref_squeeze %dma_start3A_350 : memref<1x!tpu.dma_semaphore, #tpu.memory_space<semaphore_mem>> -> memref<!tpu.dma_semaphore, #tpu.memory_space<semaphore_mem>>
      tpu.enqueue_indirect_dma source(%dma_start3A_343 : memref<128x128xf32, #tpu.memory_space<vmem>>) target(%dma_start3A_349 : memref<10000x128xf32, #tpu.memory_space<vmem_shared>>) offsets(%dma_start3A_346 : memref<128xi32, #tpu.memory_space<vmem>>) semaphore(%dma_start3A_351 : memref<!tpu.dma_semaphore, #tpu.memory_space<semaphore_mem>>) {add = true}
      %mul3A_352 = arith.constant 3 : i32
      %mul3A_353 = arith.muli %scan3A_267, %mul3A_352 : i32
      %add3A_354 = arith.constant 1 : i32
      %add3A_355 = arith.addi %mul3A_353, %add3A_354 : i32
      %add3A_356 = arith.constant 1 : i32
      %add3A_357 = arith.addi %add3A_355, %add3A_356 : i32
      %lt3A_358 = arith.constant 78 : i32
      %lt3A_359 = arith.cmpi slt, %add3A_357, %lt3A_358 : i32
      %convert_element_type3A_360 = arith.extui %lt3A_359 : i1 to i32
      %cond3A_361 = arith.constant 0 : i32
      %cond3A_362 = arith.cmpi ne, %convert_element_type3A_360, %cond3A_361 : i32
      scf.if %cond3A_362 {
        %add3A_526 = arith.constant 1 : i32
        %add3A_527 = arith.addi %add3A_355, %add3A_526 : i32
        %mul3A_528 = arith.constant 128 : i32
        %mul3A_529 = arith.muli %add3A_527, %mul3A_528 : i32
        %add3A_530 = arith.addi %mul3A_2, %mul3A_529 : i32
        %dma_wait3A_531 = arith.constant 2 : i32
        %dma_wait3A_532 = arith.constant 0 : i32
        %dma_wait3A_533 = arith.constant 2 : i32
        %dma_wait3A_534 = arith.constant 0 : i32
        %dma_wait3A_535 = tpu.memref_slice %arg8[%dma_wait3A_531, %dma_wait3A_532, %dma_wait3A_534] : memref<3x2x128xi32, #tpu.memory_space<vmem>> -> memref<1x1x128xi32, #tpu.memory_space<vmem>>
        %dma_wait3A_536 = tpu.memref_squeeze %dma_wait3A_535 : memref<1x1x128xi32, #tpu.memory_space<vmem>> -> memref<128xi32, #tpu.memory_space<vmem>>
        %dma_wait3A_537 = tpu.memref_slice %arg3[%add3A_530] : memref<320000xi32, #tpu.memory_space<hbm>> -> memref<128xi32, #tpu.memory_space<hbm>>
        %dma_wait3A_538 = tpu.memref_slice %arg14[%dma_wait3A_533] : memref<3x!tpu.dma_semaphore, #tpu.memory_space<semaphore_mem>> -> memref<1x!tpu.dma_semaphore, #tpu.memory_space<semaphore_mem>>
        %dma_wait3A_539 = tpu.memref_squeeze %dma_wait3A_538 : memref<1x!tpu.dma_semaphore, #tpu.memory_space<semaphore_mem>> -> memref<!tpu.dma_semaphore, #tpu.memory_space<semaphore_mem>>
        %dma_wait3A_540 = arith.constant 0 : i32
        %dma_wait3A_541 = tpu.memref_slice %arg8[%dma_wait3A_531, %dma_wait3A_532, %dma_wait3A_540] : memref<3x2x128xi32, #tpu.memory_space<vmem>> -> memref<1x1x128xi32, #tpu.memory_space<vmem>>
        %dma_wait3A_542 = tpu.memref_squeeze %dma_wait3A_541 : memref<1x1x128xi32, #tpu.memory_space<vmem>> -> memref<128xi32, #tpu.memory_space<vmem>>
        %dma_wait3A_543 = tpu.memref_slice %arg3[%add3A_530] : memref<320000xi32, #tpu.memory_space<hbm>> -> memref<128xi32, #tpu.memory_space<hbm>>
        tpu.wait_dma2 semaphore(%dma_wait3A_539 : memref<!tpu.dma_semaphore, #tpu.memory_space<semaphore_mem>>) src(%dma_wait3A_543 : memref<128xi32, #tpu.memory_space<hbm>>) dst(%dma_wait3A_542 : memref<128xi32, #tpu.memory_space<vmem>>)
        %dma_wait3A_544 = arith.constant 2 : i32
        %dma_wait3A_545 = arith.constant 1 : i32
        %dma_wait3A_546 = arith.constant 2 : i32
        %dma_wait3A_547 = arith.constant 0 : i32
        %dma_wait3A_548 = tpu.memref_slice %arg8[%dma_wait3A_544, %dma_wait3A_545, %dma_wait3A_547] : memref<3x2x128xi32, #tpu.memory_space<vmem>> -> memref<1x1x128xi32, #tpu.memory_space<vmem>>
        %dma_wait3A_549 = tpu.memref_squeeze %dma_wait3A_548 : memref<1x1x128xi32, #tpu.memory_space<vmem>> -> memref<128xi32, #tpu.memory_space<vmem>>
        %dma_wait3A_550 = tpu.memref_slice %arg4[%add3A_530] : memref<320000xi32, #tpu.memory_space<hbm>> -> memref<128xi32, #tpu.memory_space<hbm>>
        %dma_wait3A_551 = tpu.memref_slice %arg14[%dma_wait3A_546] : memref<3x!tpu.dma_semaphore, #tpu.memory_space<semaphore_mem>> -> memref<1x!tpu.dma_semaphore, #tpu.memory_space<semaphore_mem>>
        %dma_wait3A_552 = tpu.memref_squeeze %dma_wait3A_551 : memref<1x!tpu.dma_semaphore, #tpu.memory_space<semaphore_mem>> -> memref<!tpu.dma_semaphore, #tpu.memory_space<semaphore_mem>>
        %dma_wait3A_553 = arith.constant 0 : i32
        %dma_wait3A_554 = tpu.memref_slice %arg8[%dma_wait3A_544, %dma_wait3A_545, %dma_wait3A_553] : memref<3x2x128xi32, #tpu.memory_space<vmem>> -> memref<1x1x128xi32, #tpu.memory_space<vmem>>
        %dma_wait3A_555 = tpu.memref_squeeze %dma_wait3A_554 : memref<1x1x128xi32, #tpu.memory_space<vmem>> -> memref<128xi32, #tpu.memory_space<vmem>>
        %dma_wait3A_556 = tpu.memref_slice %arg4[%add3A_530] : memref<320000xi32, #tpu.memory_space<hbm>> -> memref<128xi32, #tpu.memory_space<hbm>>
        tpu.wait_dma2 semaphore(%dma_wait3A_552 : memref<!tpu.dma_semaphore, #tpu.memory_space<semaphore_mem>>) src(%dma_wait3A_556 : memref<128xi32, #tpu.memory_space<hbm>>) dst(%dma_wait3A_555 : memref<128xi32, #tpu.memory_space<vmem>>)
        %dma_wait3A_557 = arith.constant 2 : i32
        %dma_wait3A_558 = arith.constant 2 : i32
        %dma_wait3A_559 = arith.constant 0 : i32
        %dma_wait3A_560 = tpu.memref_slice %arg9[%dma_wait3A_557, %dma_wait3A_559] : memref<3x128xf32, #tpu.memory_space<vmem>> -> memref<1x128xf32, #tpu.memory_space<vmem>>
        %dma_wait3A_561 = tpu.memref_squeeze %dma_wait3A_560 : memref<1x128xf32, #tpu.memory_space<vmem>> -> memref<128xf32, #tpu.memory_space<vmem>>
        %dma_wait3A_562 = tpu.memref_slice %arg5[%add3A_530] : memref<320000xf32, #tpu.memory_space<hbm>> -> memref<128xf32, #tpu.memory_space<hbm>>
        %dma_wait3A_563 = tpu.memref_slice %arg14[%dma_wait3A_558] : memref<3x!tpu.dma_semaphore, #tpu.memory_space<semaphore_mem>> -> memref<1x!tpu.dma_semaphore, #tpu.memory_space<semaphore_mem>>
        %dma_wait3A_564 = tpu.memref_squeeze %dma_wait3A_563 : memref<1x!tpu.dma_semaphore, #tpu.memory_space<semaphore_mem>> -> memref<!tpu.dma_semaphore, #tpu.memory_space<semaphore_mem>>
        %dma_wait3A_565 = arith.constant 0 : i32
        %dma_wait3A_566 = tpu.memref_slice %arg9[%dma_wait3A_557, %dma_wait3A_565] : memref<3x128xf32, #tpu.memory_space<vmem>> -> memref<1x128xf32, #tpu.memory_space<vmem>>
        %dma_wait3A_567 = tpu.memref_squeeze %dma_wait3A_566 : memref<1x128xf32, #tpu.memory_space<vmem>> -> memref<128xf32, #tpu.memory_space<vmem>>
        %dma_wait3A_568 = tpu.memref_slice %arg5[%add3A_530] : memref<320000xf32, #tpu.memory_space<hbm>> -> memref<128xf32, #tpu.memory_space<hbm>>
        tpu.wait_dma2 semaphore(%dma_wait3A_564 : memref<!tpu.dma_semaphore, #tpu.memory_space<semaphore_mem>>) src(%dma_wait3A_568 : memref<128xf32, #tpu.memory_space<hbm>>) dst(%dma_wait3A_567 : memref<128xf32, #tpu.memory_space<vmem>>)
        %dma_start3A_569 = arith.constant 2 : i32
        %dma_start3A_570 = arith.constant 1 : i32
        %dma_start3A_571 = arith.constant 2 : i32
        %dma_start3A_572 = arith.constant 2 : i32
        %dma_start3A_573 = arith.constant 0 : i32
        %dma_start3A_574 = arith.constant 0 : i32
        %dma_start3A_575 = tpu.memref_slice %arg12[%dma_start3A_571, %dma_start3A_573, %dma_start3A_574] : memref<3x128x128xf32, #tpu.memory_space<vmem>> -> memref<1x64x128xf32, #tpu.memory_space<vmem>>
        %dma_start3A_576 = tpu.memref_squeeze %dma_start3A_575 : memref<1x64x128xf32, #tpu.memory_space<vmem>> -> memref<64x128xf32, #tpu.memory_space<vmem>>
        %dma_start3A_577 = arith.constant 0 : i32
        %dma_start3A_578 = tpu.memref_slice %arg8[%dma_start3A_569, %dma_start3A_570, %dma_start3A_577] : memref<3x2x128xi32, #tpu.memory_space<vmem>> -> memref<1x1x64xi32, #tpu.memory_space<vmem>>
        %dma_start3A_579 = tpu.memref_squeeze %dma_start3A_578 : memref<1x1x64xi32, #tpu.memory_space<vmem>> -> memref<64xi32, #tpu.memory_space<vmem>>
        %dma_start3A_580 = arith.constant 0 : i32
        %dma_start3A_581 = arith.constant 0 : i32
        %dma_start3A_582 = tpu.memref_slice %arg2[%dma_start3A_580, %dma_start3A_581] : memref<10000x128xf32, #tpu.memory_space<hbm>> -> memref<10000x128xf32, #tpu.memory_space<hbm>>
        %dma_start3A_583 = tpu.memref_slice %arg16[%dma_start3A_572] : memref<3x!tpu.dma_semaphore, #tpu.memory_space<semaphore_mem>> -> memref<1x!tpu.dma_semaphore, #tpu.memory_space<semaphore_mem>>
        %dma_start3A_584 = tpu.memref_squeeze %dma_start3A_583 : memref<1x!tpu.dma_semaphore, #tpu.memory_space<semaphore_mem>> -> memref<!tpu.dma_semaphore, #tpu.memory_space<semaphore_mem>>
        tpu.enqueue_indirect_dma source(%dma_start3A_582 : memref<10000x128xf32, #tpu.memory_space<hbm>>) target(%dma_start3A_576 : memref<64x128xf32, #tpu.memory_space<vmem>>) offsets(%dma_start3A_579 : memref<64xi32, #tpu.memory_space<vmem>>) semaphore(%dma_start3A_584 : memref<!tpu.dma_semaphore, #tpu.memory_space<semaphore_mem>>)
        %dma_start3A_585 = arith.constant 2 : i32
        %dma_start3A_586 = arith.constant 1 : i32
        %dma_start3A_587 = arith.constant 2 : i32
        %dma_start3A_588 = arith.constant 2 : i32
        %dma_start3A_589 = arith.constant 64 : i32
        %dma_start3A_590 = arith.constant 0 : i32
        %dma_start3A_591 = tpu.memref_slice %arg12[%dma_start3A_587, %dma_start3A_589, %dma_start3A_590] : memref<3x128x128xf32, #tpu.memory_space<vmem>> -> memref<1x64x128xf32, #tpu.memory_space<vmem>>
        %dma_start3A_592 = tpu.memref_squeeze %dma_start3A_591 : memref<1x64x128xf32, #tpu.memory_space<vmem>> -> memref<64x128xf32, #tpu.memory_space<vmem>>
        %dma_start3A_593 = arith.constant 64 : i32
        %dma_start3A_594 = tpu.memref_slice %arg8[%dma_start3A_585, %dma_start3A_586, %dma_start3A_593] : memref<3x2x128xi32, #tpu.memory_space<vmem>> -> memref<1x1x64xi32, #tpu.memory_space<vmem>>
        %dma_start3A_595 = tpu.memref_squeeze %dma_start3A_594 : memref<1x1x64xi32, #tpu.memory_space<vmem>> -> memref<64xi32, #tpu.memory_space<vmem>>
        %dma_start3A_596 = arith.constant 0 : i32
        %dma_start3A_597 = arith.constant 0 : i32
        %dma_start3A_598 = tpu.memref_slice %arg2[%dma_start3A_596, %dma_start3A_597] : memref<10000x128xf32, #tpu.memory_space<hbm>> -> memref<10000x128xf32, #tpu.memory_space<hbm>>
        %dma_start3A_599 = tpu.memref_slice %arg17[%dma_start3A_588] : memref<3x!tpu.dma_semaphore, #tpu.memory_space<semaphore_mem>> -> memref<1x!tpu.dma_semaphore, #tpu.memory_space<semaphore_mem>>
        %dma_start3A_600 = tpu.memref_squeeze %dma_start3A_599 : memref<1x!tpu.dma_semaphore, #tpu.memory_space<semaphore_mem>> -> memref<!tpu.dma_semaphore, #tpu.memory_space<semaphore_mem>>
        tpu.enqueue_indirect_dma source(%dma_start3A_598 : memref<10000x128xf32, #tpu.memory_space<hbm>>) target(%dma_start3A_592 : memref<64x128xf32, #tpu.memory_space<vmem>>) offsets(%dma_start3A_595 : memref<64xi32, #tpu.memory_space<vmem>>) semaphore(%dma_start3A_600 : memref<!tpu.dma_semaphore, #tpu.memory_space<semaphore_mem>>)
      } else {
      }
      %ge3A_363 = arith.constant 1 : i32
      %ge3A_364 = arith.cmpi sge, %add3A_355, %ge3A_363 : i32
      %convert_element_type3A_365 = arith.extui %ge3A_364 : i1 to i32
      %cond3A_366 = arith.constant 0 : i32
      %cond3A_367 = arith.cmpi ne, %convert_element_type3A_365, %cond3A_366 : i32
      scf.if %cond3A_367 {
        %dma_wait3A_526 = arith.constant 0 : i32
        %dma_wait3A_527 = arith.constant 0 : i32
        %dma_wait3A_528 = arith.constant 0 : i32
        %dma_wait3A_529 = arith.constant 0 : i32
        %dma_wait3A_530 = arith.constant 0 : i32
        %dma_wait3A_531 = arith.constant 0 : i32
        %dma_wait3A_532 = tpu.memref_slice %arg12[%dma_wait3A_526, %dma_wait3A_530, %dma_wait3A_531] : memref<3x128x128xf32, #tpu.memory_space<vmem>> -> memref<1x128x128xf32, #tpu.memory_space<vmem>>
        %dma_wait3A_533 = tpu.memref_squeeze %dma_wait3A_532 : memref<1x128x128xf32, #tpu.memory_space<vmem>> -> memref<128x128xf32, #tpu.memory_space<vmem>>
        %dma_wait3A_534 = arith.constant 0 : i32
        %dma_wait3A_535 = tpu.memref_slice %arg8[%dma_wait3A_527, %dma_wait3A_528, %dma_wait3A_534] : memref<3x2x128xi32, #tpu.memory_space<vmem>> -> memref<1x1x128xi32, #tpu.memory_space<vmem>>
        %dma_wait3A_536 = tpu.memref_squeeze %dma_wait3A_535 : memref<1x1x128xi32, #tpu.memory_space<vmem>> -> memref<128xi32, #tpu.memory_space<vmem>>
        %dma_wait3A_537 = arith.constant 0 : i32
        %dma_wait3A_538 = arith.constant 0 : i32
        %dma_wait3A_539 = tpu.memref_slice %arg13[%dma_wait3A_537, %dma_wait3A_538] : memref<10000x128xf32, #tpu.memory_space<vmem_shared>> -> memref<10000x128xf32, #tpu.memory_space<vmem_shared>>
        %dma_wait3A_540 = tpu.memref_slice %arg18[%dma_wait3A_529] : memref<3x!tpu.dma_semaphore, #tpu.memory_space<semaphore_mem>> -> memref<1x!tpu.dma_semaphore, #tpu.memory_space<semaphore_mem>>
        %dma_wait3A_541 = tpu.memref_squeeze %dma_wait3A_540 : memref<1x!tpu.dma_semaphore, #tpu.memory_space<semaphore_mem>> -> memref<!tpu.dma_semaphore, #tpu.memory_space<semaphore_mem>>
        tpu.wait_indirect_dma semaphore(%dma_wait3A_541 : memref<!tpu.dma_semaphore, #tpu.memory_space<semaphore_mem>>) src(%dma_wait3A_533 : memref<128x128xf32, #tpu.memory_space<vmem>>) dst(%dma_wait3A_539 : memref<10000x128xf32, #tpu.memory_space<vmem_shared>>)
      } else {
      }
      %add3A_368 = arith.constant 2 : i32
      %add3A_369 = arith.addi %add3A_355, %add3A_368 : i32
      %lt3A_370 = arith.constant 78 : i32
      %lt3A_371 = arith.cmpi slt, %add3A_369, %lt3A_370 : i32
      %convert_element_type3A_372 = arith.extui %lt3A_371 : i1 to i32
      %cond3A_373 = arith.constant 0 : i32
      %cond3A_374 = arith.cmpi ne, %convert_element_type3A_372, %cond3A_373 : i32
      scf.if %cond3A_374 {
        %add3A_526 = arith.constant 2 : i32
        %add3A_527 = arith.addi %add3A_355, %add3A_526 : i32
        %mul3A_528 = arith.constant 128 : i32
        %mul3A_529 = arith.muli %add3A_527, %mul3A_528 : i32
        %add3A_530 = arith.addi %mul3A_2, %mul3A_529 : i32
        %dma_start3A_531 = arith.constant 0 : i32
        %dma_start3A_532 = arith.constant 0 : i32
        %dma_start3A_533 = arith.constant 0 : i32
        %dma_start3A_534 = arith.constant 0 : i32
        %dma_start3A_535 = tpu.memref_slice %arg8[%dma_start3A_531, %dma_start3A_532, %dma_start3A_534] : memref<3x2x128xi32, #tpu.memory_space<vmem>> -> memref<1x1x128xi32, #tpu.memory_space<vmem>>
        %dma_start3A_536 = tpu.memref_squeeze %dma_start3A_535 : memref<1x1x128xi32, #tpu.memory_space<vmem>> -> memref<128xi32, #tpu.memory_space<vmem>>
        %dma_start3A_537 = tpu.memref_slice %arg3[%add3A_530] : memref<320000xi32, #tpu.memory_space<hbm>> -> memref<128xi32, #tpu.memory_space<hbm>>
        %dma_start3A_538 = tpu.memref_slice %arg14[%dma_start3A_533] : memref<3x!tpu.dma_semaphore, #tpu.memory_space<semaphore_mem>> -> memref<1x!tpu.dma_semaphore, #tpu.memory_space<semaphore_mem>>
        %dma_start3A_539 = tpu.memref_squeeze %dma_start3A_538 : memref<1x!tpu.dma_semaphore, #tpu.memory_space<semaphore_mem>> -> memref<!tpu.dma_semaphore, #tpu.memory_space<semaphore_mem>>
        %dma_start3A_540 = arith.constant 0 : i32
        %dma_start3A_541 = tpu.memref_slice %arg8[%dma_start3A_531, %dma_start3A_532, %dma_start3A_540] : memref<3x2x128xi32, #tpu.memory_space<vmem>> -> memref<1x1x128xi32, #tpu.memory_space<vmem>>
        %dma_start3A_542 = tpu.memref_squeeze %dma_start3A_541 : memref<1x1x128xi32, #tpu.memory_space<vmem>> -> memref<128xi32, #tpu.memory_space<vmem>>
        %dma_start3A_543 = tpu.memref_slice %arg3[%add3A_530] : memref<320000xi32, #tpu.memory_space<hbm>> -> memref<128xi32, #tpu.memory_space<hbm>>
        tpu.enqueue_dma source(%dma_start3A_543 : memref<128xi32, #tpu.memory_space<hbm>>) target(%dma_start3A_542 : memref<128xi32, #tpu.memory_space<vmem>>) target_semaphore(%dma_start3A_539 : memref<!tpu.dma_semaphore, #tpu.memory_space<semaphore_mem>>)
        %dma_start3A_544 = arith.constant 0 : i32
        %dma_start3A_545 = arith.constant 1 : i32
        %dma_start3A_546 = arith.constant 0 : i32
        %dma_start3A_547 = arith.constant 0 : i32
        %dma_start3A_548 = tpu.memref_slice %arg8[%dma_start3A_544, %dma_start3A_545, %dma_start3A_547] : memref<3x2x128xi32, #tpu.memory_space<vmem>> -> memref<1x1x128xi32, #tpu.memory_space<vmem>>
        %dma_start3A_549 = tpu.memref_squeeze %dma_start3A_548 : memref<1x1x128xi32, #tpu.memory_space<vmem>> -> memref<128xi32, #tpu.memory_space<vmem>>
        %dma_start3A_550 = tpu.memref_slice %arg4[%add3A_530] : memref<320000xi32, #tpu.memory_space<hbm>> -> memref<128xi32, #tpu.memory_space<hbm>>
        %dma_start3A_551 = tpu.memref_slice %arg14[%dma_start3A_546] : memref<3x!tpu.dma_semaphore, #tpu.memory_space<semaphore_mem>> -> memref<1x!tpu.dma_semaphore, #tpu.memory_space<semaphore_mem>>
        %dma_start3A_552 = tpu.memref_squeeze %dma_start3A_551 : memref<1x!tpu.dma_semaphore, #tpu.memory_space<semaphore_mem>> -> memref<!tpu.dma_semaphore, #tpu.memory_space<semaphore_mem>>
        %dma_start3A_553 = arith.constant 0 : i32
        %dma_start3A_554 = tpu.memref_slice %arg8[%dma_start3A_544, %dma_start3A_545, %dma_start3A_553] : memref<3x2x128xi32, #tpu.memory_space<vmem>> -> memref<1x1x128xi32, #tpu.memory_space<vmem>>
        %dma_start3A_555 = tpu.memref_squeeze %dma_start3A_554 : memref<1x1x128xi32, #tpu.memory_space<vmem>> -> memref<128xi32, #tpu.memory_space<vmem>>
        %dma_start3A_556 = tpu.memref_slice %arg4[%add3A_530] : memref<320000xi32, #tpu.memory_space<hbm>> -> memref<128xi32, #tpu.memory_space<hbm>>
        tpu.enqueue_dma source(%dma_start3A_556 : memref<128xi32, #tpu.memory_space<hbm>>) target(%dma_start3A_555 : memref<128xi32, #tpu.memory_space<vmem>>) target_semaphore(%dma_start3A_552 : memref<!tpu.dma_semaphore, #tpu.memory_space<semaphore_mem>>)
        %dma_start3A_557 = arith.constant 0 : i32
        %dma_start3A_558 = arith.constant 0 : i32
        %dma_start3A_559 = arith.constant 0 : i32
        %dma_start3A_560 = tpu.memref_slice %arg9[%dma_start3A_557, %dma_start3A_559] : memref<3x128xf32, #tpu.memory_space<vmem>> -> memref<1x128xf32, #tpu.memory_space<vmem>>
        %dma_start3A_561 = tpu.memref_squeeze %dma_start3A_560 : memref<1x128xf32, #tpu.memory_space<vmem>> -> memref<128xf32, #tpu.memory_space<vmem>>
        %dma_start3A_562 = tpu.memref_slice %arg5[%add3A_530] : memref<320000xf32, #tpu.memory_space<hbm>> -> memref<128xf32, #tpu.memory_space<hbm>>
        %dma_start3A_563 = tpu.memref_slice %arg14[%dma_start3A_558] : memref<3x!tpu.dma_semaphore, #tpu.memory_space<semaphore_mem>> -> memref<1x!tpu.dma_semaphore, #tpu.memory_space<semaphore_mem>>
        %dma_start3A_564 = tpu.memref_squeeze %dma_start3A_563 : memref<1x!tpu.dma_semaphore, #tpu.memory_space<semaphore_mem>> -> memref<!tpu.dma_semaphore, #tpu.memory_space<semaphore_mem>>
        %dma_start3A_565 = arith.constant 0 : i32
        %dma_start3A_566 = tpu.memref_slice %arg9[%dma_start3A_557, %dma_start3A_565] : memref<3x128xf32, #tpu.memory_space<vmem>> -> memref<1x128xf32, #tpu.memory_space<vmem>>
        %dma_start3A_567 = tpu.memref_squeeze %dma_start3A_566 : memref<1x128xf32, #tpu.memory_space<vmem>> -> memref<128xf32, #tpu.memory_space<vmem>>
        %dma_start3A_568 = tpu.memref_slice %arg5[%add3A_530] : memref<320000xf32, #tpu.memory_space<hbm>> -> memref<128xf32, #tpu.memory_space<hbm>>
        tpu.enqueue_dma source(%dma_start3A_568 : memref<128xf32, #tpu.memory_space<hbm>>) target(%dma_start3A_567 : memref<128xf32, #tpu.memory_space<vmem>>) target_semaphore(%dma_start3A_564 : memref<!tpu.dma_semaphore, #tpu.memory_space<semaphore_mem>>)
      } else {
      }
      %broadcast_in_dim3A_375 = arith.constant 1 : i32
      %broadcast_in_dim3A_376 = vector.broadcast %broadcast_in_dim3A_375 : i32 to vector<16xi32>
      %dma_wait3A_377 = arith.constant 1 : i32
      %dma_wait3A_378 = arith.constant 1 : i32
      %dma_wait3A_379 = arith.constant 1 : i32
      %dma_wait3A_380 = arith.constant 1 : i32
      %dma_wait3A_381 = arith.constant 0 : i32
      %dma_wait3A_382 = arith.constant 0 : i32
      %dma_wait3A_383 = tpu.memref_slice %arg12[%dma_wait3A_379, %dma_wait3A_381, %dma_wait3A_382] : memref<3x128x128xf32, #tpu.memory_space<vmem>> -> memref<1x64x128xf32, #tpu.memory_space<vmem>>
      %dma_wait3A_384 = tpu.memref_squeeze %dma_wait3A_383 : memref<1x64x128xf32, #tpu.memory_space<vmem>> -> memref<64x128xf32, #tpu.memory_space<vmem>>
      %dma_wait3A_385 = arith.constant 0 : i32
      %dma_wait3A_386 = tpu.memref_slice %arg8[%dma_wait3A_377, %dma_wait3A_378, %dma_wait3A_385] : memref<3x2x128xi32, #tpu.memory_space<vmem>> -> memref<1x1x64xi32, #tpu.memory_space<vmem>>
      %dma_wait3A_387 = tpu.memref_squeeze %dma_wait3A_386 : memref<1x1x64xi32, #tpu.memory_space<vmem>> -> memref<64xi32, #tpu.memory_space<vmem>>
      %dma_wait3A_388 = arith.constant 0 : i32
      %dma_wait3A_389 = arith.constant 0 : i32
      %dma_wait3A_390 = tpu.memref_slice %arg2[%dma_wait3A_388, %dma_wait3A_389] : memref<10000x128xf32, #tpu.memory_space<hbm>> -> memref<10000x128xf32, #tpu.memory_space<hbm>>
      %dma_wait3A_391 = tpu.memref_slice %arg16[%dma_wait3A_380] : memref<3x!tpu.dma_semaphore, #tpu.memory_space<semaphore_mem>> -> memref<1x!tpu.dma_semaphore, #tpu.memory_space<semaphore_mem>>
      %dma_wait3A_392 = tpu.memref_squeeze %dma_wait3A_391 : memref<1x!tpu.dma_semaphore, #tpu.memory_space<semaphore_mem>> -> memref<!tpu.dma_semaphore, #tpu.memory_space<semaphore_mem>>
      tpu.wait_indirect_dma semaphore(%dma_wait3A_392 : memref<!tpu.dma_semaphore, #tpu.memory_space<semaphore_mem>>) src(%dma_wait3A_390 : memref<10000x128xf32, #tpu.memory_space<hbm>>) dst(%dma_wait3A_384 : memref<64x128xf32, #tpu.memory_space<vmem>>)
      %broadcast_in_dim3A_393 = arith.constant 0 : i32
      %broadcast_in_dim3A_394 = vector.broadcast %broadcast_in_dim3A_393 : i32 to vector<16xi32>
      %parallel_loop3A_395 = arith.constant 0 : i32
      %parallel_loop3A_396 = arith.constant 64 : i32
      %parallel_loop3A_397 = arith.constant 1 : i32
      %parallel_loop3A_398 = arith.constant 1 : i32
      %parallel_loop3A_399 = scf.for %parallel_loop3A_526 = %parallel_loop3A_395 to %parallel_loop3A_396 step %parallel_loop3A_397 iter_args(%parallel_loop3A_527 = %broadcast_in_dim3A_394) -> (vector<16xi32>)  : i32 {
        %parallel_loop3A_528 = tpu.vector_load_idx %arg9[%broadcast_in_dim3A_376, %parallel_loop3A_527] : memref<3x128xf32, #tpu.memory_space<vmem>>[vector<16xi32>, vector<16xi32>], vector<16xf32>,
        %parallel_loop3A_529 = arith.constant 0 : i32
        %parallel_loop3A_530 = arith.constant 0 : i32
        %parallel_loop3A_531 = tpu.memref_slice %arg12[%parallel_loop3A_398, %parallel_loop3A_529, %parallel_loop3A_530] : memref<3x128x128xf32, #tpu.memory_space<vmem>> -> memref<1x128x128xf32, #tpu.memory_space<vmem>>
        %parallel_loop3A_532 = tpu.memref_squeeze %parallel_loop3A_531 : memref<1x128x128xf32, #tpu.memory_space<vmem>> -> memref<128x128xf32, #tpu.memory_space<vmem>>
        %parallel_loop3A_533 = arith.index_cast %parallel_loop3A_526 : i32 to index
        %parallel_loop3A_534 = arith.constant 0 : index
        %parallel_loop3A_535 = tpu.vector_load %parallel_loop3A_532[%parallel_loop3A_533, %parallel_loop3A_534] {strides = array<i32>} : memref<128x128xf32, #tpu.memory_space<vmem>>, vector<16xf32>,
        %parallel_loop3A_536 = arith.mulf %parallel_loop3A_535, %parallel_loop3A_528 : vector<16xf32>
        %parallel_loop3A_537 = arith.constant 0 : i32
        %parallel_loop3A_538 = arith.constant 0 : i32
        %parallel_loop3A_539 = tpu.memref_slice %arg12[%parallel_loop3A_398, %parallel_loop3A_537, %parallel_loop3A_538] : memref<3x128x128xf32, #tpu.memory_space<vmem>> -> memref<1x128x128xf32, #tpu.memory_space<vmem>>
        %parallel_loop3A_540 = tpu.memref_squeeze %parallel_loop3A_539 : memref<1x128x128xf32, #tpu.memory_space<vmem>> -> memref<128x128xf32, #tpu.memory_space<vmem>>
        %parallel_loop3A_541 = arith.index_cast %parallel_loop3A_526 : i32 to index
        %parallel_loop3A_542 = arith.constant 0 : index
        %parallel_loop3A_543 = tpu.vector_load %parallel_loop3A_540[%parallel_loop3A_541, %parallel_loop3A_542] {strides = array<i32>} : memref<128x128xf32, #tpu.memory_space<vmem>>, vector<16xf32>,
        tpu.vector_store %parallel_loop3A_540[%parallel_loop3A_541, %parallel_loop3A_542], %parallel_loop3A_536 {strides = array<i32>} : memref<128x128xf32, #tpu.memory_space<vmem>>, vector<16xf32>,
        %parallel_loop3A_544 = arith.constant 0 : i32
        %parallel_loop3A_545 = arith.constant 0 : i32
        %parallel_loop3A_546 = tpu.memref_slice %arg12[%parallel_loop3A_398, %parallel_loop3A_544, %parallel_loop3A_545] : memref<3x128x128xf32, #tpu.memory_space<vmem>> -> memref<1x128x128xf32, #tpu.memory_space<vmem>>
        %parallel_loop3A_547 = tpu.memref_squeeze %parallel_loop3A_546 : memref<1x128x128xf32, #tpu.memory_space<vmem>> -> memref<128x128xf32, #tpu.memory_space<vmem>>
        %parallel_loop3A_548 = arith.index_cast %parallel_loop3A_526 : i32 to index
        %parallel_loop3A_549 = arith.constant 16 : index
        %parallel_loop3A_550 = tpu.vector_load %parallel_loop3A_547[%parallel_loop3A_548, %parallel_loop3A_549] {strides = array<i32>} : memref<128x128xf32, #tpu.memory_space<vmem>>, vector<16xf32>,
        %parallel_loop3A_551 = arith.mulf %parallel_loop3A_550, %parallel_loop3A_528 : vector<16xf32>
        %parallel_loop3A_552 = arith.constant 0 : i32
        %parallel_loop3A_553 = arith.constant 0 : i32
        %parallel_loop3A_554 = tpu.memref_slice %arg12[%parallel_loop3A_398, %parallel_loop3A_552, %parallel_loop3A_553] : memref<3x128x128xf32, #tpu.memory_space<vmem>> -> memref<1x128x128xf32, #tpu.memory_space<vmem>>
        %parallel_loop3A_555 = tpu.memref_squeeze %parallel_loop3A_554 : memref<1x128x128xf32, #tpu.memory_space<vmem>> -> memref<128x128xf32, #tpu.memory_space<vmem>>
        %parallel_loop3A_556 = arith.index_cast %parallel_loop3A_526 : i32 to index
        %parallel_loop3A_557 = arith.constant 16 : index
        %parallel_loop3A_558 = tpu.vector_load %parallel_loop3A_555[%parallel_loop3A_556, %parallel_loop3A_557] {strides = array<i32>} : memref<128x128xf32, #tpu.memory_space<vmem>>, vector<16xf32>,
        tpu.vector_store %parallel_loop3A_555[%parallel_loop3A_556, %parallel_loop3A_557], %parallel_loop3A_551 {strides = array<i32>} : memref<128x128xf32, #tpu.memory_space<vmem>>, vector<16xf32>,
        %parallel_loop3A_559 = arith.constant 0 : i32
        %parallel_loop3A_560 = arith.constant 0 : i32
        %parallel_loop3A_561 = tpu.memref_slice %arg12[%parallel_loop3A_398, %parallel_loop3A_559, %parallel_loop3A_560] : memref<3x128x128xf32, #tpu.memory_space<vmem>> -> memref<1x128x128xf32, #tpu.memory_space<vmem>>
        %parallel_loop3A_562 = tpu.memref_squeeze %parallel_loop3A_561 : memref<1x128x128xf32, #tpu.memory_space<vmem>> -> memref<128x128xf32, #tpu.memory_space<vmem>>
        %parallel_loop3A_563 = arith.index_cast %parallel_loop3A_526 : i32 to index
        %parallel_loop3A_564 = arith.constant 32 : index
        %parallel_loop3A_565 = tpu.vector_load %parallel_loop3A_562[%parallel_loop3A_563, %parallel_loop3A_564] {strides = array<i32>} : memref<128x128xf32, #tpu.memory_space<vmem>>, vector<16xf32>,
        %parallel_loop3A_566 = arith.mulf %parallel_loop3A_565, %parallel_loop3A_528 : vector<16xf32>
        %parallel_loop3A_567 = arith.constant 0 : i32
        %parallel_loop3A_568 = arith.constant 0 : i32
        %parallel_loop3A_569 = tpu.memref_slice %arg12[%parallel_loop3A_398, %parallel_loop3A_567, %parallel_loop3A_568] : memref<3x128x128xf32, #tpu.memory_space<vmem>> -> memref<1x128x128xf32, #tpu.memory_space<vmem>>
        %parallel_loop3A_570 = tpu.memref_squeeze %parallel_loop3A_569 : memref<1x128x128xf32, #tpu.memory_space<vmem>> -> memref<128x128xf32, #tpu.memory_space<vmem>>
        %parallel_loop3A_571 = arith.index_cast %parallel_loop3A_526 : i32 to index
        %parallel_loop3A_572 = arith.constant 32 : index
        %parallel_loop3A_573 = tpu.vector_load %parallel_loop3A_570[%parallel_loop3A_571, %parallel_loop3A_572] {strides = array<i32>} : memref<128x128xf32, #tpu.memory_space<vmem>>, vector<16xf32>,
        tpu.vector_store %parallel_loop3A_570[%parallel_loop3A_571, %parallel_loop3A_572], %parallel_loop3A_566 {strides = array<i32>} : memref<128x128xf32, #tpu.memory_space<vmem>>, vector<16xf32>,
        %parallel_loop3A_574 = arith.constant 0 : i32
        %parallel_loop3A_575 = arith.constant 0 : i32
        %parallel_loop3A_576 = tpu.memref_slice %arg12[%parallel_loop3A_398, %parallel_loop3A_574, %parallel_loop3A_575] : memref<3x128x128xf32, #tpu.memory_space<vmem>> -> memref<1x128x128xf32, #tpu.memory_space<vmem>>
        %parallel_loop3A_577 = tpu.memref_squeeze %parallel_loop3A_576 : memref<1x128x128xf32, #tpu.memory_space<vmem>> -> memref<128x128xf32, #tpu.memory_space<vmem>>
        %parallel_loop3A_578 = arith.index_cast %parallel_loop3A_526 : i32 to index
        %parallel_loop3A_579 = arith.constant 48 : index
        %parallel_loop3A_580 = tpu.vector_load %parallel_loop3A_577[%parallel_loop3A_578, %parallel_loop3A_579] {strides = array<i32>} : memref<128x128xf32, #tpu.memory_space<vmem>>, vector<16xf32>,
        %parallel_loop3A_581 = arith.mulf %parallel_loop3A_580, %parallel_loop3A_528 : vector<16xf32>
        %parallel_loop3A_582 = arith.constant 0 : i32
        %parallel_loop3A_583 = arith.constant 0 : i32
        %parallel_loop3A_584 = tpu.memref_slice %arg12[%parallel_loop3A_398, %parallel_loop3A_582, %parallel_loop3A_583] : memref<3x128x128xf32, #tpu.memory_space<vmem>> -> memref<1x128x128xf32, #tpu.memory_space<vmem>>
        %parallel_loop3A_585 = tpu.memref_squeeze %parallel_loop3A_584 : memref<1x128x128xf32, #tpu.memory_space<vmem>> -> memref<128x128xf32, #tpu.memory_space<vmem>>
        %parallel_loop3A_586 = arith.index_cast %parallel_loop3A_526 : i32 to index
        %parallel_loop3A_587 = arith.constant 48 : index
        %parallel_loop3A_588 = tpu.vector_load %parallel_loop3A_585[%parallel_loop3A_586, %parallel_loop3A_587] {strides = array<i32>} : memref<128x128xf32, #tpu.memory_space<vmem>>, vector<16xf32>,
        tpu.vector_store %parallel_loop3A_585[%parallel_loop3A_586, %parallel_loop3A_587], %parallel_loop3A_581 {strides = array<i32>} : memref<128x128xf32, #tpu.memory_space<vmem>>, vector<16xf32>,
        %parallel_loop3A_589 = arith.constant 0 : i32
        %parallel_loop3A_590 = arith.constant 0 : i32
        %parallel_loop3A_591 = tpu.memref_slice %arg12[%parallel_loop3A_398, %parallel_loop3A_589, %parallel_loop3A_590] : memref<3x128x128xf32, #tpu.memory_space<vmem>> -> memref<1x128x128xf32, #tpu.memory_space<vmem>>
        %parallel_loop3A_592 = tpu.memref_squeeze %parallel_loop3A_591 : memref<1x128x128xf32, #tpu.memory_space<vmem>> -> memref<128x128xf32, #tpu.memory_space<vmem>>
        %parallel_loop3A_593 = arith.index_cast %parallel_loop3A_526 : i32 to index
        %parallel_loop3A_594 = arith.constant 64 : index
        %parallel_loop3A_595 = tpu.vector_load %parallel_loop3A_592[%parallel_loop3A_593, %parallel_loop3A_594] {strides = array<i32>} : memref<128x128xf32, #tpu.memory_space<vmem>>, vector<16xf32>,
        %parallel_loop3A_596 = arith.mulf %parallel_loop3A_595, %parallel_loop3A_528 : vector<16xf32>
        %parallel_loop3A_597 = arith.constant 0 : i32
        %parallel_loop3A_598 = arith.constant 0 : i32
        %parallel_loop3A_599 = tpu.memref_slice %arg12[%parallel_loop3A_398, %parallel_loop3A_597, %parallel_loop3A_598] : memref<3x128x128xf32, #tpu.memory_space<vmem>> -> memref<1x128x128xf32, #tpu.memory_space<vmem>>
        %parallel_loop3A_600 = tpu.memref_squeeze %parallel_loop3A_599 : memref<1x128x128xf32, #tpu.memory_space<vmem>> -> memref<128x128xf32, #tpu.memory_space<vmem>>
        %parallel_loop3A_601 = arith.index_cast %parallel_loop3A_526 : i32 to index
        %parallel_loop3A_602 = arith.constant 64 : index
        %parallel_loop3A_603 = tpu.vector_load %parallel_loop3A_600[%parallel_loop3A_601, %parallel_loop3A_602] {strides = array<i32>} : memref<128x128xf32, #tpu.memory_space<vmem>>, vector<16xf32>,
        tpu.vector_store %parallel_loop3A_600[%parallel_loop3A_601, %parallel_loop3A_602], %parallel_loop3A_596 {strides = array<i32>} : memref<128x128xf32, #tpu.memory_space<vmem>>, vector<16xf32>,
        %parallel_loop3A_604 = arith.constant 0 : i32
        %parallel_loop3A_605 = arith.constant 0 : i32
        %parallel_loop3A_606 = tpu.memref_slice %arg12[%parallel_loop3A_398, %parallel_loop3A_604, %parallel_loop3A_605] : memref<3x128x128xf32, #tpu.memory_space<vmem>> -> memref<1x128x128xf32, #tpu.memory_space<vmem>>
        %parallel_loop3A_607 = tpu.memref_squeeze %parallel_loop3A_606 : memref<1x128x128xf32, #tpu.memory_space<vmem>> -> memref<128x128xf32, #tpu.memory_space<vmem>>
        %parallel_loop3A_608 = arith.index_cast %parallel_loop3A_526 : i32 to index
        %parallel_loop3A_609 = arith.constant 80 : index
        %parallel_loop3A_610 = tpu.vector_load %parallel_loop3A_607[%parallel_loop3A_608, %parallel_loop3A_609] {strides = array<i32>} : memref<128x128xf32, #tpu.memory_space<vmem>>, vector<16xf32>,
        %parallel_loop3A_611 = arith.mulf %parallel_loop3A_610, %parallel_loop3A_528 : vector<16xf32>
        %parallel_loop3A_612 = arith.constant 0 : i32
        %parallel_loop3A_613 = arith.constant 0 : i32
        %parallel_loop3A_614 = tpu.memref_slice %arg12[%parallel_loop3A_398, %parallel_loop3A_612, %parallel_loop3A_613] : memref<3x128x128xf32, #tpu.memory_space<vmem>> -> memref<1x128x128xf32, #tpu.memory_space<vmem>>
        %parallel_loop3A_615 = tpu.memref_squeeze %parallel_loop3A_614 : memref<1x128x128xf32, #tpu.memory_space<vmem>> -> memref<128x128xf32, #tpu.memory_space<vmem>>
        %parallel_loop3A_616 = arith.index_cast %parallel_loop3A_526 : i32 to index
        %parallel_loop3A_617 = arith.constant 80 : index
        %parallel_loop3A_618 = tpu.vector_load %parallel_loop3A_615[%parallel_loop3A_616, %parallel_loop3A_617] {strides = array<i32>} : memref<128x128xf32, #tpu.memory_space<vmem>>, vector<16xf32>,
        tpu.vector_store %parallel_loop3A_615[%parallel_loop3A_616, %parallel_loop3A_617], %parallel_loop3A_611 {strides = array<i32>} : memref<128x128xf32, #tpu.memory_space<vmem>>, vector<16xf32>,
        %parallel_loop3A_619 = arith.constant 0 : i32
        %parallel_loop3A_620 = arith.constant 0 : i32
        %parallel_loop3A_621 = tpu.memref_slice %arg12[%parallel_loop3A_398, %parallel_loop3A_619, %parallel_loop3A_620] : memref<3x128x128xf32, #tpu.memory_space<vmem>> -> memref<1x128x128xf32, #tpu.memory_space<vmem>>
        %parallel_loop3A_622 = tpu.memref_squeeze %parallel_loop3A_621 : memref<1x128x128xf32, #tpu.memory_space<vmem>> -> memref<128x128xf32, #tpu.memory_space<vmem>>
        %parallel_loop3A_623 = arith.index_cast %parallel_loop3A_526 : i32 to index
        %parallel_loop3A_624 = arith.constant 96 : index
        %parallel_loop3A_625 = tpu.vector_load %parallel_loop3A_622[%parallel_loop3A_623, %parallel_loop3A_624] {strides = array<i32>} : memref<128x128xf32, #tpu.memory_space<vmem>>, vector<16xf32>,
        %parallel_loop3A_626 = arith.mulf %parallel_loop3A_625, %parallel_loop3A_528 : vector<16xf32>
        %parallel_loop3A_627 = arith.constant 0 : i32
        %parallel_loop3A_628 = arith.constant 0 : i32
        %parallel_loop3A_629 = tpu.memref_slice %arg12[%parallel_loop3A_398, %parallel_loop3A_627, %parallel_loop3A_628] : memref<3x128x128xf32, #tpu.memory_space<vmem>> -> memref<1x128x128xf32, #tpu.memory_space<vmem>>
        %parallel_loop3A_630 = tpu.memref_squeeze %parallel_loop3A_629 : memref<1x128x128xf32, #tpu.memory_space<vmem>> -> memref<128x128xf32, #tpu.memory_space<vmem>>
        %parallel_loop3A_631 = arith.index_cast %parallel_loop3A_526 : i32 to index
        %parallel_loop3A_632 = arith.constant 96 : index
        %parallel_loop3A_633 = tpu.vector_load %parallel_loop3A_630[%parallel_loop3A_631, %parallel_loop3A_632] {strides = array<i32>} : memref<128x128xf32, #tpu.memory_space<vmem>>, vector<16xf32>,
        tpu.vector_store %parallel_loop3A_630[%parallel_loop3A_631, %parallel_loop3A_632], %parallel_loop3A_626 {strides = array<i32>} : memref<128x128xf32, #tpu.memory_space<vmem>>, vector<16xf32>,
        %parallel_loop3A_634 = arith.constant 0 : i32
        %parallel_loop3A_635 = arith.constant 0 : i32
        %parallel_loop3A_636 = tpu.memref_slice %arg12[%parallel_loop3A_398, %parallel_loop3A_634, %parallel_loop3A_635] : memref<3x128x128xf32, #tpu.memory_space<vmem>> -> memref<1x128x128xf32, #tpu.memory_space<vmem>>
        %parallel_loop3A_637 = tpu.memref_squeeze %parallel_loop3A_636 : memref<1x128x128xf32, #tpu.memory_space<vmem>> -> memref<128x128xf32, #tpu.memory_space<vmem>>
        %parallel_loop3A_638 = arith.index_cast %parallel_loop3A_526 : i32 to index
        %parallel_loop3A_639 = arith.constant 112 : index
        %parallel_loop3A_640 = tpu.vector_load %parallel_loop3A_637[%parallel_loop3A_638, %parallel_loop3A_639] {strides = array<i32>} : memref<128x128xf32, #tpu.memory_space<vmem>>, vector<16xf32>,
        %parallel_loop3A_641 = arith.mulf %parallel_loop3A_640, %parallel_loop3A_528 : vector<16xf32>
        %parallel_loop3A_642 = arith.constant 0 : i32
        %parallel_loop3A_643 = arith.constant 0 : i32
        %parallel_loop3A_644 = tpu.memref_slice %arg12[%parallel_loop3A_398, %parallel_loop3A_642, %parallel_loop3A_643] : memref<3x128x128xf32, #tpu.memory_space<vmem>> -> memref<1x128x128xf32, #tpu.memory_space<vmem>>
        %parallel_loop3A_645 = tpu.memref_squeeze %parallel_loop3A_644 : memref<1x128x128xf32, #tpu.memory_space<vmem>> -> memref<128x128xf32, #tpu.memory_space<vmem>>
        %parallel_loop3A_646 = arith.index_cast %parallel_loop3A_526 : i32 to index
        %parallel_loop3A_647 = arith.constant 112 : index
        %parallel_loop3A_648 = tpu.vector_load %parallel_loop3A_645[%parallel_loop3A_646, %parallel_loop3A_647] {strides = array<i32>} : memref<128x128xf32, #tpu.memory_space<vmem>>, vector<16xf32>,
        tpu.vector_store %parallel_loop3A_645[%parallel_loop3A_646, %parallel_loop3A_647], %parallel_loop3A_641 {strides = array<i32>} : memref<128x128xf32, #tpu.memory_space<vmem>>, vector<16xf32>,
        %parallel_loop3A_649 = arith.constant 1 : i32
        %parallel_loop3A_650 = vector.broadcast %parallel_loop3A_649 : i32 to vector<16xi32>
        %parallel_loop3A_651 = arith.addi %parallel_loop3A_527, %parallel_loop3A_650 : vector<16xi32>
        scf.yield %parallel_loop3A_651 : vector<16xi32>
      } {sc.loop_unroll_factor = 4 : i64, sc.parallel_access}
      %dma_wait3A_400 = arith.constant 1 : i32
      %dma_wait3A_401 = arith.constant 1 : i32
      %dma_wait3A_402 = arith.constant 1 : i32
      %dma_wait3A_403 = arith.constant 1 : i32
      %dma_wait3A_404 = arith.constant 64 : i32
      %dma_wait3A_405 = arith.constant 0 : i32
      %dma_wait3A_406 = tpu.memref_slice %arg12[%dma_wait3A_402, %dma_wait3A_404, %dma_wait3A_405] : memref<3x128x128xf32, #tpu.memory_space<vmem>> -> memref<1x64x128xf32, #tpu.memory_space<vmem>>
      %dma_wait3A_407 = tpu.memref_squeeze %dma_wait3A_406 : memref<1x64x128xf32, #tpu.memory_space<vmem>> -> memref<64x128xf32, #tpu.memory_space<vmem>>
      %dma_wait3A_408 = arith.constant 64 : i32
      %dma_wait3A_409 = tpu.memref_slice %arg8[%dma_wait3A_400, %dma_wait3A_401, %dma_wait3A_408] : memref<3x2x128xi32, #tpu.memory_space<vmem>> -> memref<1x1x64xi32, #tpu.memory_space<vmem>>
      %dma_wait3A_410 = tpu.memref_squeeze %dma_wait3A_409 : memref<1x1x64xi32, #tpu.memory_space<vmem>> -> memref<64xi32, #tpu.memory_space<vmem>>
      %dma_wait3A_411 = arith.constant 0 : i32
      %dma_wait3A_412 = arith.constant 0 : i32
      %dma_wait3A_413 = tpu.memref_slice %arg2[%dma_wait3A_411, %dma_wait3A_412] : memref<10000x128xf32, #tpu.memory_space<hbm>> -> memref<10000x128xf32, #tpu.memory_space<hbm>>
      %dma_wait3A_414 = tpu.memref_slice %arg17[%dma_wait3A_403] : memref<3x!tpu.dma_semaphore, #tpu.memory_space<semaphore_mem>> -> memref<1x!tpu.dma_semaphore, #tpu.memory_space<semaphore_mem>>
      %dma_wait3A_415 = tpu.memref_squeeze %dma_wait3A_414 : memref<1x!tpu.dma_semaphore, #tpu.memory_space<semaphore_mem>> -> memref<!tpu.dma_semaphore, #tpu.memory_space<semaphore_mem>>
      tpu.wait_indirect_dma semaphore(%dma_wait3A_415 : memref<!tpu.dma_semaphore, #tpu.memory_space<semaphore_mem>>) src(%dma_wait3A_413 : memref<10000x128xf32, #tpu.memory_space<hbm>>) dst(%dma_wait3A_407 : memref<64x128xf32, #tpu.memory_space<vmem>>)
      %broadcast_in_dim3A_416 = arith.constant 64 : i32
      %broadcast_in_dim3A_417 = vector.broadcast %broadcast_in_dim3A_416 : i32 to vector<16xi32>
      %parallel_loop3A_418 = arith.constant 64 : i32
      %parallel_loop3A_419 = arith.constant 128 : i32
      %parallel_loop3A_420 = arith.constant 1 : i32
      %parallel_loop3A_421 = arith.constant 1 : i32
      %parallel_loop3A_422 = scf.for %parallel_loop3A_526 = %parallel_loop3A_418 to %parallel_loop3A_419 step %parallel_loop3A_420 iter_args(%parallel_loop3A_527 = %broadcast_in_dim3A_417) -> (vector<16xi32>)  : i32 {
        %parallel_loop3A_528 = tpu.vector_load_idx %arg9[%broadcast_in_dim3A_376, %parallel_loop3A_527] : memref<3x128xf32, #tpu.memory_space<vmem>>[vector<16xi32>, vector<16xi32>], vector<16xf32>,
        %parallel_loop3A_529 = arith.constant 0 : i32
        %parallel_loop3A_530 = arith.constant 0 : i32
        %parallel_loop3A_531 = tpu.memref_slice %arg12[%parallel_loop3A_421, %parallel_loop3A_529, %parallel_loop3A_530] : memref<3x128x128xf32, #tpu.memory_space<vmem>> -> memref<1x128x128xf32, #tpu.memory_space<vmem>>
        %parallel_loop3A_532 = tpu.memref_squeeze %parallel_loop3A_531 : memref<1x128x128xf32, #tpu.memory_space<vmem>> -> memref<128x128xf32, #tpu.memory_space<vmem>>
        %parallel_loop3A_533 = arith.index_cast %parallel_loop3A_526 : i32 to index
        %parallel_loop3A_534 = arith.constant 0 : index
        %parallel_loop3A_535 = tpu.vector_load %parallel_loop3A_532[%parallel_loop3A_533, %parallel_loop3A_534] {strides = array<i32>} : memref<128x128xf32, #tpu.memory_space<vmem>>, vector<16xf32>,
        %parallel_loop3A_536 = arith.mulf %parallel_loop3A_535, %parallel_loop3A_528 : vector<16xf32>
        %parallel_loop3A_537 = arith.constant 0 : i32
        %parallel_loop3A_538 = arith.constant 0 : i32
        %parallel_loop3A_539 = tpu.memref_slice %arg12[%parallel_loop3A_421, %parallel_loop3A_537, %parallel_loop3A_538] : memref<3x128x128xf32, #tpu.memory_space<vmem>> -> memref<1x128x128xf32, #tpu.memory_space<vmem>>
        %parallel_loop3A_540 = tpu.memref_squeeze %parallel_loop3A_539 : memref<1x128x128xf32, #tpu.memory_space<vmem>> -> memref<128x128xf32, #tpu.memory_space<vmem>>
        %parallel_loop3A_541 = arith.index_cast %parallel_loop3A_526 : i32 to index
        %parallel_loop3A_542 = arith.constant 0 : index
        %parallel_loop3A_543 = tpu.vector_load %parallel_loop3A_540[%parallel_loop3A_541, %parallel_loop3A_542] {strides = array<i32>} : memref<128x128xf32, #tpu.memory_space<vmem>>, vector<16xf32>,
        tpu.vector_store %parallel_loop3A_540[%parallel_loop3A_541, %parallel_loop3A_542], %parallel_loop3A_536 {strides = array<i32>} : memref<128x128xf32, #tpu.memory_space<vmem>>, vector<16xf32>,
        %parallel_loop3A_544 = arith.constant 0 : i32
        %parallel_loop3A_545 = arith.constant 0 : i32
        %parallel_loop3A_546 = tpu.memref_slice %arg12[%parallel_loop3A_421, %parallel_loop3A_544, %parallel_loop3A_545] : memref<3x128x128xf32, #tpu.memory_space<vmem>> -> memref<1x128x128xf32, #tpu.memory_space<vmem>>
        %parallel_loop3A_547 = tpu.memref_squeeze %parallel_loop3A_546 : memref<1x128x128xf32, #tpu.memory_space<vmem>> -> memref<128x128xf32, #tpu.memory_space<vmem>>
        %parallel_loop3A_548 = arith.index_cast %parallel_loop3A_526 : i32 to index
        %parallel_loop3A_549 = arith.constant 16 : index
        %parallel_loop3A_550 = tpu.vector_load %parallel_loop3A_547[%parallel_loop3A_548, %parallel_loop3A_549] {strides = array<i32>} : memref<128x128xf32, #tpu.memory_space<vmem>>, vector<16xf32>,
        %parallel_loop3A_551 = arith.mulf %parallel_loop3A_550, %parallel_loop3A_528 : vector<16xf32>
        %parallel_loop3A_552 = arith.constant 0 : i32
        %parallel_loop3A_553 = arith.constant 0 : i32
        %parallel_loop3A_554 = tpu.memref_slice %arg12[%parallel_loop3A_421, %parallel_loop3A_552, %parallel_loop3A_553] : memref<3x128x128xf32, #tpu.memory_space<vmem>> -> memref<1x128x128xf32, #tpu.memory_space<vmem>>
        %parallel_loop3A_555 = tpu.memref_squeeze %parallel_loop3A_554 : memref<1x128x128xf32, #tpu.memory_space<vmem>> -> memref<128x128xf32, #tpu.memory_space<vmem>>
        %parallel_loop3A_556 = arith.index_cast %parallel_loop3A_526 : i32 to index
        %parallel_loop3A_557 = arith.constant 16 : index
        %parallel_loop3A_558 = tpu.vector_load %parallel_loop3A_555[%parallel_loop3A_556, %parallel_loop3A_557] {strides = array<i32>} : memref<128x128xf32, #tpu.memory_space<vmem>>, vector<16xf32>,
        tpu.vector_store %parallel_loop3A_555[%parallel_loop3A_556, %parallel_loop3A_557], %parallel_loop3A_551 {strides = array<i32>} : memref<128x128xf32, #tpu.memory_space<vmem>>, vector<16xf32>,
        %parallel_loop3A_559 = arith.constant 0 : i32
        %parallel_loop3A_560 = arith.constant 0 : i32
        %parallel_loop3A_561 = tpu.memref_slice %arg12[%parallel_loop3A_421, %parallel_loop3A_559, %parallel_loop3A_560] : memref<3x128x128xf32, #tpu.memory_space<vmem>> -> memref<1x128x128xf32, #tpu.memory_space<vmem>>
        %parallel_loop3A_562 = tpu.memref_squeeze %parallel_loop3A_561 : memref<1x128x128xf32, #tpu.memory_space<vmem>> -> memref<128x128xf32, #tpu.memory_space<vmem>>
        %parallel_loop3A_563 = arith.index_cast %parallel_loop3A_526 : i32 to index
        %parallel_loop3A_564 = arith.constant 32 : index
        %parallel_loop3A_565 = tpu.vector_load %parallel_loop3A_562[%parallel_loop3A_563, %parallel_loop3A_564] {strides = array<i32>} : memref<128x128xf32, #tpu.memory_space<vmem>>, vector<16xf32>,
        %parallel_loop3A_566 = arith.mulf %parallel_loop3A_565, %parallel_loop3A_528 : vector<16xf32>
        %parallel_loop3A_567 = arith.constant 0 : i32
        %parallel_loop3A_568 = arith.constant 0 : i32
        %parallel_loop3A_569 = tpu.memref_slice %arg12[%parallel_loop3A_421, %parallel_loop3A_567, %parallel_loop3A_568] : memref<3x128x128xf32, #tpu.memory_space<vmem>> -> memref<1x128x128xf32, #tpu.memory_space<vmem>>
        %parallel_loop3A_570 = tpu.memref_squeeze %parallel_loop3A_569 : memref<1x128x128xf32, #tpu.memory_space<vmem>> -> memref<128x128xf32, #tpu.memory_space<vmem>>
        %parallel_loop3A_571 = arith.index_cast %parallel_loop3A_526 : i32 to index
        %parallel_loop3A_572 = arith.constant 32 : index
        %parallel_loop3A_573 = tpu.vector_load %parallel_loop3A_570[%parallel_loop3A_571, %parallel_loop3A_572] {strides = array<i32>} : memref<128x128xf32, #tpu.memory_space<vmem>>, vector<16xf32>,
        tpu.vector_store %parallel_loop3A_570[%parallel_loop3A_571, %parallel_loop3A_572], %parallel_loop3A_566 {strides = array<i32>} : memref<128x128xf32, #tpu.memory_space<vmem>>, vector<16xf32>,
        %parallel_loop3A_574 = arith.constant 0 : i32
        %parallel_loop3A_575 = arith.constant 0 : i32
        %parallel_loop3A_576 = tpu.memref_slice %arg12[%parallel_loop3A_421, %parallel_loop3A_574, %parallel_loop3A_575] : memref<3x128x128xf32, #tpu.memory_space<vmem>> -> memref<1x128x128xf32, #tpu.memory_space<vmem>>
        %parallel_loop3A_577 = tpu.memref_squeeze %parallel_loop3A_576 : memref<1x128x128xf32, #tpu.memory_space<vmem>> -> memref<128x128xf32, #tpu.memory_space<vmem>>
        %parallel_loop3A_578 = arith.index_cast %parallel_loop3A_526 : i32 to index
        %parallel_loop3A_579 = arith.constant 48 : index
        %parallel_loop3A_580 = tpu.vector_load %parallel_loop3A_577[%parallel_loop3A_578, %parallel_loop3A_579] {strides = array<i32>} : memref<128x128xf32, #tpu.memory_space<vmem>>, vector<16xf32>,
        %parallel_loop3A_581 = arith.mulf %parallel_loop3A_580, %parallel_loop3A_528 : vector<16xf32>
        %parallel_loop3A_582 = arith.constant 0 : i32
        %parallel_loop3A_583 = arith.constant 0 : i32
        %parallel_loop3A_584 = tpu.memref_slice %arg12[%parallel_loop3A_421, %parallel_loop3A_582, %parallel_loop3A_583] : memref<3x128x128xf32, #tpu.memory_space<vmem>> -> memref<1x128x128xf32, #tpu.memory_space<vmem>>
        %parallel_loop3A_585 = tpu.memref_squeeze %parallel_loop3A_584 : memref<1x128x128xf32, #tpu.memory_space<vmem>> -> memref<128x128xf32, #tpu.memory_space<vmem>>
        %parallel_loop3A_586 = arith.index_cast %parallel_loop3A_526 : i32 to index
        %parallel_loop3A_587 = arith.constant 48 : index
        %parallel_loop3A_588 = tpu.vector_load %parallel_loop3A_585[%parallel_loop3A_586, %parallel_loop3A_587] {strides = array<i32>} : memref<128x128xf32, #tpu.memory_space<vmem>>, vector<16xf32>,
        tpu.vector_store %parallel_loop3A_585[%parallel_loop3A_586, %parallel_loop3A_587], %parallel_loop3A_581 {strides = array<i32>} : memref<128x128xf32, #tpu.memory_space<vmem>>, vector<16xf32>,
        %parallel_loop3A_589 = arith.constant 0 : i32
        %parallel_loop3A_590 = arith.constant 0 : i32
        %parallel_loop3A_591 = tpu.memref_slice %arg12[%parallel_loop3A_421, %parallel_loop3A_589, %parallel_loop3A_590] : memref<3x128x128xf32, #tpu.memory_space<vmem>> -> memref<1x128x128xf32, #tpu.memory_space<vmem>>
        %parallel_loop3A_592 = tpu.memref_squeeze %parallel_loop3A_591 : memref<1x128x128xf32, #tpu.memory_space<vmem>> -> memref<128x128xf32, #tpu.memory_space<vmem>>
        %parallel_loop3A_593 = arith.index_cast %parallel_loop3A_526 : i32 to index
        %parallel_loop3A_594 = arith.constant 64 : index
        %parallel_loop3A_595 = tpu.vector_load %parallel_loop3A_592[%parallel_loop3A_593, %parallel_loop3A_594] {strides = array<i32>} : memref<128x128xf32, #tpu.memory_space<vmem>>, vector<16xf32>,
        %parallel_loop3A_596 = arith.mulf %parallel_loop3A_595, %parallel_loop3A_528 : vector<16xf32>
        %parallel_loop3A_597 = arith.constant 0 : i32
        %parallel_loop3A_598 = arith.constant 0 : i32
        %parallel_loop3A_599 = tpu.memref_slice %arg12[%parallel_loop3A_421, %parallel_loop3A_597, %parallel_loop3A_598] : memref<3x128x128xf32, #tpu.memory_space<vmem>> -> memref<1x128x128xf32, #tpu.memory_space<vmem>>
        %parallel_loop3A_600 = tpu.memref_squeeze %parallel_loop3A_599 : memref<1x128x128xf32, #tpu.memory_space<vmem>> -> memref<128x128xf32, #tpu.memory_space<vmem>>
        %parallel_loop3A_601 = arith.index_cast %parallel_loop3A_526 : i32 to index
        %parallel_loop3A_602 = arith.constant 64 : index
        %parallel_loop3A_603 = tpu.vector_load %parallel_loop3A_600[%parallel_loop3A_601, %parallel_loop3A_602] {strides = array<i32>} : memref<128x128xf32, #tpu.memory_space<vmem>>, vector<16xf32>,
        tpu.vector_store %parallel_loop3A_600[%parallel_loop3A_601, %parallel_loop3A_602], %parallel_loop3A_596 {strides = array<i32>} : memref<128x128xf32, #tpu.memory_space<vmem>>, vector<16xf32>,
        %parallel_loop3A_604 = arith.constant 0 : i32
        %parallel_loop3A_605 = arith.constant 0 : i32
        %parallel_loop3A_606 = tpu.memref_slice %arg12[%parallel_loop3A_421, %parallel_loop3A_604, %parallel_loop3A_605] : memref<3x128x128xf32, #tpu.memory_space<vmem>> -> memref<1x128x128xf32, #tpu.memory_space<vmem>>
        %parallel_loop3A_607 = tpu.memref_squeeze %parallel_loop3A_606 : memref<1x128x128xf32, #tpu.memory_space<vmem>> -> memref<128x128xf32, #tpu.memory_space<vmem>>
        %parallel_loop3A_608 = arith.index_cast %parallel_loop3A_526 : i32 to index
        %parallel_loop3A_609 = arith.constant 80 : index
        %parallel_loop3A_610 = tpu.vector_load %parallel_loop3A_607[%parallel_loop3A_608, %parallel_loop3A_609] {strides = array<i32>} : memref<128x128xf32, #tpu.memory_space<vmem>>, vector<16xf32>,
        %parallel_loop3A_611 = arith.mulf %parallel_loop3A_610, %parallel_loop3A_528 : vector<16xf32>
        %parallel_loop3A_612 = arith.constant 0 : i32
        %parallel_loop3A_613 = arith.constant 0 : i32
        %parallel_loop3A_614 = tpu.memref_slice %arg12[%parallel_loop3A_421, %parallel_loop3A_612, %parallel_loop3A_613] : memref<3x128x128xf32, #tpu.memory_space<vmem>> -> memref<1x128x128xf32, #tpu.memory_space<vmem>>
        %parallel_loop3A_615 = tpu.memref_squeeze %parallel_loop3A_614 : memref<1x128x128xf32, #tpu.memory_space<vmem>> -> memref<128x128xf32, #tpu.memory_space<vmem>>
        %parallel_loop3A_616 = arith.index_cast %parallel_loop3A_526 : i32 to index
        %parallel_loop3A_617 = arith.constant 80 : index
        %parallel_loop3A_618 = tpu.vector_load %parallel_loop3A_615[%parallel_loop3A_616, %parallel_loop3A_617] {strides = array<i32>} : memref<128x128xf32, #tpu.memory_space<vmem>>, vector<16xf32>,
        tpu.vector_store %parallel_loop3A_615[%parallel_loop3A_616, %parallel_loop3A_617], %parallel_loop3A_611 {strides = array<i32>} : memref<128x128xf32, #tpu.memory_space<vmem>>, vector<16xf32>,
        %parallel_loop3A_619 = arith.constant 0 : i32
        %parallel_loop3A_620 = arith.constant 0 : i32
        %parallel_loop3A_621 = tpu.memref_slice %arg12[%parallel_loop3A_421, %parallel_loop3A_619, %parallel_loop3A_620] : memref<3x128x128xf32, #tpu.memory_space<vmem>> -> memref<1x128x128xf32, #tpu.memory_space<vmem>>
        %parallel_loop3A_622 = tpu.memref_squeeze %parallel_loop3A_621 : memref<1x128x128xf32, #tpu.memory_space<vmem>> -> memref<128x128xf32, #tpu.memory_space<vmem>>
        %parallel_loop3A_623 = arith.index_cast %parallel_loop3A_526 : i32 to index
        %parallel_loop3A_624 = arith.constant 96 : index
        %parallel_loop3A_625 = tpu.vector_load %parallel_loop3A_622[%parallel_loop3A_623, %parallel_loop3A_624] {strides = array<i32>} : memref<128x128xf32, #tpu.memory_space<vmem>>, vector<16xf32>,
        %parallel_loop3A_626 = arith.mulf %parallel_loop3A_625, %parallel_loop3A_528 : vector<16xf32>
        %parallel_loop3A_627 = arith.constant 0 : i32
        %parallel_loop3A_628 = arith.constant 0 : i32
        %parallel_loop3A_629 = tpu.memref_slice %arg12[%parallel_loop3A_421, %parallel_loop3A_627, %parallel_loop3A_628] : memref<3x128x128xf32, #tpu.memory_space<vmem>> -> memref<1x128x128xf32, #tpu.memory_space<vmem>>
        %parallel_loop3A_630 = tpu.memref_squeeze %parallel_loop3A_629 : memref<1x128x128xf32, #tpu.memory_space<vmem>> -> memref<128x128xf32, #tpu.memory_space<vmem>>
        %parallel_loop3A_631 = arith.index_cast %parallel_loop3A_526 : i32 to index
        %parallel_loop3A_632 = arith.constant 96 : index
        %parallel_loop3A_633 = tpu.vector_load %parallel_loop3A_630[%parallel_loop3A_631, %parallel_loop3A_632] {strides = array<i32>} : memref<128x128xf32, #tpu.memory_space<vmem>>, vector<16xf32>,
        tpu.vector_store %parallel_loop3A_630[%parallel_loop3A_631, %parallel_loop3A_632], %parallel_loop3A_626 {strides = array<i32>} : memref<128x128xf32, #tpu.memory_space<vmem>>, vector<16xf32>,
        %parallel_loop3A_634 = arith.constant 0 : i32
        %parallel_loop3A_635 = arith.constant 0 : i32
        %parallel_loop3A_636 = tpu.memref_slice %arg12[%parallel_loop3A_421, %parallel_loop3A_634, %parallel_loop3A_635] : memref<3x128x128xf32, #tpu.memory_space<vmem>> -> memref<1x128x128xf32, #tpu.memory_space<vmem>>
        %parallel_loop3A_637 = tpu.memref_squeeze %parallel_loop3A_636 : memref<1x128x128xf32, #tpu.memory_space<vmem>> -> memref<128x128xf32, #tpu.memory_space<vmem>>
        %parallel_loop3A_638 = arith.index_cast %parallel_loop3A_526 : i32 to index
        %parallel_loop3A_639 = arith.constant 112 : index
        %parallel_loop3A_640 = tpu.vector_load %parallel_loop3A_637[%parallel_loop3A_638, %parallel_loop3A_639] {strides = array<i32>} : memref<128x128xf32, #tpu.memory_space<vmem>>, vector<16xf32>,
        %parallel_loop3A_641 = arith.mulf %parallel_loop3A_640, %parallel_loop3A_528 : vector<16xf32>
        %parallel_loop3A_642 = arith.constant 0 : i32
        %parallel_loop3A_643 = arith.constant 0 : i32
        %parallel_loop3A_644 = tpu.memref_slice %arg12[%parallel_loop3A_421, %parallel_loop3A_642, %parallel_loop3A_643] : memref<3x128x128xf32, #tpu.memory_space<vmem>> -> memref<1x128x128xf32, #tpu.memory_space<vmem>>
        %parallel_loop3A_645 = tpu.memref_squeeze %parallel_loop3A_644 : memref<1x128x128xf32, #tpu.memory_space<vmem>> -> memref<128x128xf32, #tpu.memory_space<vmem>>
        %parallel_loop3A_646 = arith.index_cast %parallel_loop3A_526 : i32 to index
        %parallel_loop3A_647 = arith.constant 112 : index
        %parallel_loop3A_648 = tpu.vector_load %parallel_loop3A_645[%parallel_loop3A_646, %parallel_loop3A_647] {strides = array<i32>} : memref<128x128xf32, #tpu.memory_space<vmem>>, vector<16xf32>,
        tpu.vector_store %parallel_loop3A_645[%parallel_loop3A_646, %parallel_loop3A_647], %parallel_loop3A_641 {strides = array<i32>} : memref<128x128xf32, #tpu.memory_space<vmem>>, vector<16xf32>,
        %parallel_loop3A_649 = arith.constant 1 : i32
        %parallel_loop3A_650 = vector.broadcast %parallel_loop3A_649 : i32 to vector<16xi32>
        %parallel_loop3A_651 = arith.addi %parallel_loop3A_527, %parallel_loop3A_650 : vector<16xi32>
        scf.yield %parallel_loop3A_651 : vector<16xi32>
      } {sc.loop_unroll_factor = 4 : i64, sc.parallel_access}
      %dma_start3A_423 = arith.constant 1 : i32
      %dma_start3A_424 = arith.constant 1 : i32
      %dma_start3A_425 = arith.constant 0 : i32
      %dma_start3A_426 = arith.constant 1 : i32
      %dma_start3A_427 = arith.constant 0 : i32
      %dma_start3A_428 = arith.constant 0 : i32
      %dma_start3A_429 = tpu.memref_slice %arg12[%dma_start3A_423, %dma_start3A_427, %dma_start3A_428] : memref<3x128x128xf32, #tpu.memory_space<vmem>> -> memref<1x128x128xf32, #tpu.memory_space<vmem>>
      %dma_start3A_430 = tpu.memref_squeeze %dma_start3A_429 : memref<1x128x128xf32, #tpu.memory_space<vmem>> -> memref<128x128xf32, #tpu.memory_space<vmem>>
      %dma_start3A_431 = arith.constant 0 : i32
      %dma_start3A_432 = tpu.memref_slice %arg8[%dma_start3A_424, %dma_start3A_425, %dma_start3A_431] : memref<3x2x128xi32, #tpu.memory_space<vmem>> -> memref<1x1x128xi32, #tpu.memory_space<vmem>>
      %dma_start3A_433 = tpu.memref_squeeze %dma_start3A_432 : memref<1x1x128xi32, #tpu.memory_space<vmem>> -> memref<128xi32, #tpu.memory_space<vmem>>
      %dma_start3A_434 = arith.constant 0 : i32
      %dma_start3A_435 = arith.constant 0 : i32
      %dma_start3A_436 = tpu.memref_slice %arg13[%dma_start3A_434, %dma_start3A_435] : memref<10000x128xf32, #tpu.memory_space<vmem_shared>> -> memref<10000x128xf32, #tpu.memory_space<vmem_shared>>
      %dma_start3A_437 = tpu.memref_slice %arg18[%dma_start3A_426] : memref<3x!tpu.dma_semaphore, #tpu.memory_space<semaphore_mem>> -> memref<1x!tpu.dma_semaphore, #tpu.memory_space<semaphore_mem>>
      %dma_start3A_438 = tpu.memref_squeeze %dma_start3A_437 : memref<1x!tpu.dma_semaphore, #tpu.memory_space<semaphore_mem>> -> memref<!tpu.dma_semaphore, #tpu.memory_space<semaphore_mem>>
      tpu.enqueue_indirect_dma source(%dma_start3A_430 : memref<128x128xf32, #tpu.memory_space<vmem>>) target(%dma_start3A_436 : memref<10000x128xf32, #tpu.memory_space<vmem_shared>>) offsets(%dma_start3A_433 : memref<128xi32, #tpu.memory_space<vmem>>) semaphore(%dma_start3A_438 : memref<!tpu.dma_semaphore, #tpu.memory_space<semaphore_mem>>) {add = true}
      %mul3A_439 = arith.constant 3 : i32
      %mul3A_440 = arith.muli %scan3A_267, %mul3A_439 : i32
      %add3A_441 = arith.constant 2 : i32
      %add3A_442 = arith.addi %mul3A_440, %add3A_441 : i32
      %add3A_443 = arith.constant 1 : i32
      %add3A_444 = arith.addi %add3A_442, %add3A_443 : i32
      %lt3A_445 = arith.constant 78 : i32
      %lt3A_446 = arith.cmpi slt, %add3A_444, %lt3A_445 : i32
      %convert_element_type3A_447 = arith.extui %lt3A_446 : i1 to i32
      %cond3A_448 = arith.constant 0 : i32
      %cond3A_449 = arith.cmpi ne, %convert_element_type3A_447, %cond3A_448 : i32
      scf.if %cond3A_449 {
        %add3A_526 = arith.constant 1 : i32
        %add3A_527 = arith.addi %add3A_442, %add3A_526 : i32
        %mul3A_528 = arith.constant 128 : i32
        %mul3A_529 = arith.muli %add3A_527, %mul3A_528 : i32
        %add3A_530 = arith.addi %mul3A_2, %mul3A_529 : i32
        %dma_wait3A_531 = arith.constant 0 : i32
        %dma_wait3A_532 = arith.constant 0 : i32
        %dma_wait3A_533 = arith.constant 0 : i32
        %dma_wait3A_534 = arith.constant 0 : i32
        %dma_wait3A_535 = tpu.memref_slice %arg8[%dma_wait3A_531, %dma_wait3A_532, %dma_wait3A_534] : memref<3x2x128xi32, #tpu.memory_space<vmem>> -> memref<1x1x128xi32, #tpu.memory_space<vmem>>
        %dma_wait3A_536 = tpu.memref_squeeze %dma_wait3A_535 : memref<1x1x128xi32, #tpu.memory_space<vmem>> -> memref<128xi32, #tpu.memory_space<vmem>>
        %dma_wait3A_537 = tpu.memref_slice %arg3[%add3A_530] : memref<320000xi32, #tpu.memory_space<hbm>> -> memref<128xi32, #tpu.memory_space<hbm>>
        %dma_wait3A_538 = tpu.memref_slice %arg14[%dma_wait3A_533] : memref<3x!tpu.dma_semaphore, #tpu.memory_space<semaphore_mem>> -> memref<1x!tpu.dma_semaphore, #tpu.memory_space<semaphore_mem>>
        %dma_wait3A_539 = tpu.memref_squeeze %dma_wait3A_538 : memref<1x!tpu.dma_semaphore, #tpu.memory_space<semaphore_mem>> -> memref<!tpu.dma_semaphore, #tpu.memory_space<semaphore_mem>>
        %dma_wait3A_540 = arith.constant 0 : i32
        %dma_wait3A_541 = tpu.memref_slice %arg8[%dma_wait3A_531, %dma_wait3A_532, %dma_wait3A_540] : memref<3x2x128xi32, #tpu.memory_space<vmem>> -> memref<1x1x128xi32, #tpu.memory_space<vmem>>
        %dma_wait3A_542 = tpu.memref_squeeze %dma_wait3A_541 : memref<1x1x128xi32, #tpu.memory_space<vmem>> -> memref<128xi32, #tpu.memory_space<vmem>>
        %dma_wait3A_543 = tpu.memref_slice %arg3[%add3A_530] : memref<320000xi32, #tpu.memory_space<hbm>> -> memref<128xi32, #tpu.memory_space<hbm>>
        tpu.wait_dma2 semaphore(%dma_wait3A_539 : memref<!tpu.dma_semaphore, #tpu.memory_space<semaphore_mem>>) src(%dma_wait3A_543 : memref<128xi32, #tpu.memory_space<hbm>>) dst(%dma_wait3A_542 : memref<128xi32, #tpu.memory_space<vmem>>)
        %dma_wait3A_544 = arith.constant 0 : i32
        %dma_wait3A_545 = arith.constant 1 : i32
        %dma_wait3A_546 = arith.constant 0 : i32
        %dma_wait3A_547 = arith.constant 0 : i32
        %dma_wait3A_548 = tpu.memref_slice %arg8[%dma_wait3A_544, %dma_wait3A_545, %dma_wait3A_547] : memref<3x2x128xi32, #tpu.memory_space<vmem>> -> memref<1x1x128xi32, #tpu.memory_space<vmem>>
        %dma_wait3A_549 = tpu.memref_squeeze %dma_wait3A_548 : memref<1x1x128xi32, #tpu.memory_space<vmem>> -> memref<128xi32, #tpu.memory_space<vmem>>
        %dma_wait3A_550 = tpu.memref_slice %arg4[%add3A_530] : memref<320000xi32, #tpu.memory_space<hbm>> -> memref<128xi32, #tpu.memory_space<hbm>>
        %dma_wait3A_551 = tpu.memref_slice %arg14[%dma_wait3A_546] : memref<3x!tpu.dma_semaphore, #tpu.memory_space<semaphore_mem>> -> memref<1x!tpu.dma_semaphore, #tpu.memory_space<semaphore_mem>>
        %dma_wait3A_552 = tpu.memref_squeeze %dma_wait3A_551 : memref<1x!tpu.dma_semaphore, #tpu.memory_space<semaphore_mem>> -> memref<!tpu.dma_semaphore, #tpu.memory_space<semaphore_mem>>
        %dma_wait3A_553 = arith.constant 0 : i32
        %dma_wait3A_554 = tpu.memref_slice %arg8[%dma_wait3A_544, %dma_wait3A_545, %dma_wait3A_553] : memref<3x2x128xi32, #tpu.memory_space<vmem>> -> memref<1x1x128xi32, #tpu.memory_space<vmem>>
        %dma_wait3A_555 = tpu.memref_squeeze %dma_wait3A_554 : memref<1x1x128xi32, #tpu.memory_space<vmem>> -> memref<128xi32, #tpu.memory_space<vmem>>
        %dma_wait3A_556 = tpu.memref_slice %arg4[%add3A_530] : memref<320000xi32, #tpu.memory_space<hbm>> -> memref<128xi32, #tpu.memory_space<hbm>>
        tpu.wait_dma2 semaphore(%dma_wait3A_552 : memref<!tpu.dma_semaphore, #tpu.memory_space<semaphore_mem>>) src(%dma_wait3A_556 : memref<128xi32, #tpu.memory_space<hbm>>) dst(%dma_wait3A_555 : memref<128xi32, #tpu.memory_space<vmem>>)
        %dma_wait3A_557 = arith.constant 0 : i32
        %dma_wait3A_558 = arith.constant 0 : i32
        %dma_wait3A_559 = arith.constant 0 : i32
        %dma_wait3A_560 = tpu.memref_slice %arg9[%dma_wait3A_557, %dma_wait3A_559] : memref<3x128xf32, #tpu.memory_space<vmem>> -> memref<1x128xf32, #tpu.memory_space<vmem>>
        %dma_wait3A_561 = tpu.memref_squeeze %dma_wait3A_560 : memref<1x128xf32, #tpu.memory_space<vmem>> -> memref<128xf32, #tpu.memory_space<vmem>>
        %dma_wait3A_562 = tpu.memref_slice %arg5[%add3A_530] : memref<320000xf32, #tpu.memory_space<hbm>> -> memref<128xf32, #tpu.memory_space<hbm>>
        %dma_wait3A_563 = tpu.memref_slice %arg14[%dma_wait3A_558] : memref<3x!tpu.dma_semaphore, #tpu.memory_space<semaphore_mem>> -> memref<1x!tpu.dma_semaphore, #tpu.memory_space<semaphore_mem>>
        %dma_wait3A_564 = tpu.memref_squeeze %dma_wait3A_563 : memref<1x!tpu.dma_semaphore, #tpu.memory_space<semaphore_mem>> -> memref<!tpu.dma_semaphore, #tpu.memory_space<semaphore_mem>>
        %dma_wait3A_565 = arith.constant 0 : i32
        %dma_wait3A_566 = tpu.memref_slice %arg9[%dma_wait3A_557, %dma_wait3A_565] : memref<3x128xf32, #tpu.memory_space<vmem>> -> memref<1x128xf32, #tpu.memory_space<vmem>>
        %dma_wait3A_567 = tpu.memref_squeeze %dma_wait3A_566 : memref<1x128xf32, #tpu.memory_space<vmem>> -> memref<128xf32, #tpu.memory_space<vmem>>
        %dma_wait3A_568 = tpu.memref_slice %arg5[%add3A_530] : memref<320000xf32, #tpu.memory_space<hbm>> -> memref<128xf32, #tpu.memory_space<hbm>>
        tpu.wait_dma2 semaphore(%dma_wait3A_564 : memref<!tpu.dma_semaphore, #tpu.memory_space<semaphore_mem>>) src(%dma_wait3A_568 : memref<128xf32, #tpu.memory_space<hbm>>) dst(%dma_wait3A_567 : memref<128xf32, #tpu.memory_space<vmem>>)
        %dma_start3A_569 = arith.constant 0 : i32
        %dma_start3A_570 = arith.constant 1 : i32
        %dma_start3A_571 = arith.constant 0 : i32
        %dma_start3A_572 = arith.constant 0 : i32
        %dma_start3A_573 = arith.constant 0 : i32
        %dma_start3A_574 = arith.constant 0 : i32
        %dma_start3A_575 = tpu.memref_slice %arg12[%dma_start3A_571, %dma_start3A_573, %dma_start3A_574] : memref<3x128x128xf32, #tpu.memory_space<vmem>> -> memref<1x64x128xf32, #tpu.memory_space<vmem>>
        %dma_start3A_576 = tpu.memref_squeeze %dma_start3A_575 : memref<1x64x128xf32, #tpu.memory_space<vmem>> -> memref<64x128xf32, #tpu.memory_space<vmem>>
        %dma_start3A_577 = arith.constant 0 : i32
        %dma_start3A_578 = tpu.memref_slice %arg8[%dma_start3A_569, %dma_start3A_570, %dma_start3A_577] : memref<3x2x128xi32, #tpu.memory_space<vmem>> -> memref<1x1x64xi32, #tpu.memory_space<vmem>>
        %dma_start3A_579 = tpu.memref_squeeze %dma_start3A_578 : memref<1x1x64xi32, #tpu.memory_space<vmem>> -> memref<64xi32, #tpu.memory_space<vmem>>
        %dma_start3A_580 = arith.constant 0 : i32
        %dma_start3A_581 = arith.constant 0 : i32
        %dma_start3A_582 = tpu.memref_slice %arg2[%dma_start3A_580, %dma_start3A_581] : memref<10000x128xf32, #tpu.memory_space<hbm>> -> memref<10000x128xf32, #tpu.memory_space<hbm>>
        %dma_start3A_583 = tpu.memref_slice %arg16[%dma_start3A_572] : memref<3x!tpu.dma_semaphore, #tpu.memory_space<semaphore_mem>> -> memref<1x!tpu.dma_semaphore, #tpu.memory_space<semaphore_mem>>
        %dma_start3A_584 = tpu.memref_squeeze %dma_start3A_583 : memref<1x!tpu.dma_semaphore, #tpu.memory_space<semaphore_mem>> -> memref<!tpu.dma_semaphore, #tpu.memory_space<semaphore_mem>>
        tpu.enqueue_indirect_dma source(%dma_start3A_582 : memref<10000x128xf32, #tpu.memory_space<hbm>>) target(%dma_start3A_576 : memref<64x128xf32, #tpu.memory_space<vmem>>) offsets(%dma_start3A_579 : memref<64xi32, #tpu.memory_space<vmem>>) semaphore(%dma_start3A_584 : memref<!tpu.dma_semaphore, #tpu.memory_space<semaphore_mem>>)
        %dma_start3A_585 = arith.constant 0 : i32
        %dma_start3A_586 = arith.constant 1 : i32
        %dma_start3A_587 = arith.constant 0 : i32
        %dma_start3A_588 = arith.constant 0 : i32
        %dma_start3A_589 = arith.constant 64 : i32
        %dma_start3A_590 = arith.constant 0 : i32
        %dma_start3A_591 = tpu.memref_slice %arg12[%dma_start3A_587, %dma_start3A_589, %dma_start3A_590] : memref<3x128x128xf32, #tpu.memory_space<vmem>> -> memref<1x64x128xf32, #tpu.memory_space<vmem>>
        %dma_start3A_592 = tpu.memref_squeeze %dma_start3A_591 : memref<1x64x128xf32, #tpu.memory_space<vmem>> -> memref<64x128xf32, #tpu.memory_space<vmem>>
        %dma_start3A_593 = arith.constant 64 : i32
        %dma_start3A_594 = tpu.memref_slice %arg8[%dma_start3A_585, %dma_start3A_586, %dma_start3A_593] : memref<3x2x128xi32, #tpu.memory_space<vmem>> -> memref<1x1x64xi32, #tpu.memory_space<vmem>>
        %dma_start3A_595 = tpu.memref_squeeze %dma_start3A_594 : memref<1x1x64xi32, #tpu.memory_space<vmem>> -> memref<64xi32, #tpu.memory_space<vmem>>
        %dma_start3A_596 = arith.constant 0 : i32
        %dma_start3A_597 = arith.constant 0 : i32
        %dma_start3A_598 = tpu.memref_slice %arg2[%dma_start3A_596, %dma_start3A_597] : memref<10000x128xf32, #tpu.memory_space<hbm>> -> memref<10000x128xf32, #tpu.memory_space<hbm>>
        %dma_start3A_599 = tpu.memref_slice %arg17[%dma_start3A_588] : memref<3x!tpu.dma_semaphore, #tpu.memory_space<semaphore_mem>> -> memref<1x!tpu.dma_semaphore, #tpu.memory_space<semaphore_mem>>
        %dma_start3A_600 = tpu.memref_squeeze %dma_start3A_599 : memref<1x!tpu.dma_semaphore, #tpu.memory_space<semaphore_mem>> -> memref<!tpu.dma_semaphore, #tpu.memory_space<semaphore_mem>>
        tpu.enqueue_indirect_dma source(%dma_start3A_598 : memref<10000x128xf32, #tpu.memory_space<hbm>>) target(%dma_start3A_592 : memref<64x128xf32, #tpu.memory_space<vmem>>) offsets(%dma_start3A_595 : memref<64xi32, #tpu.memory_space<vmem>>) semaphore(%dma_start3A_600 : memref<!tpu.dma_semaphore, #tpu.memory_space<semaphore_mem>>)
      } else {
      }
      %ge3A_450 = arith.constant 1 : i32
      %ge3A_451 = arith.cmpi sge, %add3A_442, %ge3A_450 : i32
      %convert_element_type3A_452 = arith.extui %ge3A_451 : i1 to i32
      %cond3A_453 = arith.constant 0 : i32
      %cond3A_454 = arith.cmpi ne, %convert_element_type3A_452, %cond3A_453 : i32
      scf.if %cond3A_454 {
        %dma_wait3A_526 = arith.constant 1 : i32
        %dma_wait3A_527 = arith.constant 1 : i32
        %dma_wait3A_528 = arith.constant 0 : i32
        %dma_wait3A_529 = arith.constant 1 : i32
        %dma_wait3A_530 = arith.constant 0 : i32
        %dma_wait3A_531 = arith.constant 0 : i32
        %dma_wait3A_532 = tpu.memref_slice %arg12[%dma_wait3A_526, %dma_wait3A_530, %dma_wait3A_531] : memref<3x128x128xf32, #tpu.memory_space<vmem>> -> memref<1x128x128xf32, #tpu.memory_space<vmem>>
        %dma_wait3A_533 = tpu.memref_squeeze %dma_wait3A_532 : memref<1x128x128xf32, #tpu.memory_space<vmem>> -> memref<128x128xf32, #tpu.memory_space<vmem>>
        %dma_wait3A_534 = arith.constant 0 : i32
        %dma_wait3A_535 = tpu.memref_slice %arg8[%dma_wait3A_527, %dma_wait3A_528, %dma_wait3A_534] : memref<3x2x128xi32, #tpu.memory_space<vmem>> -> memref<1x1x128xi32, #tpu.memory_space<vmem>>
        %dma_wait3A_536 = tpu.memref_squeeze %dma_wait3A_535 : memref<1x1x128xi32, #tpu.memory_space<vmem>> -> memref<128xi32, #tpu.memory_space<vmem>>
        %dma_wait3A_537 = arith.constant 0 : i32
        %dma_wait3A_538 = arith.constant 0 : i32
        %dma_wait3A_539 = tpu.memref_slice %arg13[%dma_wait3A_537, %dma_wait3A_538] : memref<10000x128xf32, #tpu.memory_space<vmem_shared>> -> memref<10000x128xf32, #tpu.memory_space<vmem_shared>>
        %dma_wait3A_540 = tpu.memref_slice %arg18[%dma_wait3A_529] : memref<3x!tpu.dma_semaphore, #tpu.memory_space<semaphore_mem>> -> memref<1x!tpu.dma_semaphore, #tpu.memory_space<semaphore_mem>>
        %dma_wait3A_541 = tpu.memref_squeeze %dma_wait3A_540 : memref<1x!tpu.dma_semaphore, #tpu.memory_space<semaphore_mem>> -> memref<!tpu.dma_semaphore, #tpu.memory_space<semaphore_mem>>
        tpu.wait_indirect_dma semaphore(%dma_wait3A_541 : memref<!tpu.dma_semaphore, #tpu.memory_space<semaphore_mem>>) src(%dma_wait3A_533 : memref<128x128xf32, #tpu.memory_space<vmem>>) dst(%dma_wait3A_539 : memref<10000x128xf32, #tpu.memory_space<vmem_shared>>)
      } else {
      }
      %add3A_455 = arith.constant 2 : i32
      %add3A_456 = arith.addi %add3A_442, %add3A_455 : i32
      %lt3A_457 = arith.constant 78 : i32
      %lt3A_458 = arith.cmpi slt, %add3A_456, %lt3A_457 : i32
      %convert_element_type3A_459 = arith.extui %lt3A_458 : i1 to i32
      %cond3A_460 = arith.constant 0 : i32
      %cond3A_461 = arith.cmpi ne, %convert_element_type3A_459, %cond3A_460 : i32
      scf.if %cond3A_461 {
        %add3A_526 = arith.constant 2 : i32
        %add3A_527 = arith.addi %add3A_442, %add3A_526 : i32
        %mul3A_528 = arith.constant 128 : i32
        %mul3A_529 = arith.muli %add3A_527, %mul3A_528 : i32
        %add3A_530 = arith.addi %mul3A_2, %mul3A_529 : i32
        %dma_start3A_531 = arith.constant 1 : i32
        %dma_start3A_532 = arith.constant 0 : i32
        %dma_start3A_533 = arith.constant 1 : i32
        %dma_start3A_534 = arith.constant 0 : i32
        %dma_start3A_535 = tpu.memref_slice %arg8[%dma_start3A_531, %dma_start3A_532, %dma_start3A_534] : memref<3x2x128xi32, #tpu.memory_space<vmem>> -> memref<1x1x128xi32, #tpu.memory_space<vmem>>
        %dma_start3A_536 = tpu.memref_squeeze %dma_start3A_535 : memref<1x1x128xi32, #tpu.memory_space<vmem>> -> memref<128xi32, #tpu.memory_space<vmem>>
        %dma_start3A_537 = tpu.memref_slice %arg3[%add3A_530] : memref<320000xi32, #tpu.memory_space<hbm>> -> memref<128xi32, #tpu.memory_space<hbm>>
        %dma_start3A_538 = tpu.memref_slice %arg14[%dma_start3A_533] : memref<3x!tpu.dma_semaphore, #tpu.memory_space<semaphore_mem>> -> memref<1x!tpu.dma_semaphore, #tpu.memory_space<semaphore_mem>>
        %dma_start3A_539 = tpu.memref_squeeze %dma_start3A_538 : memref<1x!tpu.dma_semaphore, #tpu.memory_space<semaphore_mem>> -> memref<!tpu.dma_semaphore, #tpu.memory_space<semaphore_mem>>
        %dma_start3A_540 = arith.constant 0 : i32
        %dma_start3A_541 = tpu.memref_slice %arg8[%dma_start3A_531, %dma_start3A_532, %dma_start3A_540] : memref<3x2x128xi32, #tpu.memory_space<vmem>> -> memref<1x1x128xi32, #tpu.memory_space<vmem>>
        %dma_start3A_542 = tpu.memref_squeeze %dma_start3A_541 : memref<1x1x128xi32, #tpu.memory_space<vmem>> -> memref<128xi32, #tpu.memory_space<vmem>>
        %dma_start3A_543 = tpu.memref_slice %arg3[%add3A_530] : memref<320000xi32, #tpu.memory_space<hbm>> -> memref<128xi32, #tpu.memory_space<hbm>>
        tpu.enqueue_dma source(%dma_start3A_543 : memref<128xi32, #tpu.memory_space<hbm>>) target(%dma_start3A_542 : memref<128xi32, #tpu.memory_space<vmem>>) target_semaphore(%dma_start3A_539 : memref<!tpu.dma_semaphore, #tpu.memory_space<semaphore_mem>>)
        %dma_start3A_544 = arith.constant 1 : i32
        %dma_start3A_545 = arith.constant 1 : i32
        %dma_start3A_546 = arith.constant 1 : i32
        %dma_start3A_547 = arith.constant 0 : i32
        %dma_start3A_548 = tpu.memref_slice %arg8[%dma_start3A_544, %dma_start3A_545, %dma_start3A_547] : memref<3x2x128xi32, #tpu.memory_space<vmem>> -> memref<1x1x128xi32, #tpu.memory_space<vmem>>
        %dma_start3A_549 = tpu.memref_squeeze %dma_start3A_548 : memref<1x1x128xi32, #tpu.memory_space<vmem>> -> memref<128xi32, #tpu.memory_space<vmem>>
        %dma_start3A_550 = tpu.memref_slice %arg4[%add3A_530] : memref<320000xi32, #tpu.memory_space<hbm>> -> memref<128xi32, #tpu.memory_space<hbm>>
        %dma_start3A_551 = tpu.memref_slice %arg14[%dma_start3A_546] : memref<3x!tpu.dma_semaphore, #tpu.memory_space<semaphore_mem>> -> memref<1x!tpu.dma_semaphore, #tpu.memory_space<semaphore_mem>>
        %dma_start3A_552 = tpu.memref_squeeze %dma_start3A_551 : memref<1x!tpu.dma_semaphore, #tpu.memory_space<semaphore_mem>> -> memref<!tpu.dma_semaphore, #tpu.memory_space<semaphore_mem>>
        %dma_start3A_553 = arith.constant 0 : i32
        %dma_start3A_554 = tpu.memref_slice %arg8[%dma_start3A_544, %dma_start3A_545, %dma_start3A_553] : memref<3x2x128xi32, #tpu.memory_space<vmem>> -> memref<1x1x128xi32, #tpu.memory_space<vmem>>
        %dma_start3A_555 = tpu.memref_squeeze %dma_start3A_554 : memref<1x1x128xi32, #tpu.memory_space<vmem>> -> memref<128xi32, #tpu.memory_space<vmem>>
        %dma_start3A_556 = tpu.memref_slice %arg4[%add3A_530] : memref<320000xi32, #tpu.memory_space<hbm>> -> memref<128xi32, #tpu.memory_space<hbm>>
        tpu.enqueue_dma source(%dma_start3A_556 : memref<128xi32, #tpu.memory_space<hbm>>) target(%dma_start3A_555 : memref<128xi32, #tpu.memory_space<vmem>>) target_semaphore(%dma_start3A_552 : memref<!tpu.dma_semaphore, #tpu.memory_space<semaphore_mem>>)
        %dma_start3A_557 = arith.constant 1 : i32
        %dma_start3A_558 = arith.constant 1 : i32
        %dma_start3A_559 = arith.constant 0 : i32
        %dma_start3A_560 = tpu.memref_slice %arg9[%dma_start3A_557, %dma_start3A_559] : memref<3x128xf32, #tpu.memory_space<vmem>> -> memref<1x128xf32, #tpu.memory_space<vmem>>
        %dma_start3A_561 = tpu.memref_squeeze %dma_start3A_560 : memref<1x128xf32, #tpu.memory_space<vmem>> -> memref<128xf32, #tpu.memory_space<vmem>>
        %dma_start3A_562 = tpu.memref_slice %arg5[%add3A_530] : memref<320000xf32, #tpu.memory_space<hbm>> -> memref<128xf32, #tpu.memory_space<hbm>>
        %dma_start3A_563 = tpu.memref_slice %arg14[%dma_start3A_558] : memref<3x!tpu.dma_semaphore, #tpu.memory_space<semaphore_mem>> -> memref<1x!tpu.dma_semaphore, #tpu.memory_space<semaphore_mem>>
        %dma_start3A_564 = tpu.memref_squeeze %dma_start3A_563 : memref<1x!tpu.dma_semaphore, #tpu.memory_space<semaphore_mem>> -> memref<!tpu.dma_semaphore, #tpu.memory_space<semaphore_mem>>
        %dma_start3A_565 = arith.constant 0 : i32
        %dma_start3A_566 = tpu.memref_slice %arg9[%dma_start3A_557, %dma_start3A_565] : memref<3x128xf32, #tpu.memory_space<vmem>> -> memref<1x128xf32, #tpu.memory_space<vmem>>
        %dma_start3A_567 = tpu.memref_squeeze %dma_start3A_566 : memref<1x128xf32, #tpu.memory_space<vmem>> -> memref<128xf32, #tpu.memory_space<vmem>>
        %dma_start3A_568 = tpu.memref_slice %arg5[%add3A_530] : memref<320000xf32, #tpu.memory_space<hbm>> -> memref<128xf32, #tpu.memory_space<hbm>>
        tpu.enqueue_dma source(%dma_start3A_568 : memref<128xf32, #tpu.memory_space<hbm>>) target(%dma_start3A_567 : memref<128xf32, #tpu.memory_space<vmem>>) target_semaphore(%dma_start3A_564 : memref<!tpu.dma_semaphore, #tpu.memory_space<semaphore_mem>>)
      } else {
      }
      %broadcast_in_dim3A_462 = arith.constant 2 : i32
      %broadcast_in_dim3A_463 = vector.broadcast %broadcast_in_dim3A_462 : i32 to vector<16xi32>
      %dma_wait3A_464 = arith.constant 2 : i32
      %dma_wait3A_465 = arith.constant 1 : i32
      %dma_wait3A_466 = arith.constant 2 : i32
      %dma_wait3A_467 = arith.constant 2 : i32
      %dma_wait3A_468 = arith.constant 0 : i32
      %dma_wait3A_469 = arith.constant 0 : i32
      %dma_wait3A_470 = tpu.memref_slice %arg12[%dma_wait3A_466, %dma_wait3A_468, %dma_wait3A_469] : memref<3x128x128xf32, #tpu.memory_space<vmem>> -> memref<1x64x128xf32, #tpu.memory_space<vmem>>
      %dma_wait3A_471 = tpu.memref_squeeze %dma_wait3A_470 : memref<1x64x128xf32, #tpu.memory_space<vmem>> -> memref<64x128xf32, #tpu.memory_space<vmem>>
      %dma_wait3A_472 = arith.constant 0 : i32
      %dma_wait3A_473 = tpu.memref_slice %arg8[%dma_wait3A_464, %dma_wait3A_465, %dma_wait3A_472] : memref<3x2x128xi32, #tpu.memory_space<vmem>> -> memref<1x1x64xi32, #tpu.memory_space<vmem>>
      %dma_wait3A_474 = tpu.memref_squeeze %dma_wait3A_473 : memref<1x1x64xi32, #tpu.memory_space<vmem>> -> memref<64xi32, #tpu.memory_space<vmem>>
      %dma_wait3A_475 = arith.constant 0 : i32
      %dma_wait3A_476 = arith.constant 0 : i32
      %dma_wait3A_477 = tpu.memref_slice %arg2[%dma_wait3A_475, %dma_wait3A_476] : memref<10000x128xf32, #tpu.memory_space<hbm>> -> memref<10000x128xf32, #tpu.memory_space<hbm>>
      %dma_wait3A_478 = tpu.memref_slice %arg16[%dma_wait3A_467] : memref<3x!tpu.dma_semaphore, #tpu.memory_space<semaphore_mem>> -> memref<1x!tpu.dma_semaphore, #tpu.memory_space<semaphore_mem>>
      %dma_wait3A_479 = tpu.memref_squeeze %dma_wait3A_478 : memref<1x!tpu.dma_semaphore, #tpu.memory_space<semaphore_mem>> -> memref<!tpu.dma_semaphore, #tpu.memory_space<semaphore_mem>>
      tpu.wait_indirect_dma semaphore(%dma_wait3A_479 : memref<!tpu.dma_semaphore, #tpu.memory_space<semaphore_mem>>) src(%dma_wait3A_477 : memref<10000x128xf32, #tpu.memory_space<hbm>>) dst(%dma_wait3A_471 : memref<64x128xf32, #tpu.memory_space<vmem>>)
      %broadcast_in_dim3A_480 = arith.constant 0 : i32
      %broadcast_in_dim3A_481 = vector.broadcast %broadcast_in_dim3A_480 : i32 to vector<16xi32>
      %parallel_loop3A_482 = arith.constant 0 : i32
      %parallel_loop3A_483 = arith.constant 64 : i32
      %parallel_loop3A_484 = arith.constant 1 : i32
      %parallel_loop3A_485 = arith.constant 2 : i32
      %parallel_loop3A_486 = scf.for %parallel_loop3A_526 = %parallel_loop3A_482 to %parallel_loop3A_483 step %parallel_loop3A_484 iter_args(%parallel_loop3A_527 = %broadcast_in_dim3A_481) -> (vector<16xi32>)  : i32 {
        %parallel_loop3A_528 = tpu.vector_load_idx %arg9[%broadcast_in_dim3A_463, %parallel_loop3A_527] : memref<3x128xf32, #tpu.memory_space<vmem>>[vector<16xi32>, vector<16xi32>], vector<16xf32>,
        %parallel_loop3A_529 = arith.constant 0 : i32
        %parallel_loop3A_530 = arith.constant 0 : i32
        %parallel_loop3A_531 = tpu.memref_slice %arg12[%parallel_loop3A_485, %parallel_loop3A_529, %parallel_loop3A_530] : memref<3x128x128xf32, #tpu.memory_space<vmem>> -> memref<1x128x128xf32, #tpu.memory_space<vmem>>
        %parallel_loop3A_532 = tpu.memref_squeeze %parallel_loop3A_531 : memref<1x128x128xf32, #tpu.memory_space<vmem>> -> memref<128x128xf32, #tpu.memory_space<vmem>>
        %parallel_loop3A_533 = arith.index_cast %parallel_loop3A_526 : i32 to index
        %parallel_loop3A_534 = arith.constant 0 : index
        %parallel_loop3A_535 = tpu.vector_load %parallel_loop3A_532[%parallel_loop3A_533, %parallel_loop3A_534] {strides = array<i32>} : memref<128x128xf32, #tpu.memory_space<vmem>>, vector<16xf32>,
        %parallel_loop3A_536 = arith.mulf %parallel_loop3A_535, %parallel_loop3A_528 : vector<16xf32>
        %parallel_loop3A_537 = arith.constant 0 : i32
        %parallel_loop3A_538 = arith.constant 0 : i32
        %parallel_loop3A_539 = tpu.memref_slice %arg12[%parallel_loop3A_485, %parallel_loop3A_537, %parallel_loop3A_538] : memref<3x128x128xf32, #tpu.memory_space<vmem>> -> memref<1x128x128xf32, #tpu.memory_space<vmem>>
        %parallel_loop3A_540 = tpu.memref_squeeze %parallel_loop3A_539 : memref<1x128x128xf32, #tpu.memory_space<vmem>> -> memref<128x128xf32, #tpu.memory_space<vmem>>
        %parallel_loop3A_541 = arith.index_cast %parallel_loop3A_526 : i32 to index
        %parallel_loop3A_542 = arith.constant 0 : index
        %parallel_loop3A_543 = tpu.vector_load %parallel_loop3A_540[%parallel_loop3A_541, %parallel_loop3A_542] {strides = array<i32>} : memref<128x128xf32, #tpu.memory_space<vmem>>, vector<16xf32>,
        tpu.vector_store %parallel_loop3A_540[%parallel_loop3A_541, %parallel_loop3A_542], %parallel_loop3A_536 {strides = array<i32>} : memref<128x128xf32, #tpu.memory_space<vmem>>, vector<16xf32>,
        %parallel_loop3A_544 = arith.constant 0 : i32
        %parallel_loop3A_545 = arith.constant 0 : i32
        %parallel_loop3A_546 = tpu.memref_slice %arg12[%parallel_loop3A_485, %parallel_loop3A_544, %parallel_loop3A_545] : memref<3x128x128xf32, #tpu.memory_space<vmem>> -> memref<1x128x128xf32, #tpu.memory_space<vmem>>
        %parallel_loop3A_547 = tpu.memref_squeeze %parallel_loop3A_546 : memref<1x128x128xf32, #tpu.memory_space<vmem>> -> memref<128x128xf32, #tpu.memory_space<vmem>>
        %parallel_loop3A_548 = arith.index_cast %parallel_loop3A_526 : i32 to index
        %parallel_loop3A_549 = arith.constant 16 : index
        %parallel_loop3A_550 = tpu.vector_load %parallel_loop3A_547[%parallel_loop3A_548, %parallel_loop3A_549] {strides = array<i32>} : memref<128x128xf32, #tpu.memory_space<vmem>>, vector<16xf32>,
        %parallel_loop3A_551 = arith.mulf %parallel_loop3A_550, %parallel_loop3A_528 : vector<16xf32>
        %parallel_loop3A_552 = arith.constant 0 : i32
        %parallel_loop3A_553 = arith.constant 0 : i32
        %parallel_loop3A_554 = tpu.memref_slice %arg12[%parallel_loop3A_485, %parallel_loop3A_552, %parallel_loop3A_553] : memref<3x128x128xf32, #tpu.memory_space<vmem>> -> memref<1x128x128xf32, #tpu.memory_space<vmem>>
        %parallel_loop3A_555 = tpu.memref_squeeze %parallel_loop3A_554 : memref<1x128x128xf32, #tpu.memory_space<vmem>> -> memref<128x128xf32, #tpu.memory_space<vmem>>
        %parallel_loop3A_556 = arith.index_cast %parallel_loop3A_526 : i32 to index
        %parallel_loop3A_557 = arith.constant 16 : index
        %parallel_loop3A_558 = tpu.vector_load %parallel_loop3A_555[%parallel_loop3A_556, %parallel_loop3A_557] {strides = array<i32>} : memref<128x128xf32, #tpu.memory_space<vmem>>, vector<16xf32>,
        tpu.vector_store %parallel_loop3A_555[%parallel_loop3A_556, %parallel_loop3A_557], %parallel_loop3A_551 {strides = array<i32>} : memref<128x128xf32, #tpu.memory_space<vmem>>, vector<16xf32>,
        %parallel_loop3A_559 = arith.constant 0 : i32
        %parallel_loop3A_560 = arith.constant 0 : i32
        %parallel_loop3A_561 = tpu.memref_slice %arg12[%parallel_loop3A_485, %parallel_loop3A_559, %parallel_loop3A_560] : memref<3x128x128xf32, #tpu.memory_space<vmem>> -> memref<1x128x128xf32, #tpu.memory_space<vmem>>
        %parallel_loop3A_562 = tpu.memref_squeeze %parallel_loop3A_561 : memref<1x128x128xf32, #tpu.memory_space<vmem>> -> memref<128x128xf32, #tpu.memory_space<vmem>>
        %parallel_loop3A_563 = arith.index_cast %parallel_loop3A_526 : i32 to index
        %parallel_loop3A_564 = arith.constant 32 : index
        %parallel_loop3A_565 = tpu.vector_load %parallel_loop3A_562[%parallel_loop3A_563, %parallel_loop3A_564] {strides = array<i32>} : memref<128x128xf32, #tpu.memory_space<vmem>>, vector<16xf32>,
        %parallel_loop3A_566 = arith.mulf %parallel_loop3A_565, %parallel_loop3A_528 : vector<16xf32>
        %parallel_loop3A_567 = arith.constant 0 : i32
        %parallel_loop3A_568 = arith.constant 0 : i32
        %parallel_loop3A_569 = tpu.memref_slice %arg12[%parallel_loop3A_485, %parallel_loop3A_567, %parallel_loop3A_568] : memref<3x128x128xf32, #tpu.memory_space<vmem>> -> memref<1x128x128xf32, #tpu.memory_space<vmem>>
        %parallel_loop3A_570 = tpu.memref_squeeze %parallel_loop3A_569 : memref<1x128x128xf32, #tpu.memory_space<vmem>> -> memref<128x128xf32, #tpu.memory_space<vmem>>
        %parallel_loop3A_571 = arith.index_cast %parallel_loop3A_526 : i32 to index
        %parallel_loop3A_572 = arith.constant 32 : index
        %parallel_loop3A_573 = tpu.vector_load %parallel_loop3A_570[%parallel_loop3A_571, %parallel_loop3A_572] {strides = array<i32>} : memref<128x128xf32, #tpu.memory_space<vmem>>, vector<16xf32>,
        tpu.vector_store %parallel_loop3A_570[%parallel_loop3A_571, %parallel_loop3A_572], %parallel_loop3A_566 {strides = array<i32>} : memref<128x128xf32, #tpu.memory_space<vmem>>, vector<16xf32>,
        %parallel_loop3A_574 = arith.constant 0 : i32
        %parallel_loop3A_575 = arith.constant 0 : i32
        %parallel_loop3A_576 = tpu.memref_slice %arg12[%parallel_loop3A_485, %parallel_loop3A_574, %parallel_loop3A_575] : memref<3x128x128xf32, #tpu.memory_space<vmem>> -> memref<1x128x128xf32, #tpu.memory_space<vmem>>
        %parallel_loop3A_577 = tpu.memref_squeeze %parallel_loop3A_576 : memref<1x128x128xf32, #tpu.memory_space<vmem>> -> memref<128x128xf32, #tpu.memory_space<vmem>>
        %parallel_loop3A_578 = arith.index_cast %parallel_loop3A_526 : i32 to index
        %parallel_loop3A_579 = arith.constant 48 : index
        %parallel_loop3A_580 = tpu.vector_load %parallel_loop3A_577[%parallel_loop3A_578, %parallel_loop3A_579] {strides = array<i32>} : memref<128x128xf32, #tpu.memory_space<vmem>>, vector<16xf32>,
        %parallel_loop3A_581 = arith.mulf %parallel_loop3A_580, %parallel_loop3A_528 : vector<16xf32>
        %parallel_loop3A_582 = arith.constant 0 : i32
        %parallel_loop3A_583 = arith.constant 0 : i32
        %parallel_loop3A_584 = tpu.memref_slice %arg12[%parallel_loop3A_485, %parallel_loop3A_582, %parallel_loop3A_583] : memref<3x128x128xf32, #tpu.memory_space<vmem>> -> memref<1x128x128xf32, #tpu.memory_space<vmem>>
        %parallel_loop3A_585 = tpu.memref_squeeze %parallel_loop3A_584 : memref<1x128x128xf32, #tpu.memory_space<vmem>> -> memref<128x128xf32, #tpu.memory_space<vmem>>
        %parallel_loop3A_586 = arith.index_cast %parallel_loop3A_526 : i32 to index
        %parallel_loop3A_587 = arith.constant 48 : index
        %parallel_loop3A_588 = tpu.vector_load %parallel_loop3A_585[%parallel_loop3A_586, %parallel_loop3A_587] {strides = array<i32>} : memref<128x128xf32, #tpu.memory_space<vmem>>, vector<16xf32>,
        tpu.vector_store %parallel_loop3A_585[%parallel_loop3A_586, %parallel_loop3A_587], %parallel_loop3A_581 {strides = array<i32>} : memref<128x128xf32, #tpu.memory_space<vmem>>, vector<16xf32>,
        %parallel_loop3A_589 = arith.constant 0 : i32
        %parallel_loop3A_590 = arith.constant 0 : i32
        %parallel_loop3A_591 = tpu.memref_slice %arg12[%parallel_loop3A_485, %parallel_loop3A_589, %parallel_loop3A_590] : memref<3x128x128xf32, #tpu.memory_space<vmem>> -> memref<1x128x128xf32, #tpu.memory_space<vmem>>
        %parallel_loop3A_592 = tpu.memref_squeeze %parallel_loop3A_591 : memref<1x128x128xf32, #tpu.memory_space<vmem>> -> memref<128x128xf32, #tpu.memory_space<vmem>>
        %parallel_loop3A_593 = arith.index_cast %parallel_loop3A_526 : i32 to index
        %parallel_loop3A_594 = arith.constant 64 : index
        %parallel_loop3A_595 = tpu.vector_load %parallel_loop3A_592[%parallel_loop3A_593, %parallel_loop3A_594] {strides = array<i32>} : memref<128x128xf32, #tpu.memory_space<vmem>>, vector<16xf32>,
        %parallel_loop3A_596 = arith.mulf %parallel_loop3A_595, %parallel_loop3A_528 : vector<16xf32>
        %parallel_loop3A_597 = arith.constant 0 : i32
        %parallel_loop3A_598 = arith.constant 0 : i32
        %parallel_loop3A_599 = tpu.memref_slice %arg12[%parallel_loop3A_485, %parallel_loop3A_597, %parallel_loop3A_598] : memref<3x128x128xf32, #tpu.memory_space<vmem>> -> memref<1x128x128xf32, #tpu.memory_space<vmem>>
        %parallel_loop3A_600 = tpu.memref_squeeze %parallel_loop3A_599 : memref<1x128x128xf32, #tpu.memory_space<vmem>> -> memref<128x128xf32, #tpu.memory_space<vmem>>
        %parallel_loop3A_601 = arith.index_cast %parallel_loop3A_526 : i32 to index
        %parallel_loop3A_602 = arith.constant 64 : index
        %parallel_loop3A_603 = tpu.vector_load %parallel_loop3A_600[%parallel_loop3A_601, %parallel_loop3A_602] {strides = array<i32>} : memref<128x128xf32, #tpu.memory_space<vmem>>, vector<16xf32>,
        tpu.vector_store %parallel_loop3A_600[%parallel_loop3A_601, %parallel_loop3A_602], %parallel_loop3A_596 {strides = array<i32>} : memref<128x128xf32, #tpu.memory_space<vmem>>, vector<16xf32>,
        %parallel_loop3A_604 = arith.constant 0 : i32
        %parallel_loop3A_605 = arith.constant 0 : i32
        %parallel_loop3A_606 = tpu.memref_slice %arg12[%parallel_loop3A_485, %parallel_loop3A_604, %parallel_loop3A_605] : memref<3x128x128xf32, #tpu.memory_space<vmem>> -> memref<1x128x128xf32, #tpu.memory_space<vmem>>
        %parallel_loop3A_607 = tpu.memref_squeeze %parallel_loop3A_606 : memref<1x128x128xf32, #tpu.memory_space<vmem>> -> memref<128x128xf32, #tpu.memory_space<vmem>>
        %parallel_loop3A_608 = arith.index_cast %parallel_loop3A_526 : i32 to index
        %parallel_loop3A_609 = arith.constant 80 : index
        %parallel_loop3A_610 = tpu.vector_load %parallel_loop3A_607[%parallel_loop3A_608, %parallel_loop3A_609] {strides = array<i32>} : memref<128x128xf32, #tpu.memory_space<vmem>>, vector<16xf32>,
        %parallel_loop3A_611 = arith.mulf %parallel_loop3A_610, %parallel_loop3A_528 : vector<16xf32>
        %parallel_loop3A_612 = arith.constant 0 : i32
        %parallel_loop3A_613 = arith.constant 0 : i32
        %parallel_loop3A_614 = tpu.memref_slice %arg12[%parallel_loop3A_485, %parallel_loop3A_612, %parallel_loop3A_613] : memref<3x128x128xf32, #tpu.memory_space<vmem>> -> memref<1x128x128xf32, #tpu.memory_space<vmem>>
        %parallel_loop3A_615 = tpu.memref_squeeze %parallel_loop3A_614 : memref<1x128x128xf32, #tpu.memory_space<vmem>> -> memref<128x128xf32, #tpu.memory_space<vmem>>
        %parallel_loop3A_616 = arith.index_cast %parallel_loop3A_526 : i32 to index
        %parallel_loop3A_617 = arith.constant 80 : index
        %parallel_loop3A_618 = tpu.vector_load %parallel_loop3A_615[%parallel_loop3A_616, %parallel_loop3A_617] {strides = array<i32>} : memref<128x128xf32, #tpu.memory_space<vmem>>, vector<16xf32>,
        tpu.vector_store %parallel_loop3A_615[%parallel_loop3A_616, %parallel_loop3A_617], %parallel_loop3A_611 {strides = array<i32>} : memref<128x128xf32, #tpu.memory_space<vmem>>, vector<16xf32>,
        %parallel_loop3A_619 = arith.constant 0 : i32
        %parallel_loop3A_620 = arith.constant 0 : i32
        %parallel_loop3A_621 = tpu.memref_slice %arg12[%parallel_loop3A_485, %parallel_loop3A_619, %parallel_loop3A_620] : memref<3x128x128xf32, #tpu.memory_space<vmem>> -> memref<1x128x128xf32, #tpu.memory_space<vmem>>
        %parallel_loop3A_622 = tpu.memref_squeeze %parallel_loop3A_621 : memref<1x128x128xf32, #tpu.memory_space<vmem>> -> memref<128x128xf32, #tpu.memory_space<vmem>>
        %parallel_loop3A_623 = arith.index_cast %parallel_loop3A_526 : i32 to index
        %parallel_loop3A_624 = arith.constant 96 : index
        %parallel_loop3A_625 = tpu.vector_load %parallel_loop3A_622[%parallel_loop3A_623, %parallel_loop3A_624] {strides = array<i32>} : memref<128x128xf32, #tpu.memory_space<vmem>>, vector<16xf32>,
        %parallel_loop3A_626 = arith.mulf %parallel_loop3A_625, %parallel_loop3A_528 : vector<16xf32>
        %parallel_loop3A_627 = arith.constant 0 : i32
        %parallel_loop3A_628 = arith.constant 0 : i32
        %parallel_loop3A_629 = tpu.memref_slice %arg12[%parallel_loop3A_485, %parallel_loop3A_627, %parallel_loop3A_628] : memref<3x128x128xf32, #tpu.memory_space<vmem>> -> memref<1x128x128xf32, #tpu.memory_space<vmem>>
        %parallel_loop3A_630 = tpu.memref_squeeze %parallel_loop3A_629 : memref<1x128x128xf32, #tpu.memory_space<vmem>> -> memref<128x128xf32, #tpu.memory_space<vmem>>
        %parallel_loop3A_631 = arith.index_cast %parallel_loop3A_526 : i32 to index
        %parallel_loop3A_632 = arith.constant 96 : index
        %parallel_loop3A_633 = tpu.vector_load %parallel_loop3A_630[%parallel_loop3A_631, %parallel_loop3A_632] {strides = array<i32>} : memref<128x128xf32, #tpu.memory_space<vmem>>, vector<16xf32>,
        tpu.vector_store %parallel_loop3A_630[%parallel_loop3A_631, %parallel_loop3A_632], %parallel_loop3A_626 {strides = array<i32>} : memref<128x128xf32, #tpu.memory_space<vmem>>, vector<16xf32>,
        %parallel_loop3A_634 = arith.constant 0 : i32
        %parallel_loop3A_635 = arith.constant 0 : i32
        %parallel_loop3A_636 = tpu.memref_slice %arg12[%parallel_loop3A_485, %parallel_loop3A_634, %parallel_loop3A_635] : memref<3x128x128xf32, #tpu.memory_space<vmem>> -> memref<1x128x128xf32, #tpu.memory_space<vmem>>
        %parallel_loop3A_637 = tpu.memref_squeeze %parallel_loop3A_636 : memref<1x128x128xf32, #tpu.memory_space<vmem>> -> memref<128x128xf32, #tpu.memory_space<vmem>>
        %parallel_loop3A_638 = arith.index_cast %parallel_loop3A_526 : i32 to index
        %parallel_loop3A_639 = arith.constant 112 : index
        %parallel_loop3A_640 = tpu.vector_load %parallel_loop3A_637[%parallel_loop3A_638, %parallel_loop3A_639] {strides = array<i32>} : memref<128x128xf32, #tpu.memory_space<vmem>>, vector<16xf32>,
        %parallel_loop3A_641 = arith.mulf %parallel_loop3A_640, %parallel_loop3A_528 : vector<16xf32>
        %parallel_loop3A_642 = arith.constant 0 : i32
        %parallel_loop3A_643 = arith.constant 0 : i32
        %parallel_loop3A_644 = tpu.memref_slice %arg12[%parallel_loop3A_485, %parallel_loop3A_642, %parallel_loop3A_643] : memref<3x128x128xf32, #tpu.memory_space<vmem>> -> memref<1x128x128xf32, #tpu.memory_space<vmem>>
        %parallel_loop3A_645 = tpu.memref_squeeze %parallel_loop3A_644 : memref<1x128x128xf32, #tpu.memory_space<vmem>> -> memref<128x128xf32, #tpu.memory_space<vmem>>
        %parallel_loop3A_646 = arith.index_cast %parallel_loop3A_526 : i32 to index
        %parallel_loop3A_647 = arith.constant 112 : index
        %parallel_loop3A_648 = tpu.vector_load %parallel_loop3A_645[%parallel_loop3A_646, %parallel_loop3A_647] {strides = array<i32>} : memref<128x128xf32, #tpu.memory_space<vmem>>, vector<16xf32>,
        tpu.vector_store %parallel_loop3A_645[%parallel_loop3A_646, %parallel_loop3A_647], %parallel_loop3A_641 {strides = array<i32>} : memref<128x128xf32, #tpu.memory_space<vmem>>, vector<16xf32>,
        %parallel_loop3A_649 = arith.constant 1 : i32
        %parallel_loop3A_650 = vector.broadcast %parallel_loop3A_649 : i32 to vector<16xi32>
        %parallel_loop3A_651 = arith.addi %parallel_loop3A_527, %parallel_loop3A_650 : vector<16xi32>
        scf.yield %parallel_loop3A_651 : vector<16xi32>
      } {sc.loop_unroll_factor = 4 : i64, sc.parallel_access}
      %dma_wait3A_487 = arith.constant 2 : i32
      %dma_wait3A_488 = arith.constant 1 : i32
      %dma_wait3A_489 = arith.constant 2 : i32
      %dma_wait3A_490 = arith.constant 2 : i32
      %dma_wait3A_491 = arith.constant 64 : i32
      %dma_wait3A_492 = arith.constant 0 : i32
      %dma_wait3A_493 = tpu.memref_slice %arg12[%dma_wait3A_489, %dma_wait3A_491, %dma_wait3A_492] : memref<3x128x128xf32, #tpu.memory_space<vmem>> -> memref<1x64x128xf32, #tpu.memory_space<vmem>>
      %dma_wait3A_494 = tpu.memref_squeeze %dma_wait3A_493 : memref<1x64x128xf32, #tpu.memory_space<vmem>> -> memref<64x128xf32, #tpu.memory_space<vmem>>
      %dma_wait3A_495 = arith.constant 64 : i32
      %dma_wait3A_496 = tpu.memref_slice %arg8[%dma_wait3A_487, %dma_wait3A_488, %dma_wait3A_495] : memref<3x2x128xi32, #tpu.memory_space<vmem>> -> memref<1x1x64xi32, #tpu.memory_space<vmem>>
      %dma_wait3A_497 = tpu.memref_squeeze %dma_wait3A_496 : memref<1x1x64xi32, #tpu.memory_space<vmem>> -> memref<64xi32, #tpu.memory_space<vmem>>
      %dma_wait3A_498 = arith.constant 0 : i32
      %dma_wait3A_499 = arith.constant 0 : i32
      %dma_wait3A_500 = tpu.memref_slice %arg2[%dma_wait3A_498, %dma_wait3A_499] : memref<10000x128xf32, #tpu.memory_space<hbm>> -> memref<10000x128xf32, #tpu.memory_space<hbm>>
      %dma_wait3A_501 = tpu.memref_slice %arg17[%dma_wait3A_490] : memref<3x!tpu.dma_semaphore, #tpu.memory_space<semaphore_mem>> -> memref<1x!tpu.dma_semaphore, #tpu.memory_space<semaphore_mem>>
      %dma_wait3A_502 = tpu.memref_squeeze %dma_wait3A_501 : memref<1x!tpu.dma_semaphore, #tpu.memory_space<semaphore_mem>> -> memref<!tpu.dma_semaphore, #tpu.memory_space<semaphore_mem>>
      tpu.wait_indirect_dma semaphore(%dma_wait3A_502 : memref<!tpu.dma_semaphore, #tpu.memory_space<semaphore_mem>>) src(%dma_wait3A_500 : memref<10000x128xf32, #tpu.memory_space<hbm>>) dst(%dma_wait3A_494 : memref<64x128xf32, #tpu.memory_space<vmem>>)
      %broadcast_in_dim3A_503 = arith.constant 64 : i32
      %broadcast_in_dim3A_504 = vector.broadcast %broadcast_in_dim3A_503 : i32 to vector<16xi32>
      %parallel_loop3A_505 = arith.constant 64 : i32
      %parallel_loop3A_506 = arith.constant 128 : i32
      %parallel_loop3A_507 = arith.constant 1 : i32
      %parallel_loop3A_508 = arith.constant 2 : i32
      %parallel_loop3A_509 = scf.for %parallel_loop3A_526 = %parallel_loop3A_505 to %parallel_loop3A_506 step %parallel_loop3A_507 iter_args(%parallel_loop3A_527 = %broadcast_in_dim3A_504) -> (vector<16xi32>)  : i32 {
        %parallel_loop3A_528 = tpu.vector_load_idx %arg9[%broadcast_in_dim3A_463, %parallel_loop3A_527] : memref<3x128xf32, #tpu.memory_space<vmem>>[vector<16xi32>, vector<16xi32>], vector<16xf32>,
        %parallel_loop3A_529 = arith.constant 0 : i32
        %parallel_loop3A_530 = arith.constant 0 : i32
        %parallel_loop3A_531 = tpu.memref_slice %arg12[%parallel_loop3A_508, %parallel_loop3A_529, %parallel_loop3A_530] : memref<3x128x128xf32, #tpu.memory_space<vmem>> -> memref<1x128x128xf32, #tpu.memory_space<vmem>>
        %parallel_loop3A_532 = tpu.memref_squeeze %parallel_loop3A_531 : memref<1x128x128xf32, #tpu.memory_space<vmem>> -> memref<128x128xf32, #tpu.memory_space<vmem>>
        %parallel_loop3A_533 = arith.index_cast %parallel_loop3A_526 : i32 to index
        %parallel_loop3A_534 = arith.constant 0 : index
        %parallel_loop3A_535 = tpu.vector_load %parallel_loop3A_532[%parallel_loop3A_533, %parallel_loop3A_534] {strides = array<i32>} : memref<128x128xf32, #tpu.memory_space<vmem>>, vector<16xf32>,
        %parallel_loop3A_536 = arith.mulf %parallel_loop3A_535, %parallel_loop3A_528 : vector<16xf32>
        %parallel_loop3A_537 = arith.constant 0 : i32
        %parallel_loop3A_538 = arith.constant 0 : i32
        %parallel_loop3A_539 = tpu.memref_slice %arg12[%parallel_loop3A_508, %parallel_loop3A_537, %parallel_loop3A_538] : memref<3x128x128xf32, #tpu.memory_space<vmem>> -> memref<1x128x128xf32, #tpu.memory_space<vmem>>
        %parallel_loop3A_540 = tpu.memref_squeeze %parallel_loop3A_539 : memref<1x128x128xf32, #tpu.memory_space<vmem>> -> memref<128x128xf32, #tpu.memory_space<vmem>>
        %parallel_loop3A_541 = arith.index_cast %parallel_loop3A_526 : i32 to index
        %parallel_loop3A_542 = arith.constant 0 : index
        %parallel_loop3A_543 = tpu.vector_load %parallel_loop3A_540[%parallel_loop3A_541, %parallel_loop3A_542] {strides = array<i32>} : memref<128x128xf32, #tpu.memory_space<vmem>>, vector<16xf32>,
        tpu.vector_store %parallel_loop3A_540[%parallel_loop3A_541, %parallel_loop3A_542], %parallel_loop3A_536 {strides = array<i32>} : memref<128x128xf32, #tpu.memory_space<vmem>>, vector<16xf32>,
        %parallel_loop3A_544 = arith.constant 0 : i32
        %parallel_loop3A_545 = arith.constant 0 : i32
        %parallel_loop3A_546 = tpu.memref_slice %arg12[%parallel_loop3A_508, %parallel_loop3A_544, %parallel_loop3A_545] : memref<3x128x128xf32, #tpu.memory_space<vmem>> -> memref<1x128x128xf32, #tpu.memory_space<vmem>>
        %parallel_loop3A_547 = tpu.memref_squeeze %parallel_loop3A_546 : memref<1x128x128xf32, #tpu.memory_space<vmem>> -> memref<128x128xf32, #tpu.memory_space<vmem>>
        %parallel_loop3A_548 = arith.index_cast %parallel_loop3A_526 : i32 to index
        %parallel_loop3A_549 = arith.constant 16 : index
        %parallel_loop3A_550 = tpu.vector_load %parallel_loop3A_547[%parallel_loop3A_548, %parallel_loop3A_549] {strides = array<i32>} : memref<128x128xf32, #tpu.memory_space<vmem>>, vector<16xf32>,
        %parallel_loop3A_551 = arith.mulf %parallel_loop3A_550, %parallel_loop3A_528 : vector<16xf32>
        %parallel_loop3A_552 = arith.constant 0 : i32
        %parallel_loop3A_553 = arith.constant 0 : i32
        %parallel_loop3A_554 = tpu.memref_slice %arg12[%parallel_loop3A_508, %parallel_loop3A_552, %parallel_loop3A_553] : memref<3x128x128xf32, #tpu.memory_space<vmem>> -> memref<1x128x128xf32, #tpu.memory_space<vmem>>
        %parallel_loop3A_555 = tpu.memref_squeeze %parallel_loop3A_554 : memref<1x128x128xf32, #tpu.memory_space<vmem>> -> memref<128x128xf32, #tpu.memory_space<vmem>>
        %parallel_loop3A_556 = arith.index_cast %parallel_loop3A_526 : i32 to index
        %parallel_loop3A_557 = arith.constant 16 : index
        %parallel_loop3A_558 = tpu.vector_load %parallel_loop3A_555[%parallel_loop3A_556, %parallel_loop3A_557] {strides = array<i32>} : memref<128x128xf32, #tpu.memory_space<vmem>>, vector<16xf32>,
        tpu.vector_store %parallel_loop3A_555[%parallel_loop3A_556, %parallel_loop3A_557], %parallel_loop3A_551 {strides = array<i32>} : memref<128x128xf32, #tpu.memory_space<vmem>>, vector<16xf32>,
        %parallel_loop3A_559 = arith.constant 0 : i32
        %parallel_loop3A_560 = arith.constant 0 : i32
        %parallel_loop3A_561 = tpu.memref_slice %arg12[%parallel_loop3A_508, %parallel_loop3A_559, %parallel_loop3A_560] : memref<3x128x128xf32, #tpu.memory_space<vmem>> -> memref<1x128x128xf32, #tpu.memory_space<vmem>>
        %parallel_loop3A_562 = tpu.memref_squeeze %parallel_loop3A_561 : memref<1x128x128xf32, #tpu.memory_space<vmem>> -> memref<128x128xf32, #tpu.memory_space<vmem>>
        %parallel_loop3A_563 = arith.index_cast %parallel_loop3A_526 : i32 to index
        %parallel_loop3A_564 = arith.constant 32 : index
        %parallel_loop3A_565 = tpu.vector_load %parallel_loop3A_562[%parallel_loop3A_563, %parallel_loop3A_564] {strides = array<i32>} : memref<128x128xf32, #tpu.memory_space<vmem>>, vector<16xf32>,
        %parallel_loop3A_566 = arith.mulf %parallel_loop3A_565, %parallel_loop3A_528 : vector<16xf32>
        %parallel_loop3A_567 = arith.constant 0 : i32
        %parallel_loop3A_568 = arith.constant 0 : i32
        %parallel_loop3A_569 = tpu.memref_slice %arg12[%parallel_loop3A_508, %parallel_loop3A_567, %parallel_loop3A_568] : memref<3x128x128xf32, #tpu.memory_space<vmem>> -> memref<1x128x128xf32, #tpu.memory_space<vmem>>
        %parallel_loop3A_570 = tpu.memref_squeeze %parallel_loop3A_569 : memref<1x128x128xf32, #tpu.memory_space<vmem>> -> memref<128x128xf32, #tpu.memory_space<vmem>>
        %parallel_loop3A_571 = arith.index_cast %parallel_loop3A_526 : i32 to index
        %parallel_loop3A_572 = arith.constant 32 : index
        %parallel_loop3A_573 = tpu.vector_load %parallel_loop3A_570[%parallel_loop3A_571, %parallel_loop3A_572] {strides = array<i32>} : memref<128x128xf32, #tpu.memory_space<vmem>>, vector<16xf32>,
        tpu.vector_store %parallel_loop3A_570[%parallel_loop3A_571, %parallel_loop3A_572], %parallel_loop3A_566 {strides = array<i32>} : memref<128x128xf32, #tpu.memory_space<vmem>>, vector<16xf32>,
        %parallel_loop3A_574 = arith.constant 0 : i32
        %parallel_loop3A_575 = arith.constant 0 : i32
        %parallel_loop3A_576 = tpu.memref_slice %arg12[%parallel_loop3A_508, %parallel_loop3A_574, %parallel_loop3A_575] : memref<3x128x128xf32, #tpu.memory_space<vmem>> -> memref<1x128x128xf32, #tpu.memory_space<vmem>>
        %parallel_loop3A_577 = tpu.memref_squeeze %parallel_loop3A_576 : memref<1x128x128xf32, #tpu.memory_space<vmem>> -> memref<128x128xf32, #tpu.memory_space<vmem>>
        %parallel_loop3A_578 = arith.index_cast %parallel_loop3A_526 : i32 to index
        %parallel_loop3A_579 = arith.constant 48 : index
        %parallel_loop3A_580 = tpu.vector_load %parallel_loop3A_577[%parallel_loop3A_578, %parallel_loop3A_579] {strides = array<i32>} : memref<128x128xf32, #tpu.memory_space<vmem>>, vector<16xf32>,
        %parallel_loop3A_581 = arith.mulf %parallel_loop3A_580, %parallel_loop3A_528 : vector<16xf32>
        %parallel_loop3A_582 = arith.constant 0 : i32
        %parallel_loop3A_583 = arith.constant 0 : i32
        %parallel_loop3A_584 = tpu.memref_slice %arg12[%parallel_loop3A_508, %parallel_loop3A_582, %parallel_loop3A_583] : memref<3x128x128xf32, #tpu.memory_space<vmem>> -> memref<1x128x128xf32, #tpu.memory_space<vmem>>
        %parallel_loop3A_585 = tpu.memref_squeeze %parallel_loop3A_584 : memref<1x128x128xf32, #tpu.memory_space<vmem>> -> memref<128x128xf32, #tpu.memory_space<vmem>>
        %parallel_loop3A_586 = arith.index_cast %parallel_loop3A_526 : i32 to index
        %parallel_loop3A_587 = arith.constant 48 : index
        %parallel_loop3A_588 = tpu.vector_load %parallel_loop3A_585[%parallel_loop3A_586, %parallel_loop3A_587] {strides = array<i32>} : memref<128x128xf32, #tpu.memory_space<vmem>>, vector<16xf32>,
        tpu.vector_store %parallel_loop3A_585[%parallel_loop3A_586, %parallel_loop3A_587], %parallel_loop3A_581 {strides = array<i32>} : memref<128x128xf32, #tpu.memory_space<vmem>>, vector<16xf32>,
        %parallel_loop3A_589 = arith.constant 0 : i32
        %parallel_loop3A_590 = arith.constant 0 : i32
        %parallel_loop3A_591 = tpu.memref_slice %arg12[%parallel_loop3A_508, %parallel_loop3A_589, %parallel_loop3A_590] : memref<3x128x128xf32, #tpu.memory_space<vmem>> -> memref<1x128x128xf32, #tpu.memory_space<vmem>>
        %parallel_loop3A_592 = tpu.memref_squeeze %parallel_loop3A_591 : memref<1x128x128xf32, #tpu.memory_space<vmem>> -> memref<128x128xf32, #tpu.memory_space<vmem>>
        %parallel_loop3A_593 = arith.index_cast %parallel_loop3A_526 : i32 to index
        %parallel_loop3A_594 = arith.constant 64 : index
        %parallel_loop3A_595 = tpu.vector_load %parallel_loop3A_592[%parallel_loop3A_593, %parallel_loop3A_594] {strides = array<i32>} : memref<128x128xf32, #tpu.memory_space<vmem>>, vector<16xf32>,
        %parallel_loop3A_596 = arith.mulf %parallel_loop3A_595, %parallel_loop3A_528 : vector<16xf32>
        %parallel_loop3A_597 = arith.constant 0 : i32
        %parallel_loop3A_598 = arith.constant 0 : i32
        %parallel_loop3A_599 = tpu.memref_slice %arg12[%parallel_loop3A_508, %parallel_loop3A_597, %parallel_loop3A_598] : memref<3x128x128xf32, #tpu.memory_space<vmem>> -> memref<1x128x128xf32, #tpu.memory_space<vmem>>
        %parallel_loop3A_600 = tpu.memref_squeeze %parallel_loop3A_599 : memref<1x128x128xf32, #tpu.memory_space<vmem>> -> memref<128x128xf32, #tpu.memory_space<vmem>>
        %parallel_loop3A_601 = arith.index_cast %parallel_loop3A_526 : i32 to index
        %parallel_loop3A_602 = arith.constant 64 : index
        %parallel_loop3A_603 = tpu.vector_load %parallel_loop3A_600[%parallel_loop3A_601, %parallel_loop3A_602] {strides = array<i32>} : memref<128x128xf32, #tpu.memory_space<vmem>>, vector<16xf32>,
        tpu.vector_store %parallel_loop3A_600[%parallel_loop3A_601, %parallel_loop3A_602], %parallel_loop3A_596 {strides = array<i32>} : memref<128x128xf32, #tpu.memory_space<vmem>>, vector<16xf32>,
        %parallel_loop3A_604 = arith.constant 0 : i32
        %parallel_loop3A_605 = arith.constant 0 : i32
        %parallel_loop3A_606 = tpu.memref_slice %arg12[%parallel_loop3A_508, %parallel_loop3A_604, %parallel_loop3A_605] : memref<3x128x128xf32, #tpu.memory_space<vmem>> -> memref<1x128x128xf32, #tpu.memory_space<vmem>>
        %parallel_loop3A_607 = tpu.memref_squeeze %parallel_loop3A_606 : memref<1x128x128xf32, #tpu.memory_space<vmem>> -> memref<128x128xf32, #tpu.memory_space<vmem>>
        %parallel_loop3A_608 = arith.index_cast %parallel_loop3A_526 : i32 to index
        %parallel_loop3A_609 = arith.constant 80 : index
        %parallel_loop3A_610 = tpu.vector_load %parallel_loop3A_607[%parallel_loop3A_608, %parallel_loop3A_609] {strides = array<i32>} : memref<128x128xf32, #tpu.memory_space<vmem>>, vector<16xf32>,
        %parallel_loop3A_611 = arith.mulf %parallel_loop3A_610, %parallel_loop3A_528 : vector<16xf32>
        %parallel_loop3A_612 = arith.constant 0 : i32
        %parallel_loop3A_613 = arith.constant 0 : i32
        %parallel_loop3A_614 = tpu.memref_slice %arg12[%parallel_loop3A_508, %parallel_loop3A_612, %parallel_loop3A_613] : memref<3x128x128xf32, #tpu.memory_space<vmem>> -> memref<1x128x128xf32, #tpu.memory_space<vmem>>
        %parallel_loop3A_615 = tpu.memref_squeeze %parallel_loop3A_614 : memref<1x128x128xf32, #tpu.memory_space<vmem>> -> memref<128x128xf32, #tpu.memory_space<vmem>>
        %parallel_loop3A_616 = arith.index_cast %parallel_loop3A_526 : i32 to index
        %parallel_loop3A_617 = arith.constant 80 : index
        %parallel_loop3A_618 = tpu.vector_load %parallel_loop3A_615[%parallel_loop3A_616, %parallel_loop3A_617] {strides = array<i32>} : memref<128x128xf32, #tpu.memory_space<vmem>>, vector<16xf32>,
        tpu.vector_store %parallel_loop3A_615[%parallel_loop3A_616, %parallel_loop3A_617], %parallel_loop3A_611 {strides = array<i32>} : memref<128x128xf32, #tpu.memory_space<vmem>>, vector<16xf32>,
        %parallel_loop3A_619 = arith.constant 0 : i32
        %parallel_loop3A_620 = arith.constant 0 : i32
        %parallel_loop3A_621 = tpu.memref_slice %arg12[%parallel_loop3A_508, %parallel_loop3A_619, %parallel_loop3A_620] : memref<3x128x128xf32, #tpu.memory_space<vmem>> -> memref<1x128x128xf32, #tpu.memory_space<vmem>>
        %parallel_loop3A_622 = tpu.memref_squeeze %parallel_loop3A_621 : memref<1x128x128xf32, #tpu.memory_space<vmem>> -> memref<128x128xf32, #tpu.memory_space<vmem>>
        %parallel_loop3A_623 = arith.index_cast %parallel_loop3A_526 : i32 to index
        %parallel_loop3A_624 = arith.constant 96 : index
        %parallel_loop3A_625 = tpu.vector_load %parallel_loop3A_622[%parallel_loop3A_623, %parallel_loop3A_624] {strides = array<i32>} : memref<128x128xf32, #tpu.memory_space<vmem>>, vector<16xf32>,
        %parallel_loop3A_626 = arith.mulf %parallel_loop3A_625, %parallel_loop3A_528 : vector<16xf32>
        %parallel_loop3A_627 = arith.constant 0 : i32
        %parallel_loop3A_628 = arith.constant 0 : i32
        %parallel_loop3A_629 = tpu.memref_slice %arg12[%parallel_loop3A_508, %parallel_loop3A_627, %parallel_loop3A_628] : memref<3x128x128xf32, #tpu.memory_space<vmem>> -> memref<1x128x128xf32, #tpu.memory_space<vmem>>
        %parallel_loop3A_630 = tpu.memref_squeeze %parallel_loop3A_629 : memref<1x128x128xf32, #tpu.memory_space<vmem>> -> memref<128x128xf32, #tpu.memory_space<vmem>>
        %parallel_loop3A_631 = arith.index_cast %parallel_loop3A_526 : i32 to index
        %parallel_loop3A_632 = arith.constant 96 : index
        %parallel_loop3A_633 = tpu.vector_load %parallel_loop3A_630[%parallel_loop3A_631, %parallel_loop3A_632] {strides = array<i32>} : memref<128x128xf32, #tpu.memory_space<vmem>>, vector<16xf32>,
        tpu.vector_store %parallel_loop3A_630[%parallel_loop3A_631, %parallel_loop3A_632], %parallel_loop3A_626 {strides = array<i32>} : memref<128x128xf32, #tpu.memory_space<vmem>>, vector<16xf32>,
        %parallel_loop3A_634 = arith.constant 0 : i32
        %parallel_loop3A_635 = arith.constant 0 : i32
        %parallel_loop3A_636 = tpu.memref_slice %arg12[%parallel_loop3A_508, %parallel_loop3A_634, %parallel_loop3A_635] : memref<3x128x128xf32, #tpu.memory_space<vmem>> -> memref<1x128x128xf32, #tpu.memory_space<vmem>>
        %parallel_loop3A_637 = tpu.memref_squeeze %parallel_loop3A_636 : memref<1x128x128xf32, #tpu.memory_space<vmem>> -> memref<128x128xf32, #tpu.memory_space<vmem>>
        %parallel_loop3A_638 = arith.index_cast %parallel_loop3A_526 : i32 to index
        %parallel_loop3A_639 = arith.constant 112 : index
        %parallel_loop3A_640 = tpu.vector_load %parallel_loop3A_637[%parallel_loop3A_638, %parallel_loop3A_639] {strides = array<i32>} : memref<128x128xf32, #tpu.memory_space<vmem>>, vector<16xf32>,
        %parallel_loop3A_641 = arith.mulf %parallel_loop3A_640, %parallel_loop3A_528 : vector<16xf32>
        %parallel_loop3A_642 = arith.constant 0 : i32
        %parallel_loop3A_643 = arith.constant 0 : i32
        %parallel_loop3A_644 = tpu.memref_slice %arg12[%parallel_loop3A_508, %parallel_loop3A_642, %parallel_loop3A_643] : memref<3x128x128xf32, #tpu.memory_space<vmem>> -> memref<1x128x128xf32, #tpu.memory_space<vmem>>
        %parallel_loop3A_645 = tpu.memref_squeeze %parallel_loop3A_644 : memref<1x128x128xf32, #tpu.memory_space<vmem>> -> memref<128x128xf32, #tpu.memory_space<vmem>>
        %parallel_loop3A_646 = arith.index_cast %parallel_loop3A_526 : i32 to index
        %parallel_loop3A_647 = arith.constant 112 : index
        %parallel_loop3A_648 = tpu.vector_load %parallel_loop3A_645[%parallel_loop3A_646, %parallel_loop3A_647] {strides = array<i32>} : memref<128x128xf32, #tpu.memory_space<vmem>>, vector<16xf32>,
        tpu.vector_store %parallel_loop3A_645[%parallel_loop3A_646, %parallel_loop3A_647], %parallel_loop3A_641 {strides = array<i32>} : memref<128x128xf32, #tpu.memory_space<vmem>>, vector<16xf32>,
        %parallel_loop3A_649 = arith.constant 1 : i32
        %parallel_loop3A_650 = vector.broadcast %parallel_loop3A_649 : i32 to vector<16xi32>
        %parallel_loop3A_651 = arith.addi %parallel_loop3A_527, %parallel_loop3A_650 : vector<16xi32>
        scf.yield %parallel_loop3A_651 : vector<16xi32>
      } {sc.loop_unroll_factor = 4 : i64, sc.parallel_access}
      %dma_start3A_510 = arith.constant 2 : i32
      %dma_start3A_511 = arith.constant 2 : i32
      %dma_start3A_512 = arith.constant 0 : i32
      %dma_start3A_513 = arith.constant 2 : i32
      %dma_start3A_514 = arith.constant 0 : i32
      %dma_start3A_515 = arith.constant 0 : i32
      %dma_start3A_516 = tpu.memref_slice %arg12[%dma_start3A_510, %dma_start3A_514, %dma_start3A_515] : memref<3x128x128xf32, #tpu.memory_space<vmem>> -> memref<1x128x128xf32, #tpu.memory_space<vmem>>
      %dma_start3A_517 = tpu.memref_squeeze %dma_start3A_516 : memref<1x128x128xf32, #tpu.memory_space<vmem>> -> memref<128x128xf32, #tpu.memory_space<vmem>>
      %dma_start3A_518 = arith.constant 0 : i32
      %dma_start3A_519 = tpu.memref_slice %arg8[%dma_start3A_511, %dma_start3A_512, %dma_start3A_518] : memref<3x2x128xi32, #tpu.memory_space<vmem>> -> memref<1x1x128xi32, #tpu.memory_space<vmem>>
      %dma_start3A_520 = tpu.memref_squeeze %dma_start3A_519 : memref<1x1x128xi32, #tpu.memory_space<vmem>> -> memref<128xi32, #tpu.memory_space<vmem>>
      %dma_start3A_521 = arith.constant 0 : i32
      %dma_start3A_522 = arith.constant 0 : i32
      %dma_start3A_523 = tpu.memref_slice %arg13[%dma_start3A_521, %dma_start3A_522] : memref<10000x128xf32, #tpu.memory_space<vmem_shared>> -> memref<10000x128xf32, #tpu.memory_space<vmem_shared>>
      %dma_start3A_524 = tpu.memref_slice %arg18[%dma_start3A_513] : memref<3x!tpu.dma_semaphore, #tpu.memory_space<semaphore_mem>> -> memref<1x!tpu.dma_semaphore, #tpu.memory_space<semaphore_mem>>
      %dma_start3A_525 = tpu.memref_squeeze %dma_start3A_524 : memref<1x!tpu.dma_semaphore, #tpu.memory_space<semaphore_mem>> -> memref<!tpu.dma_semaphore, #tpu.memory_space<semaphore_mem>>
      tpu.enqueue_indirect_dma source(%dma_start3A_517 : memref<128x128xf32, #tpu.memory_space<vmem>>) target(%dma_start3A_523 : memref<10000x128xf32, #tpu.memory_space<vmem_shared>>) offsets(%dma_start3A_520 : memref<128xi32, #tpu.memory_space<vmem>>) semaphore(%dma_start3A_525 : memref<!tpu.dma_semaphore, #tpu.memory_space<semaphore_mem>>) {add = true}
    }
    %scan3A_174 = arith.constant 26 : i32
    %dma_wait3A_175 = arith.constant 2 : i32
    %dma_wait3A_176 = arith.constant 2 : i32
    %dma_wait3A_177 = arith.constant 0 : i32
    %dma_wait3A_178 = arith.constant 2 : i32
    %dma_wait3A_179 = arith.constant 0 : i32
    %dma_wait3A_180 = arith.constant 0 : i32
    %dma_wait3A_181 = tpu.memref_slice %arg12[%dma_wait3A_175, %dma_wait3A_179, %dma_wait3A_180] : memref<3x128x128xf32, #tpu.memory_space<vmem>> -> memref<1x128x128xf32, #tpu.memory_space<vmem>>
    %dma_wait3A_182 = tpu.memref_squeeze %dma_wait3A_181 : memref<1x128x128xf32, #tpu.memory_space<vmem>> -> memref<128x128xf32, #tpu.memory_space<vmem>>
    %dma_wait3A_183 = arith.constant 0 : i32
    %dma_wait3A_184 = tpu.memref_slice %arg8[%dma_wait3A_176, %dma_wait3A_177, %dma_wait3A_183] : memref<3x2x128xi32, #tpu.memory_space<vmem>> -> memref<1x1x128xi32, #tpu.memory_space<vmem>>
    %dma_wait3A_185 = tpu.memref_squeeze %dma_wait3A_184 : memref<1x1x128xi32, #tpu.memory_space<vmem>> -> memref<128xi32, #tpu.memory_space<vmem>>
    %dma_wait3A_186 = arith.constant 0 : i32
    %dma_wait3A_187 = arith.constant 0 : i32
    %dma_wait3A_188 = tpu.memref_slice %arg13[%dma_wait3A_186, %dma_wait3A_187] : memref<10000x128xf32, #tpu.memory_space<vmem_shared>> -> memref<10000x128xf32, #tpu.memory_space<vmem_shared>>
    %dma_wait3A_189 = tpu.memref_slice %arg18[%dma_wait3A_178] : memref<3x!tpu.dma_semaphore, #tpu.memory_space<semaphore_mem>> -> memref<1x!tpu.dma_semaphore, #tpu.memory_space<semaphore_mem>>
    %dma_wait3A_190 = tpu.memref_squeeze %dma_wait3A_189 : memref<1x!tpu.dma_semaphore, #tpu.memory_space<semaphore_mem>> -> memref<!tpu.dma_semaphore, #tpu.memory_space<semaphore_mem>>
    tpu.wait_indirect_dma semaphore(%dma_wait3A_190 : memref<!tpu.dma_semaphore, #tpu.memory_space<semaphore_mem>>) src(%dma_wait3A_182 : memref<128x128xf32, #tpu.memory_space<vmem>>) dst(%dma_wait3A_188 : memref<10000x128xf32, #tpu.memory_space<vmem_shared>>)
    %add3A_191 = arith.constant 9984 : i32
    %add3A_192 = arith.addi %mul3A_2, %add3A_191 : i32
    %run_scoped3A = arith.constant 0 : i32
    "tpu.region"() ({
      %run_scoped3A_267 = tpu.sem_alloc : memref<!tpu.dma_semaphore, #tpu.memory_space<semaphore_mem>>
      %dma_start3A_268 = arith.constant 0 : i32
      %dma_start3A_269 = tpu.memref_slice %arg10[%run_scoped3A, %dma_start3A_268] : memref<2x16xi32, #tpu.memory_space<vmem>> -> memref<1x16xi32, #tpu.memory_space<vmem>>
      %dma_start3A_270 = tpu.memref_squeeze %dma_start3A_269 : memref<1x16xi32, #tpu.memory_space<vmem>> -> memref<16xi32, #tpu.memory_space<vmem>>
      %dma_start3A_271 = tpu.memref_slice %arg3[%add3A_192] : memref<320000xi32, #tpu.memory_space<hbm>> -> memref<16xi32, #tpu.memory_space<hbm>>
      %dma_start3A_272 = arith.constant 0 : i32
      %dma_start3A_273 = tpu.memref_slice %arg10[%run_scoped3A, %dma_start3A_272] : memref<2x16xi32, #tpu.memory_space<vmem>> -> memref<1x16xi32, #tpu.memory_space<vmem>>
      %dma_start3A_274 = tpu.memref_squeeze %dma_start3A_273 : memref<1x16xi32, #tpu.memory_space<vmem>> -> memref<16xi32, #tpu.memory_space<vmem>>
      %dma_start3A_275 = tpu.memref_slice %arg3[%add3A_192] : memref<320000xi32, #tpu.memory_space<hbm>> -> memref<16xi32, #tpu.memory_space<hbm>>
      tpu.enqueue_dma source(%dma_start3A_275 : memref<16xi32, #tpu.memory_space<hbm>>) target(%dma_start3A_274 : memref<16xi32, #tpu.memory_space<vmem>>) target_semaphore(%run_scoped3A_267 : memref<!tpu.dma_semaphore, #tpu.memory_space<semaphore_mem>>)
      %dma_wait3A_276 = arith.constant 0 : i32
      %dma_wait3A_277 = tpu.memref_slice %arg10[%run_scoped3A, %dma_wait3A_276] : memref<2x16xi32, #tpu.memory_space<vmem>> -> memref<1x16xi32, #tpu.memory_space<vmem>>
      %dma_wait3A_278 = tpu.memref_squeeze %dma_wait3A_277 : memref<1x16xi32, #tpu.memory_space<vmem>> -> memref<16xi32, #tpu.memory_space<vmem>>
      %dma_wait3A_279 = tpu.memref_slice %arg3[%add3A_192] : memref<320000xi32, #tpu.memory_space<hbm>> -> memref<16xi32, #tpu.memory_space<hbm>>
      %dma_wait3A_280 = arith.constant 0 : i32
      %dma_wait3A_281 = tpu.memref_slice %arg10[%run_scoped3A, %dma_wait3A_280] : memref<2x16xi32, #tpu.memory_space<vmem>> -> memref<1x16xi32, #tpu.memory_space<vmem>>
      %dma_wait3A_282 = tpu.memref_squeeze %dma_wait3A_281 : memref<1x16xi32, #tpu.memory_space<vmem>> -> memref<16xi32, #tpu.memory_space<vmem>>
      %dma_wait3A_283 = tpu.memref_slice %arg3[%add3A_192] : memref<320000xi32, #tpu.memory_space<hbm>> -> memref<16xi32, #tpu.memory_space<hbm>>
      tpu.wait_dma2 semaphore(%run_scoped3A_267 : memref<!tpu.dma_semaphore, #tpu.memory_space<semaphore_mem>>) src(%dma_wait3A_283 : memref<16xi32, #tpu.memory_space<hbm>>) dst(%dma_wait3A_282 : memref<16xi32, #tpu.memory_space<vmem>>)
      tpu.yield
    }) : () -> ()
    %run_scoped3A_193 = arith.constant 1 : i32
    "tpu.region"() ({
      %run_scoped3A_267 = tpu.sem_alloc : memref<!tpu.dma_semaphore, #tpu.memory_space<semaphore_mem>>
      %dma_start3A_268 = arith.constant 0 : i32
      %dma_start3A_269 = tpu.memref_slice %arg10[%run_scoped3A_193, %dma_start3A_268] : memref<2x16xi32, #tpu.memory_space<vmem>> -> memref<1x16xi32, #tpu.memory_space<vmem>>
      %dma_start3A_270 = tpu.memref_squeeze %dma_start3A_269 : memref<1x16xi32, #tpu.memory_space<vmem>> -> memref<16xi32, #tpu.memory_space<vmem>>
      %dma_start3A_271 = tpu.memref_slice %arg4[%add3A_192] : memref<320000xi32, #tpu.memory_space<hbm>> -> memref<16xi32, #tpu.memory_space<hbm>>
      %dma_start3A_272 = arith.constant 0 : i32
      %dma_start3A_273 = tpu.memref_slice %arg10[%run_scoped3A_193, %dma_start3A_272] : memref<2x16xi32, #tpu.memory_space<vmem>> -> memref<1x16xi32, #tpu.memory_space<vmem>>
      %dma_start3A_274 = tpu.memref_squeeze %dma_start3A_273 : memref<1x16xi32, #tpu.memory_space<vmem>> -> memref<16xi32, #tpu.memory_space<vmem>>
      %dma_start3A_275 = tpu.memref_slice %arg4[%add3A_192] : memref<320000xi32, #tpu.memory_space<hbm>> -> memref<16xi32, #tpu.memory_space<hbm>>
      tpu.enqueue_dma source(%dma_start3A_275 : memref<16xi32, #tpu.memory_space<hbm>>) target(%dma_start3A_274 : memref<16xi32, #tpu.memory_space<vmem>>) target_semaphore(%run_scoped3A_267 : memref<!tpu.dma_semaphore, #tpu.memory_space<semaphore_mem>>)
      %dma_wait3A_276 = arith.constant 0 : i32
      %dma_wait3A_277 = tpu.memref_slice %arg10[%run_scoped3A_193, %dma_wait3A_276] : memref<2x16xi32, #tpu.memory_space<vmem>> -> memref<1x16xi32, #tpu.memory_space<vmem>>
      %dma_wait3A_278 = tpu.memref_squeeze %dma_wait3A_277 : memref<1x16xi32, #tpu.memory_space<vmem>> -> memref<16xi32, #tpu.memory_space<vmem>>
      %dma_wait3A_279 = tpu.memref_slice %arg4[%add3A_192] : memref<320000xi32, #tpu.memory_space<hbm>> -> memref<16xi32, #tpu.memory_space<hbm>>
      %dma_wait3A_280 = arith.constant 0 : i32
      %dma_wait3A_281 = tpu.memref_slice %arg10[%run_scoped3A_193, %dma_wait3A_280] : memref<2x16xi32, #tpu.memory_space<vmem>> -> memref<1x16xi32, #tpu.memory_space<vmem>>
      %dma_wait3A_282 = tpu.memref_squeeze %dma_wait3A_281 : memref<1x16xi32, #tpu.memory_space<vmem>> -> memref<16xi32, #tpu.memory_space<vmem>>
      %dma_wait3A_283 = tpu.memref_slice %arg4[%add3A_192] : memref<320000xi32, #tpu.memory_space<hbm>> -> memref<16xi32, #tpu.memory_space<hbm>>
      tpu.wait_dma2 semaphore(%run_scoped3A_267 : memref<!tpu.dma_semaphore, #tpu.memory_space<semaphore_mem>>) src(%dma_wait3A_283 : memref<16xi32, #tpu.memory_space<hbm>>) dst(%dma_wait3A_282 : memref<16xi32, #tpu.memory_space<vmem>>)
      tpu.yield
    }) : () -> ()
    "tpu.region"() ({
      %run_scoped3A_267 = tpu.sem_alloc : memref<!tpu.dma_semaphore, #tpu.memory_space<semaphore_mem>>
      %dma_start3A_268 = tpu.memref_slice %arg5[%add3A_192] : memref<320000xf32, #tpu.memory_space<hbm>> -> memref<16xf32, #tpu.memory_space<hbm>>
      %dma_start3A_269 = tpu.memref_slice %arg5[%add3A_192] : memref<320000xf32, #tpu.memory_space<hbm>> -> memref<16xf32, #tpu.memory_space<hbm>>
      tpu.enqueue_dma source(%dma_start3A_269 : memref<16xf32, #tpu.memory_space<hbm>>) target(%arg11 : memref<16xf32, #tpu.memory_space<vmem>>) target_semaphore(%run_scoped3A_267 : memref<!tpu.dma_semaphore, #tpu.memory_space<semaphore_mem>>)
      %dma_wait3A_270 = tpu.memref_slice %arg5[%add3A_192] : memref<320000xf32, #tpu.memory_space<hbm>> -> memref<16xf32, #tpu.memory_space<hbm>>
      %dma_wait3A_271 = tpu.memref_slice %arg5[%add3A_192] : memref<320000xf32, #tpu.memory_space<hbm>> -> memref<16xf32, #tpu.memory_space<hbm>>
      tpu.wait_dma2 semaphore(%run_scoped3A_267 : memref<!tpu.dma_semaphore, #tpu.memory_space<semaphore_mem>>) src(%dma_wait3A_271 : memref<16xf32, #tpu.memory_space<hbm>>) dst(%arg11 : memref<16xf32, #tpu.memory_space<vmem>>)
      tpu.yield
    }) : () -> ()
    %dma_start3A_194 = arith.constant 1 : i32
    %dma_start3A_195 = arith.constant 0 : i32
    %dma_start3A_196 = arith.constant 0 : i32
    %dma_start3A_197 = arith.constant 0 : i32
    %dma_start3A_198 = arith.constant 0 : i32
    %dma_start3A_199 = tpu.memref_slice %arg12[%dma_start3A_195, %dma_start3A_197, %dma_start3A_198] : memref<3x128x128xf32, #tpu.memory_space<vmem>> -> memref<1x16x128xf32, #tpu.memory_space<vmem>>
    %dma_start3A_200 = tpu.memref_squeeze %dma_start3A_199 : memref<1x16x128xf32, #tpu.memory_space<vmem>> -> memref<16x128xf32, #tpu.memory_space<vmem>>
    %dma_start3A_201 = arith.constant 0 : i32
    %dma_start3A_202 = tpu.memref_slice %arg10[%dma_start3A_194, %dma_start3A_201] : memref<2x16xi32, #tpu.memory_space<vmem>> -> memref<1x16xi32, #tpu.memory_space<vmem>>
    %dma_start3A_203 = tpu.memref_squeeze %dma_start3A_202 : memref<1x16xi32, #tpu.memory_space<vmem>> -> memref<16xi32, #tpu.memory_space<vmem>>
    %dma_start3A_204 = arith.constant 0 : i32
    %dma_start3A_205 = arith.constant 0 : i32
    %dma_start3A_206 = tpu.memref_slice %arg2[%dma_start3A_204, %dma_start3A_205] : memref<10000x128xf32, #tpu.memory_space<hbm>> -> memref<10000x128xf32, #tpu.memory_space<hbm>>
    %dma_start3A_207 = tpu.memref_slice %arg16[%dma_start3A_196] : memref<3x!tpu.dma_semaphore, #tpu.memory_space<semaphore_mem>> -> memref<1x!tpu.dma_semaphore, #tpu.memory_space<semaphore_mem>>
    %dma_start3A_208 = tpu.memref_squeeze %dma_start3A_207 : memref<1x!tpu.dma_semaphore, #tpu.memory_space<semaphore_mem>> -> memref<!tpu.dma_semaphore, #tpu.memory_space<semaphore_mem>>
    tpu.enqueue_indirect_dma source(%dma_start3A_206 : memref<10000x128xf32, #tpu.memory_space<hbm>>) target(%dma_start3A_200 : memref<16x128xf32, #tpu.memory_space<vmem>>) offsets(%dma_start3A_203 : memref<16xi32, #tpu.memory_space<vmem>>) semaphore(%dma_start3A_208 : memref<!tpu.dma_semaphore, #tpu.memory_space<semaphore_mem>>)
    %dma_wait3A_209 = arith.constant 1 : i32
    %dma_wait3A_210 = arith.constant 0 : i32
    %dma_wait3A_211 = arith.constant 0 : i32
    %dma_wait3A_212 = arith.constant 0 : i32
    %dma_wait3A_213 = arith.constant 0 : i32
    %dma_wait3A_214 = tpu.memref_slice %arg12[%dma_wait3A_210, %dma_wait3A_212, %dma_wait3A_213] : memref<3x128x128xf32, #tpu.memory_space<vmem>> -> memref<1x16x128xf32, #tpu.memory_space<vmem>>
    %dma_wait3A_215 = tpu.memref_squeeze %dma_wait3A_214 : memref<1x16x128xf32, #tpu.memory_space<vmem>> -> memref<16x128xf32, #tpu.memory_space<vmem>>
    %dma_wait3A_216 = arith.constant 0 : i32
    %dma_wait3A_217 = tpu.memref_slice %arg10[%dma_wait3A_209, %dma_wait3A_216] : memref<2x16xi32, #tpu.memory_space<vmem>> -> memref<1x16xi32, #tpu.memory_space<vmem>>
    %dma_wait3A_218 = tpu.memref_squeeze %dma_wait3A_217 : memref<1x16xi32, #tpu.memory_space<vmem>> -> memref<16xi32, #tpu.memory_space<vmem>>
    %dma_wait3A_219 = arith.constant 0 : i32
    %dma_wait3A_220 = arith.constant 0 : i32
    %dma_wait3A_221 = tpu.memref_slice %arg2[%dma_wait3A_219, %dma_wait3A_220] : memref<10000x128xf32, #tpu.memory_space<hbm>> -> memref<10000x128xf32, #tpu.memory_space<hbm>>
    %dma_wait3A_222 = tpu.memref_slice %arg16[%dma_wait3A_211] : memref<3x!tpu.dma_semaphore, #tpu.memory_space<semaphore_mem>> -> memref<1x!tpu.dma_semaphore, #tpu.memory_space<semaphore_mem>>
    %dma_wait3A_223 = tpu.memref_squeeze %dma_wait3A_222 : memref<1x!tpu.dma_semaphore, #tpu.memory_space<semaphore_mem>> -> memref<!tpu.dma_semaphore, #tpu.memory_space<semaphore_mem>>
    tpu.wait_indirect_dma semaphore(%dma_wait3A_223 : memref<!tpu.dma_semaphore, #tpu.memory_space<semaphore_mem>>) src(%dma_wait3A_221 : memref<10000x128xf32, #tpu.memory_space<hbm>>) dst(%dma_wait3A_215 : memref<16x128xf32, #tpu.memory_space<vmem>>)
    %parallel_loop3A = arith.constant 0 : i32
    %parallel_loop3A_224 = arith.constant 16 : i32
    %parallel_loop3A_225 = arith.constant 1 : i32
    %parallel_loop3A_226 = arith.constant 0 : i32
    scf.for %parallel_loop3A_267 = %parallel_loop3A to %parallel_loop3A_224 step %parallel_loop3A_225  : i32 {
      %parallel_loop3A_268 = vector.broadcast %parallel_loop3A_267 : i32 to vector<16xi32>
      %parallel_loop3A_269 = tpu.vector_load_idx %arg11[%parallel_loop3A_268] : memref<16xf32, #tpu.memory_space<vmem>>[vector<16xi32>], vector<16xf32>,
      %parallel_loop3A_270 = arith.constant 0 : i32
      %parallel_loop3A_271 = arith.constant 0 : i32
      %parallel_loop3A_272 = tpu.memref_slice %arg12[%parallel_loop3A_226, %parallel_loop3A_270, %parallel_loop3A_271] : memref<3x128x128xf32, #tpu.memory_space<vmem>> -> memref<1x128x128xf32, #tpu.memory_space<vmem>>
      %parallel_loop3A_273 = tpu.memref_squeeze %parallel_loop3A_272 : memref<1x128x128xf32, #tpu.memory_space<vmem>> -> memref<128x128xf32, #tpu.memory_space<vmem>>
      %parallel_loop3A_274 = arith.index_cast %parallel_loop3A_267 : i32 to index
      %parallel_loop3A_275 = arith.constant 0 : index
      %parallel_loop3A_276 = tpu.vector_load %parallel_loop3A_273[%parallel_loop3A_274, %parallel_loop3A_275] {strides = array<i32>} : memref<128x128xf32, #tpu.memory_space<vmem>>, vector<16xf32>,
      %parallel_loop3A_277 = arith.mulf %parallel_loop3A_276, %parallel_loop3A_269 : vector<16xf32>
      %parallel_loop3A_278 = arith.constant 0 : i32
      %parallel_loop3A_279 = arith.constant 0 : i32
      %parallel_loop3A_280 = tpu.memref_slice %arg12[%parallel_loop3A_226, %parallel_loop3A_278, %parallel_loop3A_279] : memref<3x128x128xf32, #tpu.memory_space<vmem>> -> memref<1x128x128xf32, #tpu.memory_space<vmem>>
      %parallel_loop3A_281 = tpu.memref_squeeze %parallel_loop3A_280 : memref<1x128x128xf32, #tpu.memory_space<vmem>> -> memref<128x128xf32, #tpu.memory_space<vmem>>
      %parallel_loop3A_282 = arith.index_cast %parallel_loop3A_267 : i32 to index
      %parallel_loop3A_283 = arith.constant 0 : index
      %parallel_loop3A_284 = tpu.vector_load %parallel_loop3A_281[%parallel_loop3A_282, %parallel_loop3A_283] {strides = array<i32>} : memref<128x128xf32, #tpu.memory_space<vmem>>, vector<16xf32>,
      tpu.vector_store %parallel_loop3A_281[%parallel_loop3A_282, %parallel_loop3A_283], %parallel_loop3A_277 {strides = array<i32>} : memref<128x128xf32, #tpu.memory_space<vmem>>, vector<16xf32>,
      %parallel_loop3A_285 = arith.constant 0 : i32
      %parallel_loop3A_286 = arith.constant 0 : i32
      %parallel_loop3A_287 = tpu.memref_slice %arg12[%parallel_loop3A_226, %parallel_loop3A_285, %parallel_loop3A_286] : memref<3x128x128xf32, #tpu.memory_space<vmem>> -> memref<1x128x128xf32, #tpu.memory_space<vmem>>
      %parallel_loop3A_288 = tpu.memref_squeeze %parallel_loop3A_287 : memref<1x128x128xf32, #tpu.memory_space<vmem>> -> memref<128x128xf32, #tpu.memory_space<vmem>>
      %parallel_loop3A_289 = arith.index_cast %parallel_loop3A_267 : i32 to index
      %parallel_loop3A_290 = arith.constant 16 : index
      %parallel_loop3A_291 = tpu.vector_load %parallel_loop3A_288[%parallel_loop3A_289, %parallel_loop3A_290] {strides = array<i32>} : memref<128x128xf32, #tpu.memory_space<vmem>>, vector<16xf32>,
      %parallel_loop3A_292 = arith.mulf %parallel_loop3A_291, %parallel_loop3A_269 : vector<16xf32>
      %parallel_loop3A_293 = arith.constant 0 : i32
      %parallel_loop3A_294 = arith.constant 0 : i32
      %parallel_loop3A_295 = tpu.memref_slice %arg12[%parallel_loop3A_226, %parallel_loop3A_293, %parallel_loop3A_294] : memref<3x128x128xf32, #tpu.memory_space<vmem>> -> memref<1x128x128xf32, #tpu.memory_space<vmem>>
      %parallel_loop3A_296 = tpu.memref_squeeze %parallel_loop3A_295 : memref<1x128x128xf32, #tpu.memory_space<vmem>> -> memref<128x128xf32, #tpu.memory_space<vmem>>
      %parallel_loop3A_297 = arith.index_cast %parallel_loop3A_267 : i32 to index
      %parallel_loop3A_298 = arith.constant 16 : index
      %parallel_loop3A_299 = tpu.vector_load %parallel_loop3A_296[%parallel_loop3A_297, %parallel_loop3A_298] {strides = array<i32>} : memref<128x128xf32, #tpu.memory_space<vmem>>, vector<16xf32>,
      tpu.vector_store %parallel_loop3A_296[%parallel_loop3A_297, %parallel_loop3A_298], %parallel_loop3A_292 {strides = array<i32>} : memref<128x128xf32, #tpu.memory_space<vmem>>, vector<16xf32>,
      %parallel_loop3A_300 = arith.constant 0 : i32
      %parallel_loop3A_301 = arith.constant 0 : i32
      %parallel_loop3A_302 = tpu.memref_slice %arg12[%parallel_loop3A_226, %parallel_loop3A_300, %parallel_loop3A_301] : memref<3x128x128xf32, #tpu.memory_space<vmem>> -> memref<1x128x128xf32, #tpu.memory_space<vmem>>
      %parallel_loop3A_303 = tpu.memref_squeeze %parallel_loop3A_302 : memref<1x128x128xf32, #tpu.memory_space<vmem>> -> memref<128x128xf32, #tpu.memory_space<vmem>>
      %parallel_loop3A_304 = arith.index_cast %parallel_loop3A_267 : i32 to index
      %parallel_loop3A_305 = arith.constant 32 : index
      %parallel_loop3A_306 = tpu.vector_load %parallel_loop3A_303[%parallel_loop3A_304, %parallel_loop3A_305] {strides = array<i32>} : memref<128x128xf32, #tpu.memory_space<vmem>>, vector<16xf32>,
      %parallel_loop3A_307 = arith.mulf %parallel_loop3A_306, %parallel_loop3A_269 : vector<16xf32>
      %parallel_loop3A_308 = arith.constant 0 : i32
      %parallel_loop3A_309 = arith.constant 0 : i32
      %parallel_loop3A_310 = tpu.memref_slice %arg12[%parallel_loop3A_226, %parallel_loop3A_308, %parallel_loop3A_309] : memref<3x128x128xf32, #tpu.memory_space<vmem>> -> memref<1x128x128xf32, #tpu.memory_space<vmem>>
      %parallel_loop3A_311 = tpu.memref_squeeze %parallel_loop3A_310 : memref<1x128x128xf32, #tpu.memory_space<vmem>> -> memref<128x128xf32, #tpu.memory_space<vmem>>
      %parallel_loop3A_312 = arith.index_cast %parallel_loop3A_267 : i32 to index
      %parallel_loop3A_313 = arith.constant 32 : index
      %parallel_loop3A_314 = tpu.vector_load %parallel_loop3A_311[%parallel_loop3A_312, %parallel_loop3A_313] {strides = array<i32>} : memref<128x128xf32, #tpu.memory_space<vmem>>, vector<16xf32>,
      tpu.vector_store %parallel_loop3A_311[%parallel_loop3A_312, %parallel_loop3A_313], %parallel_loop3A_307 {strides = array<i32>} : memref<128x128xf32, #tpu.memory_space<vmem>>, vector<16xf32>,
      %parallel_loop3A_315 = arith.constant 0 : i32
      %parallel_loop3A_316 = arith.constant 0 : i32
      %parallel_loop3A_317 = tpu.memref_slice %arg12[%parallel_loop3A_226, %parallel_loop3A_315, %parallel_loop3A_316] : memref<3x128x128xf32, #tpu.memory_space<vmem>> -> memref<1x128x128xf32, #tpu.memory_space<vmem>>
      %parallel_loop3A_318 = tpu.memref_squeeze %parallel_loop3A_317 : memref<1x128x128xf32, #tpu.memory_space<vmem>> -> memref<128x128xf32, #tpu.memory_space<vmem>>
      %parallel_loop3A_319 = arith.index_cast %parallel_loop3A_267 : i32 to index
      %parallel_loop3A_320 = arith.constant 48 : index
      %parallel_loop3A_321 = tpu.vector_load %parallel_loop3A_318[%parallel_loop3A_319, %parallel_loop3A_320] {strides = array<i32>} : memref<128x128xf32, #tpu.memory_space<vmem>>, vector<16xf32>,
      %parallel_loop3A_322 = arith.mulf %parallel_loop3A_321, %parallel_loop3A_269 : vector<16xf32>
      %parallel_loop3A_323 = arith.constant 0 : i32
      %parallel_loop3A_324 = arith.constant 0 : i32
      %parallel_loop3A_325 = tpu.memref_slice %arg12[%parallel_loop3A_226, %parallel_loop3A_323, %parallel_loop3A_324] : memref<3x128x128xf32, #tpu.memory_space<vmem>> -> memref<1x128x128xf32, #tpu.memory_space<vmem>>
      %parallel_loop3A_326 = tpu.memref_squeeze %parallel_loop3A_325 : memref<1x128x128xf32, #tpu.memory_space<vmem>> -> memref<128x128xf32, #tpu.memory_space<vmem>>
      %parallel_loop3A_327 = arith.index_cast %parallel_loop3A_267 : i32 to index
      %parallel_loop3A_328 = arith.constant 48 : index
      %parallel_loop3A_329 = tpu.vector_load %parallel_loop3A_326[%parallel_loop3A_327, %parallel_loop3A_328] {strides = array<i32>} : memref<128x128xf32, #tpu.memory_space<vmem>>, vector<16xf32>,
      tpu.vector_store %parallel_loop3A_326[%parallel_loop3A_327, %parallel_loop3A_328], %parallel_loop3A_322 {strides = array<i32>} : memref<128x128xf32, #tpu.memory_space<vmem>>, vector<16xf32>,
      %parallel_loop3A_330 = arith.constant 0 : i32
      %parallel_loop3A_331 = arith.constant 0 : i32
      %parallel_loop3A_332 = tpu.memref_slice %arg12[%parallel_loop3A_226, %parallel_loop3A_330, %parallel_loop3A_331] : memref<3x128x128xf32, #tpu.memory_space<vmem>> -> memref<1x128x128xf32, #tpu.memory_space<vmem>>
      %parallel_loop3A_333 = tpu.memref_squeeze %parallel_loop3A_332 : memref<1x128x128xf32, #tpu.memory_space<vmem>> -> memref<128x128xf32, #tpu.memory_space<vmem>>
      %parallel_loop3A_334 = arith.index_cast %parallel_loop3A_267 : i32 to index
      %parallel_loop3A_335 = arith.constant 64 : index
      %parallel_loop3A_336 = tpu.vector_load %parallel_loop3A_333[%parallel_loop3A_334, %parallel_loop3A_335] {strides = array<i32>} : memref<128x128xf32, #tpu.memory_space<vmem>>, vector<16xf32>,
      %parallel_loop3A_337 = arith.mulf %parallel_loop3A_336, %parallel_loop3A_269 : vector<16xf32>
      %parallel_loop3A_338 = arith.constant 0 : i32
      %parallel_loop3A_339 = arith.constant 0 : i32
      %parallel_loop3A_340 = tpu.memref_slice %arg12[%parallel_loop3A_226, %parallel_loop3A_338, %parallel_loop3A_339] : memref<3x128x128xf32, #tpu.memory_space<vmem>> -> memref<1x128x128xf32, #tpu.memory_space<vmem>>
      %parallel_loop3A_341 = tpu.memref_squeeze %parallel_loop3A_340 : memref<1x128x128xf32, #tpu.memory_space<vmem>> -> memref<128x128xf32, #tpu.memory_space<vmem>>
      %parallel_loop3A_342 = arith.index_cast %parallel_loop3A_267 : i32 to index
      %parallel_loop3A_343 = arith.constant 64 : index
      %parallel_loop3A_344 = tpu.vector_load %parallel_loop3A_341[%parallel_loop3A_342, %parallel_loop3A_343] {strides = array<i32>} : memref<128x128xf32, #tpu.memory_space<vmem>>, vector<16xf32>,
      tpu.vector_store %parallel_loop3A_341[%parallel_loop3A_342, %parallel_loop3A_343], %parallel_loop3A_337 {strides = array<i32>} : memref<128x128xf32, #tpu.memory_space<vmem>>, vector<16xf32>,
      %parallel_loop3A_345 = arith.constant 0 : i32
      %parallel_loop3A_346 = arith.constant 0 : i32
      %parallel_loop3A_347 = tpu.memref_slice %arg12[%parallel_loop3A_226, %parallel_loop3A_345, %parallel_loop3A_346] : memref<3x128x128xf32, #tpu.memory_space<vmem>> -> memref<1x128x128xf32, #tpu.memory_space<vmem>>
      %parallel_loop3A_348 = tpu.memref_squeeze %parallel_loop3A_347 : memref<1x128x128xf32, #tpu.memory_space<vmem>> -> memref<128x128xf32, #tpu.memory_space<vmem>>
      %parallel_loop3A_349 = arith.index_cast %parallel_loop3A_267 : i32 to index
      %parallel_loop3A_350 = arith.constant 80 : index
      %parallel_loop3A_351 = tpu.vector_load %parallel_loop3A_348[%parallel_loop3A_349, %parallel_loop3A_350] {strides = array<i32>} : memref<128x128xf32, #tpu.memory_space<vmem>>, vector<16xf32>,
      %parallel_loop3A_352 = arith.mulf %parallel_loop3A_351, %parallel_loop3A_269 : vector<16xf32>
      %parallel_loop3A_353 = arith.constant 0 : i32
      %parallel_loop3A_354 = arith.constant 0 : i32
      %parallel_loop3A_355 = tpu.memref_slice %arg12[%parallel_loop3A_226, %parallel_loop3A_353, %parallel_loop3A_354] : memref<3x128x128xf32, #tpu.memory_space<vmem>> -> memref<1x128x128xf32, #tpu.memory_space<vmem>>
      %parallel_loop3A_356 = tpu.memref_squeeze %parallel_loop3A_355 : memref<1x128x128xf32, #tpu.memory_space<vmem>> -> memref<128x128xf32, #tpu.memory_space<vmem>>
      %parallel_loop3A_357 = arith.index_cast %parallel_loop3A_267 : i32 to index
      %parallel_loop3A_358 = arith.constant 80 : index
      %parallel_loop3A_359 = tpu.vector_load %parallel_loop3A_356[%parallel_loop3A_357, %parallel_loop3A_358] {strides = array<i32>} : memref<128x128xf32, #tpu.memory_space<vmem>>, vector<16xf32>,
      tpu.vector_store %parallel_loop3A_356[%parallel_loop3A_357, %parallel_loop3A_358], %parallel_loop3A_352 {strides = array<i32>} : memref<128x128xf32, #tpu.memory_space<vmem>>, vector<16xf32>,
      %parallel_loop3A_360 = arith.constant 0 : i32
      %parallel_loop3A_361 = arith.constant 0 : i32
      %parallel_loop3A_362 = tpu.memref_slice %arg12[%parallel_loop3A_226, %parallel_loop3A_360, %parallel_loop3A_361] : memref<3x128x128xf32, #tpu.memory_space<vmem>> -> memref<1x128x128xf32, #tpu.memory_space<vmem>>
      %parallel_loop3A_363 = tpu.memref_squeeze %parallel_loop3A_362 : memref<1x128x128xf32, #tpu.memory_space<vmem>> -> memref<128x128xf32, #tpu.memory_space<vmem>>
      %parallel_loop3A_364 = arith.index_cast %parallel_loop3A_267 : i32 to index
      %parallel_loop3A_365 = arith.constant 96 : index
      %parallel_loop3A_366 = tpu.vector_load %parallel_loop3A_363[%parallel_loop3A_364, %parallel_loop3A_365] {strides = array<i32>} : memref<128x128xf32, #tpu.memory_space<vmem>>, vector<16xf32>,
      %parallel_loop3A_367 = arith.mulf %parallel_loop3A_366, %parallel_loop3A_269 : vector<16xf32>
      %parallel_loop3A_368 = arith.constant 0 : i32
      %parallel_loop3A_369 = arith.constant 0 : i32
      %parallel_loop3A_370 = tpu.memref_slice %arg12[%parallel_loop3A_226, %parallel_loop3A_368, %parallel_loop3A_369] : memref<3x128x128xf32, #tpu.memory_space<vmem>> -> memref<1x128x128xf32, #tpu.memory_space<vmem>>
      %parallel_loop3A_371 = tpu.memref_squeeze %parallel_loop3A_370 : memref<1x128x128xf32, #tpu.memory_space<vmem>> -> memref<128x128xf32, #tpu.memory_space<vmem>>
      %parallel_loop3A_372 = arith.index_cast %parallel_loop3A_267 : i32 to index
      %parallel_loop3A_373 = arith.constant 96 : index
      %parallel_loop3A_374 = tpu.vector_load %parallel_loop3A_371[%parallel_loop3A_372, %parallel_loop3A_373] {strides = array<i32>} : memref<128x128xf32, #tpu.memory_space<vmem>>, vector<16xf32>,
      tpu.vector_store %parallel_loop3A_371[%parallel_loop3A_372, %parallel_loop3A_373], %parallel_loop3A_367 {strides = array<i32>} : memref<128x128xf32, #tpu.memory_space<vmem>>, vector<16xf32>,
      %parallel_loop3A_375 = arith.constant 0 : i32
      %parallel_loop3A_376 = arith.constant 0 : i32
      %parallel_loop3A_377 = tpu.memref_slice %arg12[%parallel_loop3A_226, %parallel_loop3A_375, %parallel_loop3A_376] : memref<3x128x128xf32, #tpu.memory_space<vmem>> -> memref<1x128x128xf32, #tpu.memory_space<vmem>>
      %parallel_loop3A_378 = tpu.memref_squeeze %parallel_loop3A_377 : memref<1x128x128xf32, #tpu.memory_space<vmem>> -> memref<128x128xf32, #tpu.memory_space<vmem>>
      %parallel_loop3A_379 = arith.index_cast %parallel_loop3A_267 : i32 to index
      %parallel_loop3A_380 = arith.constant 112 : index
      %parallel_loop3A_381 = tpu.vector_load %parallel_loop3A_378[%parallel_loop3A_379, %parallel_loop3A_380] {strides = array<i32>} : memref<128x128xf32, #tpu.memory_space<vmem>>, vector<16xf32>,
      %parallel_loop3A_382 = arith.mulf %parallel_loop3A_381, %parallel_loop3A_269 : vector<16xf32>
      %parallel_loop3A_383 = arith.constant 0 : i32
      %parallel_loop3A_384 = arith.constant 0 : i32
      %parallel_loop3A_385 = tpu.memref_slice %arg12[%parallel_loop3A_226, %parallel_loop3A_383, %parallel_loop3A_384] : memref<3x128x128xf32, #tpu.memory_space<vmem>> -> memref<1x128x128xf32, #tpu.memory_space<vmem>>
      %parallel_loop3A_386 = tpu.memref_squeeze %parallel_loop3A_385 : memref<1x128x128xf32, #tpu.memory_space<vmem>> -> memref<128x128xf32, #tpu.memory_space<vmem>>
      %parallel_loop3A_387 = arith.index_cast %parallel_loop3A_267 : i32 to index
      %parallel_loop3A_388 = arith.constant 112 : index
      %parallel_loop3A_389 = tpu.vector_load %parallel_loop3A_386[%parallel_loop3A_387, %parallel_loop3A_388] {strides = array<i32>} : memref<128x128xf32, #tpu.memory_space<vmem>>, vector<16xf32>,
      tpu.vector_store %parallel_loop3A_386[%parallel_loop3A_387, %parallel_loop3A_388], %parallel_loop3A_382 {strides = array<i32>} : memref<128x128xf32, #tpu.memory_space<vmem>>, vector<16xf32>,
    } {sc.loop_unroll_factor = 2 : i64, sc.parallel_access}
    %dma_start3A_227 = arith.constant 0 : i32
    %dma_start3A_228 = arith.constant 0 : i32
    %dma_start3A_229 = arith.constant 0 : i32
    %dma_start3A_230 = arith.constant 0 : i32
    %dma_start3A_231 = arith.constant 0 : i32
    %dma_start3A_232 = tpu.memref_slice %arg12[%dma_start3A_227, %dma_start3A_230, %dma_start3A_231] : memref<3x128x128xf32, #tpu.memory_space<vmem>> -> memref<1x16x128xf32, #tpu.memory_space<vmem>>
    %dma_start3A_233 = tpu.memref_squeeze %dma_start3A_232 : memref<1x16x128xf32, #tpu.memory_space<vmem>> -> memref<16x128xf32, #tpu.memory_space<vmem>>
    %dma_start3A_234 = arith.constant 0 : i32
    %dma_start3A_235 = tpu.memref_slice %arg10[%dma_start3A_228, %dma_start3A_234] : memref<2x16xi32, #tpu.memory_space<vmem>> -> memref<1x16xi32, #tpu.memory_space<vmem>>
    %dma_start3A_236 = tpu.memref_squeeze %dma_start3A_235 : memref<1x16xi32, #tpu.memory_space<vmem>> -> memref<16xi32, #tpu.memory_space<vmem>>
    %dma_start3A_237 = arith.constant 0 : i32
    %dma_start3A_238 = arith.constant 0 : i32
    %dma_start3A_239 = tpu.memref_slice %arg13[%dma_start3A_237, %dma_start3A_238] : memref<10000x128xf32, #tpu.memory_space<vmem_shared>> -> memref<10000x128xf32, #tpu.memory_space<vmem_shared>>
    %dma_start3A_240 = tpu.memref_slice %arg18[%dma_start3A_229] : memref<3x!tpu.dma_semaphore, #tpu.memory_space<semaphore_mem>> -> memref<1x!tpu.dma_semaphore, #tpu.memory_space<semaphore_mem>>
    %dma_start3A_241 = tpu.memref_squeeze %dma_start3A_240 : memref<1x!tpu.dma_semaphore, #tpu.memory_space<semaphore_mem>> -> memref<!tpu.dma_semaphore, #tpu.memory_space<semaphore_mem>>
    tpu.enqueue_indirect_dma source(%dma_start3A_233 : memref<16x128xf32, #tpu.memory_space<vmem>>) target(%dma_start3A_239 : memref<10000x128xf32, #tpu.memory_space<vmem_shared>>) offsets(%dma_start3A_236 : memref<16xi32, #tpu.memory_space<vmem>>) semaphore(%dma_start3A_241 : memref<!tpu.dma_semaphore, #tpu.memory_space<semaphore_mem>>) {add = true}
    %dma_wait3A_242 = arith.constant 0 : i32
    %dma_wait3A_243 = arith.constant 0 : i32
    %dma_wait3A_244 = arith.constant 0 : i32
    %dma_wait3A_245 = arith.constant 0 : i32
    %dma_wait3A_246 = arith.constant 0 : i32
    %dma_wait3A_247 = tpu.memref_slice %arg12[%dma_wait3A_242, %dma_wait3A_245, %dma_wait3A_246] : memref<3x128x128xf32, #tpu.memory_space<vmem>> -> memref<1x16x128xf32, #tpu.memory_space<vmem>>
    %dma_wait3A_248 = tpu.memref_squeeze %dma_wait3A_247 : memref<1x16x128xf32, #tpu.memory_space<vmem>> -> memref<16x128xf32, #tpu.memory_space<vmem>>
    %dma_wait3A_249 = arith.constant 0 : i32
    %dma_wait3A_250 = tpu.memref_slice %arg10[%dma_wait3A_243, %dma_wait3A_249] : memref<2x16xi32, #tpu.memory_space<vmem>> -> memref<1x16xi32, #tpu.memory_space<vmem>>
    %dma_wait3A_251 = tpu.memref_squeeze %dma_wait3A_250 : memref<1x16xi32, #tpu.memory_space<vmem>> -> memref<16xi32, #tpu.memory_space<vmem>>
    %dma_wait3A_252 = arith.constant 0 : i32
    %dma_wait3A_253 = arith.constant 0 : i32
    %dma_wait3A_254 = tpu.memref_slice %arg13[%dma_wait3A_252, %dma_wait3A_253] : memref<10000x128xf32, #tpu.memory_space<vmem_shared>> -> memref<10000x128xf32, #tpu.memory_space<vmem_shared>>
    %dma_wait3A_255 = tpu.memref_slice %arg18[%dma_wait3A_244] : memref<3x!tpu.dma_semaphore, #tpu.memory_space<semaphore_mem>> -> memref<1x!tpu.dma_semaphore, #tpu.memory_space<semaphore_mem>>
    %dma_wait3A_256 = tpu.memref_squeeze %dma_wait3A_255 : memref<1x!tpu.dma_semaphore, #tpu.memory_space<semaphore_mem>> -> memref<!tpu.dma_semaphore, #tpu.memory_space<semaphore_mem>>
    tpu.wait_indirect_dma semaphore(%dma_wait3A_256 : memref<!tpu.dma_semaphore, #tpu.memory_space<semaphore_mem>>) src(%dma_wait3A_248 : memref<16x128xf32, #tpu.memory_space<vmem>>) dst(%dma_wait3A_254 : memref<10000x128xf32, #tpu.memory_space<vmem_shared>>)
    %barrier3A_257 = arith.constant 0 : index
    tpu.barrier barrier_id(%barrier3A_257)
    %mul3A_258 = arith.constant 624 : i32
    %mul3A_259 = arith.muli %arg1, %mul3A_258 : i32
    %mul3A_260 = arith.constant 624 : i32
    %mul3A_261 = arith.muli %arg1, %mul3A_260 : i32
    "tpu.region"() ({
      %run_scoped3A_267 = tpu.sem_alloc : memref<!tpu.dma_semaphore, #tpu.memory_space<semaphore_mem>>
      %dma_start3A_268 = arith.constant 0 : i32
      %dma_start3A_269 = tpu.memref_slice %arg7[%arg0, %mul3A_261, %dma_start3A_268] : memref<2x10000x128xf32, #tpu.memory_space<hbm>> -> memref<1x624x128xf32, #tpu.memory_space<hbm>>
      %dma_start3A_270 = tpu.memref_squeeze %dma_start3A_269 : memref<1x624x128xf32, #tpu.memory_space<hbm>> -> memref<624x128xf32, #tpu.memory_space<hbm>>
      %dma_start3A_271 = arith.constant 0 : i32
      %dma_start3A_272 = tpu.memref_slice %arg13[%mul3A_259, %dma_start3A_271] : memref<10000x128xf32, #tpu.memory_space<vmem_shared>> -> memref<624x128xf32, #tpu.memory_space<vmem_shared>>
      tpu.enqueue_dma source(%dma_start3A_272 : memref<624x128xf32, #tpu.memory_space<vmem_shared>>) target(%dma_start3A_270 : memref<624x128xf32, #tpu.memory_space<hbm>>) target_semaphore(%run_scoped3A_267 : memref<!tpu.dma_semaphore, #tpu.memory_space<semaphore_mem>>)
      %dma_wait3A_273 = arith.constant 0 : i32
      %dma_wait3A_274 = tpu.memref_slice %arg7[%arg0, %mul3A_261, %dma_wait3A_273] : memref<2x10000x128xf32, #tpu.memory_space<hbm>> -> memref<1x624x128xf32, #tpu.memory_space<hbm>>
      %dma_wait3A_275 = tpu.memref_squeeze %dma_wait3A_274 : memref<1x624x128xf32, #tpu.memory_space<hbm>> -> memref<624x128xf32, #tpu.memory_space<hbm>>
      %dma_wait3A_276 = arith.constant 0 : i32
      %dma_wait3A_277 = tpu.memref_slice %arg13[%mul3A_259, %dma_wait3A_276] : memref<10000x128xf32, #tpu.memory_space<vmem_shared>> -> memref<624x128xf32, #tpu.memory_space<vmem_shared>>
      tpu.wait_dma2 semaphore(%run_scoped3A_267 : memref<!tpu.dma_semaphore, #tpu.memory_space<semaphore_mem>>) src(%dma_wait3A_277 : memref<624x128xf32, #tpu.memory_space<vmem_shared>>) dst(%dma_wait3A_275 : memref<624x128xf32, #tpu.memory_space<hbm>>)
      tpu.yield
    }) : () -> ()
    %eq3A_262 = arith.constant 15 : i32
    %eq3A_263 = arith.cmpi eq, %arg1, %eq3A_262 : i32
    %convert_element_type3A_264 = arith.extui %eq3A_263 : i1 to i32
    %cond3A_265 = arith.constant 0 : i32
    %cond3A_266 = arith.cmpi ne, %convert_element_type3A_264, %cond3A_265 : i32
    scf.if %cond3A_266 {
      "tpu.region"() ({
        %run_scoped3A_267 = tpu.sem_alloc : memref<!tpu.dma_semaphore, #tpu.memory_space<semaphore_mem>>
        %dma_start3A_268 = arith.constant 9984 : i32
        %dma_start3A_269 = arith.constant 0 : i32
        %dma_start3A_270 = tpu.memref_slice %arg7[%arg0, %dma_start3A_268, %dma_start3A_269] : memref<2x10000x128xf32, #tpu.memory_space<hbm>> -> memref<1x16x128xf32, #tpu.memory_space<hbm>>
        %dma_start3A_271 = tpu.memref_squeeze %dma_start3A_270 : memref<1x16x128xf32, #tpu.memory_space<hbm>> -> memref<16x128xf32, #tpu.memory_space<hbm>>
        %dma_start3A_272 = arith.constant 9984 : i32
        %dma_start3A_273 = arith.constant 0 : i32
        %dma_start3A_274 = tpu.memref_slice %arg13[%dma_start3A_272, %dma_start3A_273] : memref<10000x128xf32, #tpu.memory_space<vmem_shared>> -> memref<16x128xf32, #tpu.memory_space<vmem_shared>>
        tpu.enqueue_dma source(%dma_start3A_274 : memref<16x128xf32, #tpu.memory_space<vmem_shared>>) target(%dma_start3A_271 : memref<16x128xf32, #tpu.memory_space<hbm>>) target_semaphore(%run_scoped3A_267 : memref<!tpu.dma_semaphore, #tpu.memory_space<semaphore_mem>>)
        %dma_wait3A_275 = arith.constant 9984 : i32
        %dma_wait3A_276 = arith.constant 0 : i32
        %dma_wait3A_277 = tpu.memref_slice %arg7[%arg0, %dma_wait3A_275, %dma_wait3A_276] : memref<2x10000x128xf32, #tpu.memory_space<hbm>> -> memref<1x16x128xf32, #tpu.memory_space<hbm>>
        %dma_wait3A_278 = tpu.memref_squeeze %dma_wait3A_277 : memref<1x16x128xf32, #tpu.memory_space<hbm>> -> memref<16x128xf32, #tpu.memory_space<hbm>>
        %dma_wait3A_279 = arith.constant 9984 : i32
        %dma_wait3A_280 = arith.constant 0 : i32
        %dma_wait3A_281 = tpu.memref_slice %arg13[%dma_wait3A_279, %dma_wait3A_280] : memref<10000x128xf32, #tpu.memory_space<vmem_shared>> -> memref<16x128xf32, #tpu.memory_space<vmem_shared>>
        tpu.wait_dma2 semaphore(%run_scoped3A_267 : memref<!tpu.dma_semaphore, #tpu.memory_space<semaphore_mem>>) src(%dma_wait3A_281 : memref<16x128xf32, #tpu.memory_space<vmem_shared>>) dst(%dma_wait3A_278 : memref<16x128xf32, #tpu.memory_space<hbm>>)
        tpu.yield
      }) : () -> ()
    } else {
    }
    return
  }
}

module attributes {stable_mosaic.version = 14 : i64} {
  func.func @_dense_body(%arg0: i32, %arg1: memref<2000x128xf32, #tpu.memory_space<vmem>>, %arg2: memref<128x128xf32, #tpu.memory_space<vmem>>, %arg3: memref<128x128xf32, #tpu.memory_space<vmem>>, %arg4: memref<128x128xf32, #tpu.memory_space<vmem>>, %arg5: memref<2000x128xf32, #tpu.memory_space<vmem>>, %arg6: memref<2000x1xf32, #tpu.memory_space<vmem>>, %arg7: memref<2000x128xf32, #tpu.memory_space<vmem>>) attributes {dimension_semantics = [#tpu.dimension_semantics<arbitrary>], iteration_bounds = array<i64: 5>, scalar_prefetch = 0 : i64, scratch_operands = 0 : i64, tpu.core_type = #tpu.core_type<tc>, window_params = [{transform_indices = @transform_0, window_bounds = array<i64: 2000, 128>}, {pipeline_mode = #tpu.pipeline_mode<synchronous>, transform_indices = @transform_1, window_bounds = array<i64: 128, 128>}, {pipeline_mode = #tpu.pipeline_mode<synchronous>, transform_indices = @transform_2, window_bounds = array<i64: 128, 128>}, {pipeline_mode = #tpu.pipeline_mode<synchronous>, transform_indices = @transform_3, window_bounds = array<i64: 128, 128>}, {transform_indices = @transform_4, window_bounds = array<i64: 2000, 128>}, {transform_indices = @transform_5, window_bounds = array<i64: 2000, 1>}, {transform_indices = @transform_6, window_bounds = array<i64: 2000, 128>}]} {
    %get3A = arith.constant 0 : index
    %get3A_0 = arith.constant 0 : index
    %get3A_1 = vector.load %arg1[%get3A, %get3A_0] : memref<2000x128xf32, #tpu.memory_space<vmem>>, vector<2000x128xf32>
    %get3A_2 = arith.constant 0 : index
    %get3A_3 = arith.constant 0 : index
    %get3A_4 = vector.load %arg2[%get3A_2, %get3A_3] : memref<128x128xf32, #tpu.memory_space<vmem>>, vector<128x128xf32>
    %dot_general3A = arith.constant dense<0.000000e+00> : vector<2000x128xf32>
    %dot_general3A_5 = tpu.matmul %get3A_1, %get3A_4, %dot_general3A {dimension_numbers = #tpu.dot_dimension_numbers<[1], [0], [0], [1], [0, 0, 1, 1], [], []>, transpose_lhs_hint = false} : vector<2000x128xf32>, vector<128x128xf32>, vector<2000x128xf32> -> vector<2000x128xf32>
    %get3A_6 = arith.constant 0 : index
    %get3A_7 = arith.constant 0 : index
    %get3A_8 = vector.load %arg3[%get3A_6, %get3A_7] : memref<128x128xf32, #tpu.memory_space<vmem>>, vector<128x128xf32>
    %dot_general3A_9 = arith.constant dense<0.000000e+00> : vector<2000x128xf32>
    %dot_general3A_10 = tpu.matmul %get3A_1, %get3A_8, %dot_general3A_9 {dimension_numbers = #tpu.dot_dimension_numbers<[1], [0], [0], [1], [0, 0, 1, 1], [], []>, transpose_lhs_hint = false} : vector<2000x128xf32>, vector<128x128xf32>, vector<2000x128xf32> -> vector<2000x128xf32>
    %get3A_11 = arith.constant 0 : index
    %get3A_12 = arith.constant 0 : index
    %get3A_13 = vector.load %arg4[%get3A_11, %get3A_12] : memref<128x128xf32, #tpu.memory_space<vmem>>, vector<128x128xf32>
    %dot_general3A_14 = arith.constant dense<0.000000e+00> : vector<2000x128xf32>
    %dot_general3A_15 = tpu.matmul %get3A_1, %get3A_13, %dot_general3A_14 {dimension_numbers = #tpu.dot_dimension_numbers<[1], [0], [0], [1], [0, 0, 1, 1], [], []>, transpose_lhs_hint = false} : vector<2000x128xf32>, vector<128x128xf32>, vector<2000x128xf32> -> vector<2000x128xf32>
    %mul3A = arith.mulf %dot_general3A_5, %dot_general3A_10 : vector<2000x128xf32>
    %reduce_sum3A = arith.constant dense<0.000000e+00> : vector<2000xf32>
    %reduce_sum3A_16 = vector.multi_reduction <add>, %mul3A, %reduce_sum3A [1] : vector<2000x128xf32> to vector<2000xf32>
    %broadcast_in_dim3A = vector.shape_cast %reduce_sum3A_16 : vector<2000xf32> to vector<2000x1xf32>
    %jit3A = arith.constant -1.000000e+01 : f32
    %jit3A_17 = arith.constant 1.000000e+01 : f32
    %max3A = vector.broadcast %jit3A : f32 to vector<2000x1xf32>
    %max3A_18 = arith.maximumf %max3A, %broadcast_in_dim3A : vector<2000x1xf32>
    %min3A = vector.broadcast %jit3A_17 : f32 to vector<2000x1xf32>
    %min3A_19 = arith.minimumf %min3A, %max3A_18 : vector<2000x1xf32>
    %exp3A = math.exp %min3A_19 : vector<2000x1xf32>
    %add3A = arith.constant 9.99999993E-9 : f32
    %add3A_20 = vector.broadcast %add3A : f32 to vector<2000x1xf32>
    %add3A_21 = arith.addf %exp3A, %add3A_20 : vector<2000x1xf32>
    %div3A = arith.divf %exp3A, %add3A_21 : vector<2000x1xf32>
    %mul3A_22 = vector.broadcast %div3A : vector<2000x1xf32> to vector<2000x128xf32>
    %mul3A_23 = arith.mulf %mul3A_22, %dot_general3A_15 : vector<2000x128xf32>
    %swap3A = arith.constant 0 : index
    %swap3A_24 = arith.constant 0 : index
    %swap3A_25 = vector.load %arg5[%swap3A, %swap3A_24] : memref<2000x128xf32, #tpu.memory_space<vmem>>, vector<2000x128xf32>
    tpu.vector_store %arg5[%swap3A, %swap3A_24], %mul3A_23 {strides = array<i32>} : memref<2000x128xf32, #tpu.memory_space<vmem>>, vector<2000x128xf32>,
    %swap3A_26 = arith.constant 0 : index
    %swap3A_27 = arith.constant 0 : index
    %swap3A_28 = vector.load %arg6[%swap3A_26, %swap3A_27] : memref<2000x1xf32, #tpu.memory_space<vmem>>, vector<2000x1xf32>
    tpu.vector_store %arg6[%swap3A_26, %swap3A_27], %div3A {strides = array<i32>} : memref<2000x1xf32, #tpu.memory_space<vmem>>, vector<2000x1xf32>,
    %broadcast_in_dim3A_29 = arith.constant 0.000000e+00 : f32
    %broadcast_in_dim3A_30 = vector.broadcast %broadcast_in_dim3A_29 : f32 to vector<2000x128xf32>
    %swap3A_31 = arith.constant 0 : index
    %swap3A_32 = arith.constant 0 : index
    %swap3A_33 = vector.load %arg7[%swap3A_31, %swap3A_32] : memref<2000x128xf32, #tpu.memory_space<vmem>>, vector<2000x128xf32>
    tpu.vector_store %arg7[%swap3A_31, %swap3A_32], %broadcast_in_dim3A_30 {strides = array<i32>} : memref<2000x128xf32, #tpu.memory_space<vmem>>, vector<2000x128xf32>,
    return
  }
  func.func @transform_0(%arg0: i32) -> (i32, i32) {
    %c0_i32 = arith.constant 0 : i32
    %c0_i32_0 = arith.constant 0 : i32
    return %arg0, %c0_i32 : i32, i32
  }
  func.func @transform_1(%arg0: i32) -> (i32, i32) {
    %c0_i32 = arith.constant 0 : i32
    %c0_i32_0 = arith.constant 0 : i32
    %c0_i32_1 = arith.constant 0 : i32
    return %c0_i32, %c0_i32_0 : i32, i32
  }
  func.func @transform_2(%arg0: i32) -> (i32, i32) {
    %c0_i32 = arith.constant 0 : i32
    %c0_i32_0 = arith.constant 0 : i32
    %c0_i32_1 = arith.constant 0 : i32
    return %c0_i32, %c0_i32_0 : i32, i32
  }
  func.func @transform_3(%arg0: i32) -> (i32, i32) {
    %c0_i32 = arith.constant 0 : i32
    %c0_i32_0 = arith.constant 0 : i32
    %c0_i32_1 = arith.constant 0 : i32
    return %c0_i32, %c0_i32_0 : i32, i32
  }
  func.func @transform_4(%arg0: i32) -> (i32, i32) {
    %c0_i32 = arith.constant 0 : i32
    %c0_i32_0 = arith.constant 0 : i32
    return %arg0, %c0_i32 : i32, i32
  }
  func.func @transform_5(%arg0: i32) -> (i32, i32) {
    %c0_i32 = arith.constant 0 : i32
    %c0_i32_0 = arith.constant 0 : i32
    return %arg0, %c0_i32 : i32, i32
  }
  func.func @transform_6(%arg0: i32) -> (i32, i32) {
    %c0_i32 = arith.constant 0 : i32
    %c0_i32_0 = arith.constant 0 : i32
    return %arg0, %c0_i32 : i32, i32
  }
}

module attributes {stable_mosaic.version = 14 : i64} {
  func.func @_combine_body(%arg0: i32, %arg1: memref<2x2000x128xf32, #tpu.memory_space<vmem>>, %arg2: memref<2000x128xf32, #tpu.memory_space<vmem>>) attributes {dimension_semantics = [#tpu.dimension_semantics<arbitrary>], iteration_bounds = array<i64: 5>, scalar_prefetch = 0 : i64, scratch_operands = 0 : i64, tpu.core_type = #tpu.core_type<tc>, window_params = [{transform_indices = @transform_0, window_bounds = array<i64: 2, 2000, 128>}, {transform_indices = @transform_1, window_bounds = array<i64: 2000, 128>}]} {
    %get3A = arith.constant 0 : index
    %get3A_0 = arith.constant 0 : index
    %get3A_1 = arith.constant 0 : index
    %get3A_2 = vector.load %arg1[%get3A, %get3A_0, %get3A_1] : memref<2x2000x128xf32, #tpu.memory_space<vmem>>, vector<1x2000x128xf32>
    %get3A_3 = vector.shape_cast %get3A_2 : vector<1x2000x128xf32> to vector<2000x128xf32>
    %get3A_4 = arith.constant 1 : index
    %get3A_5 = arith.constant 0 : index
    %get3A_6 = arith.constant 0 : index
    %get3A_7 = vector.load %arg1[%get3A_4, %get3A_5, %get3A_6] : memref<2x2000x128xf32, #tpu.memory_space<vmem>>, vector<1x2000x128xf32>
    %get3A_8 = vector.shape_cast %get3A_7 : vector<1x2000x128xf32> to vector<2000x128xf32>
    %add3A = arith.addf %get3A_3, %get3A_8 : vector<2000x128xf32>
    %swap3A = arith.constant 0 : index
    %swap3A_9 = arith.constant 0 : index
    %swap3A_10 = vector.load %arg2[%swap3A, %swap3A_9] : memref<2000x128xf32, #tpu.memory_space<vmem>>, vector<2000x128xf32>
    tpu.vector_store %arg2[%swap3A, %swap3A_9], %add3A {strides = array<i32>} : memref<2000x128xf32, #tpu.memory_space<vmem>>, vector<2000x128xf32>,
    return
  }
  func.func @transform_0(%arg0: i32) -> (i32, i32, i32) {
    %c0_i32 = arith.constant 0 : i32
    %c0_i32_0 = arith.constant 0 : i32
    %c0_i32_1 = arith.constant 0 : i32
    return %c0_i32, %arg0, %c0_i32_0 : i32, i32, i32
  }
  func.func @transform_1(%arg0: i32) -> (i32, i32) {
    %c0_i32 = arith.constant 0 : i32
    %c0_i32_0 = arith.constant 0 : i32
    return %arg0, %c0_i32 : i32, i32
  }
}

</mosaic_0001>

<sc_bundles>
// kernel: kernel.5.cloned.1.call-start
scs
__scs_entry_jumppad:
0x0: {  	(pc) =	sbr.rel $0x88, $3  }
0x1: {  	(tag) =	ssettag $0x0;
	lr =	simm.s32 $0x1  }
0x2: {  	[smem:$0x3F9B] =	sst lr;
	_ =	strace $0xD0000000  }
0x3: {  	_ = 	snop  }
0x4: {  	_ = 	snop  }
0x5: {  	_ = 	snop  }
0x6: {  	_ = 	snop  }
0x7: {  	_ = 	snop  }
__scs_overlays_trampoline_lowered:
0x8: {  	[smem:$0x3FAA] =	sst s0  }
0x9: {  	[smem:$0x3FAB] =	sst s1  }
0xa: {  	[smem:$0x3FAC] =	sst s2  }
0xb: {  	[smem:$0x3FAD] =	sst s3  }
0xc: {  	[smem:$0x3FAE] =	sst s4  }
0xd: {  	[smem:$0x3FAF] =	sst s5  }
0xe: {  	[smem:$0x3FB0] =	sst s6  }
0xf: {  	[smem:$0x3FB1] =	sst s7  }
0x10: {  	[smem:$0x3FB2] =	sst s8  }
0x11: {  	[smem:$0x3FB3] =	sst s9;
	s0 =	simm.s32 @!p0 $0x0  }
0x12: {  	s1 =	sld [smem:$0x3F99];
	s0 =	simm.s32 @p0 $0x1  }
0x13: {  	[smem:$0x3FB4] =	sst s0;
	s0 =	simm.s32 @!p1 $0x0  }
0x14: {  	s2 =	sld [smem:$0x3F98];
	s0 =	simm.s32 @p1 $0x1  }
0x15: {  	[smem:$0x3FB5] =	sst s0;
	s0 =	simm.s32 @!p2 $0x0  }
0x16: {  	s3 =	sld [smem:$0x3FDB];
	s0 =	simm.s32 @p2 $0x1  }
0x17: {  	s4 =	simm.s32 $0x1BF5;
	[smem:$0x3FB7] =	sst s0  }
0x18: {  	s0 =	sld [smem:$0x3F9A];
	_ =	swait.ge [sflag:s4], $0x0  }
0x19: {  	s7 =	sld [smem:$0x3F9B]  }
0x1a: {  	s8 =	sadd.s32 $0xFFFFE003, lr  }
0x1b: {  	s9 =	sadd.s32 $0xFFFFFEF7, lr;
	s5 =	simm.s32 $0xFFFFFFFF;
	p2 =	slt.u32 s8, $0xFFFFF086  }
0x1c: {  	p1 =	slt.u32 s9, $0xF7A;
	s5 =	simm.s32 @!p2 $0x0  }
0x1d: {  	s5 =	simm.s32 @p1 $0x1;
	p0 =	seq.s32 s7, s2  }
0x1e: {  	s7 =	smul.u32 @!p0 $0xF7A, s2;
	p2 =	seq.s32 @!p0 s5, $0x0  }
0x1f: {  	s9 =	smul.u32 $0xF7A, s1;
	s8 =	simm.s32 @!p0 $0x1BF5;
	p2 =	por !p2, p0  }
0x20: {  	[sflag:s8] =	ssyncset.s32 @!p0 $0xFFFFF086;
	s6 =	sadd.s32 @!p0 s3, s7;
	s7 =	simm.s32 @!p0 $0x108  }
0x21: {  	s3 =	sadd.s32 s3, s9;
	s6 =	sadd.s32 @!p0 $0x88, s6;
	s7 =	simm.s32 @p2 $0x1082  }
0x22: {  	[simem:s7], [sflag:s8] =	dma.local @!p0 [hbm:s6], $0xF7A  }
0x23: {  	s9 =	sor.u32 $0xD0000000, s2;
	s6 =	simm.s32 $0x108;
	_ =	swait.ge @!p0 [sflag:s8], $0x0  }
0x24: {  	s3 =	sadd.s32 $0x88, s3;
	s6 =	simm.s32 @!p1 $0x1082;
	[sflag:s4] =	ssyncset.s32 $0xFFFFF086  }
0x25: {  	[simem:s6], [sflag:s4] =	dma.local [hbm:s3], $0xF7A  }
0x26: {  	[smem:$0x3F9B] =	sst s1;
	(tag) =	ssettag s2;
	_ =	strace s9  }
0x27: {  	s1 =	sld [smem:$0x3FAB]  }
0x28: {  	s2 =	sld [smem:$0x3FAC]  }
0x29: {  	s4 =	sld [smem:$0x3FAE]  }
0x2a: {  	p0 =	seq.s32 s5, $0x0;
	s5 =	sld [smem:$0x3FAF]  }
0x2b: {  	s6 =	sld [smem:$0x3FB0]  }
0x2c: {  	s7 =	sld [smem:$0x3FB1]  }
0x2d: {  	s3 =	simm.s32 $0x108;
	s8 =	sld [smem:$0x3FB2]  }
0x2e: {  	s3 =	simm.s32 @!p0 $0x1082;
	s9 =	sld [smem:$0x3FB3]  }
0x2f: {  	lr =	sadd.s32 s0, s3;
	s0 =	sld [smem:$0x3FAA]  }
0x30: {  	s3 =	sld [smem:$0x3FAD]  }
0x31: {  	[smem:$0x3FB6] =	sst s10  }
0x32: {  	s10 =	sld [smem:$0x3FB4];
	_ =	sdelay $0x3  }
0x33: {  	p0 =	seq.s32 s10, $0x1;
	s10 =	sld [smem:$0x3FB6];
	_ =	sdelay $0x3  }
0x34: {  	[smem:$0x3FB6] =	sst s10  }
0x35: {  	s10 =	sld [smem:$0x3FB5];
	_ =	sdelay $0x3  }
0x36: {  	p1 =	seq.s32 s10, $0x1;
	s10 =	sld [smem:$0x3FB6];
	_ =	sdelay $0x3  }
0x37: {  	[smem:$0x3FB6] =	sst s10  }
0x38: {  	s10 =	sld [smem:$0x3FB7]  }
0x39: {  	_ = 	snop;
	(pc) =	sbr.ind lr, $3  }
0x3a: {  	_ = 	snop  }
0x3b: {  	_ = 	snop  }
0x3c: {  	p2 =	seq.s32 s10, $0x1;
	s10 =	sld [smem:$0x3FB6]  }
0x3d: {  	_ =	shalt  }
0x3e: {  	_ =	shalt  }
0x3f: {  	_ =	shalt  }
0x40: {  	_ =	shalt  }
0x41: {  	_ =	shalt  }
0x42: {  	_ =	shalt  }
0x43: {  	_ =	shalt  }
0x44: {  	_ =	shalt  }
0x45: {  	_ =	shalt  }
0x46: {  	_ =	shalt  }
0x47: {  	_ =	shalt  }
0x48: {  	_ =	shalt  }
0x49: {  	_ =	shalt  }
0x4a: {  	_ =	shalt  }
0x4b: {  	_ =	shalt  }
0x4c: {  	_ =	shalt  }
0x4d: {  	_ =	shalt  }
0x4e: {  	_ =	shalt  }
0x4f: {  	_ =	shalt  }
0x50: {  	_ =	shalt  }
0x51: {  	_ =	shalt  }
0x52: {  	_ =	shalt  }
0x53: {  	_ =	shalt  }
0x54: {  	_ =	shalt  }
0x55: {  	_ =	shalt  }
0x56: {  	_ =	shalt  }
0x57: {  	_ =	shalt  }
0x58: {  	_ =	shalt  }
0x59: {  	_ =	shalt  }
0x5a: {  	_ =	shalt  }
0x5b: {  	_ =	shalt  }
0x5c: {  	_ =	shalt  }
0x5d: {  	_ =	shalt  }
0x5e: {  	_ =	shalt  }
0x5f: {  	_ =	shalt  }
0x60: {  	_ =	shalt  }
0x61: {  	_ =	shalt  }
0x62: {  	_ =	shalt  }
0x63: {  	_ =	shalt  }
0x64: {  	_ =	shalt  }
0x65: {  	_ =	shalt  }
0x66: {  	_ =	shalt  }
0x67: {  	_ =	shalt  }
0x68: {  	_ =	shalt  }
0x69: {  	_ =	shalt  }
0x6a: {  	_ =	shalt  }
0x6b: {  	_ =	shalt  }
0x6c: {  	_ =	shalt  }
0x6d: {  	_ =	shalt  }
0x6e: {  	_ =	shalt  }
0x6f: {  	_ =	shalt  }
0x70: {  	_ =	shalt  }
0x71: {  	_ =	shalt  }
0x72: {  	_ =	shalt  }
0x73: {  	_ =	shalt  }
0x74: {  	_ =	shalt  }
0x75: {  	_ =	shalt  }
0x76: {  	_ =	shalt  }
0x77: {  	_ =	shalt  }
0x78: {  	_ =	shalt  }
0x79: {  	_ =	shalt  }
0x7a: {  	_ =	shalt  }
0x7b: {  	_ =	shalt  }
0x7c: {  	_ =	shalt  }
0x7d: {  	_ =	shalt  }
0x7e: {  	_ =	shalt  }
0x7f: {  	_ =	shalt  }
0x80: {  	_ =	shalt  }
0x81: {  	_ =	shalt  }
0x82: {  	_ =	shalt  }
0x83: {  	_ =	shalt  }
0x84: {  	_ =	shalt  }
0x85: {  	_ =	shalt  }
0x86: {  	_ =	shalt  }
0x87: {  	_ =	shalt  }
.Lfunc_end0:
.L_simem_size_0:
called_computation_lowered:
.L_overlay_start_0:
0x88: {  	s2 =	sld [smem:$0x3FD9]  }
0x89: {  	s3 =	sld [smem:$0x3FFE];
	_ =	sdelay $0x1  }
0x8a: {  	s1 =	srdreg.scid  }
0x8b: {  	s0 =	sand.u32 $0x1, s1  }
0x8c: {  	s14 =	sshll.u32 s0, $0xA;
	s2 =	sadd.s32 s3, s2  }
0x8d: {  	s2 =	sadd.s32 s2, s14  }
0x8e: {  	[smem:$0x3FC2] =	sst s2  }
0x8f: {  	_ = 	snop  }
0x90: {  	s2 =	sld [smem:$0x3FD0];
	_ =	sdelay $0x2  }
0x91: {  	s4 =	simm.s32 $0xA;
	s5 =	simm.s32 $0x10;
	s15 =	sld [smem:$0x3FC8]  }
0x92: {  	[smem:s5], [sflag:s4] =	dma.local [hbm:s2], $0x1  }
0x93: {  	_ =	swait.eq [sflag:s4], $0x1  }
0x94: {  	[sflag:s4] =	ssyncset.done $0x0  }
0x95: {  	[sflag:s4] =	ssyncadd.s32 $0xFFFFFFFF  }
0x96: {  	s16 =	sld [smem:$0x10];
	(tm) =	ssettm $0x1  }
0x97: {  	s17 =	sld [smem:$0x3FFB];
	_ =	sdelay $0x3  }
0x98: {  	_ =	strace s17  }
0x99: {  	s4 =	sld [smem:$0x3FFC];
	_ =	sdelay $0x3  }
0x9a: {  	_ =	strace s4  }
0x9b: {  	s4 =	sld [smem:$0x3FFD];
	_ =	sdelay $0x3  }
0x9c: {  	_ =	strace s4  }
0x9d: {  	_ =	strace $0x8FFFFFFF  }
0x9e: {  	s18 =	sld [smem:$0x3FDB];
	_ =	sdelay $0x1  }
0x9f: {  	s19 =	simm.s32 $_scs_section_size  }
0xa0: {  	s6 =	simm.s32 $_size__tile_overlayer_lowered;
	s7 =	simm.s32 $_tile_overlayer_lowered  }
0xa1: {  	s22 =	simm.s32 $0x1BFF;
	s21 =	sshll.u32 s7, $0x1;
	s4 =	sadd.s32 s19, s18  }
0xa2: {  	s8 =	simm.s32 $0x0;
	s20 =	sshll.u32 s6, $0x1;
	s6 =	sadd.s32 s21, s4  }
0xa3: {  	[timem:s8], [sflag:s22] =	dma.local [hbm:s6], s20  }
0xa4: {  	_ =	swait.ge [sflag:s22], s20  }
0xa5: {  	s5 =	ssub.s32 $0x0, s20;
	[sflag:s22] =	ssyncset.done $0x0  }
0xa6: {  	[sflag:s22] =	ssyncadd.s32 s5;
	_ =	sdelay $0x1  }
0xa7: {  	s23 =	simm.s32 $0x1B8B  }
0xa8: {  	_ =	swait.ge [sflag:s23], $0x1  }
0xa9: {  	[sflag:s23] =	ssyncset.done $0x0  }
0xaa: {  	s25 =	simm.s32 $0x1B8E;
	s24 =	sld [smem:$0x3FFE];
	[sflag:s23] =	ssyncadd.s32 $0xFFFFFFFF  }
0xab: {  	s26 =	simm.s32 $execute0_lowered;
	[smem:$0x3FD2] =	sst s25  }
0xac: {  	s6 =	sshll.u32 s26, $0x1;
	_ =	strace $0x80000046;
	[dreg:$0x1] =	wrdreg $0xFFFFFFFF  }
0xad: {  	s28 =	simm.s32 $_size_execute0_lowered;
	s4 =	sadd.s32 s4, s6;
	[dreg:$0x0] =	wrdreg $0x0  }
0xae: {  	s6 =	sshll.u32 s28, $0x1;
	[dreg:$0x2] =	wrdreg s4  }
0xaf: {  	[dreg:$0x3] =	wrdreg s6  }
0xb0: {  	[dreg:$0x4] =	wrdreg $0xC0  }
0xb1: {  	_ =	task [dreg:s8], $0x5FFFF  }
0xb2: {  	[dreg:$0x1] =	wrdreg $0xFFFFFFFF  }
0xb3: {  	[dreg:$0x0] =	wrdreg $0x60  }
0xb4: {  	[dreg:$0x2] =	wrdreg s16  }
0xb5: {  	[dreg:$0x3] =	wrdreg s24  }
0xb6: {  	[dreg:$0x4] =	wrdreg s15  }
0xb7: {  	[dreg:$0x5] =	wrdreg $0xC6800  }
0xb8: {  	[dreg:$0x6] =	wrdreg $0x9  }
0xb9: {  	_ =	task.clear_ibuf [dreg:s8], $0x7FFFF;
	_ =	strace $0x90000046  }
0xba: {  	s29 =	simm.s32 $0x9;
	_ =	strace $0x80000048  }
0xbb: {  	_ =	swait.ge [sflag:s29], $0x1  }
0xbc: {  	[sflag:s29] =	ssyncadd.s32 $0xFFFFFFFF  }
0xbd: {  	_ =	strace $0x90000048  }
0xbe: {  	_ =	sfence  }
0xbf: {  	s30 =	sld [smem:$0x0];
	_ =	sdelay $0x2  }
0xc0: {  	s31 =	sshll.u32 s1, $0xD;
	s1 =	sshrl.u32 s1, $0x2  }
0xc1: {  	s3 =	sand.u32 $0x4000, s31;
	s1 =	sadd.s32 s1, s30  }
0xc2: {  	s0 =	sor.u32 s3, s0;
	s1 =	sshll.u32 s1, $0x11  }
0xc3: {  	s0 =	sor.u32 s1, s0  }
0xc4: {  	s0 =	sadd.s32 $0x8F2B, s0  }
0xc5: {  	[sflag:s0] =	ssyncadd.remote.s32 $0x1  }
0xc6: {  	_ =	sfence.sel $0xFFFF  }
0xc7: {  	[dreg:$0x0] =	wrdreg $0xFFFFFFFF;
	(pc) =	sbr.abs _section_cstart, $3  }
0xc8: {  	[dreg:$0x1] =	wrdreg $0xFFFFFFFF  }
0xc9: {  	_ =	task.clear_ibuf [dreg:s8], $0x2FFFF;
	_ =	strace $0x9FFFFFFF  }
0xca: {  	(tm) =	ssettm $0x7FFFFFFF  }
0xcb: {  	_ =	shalt  }
tec
execute0_lowered:
.L_overlay_start_1:
0x0: {  	(tag) =	ssettag $0x1  }
0x1: {  	s1 =	rddreg [dreg:$0x0]  }
0x2: {  	s0 =	rddreg [dreg:$0x1]  }
0x3: {  	s2 =	rddreg [dreg:$0x2]  }
0x4: {  	s4 =	rddreg [dreg:$0x3];
	s5 =	simm.s32 $0x0  }
0x5: {  	s15 =	stileid.u32;
	s8 =	srdreg.scid;
	s30 =	simm.s32 $0x80  }
0x6: {  	s31 =	simm.s32 $0x300;
	[smem:$0x7FF] =	sst s5;
	s3 =	smul.u32 $0x13800, s15  }
0x7: {  	s6 =	sadd.s32 $0xAA00, s0;
	s7 =	sadd.s32 $0xC00, s0;
	s8 =	sand.u32 $0x1, s8  }
0x8: {  	s10 =	sshll.u32 s15, $0x1;
	s12 =	smul.u32 $0x4E000, s15;
	s14 =	sadd.s32 $0x3BA00, s0  }
0x9: {  	s28 =	sshll.u32 s15, $0x6;
	p0 =	sne.s32 s15, $0xF;
	s15 =	simm.s32 $0xA  }
0xa: {  	_ =	strace $0x80000047;
	s11 =	ssub.s32 $0x2, s8;
	s10 =	sor.u32 s8, s10  }
0xb: {  	s8 =	smul.u32 $0x138800, s8;
	[dreg:$0x15] =	wrdreg s28;
	s9 =	sshrl.u32 s3, $0x3  }
0xc: {  	s13 =	sshrl.u32 s11, $0x1;
	s10 =	smul.u32 $0x2710, s10;
	s12 =	sshrl.u32 s12, $0x2  }
0xd: {  	s9 =	sadd.s32 s9, s0;
	s11 =	ssub.s32 s11, s13;
	s12 =	sadd.s32 s12, s4  }
0xe: {  	s0 =	sadd.s32 $0x3B800, s0;
	s22 =	sadd.s32 s3, s8;
	s24 =	sshrl.u32 s8, $0x3  }
0xf: {  	s8 =	simm.s32 $0x6;
	[dreg:$0x5] =	wrdreg s12;
	s9 =	sadd.s32 $0x14800, s9  }
0x10: {  	s29 =	sshrl.u32 s10, $0x3;
	[dreg:$0x7] =	wrdreg s0;
	s21 =	sadd.s32 $0x100, s10  }
0x11: {  	s26 =	smax.u32 s11, $0x1;
	s12 =	simm.s32 $0x2;
	[dreg:$0x6] =	wrdreg s9  }
0x12: {  	s11 =	simm.s32 $0x0;
	s13 =	sadd.s32 s6, s29;
	[dreg:$0xe] =	wrdreg s21  }
0x13: {  	s16 =	sadd.s32 s7, s29;
	s17 =	sadd.s32 s2, s29;
	[dreg:$0x14] =	wrdreg s26  }
0x14: {  	s18 =	sadd.s32 $0x10, s29;
	s23 =	sadd.s32 $0x4E0, s29;
	[dreg:$0x8] =	wrdreg s13  }
0x15: {  	s29 =	sadd.s32 $0x138000, s4;
	s26 =	simm.s32 $0xB;
	[dreg:$0x9] =	wrdreg s16  }
0x16: {  	s21 =	simm.s32 $0x600;
	[dreg:$0xa] =	wrdreg s17;
	s19 =	sadd.s32 s6, s18  }
0x17: {  	s20 =	sadd.s32 s7, s18;
	s0 =	sadd.s32 s2, s18;
	[dreg:$0x17] =	wrdreg s29  }
0x18: {  	s18 =	sadd.s32 $0x180, s10;
	s9 =	sadd.s32 s6, s23;
	[dreg:$0xb] =	wrdreg s19  }
0x19: {  	s25 =	sadd.s32 s7, s23;
	s3 =	sadd.s32 s2, s23;
	[dreg:$0xc] =	wrdreg s20  }
0x1a: {  	s17 =	simm.s32 $0x680;
	s13 =	simm.s32 $0x4680;
	[dreg:$0xd] =	wrdreg s0  }
0x1b: {  	s16 =	simm.s32 $0x200;
	s23 =	simm.s32 $0x8;
	[dreg:$0xf] =	wrdreg s9  }
0x1c: {  	s19 =	sadd.s32 $0x200, s10;
	s0 =	sshrl.u32 s22, $0x3;
	[dreg:$0x11] =	wrdreg s25  }
0x1d: {  	[dreg:$0x12] =	wrdreg s3;
	s10 =	simm.s32 $0x40;
	s0 =	sadd.s32 s14, s0  }
0x1e: {  	s20 =	simm.s32 $0x280;
	[dreg:$0x10] =	wrdreg s0;
	s0 =	sadd.s32 s14, s24  }
0x1f: {  	s22 =	simm.s32 $0x5;
	s25 =	simm.s32 $0x8680;
	s0 =	sadd.s32 $0x27000, s0  }
0x20: {  	s9 =	simm.s32 $0x9;
	[dreg:$0x13] =	wrdreg s0;
	s0 =	sor.u32 $0x1C04, s28  }
0x21: {  	s24 =	simm.s32 $0x3;
	s14 =	simm.s32 $0x7;
	[dreg:$0x16] =	wrdreg s0  }
.LBB2_1:
0x22: {  	[dreg:$0x18] =	wrdreg s11  }
0x23: {  	s0 =	rddreg [dreg:$0x5]  }
0x24: {  	s29 =	rddreg [dreg:$0x6]  }
0x25: {  	s3 =	rddreg [dreg:$0x16];
	s0 =	sshrl.u32 s0, $0x3  }
0x26: {  	[dreg:$0x1a] =	wrdreg s0  }
0x27: {  	[spmem:s0], [sflag:s3] =	dma.local [hbm:s29], $0x2700  }
0x28: {  	s0 =	rddreg [dreg:$0x17]  }
0x29: {  	s3 =	rddreg [dreg:$0x7];
	s11 =	sshrl.u32 @!p0 s0, $0x3  }
0x2a: {  	s0 =	simm.s32 @!p0 $0x1FCE;
	[dreg:$0x19] =	wrdreg s11  }
0x2b: {  	[spmem:s11], [sflag:s0] =	dma.local @!p0 [hbm:s3], $0x100  }
0x2c: {  	s0 =	simm.s32 @!p0 $0xE  }
0x2d: {  	_ =	swait.ge @!p0 [sflag:s0], $0x100  }
0x2e: {  	[sflag:s0] =	ssyncset.done @!p0 $0x0  }
0x2f: {  	s11 =	rddreg [dreg:$0x8];
	[sflag:s0] =	ssyncadd.s32 @!p0 $0xFFFFFF00  }
0x30: {  	[tilespmem:s5], [sflag:$0x1] =	stream.linear.gather [hbm4b:s11+s5], $0x80, $0x38;
	[tilespmem:$0x1FF00] =	vst v63  }
0x31: {  	s29 =	rddreg [dreg:$0x9]  }
0x32: {  	[tilespmem:s30], [sflag:$0x1] =	stream.linear.gather [hbm4b:s29+s5], $0x80, $0x38;
	[tilespmem:$0x1FF00] =	vst v63  }
0x33: {  	s3 =	rddreg [dreg:$0xa]  }
0x34: {  	[tilespmem:s31], [sflag:$0x1] =	stream.linear.gather [hbm4b:s3+s5], $0x80, $0x38;
	[tilespmem:$0x1FF00] =	vst v63  }
0x35: {  	s11 =	rddreg [dreg:$0xb];
	s29 =	simm.s32 $0x100  }
0x36: {  	[tilespmem:s29], [sflag:$0x2] =	stream.linear.gather [hbm4b:s11+s5], $0x80, $0x38;
	[tilespmem:$0x1FF00] =	vst v63  }
0x37: {  	s11 =	rddreg [dreg:$0xc];
	s29 =	simm.s32 $0x180  }
0x38: {  	[tilespmem:s29], [sflag:$0x2] =	stream.linear.gather [hbm4b:s11+s5], $0x80, $0x38;
	[tilespmem:$0x1FF00] =	vst v63  }
0x39: {  	s3 =	rddreg [dreg:$0xd];
	s11 =	simm.s32 $0x380;
	s29 =	simm.s32 $0x4  }
0x3a: {  	[tilespmem:s11], [sflag:$0x2] =	stream.linear.gather [hbm4b:s3+s5], $0x80, $0x38;
	[tilespmem:$0x1FF00] =	vst v63  }
0x3b: {  	_ =	swait.ge [sflag:s29], $0x2700  }
0x3c: {  	[sflag:s29] =	ssyncset.done $0x0  }
0x3d: {  	[sflag:s29] =	ssyncadd.s32 $0xFFFFD900  }
0x3e: {  	s3 =	simm.s32 $0x1;
	[bflag:$0x0] =	sbarrier.arrive $0xFFFF  }
0x3f: {  	_ =	swait.ge [sflag:s3], $0x80  }
0x40: {  	[sflag:s3] =	ssyncset.done $0x0  }
0x41: {  	[sflag:s3] =	ssyncadd.s32 $0xFFFFFF80  }
0x42: {  	_ =	swait.ge [sflag:s3], $0x80  }
0x43: {  	[sflag:s3] =	ssyncset.done $0x0  }
0x44: {  	[sflag:s3] =	ssyncadd.s32 $0xFFFFFF80  }
0x45: {  	_ =	swait.ge [sflag:s3], $0x80  }
0x46: {  	[sflag:s3] =	ssyncset.done $0x0  }
0x47: {  	[sflag:s3] =	ssyncadd.s32 $0xFFFFFF80  }
0x48: {  	[tilespmem:s17], [sflag:$0x5] =	stream.indirect.gather [hbm4b:s1+s10], $0x80, s30, s10, $0xb8;
	[tilespmem:$0x1FF00] =	vst v63  }
0x49: {  	s28 =	simm.s32 $0x0;
	s11 =	simm.s32 $0xC0;
	s29 =	simm.s32 $0x2680  }
0x4a: {  	[tilespmem:s29], [sflag:$0x8] =	stream.indirect.gather [hbm4b:s1+s10], $0x80, s11, s10, $0xb8;
	[tilespmem:$0x1FF00] =	vst v63  }
.LBB2_2:
0x4b: {  	_ =	swait.ge [sflag:s12], $0x80  }
0x4c: {  	[sflag:s12] =	ssyncset.done $0x0  }
0x4d: {  	[sflag:s12] =	ssyncadd.s32 $0xFFFFFF80  }
0x4e: {  	_ =	swait.ge [sflag:s12], $0x80  }
0x4f: {  	[sflag:s12] =	ssyncset.done $0x0  }
0x50: {  	[sflag:s12] =	ssyncadd.s32 $0xFFFFFF80  }
0x51: {  	_ =	swait.ge [sflag:s12], $0x80  }
0x52: {  	[sflag:s12] =	ssyncset.done $0x0  }
0x53: {  	s0 =	simm.s32 $0x180;
	p1 =	seq.s32 s28, $0x0;
	[sflag:s12] =	ssyncadd.s32 $0xFFFFFF80  }
0x54: {  	[tilespmem:s13], [sflag:$0x6] =	stream.indirect.gather [hbm4b:s1+s10], $0x80, s0, s10, $0xb8;
	[tilespmem:$0x1FF00] =	vst v63  }
0x55: {  	s11 =	simm.s32 $0x1C0;
	s3 =	simm.s32 $0x6680;
	s0 =	simm.s32 @!p1 $0xD  }
0x56: {  	[tilespmem:s3], [sflag:$0x9] =	stream.indirect.gather [hbm4b:s1+s10], $0x80, s11, s10, $0xb8;
	[tilespmem:$0x1FF00] =	vst v63  }
0x57: {  	s29 =	smul.u32 $0x180, s28;
	_ =	swait.ge @!p1 [sflag:s0], $0x4000  }
0x58: {  	s11 =	rddreg [dreg:$0xe]  }
0x59: {  	s3 =	sadd.s32 s29, s11  }
0x5a: {  	[sflag:s0] =	ssyncset.done @!p1 $0x0;
	s3 =	sshrl.u32 s3, $0x3  }
0x5b: {  	[sflag:s0] =	ssyncadd.s32 @!p1 $0xFFFFC000;
	s11 =	sadd.s32 s6, s3  }
0x5c: {  	[tilespmem:s16], [sflag:$0x3] =	stream.linear.gather [hbm4b:s11+s5], $0x80, $0x38;
	[tilespmem:$0x1FF00] =	vst v63  }
0x5d: {  	s11 =	sadd.s32 s7, s3  }
0x5e: {  	[tilespmem:s20], [sflag:$0x3] =	stream.linear.gather [hbm4b:s11+s5], $0x80, $0x38;
	[tilespmem:$0x1FF00] =	vst v63  }
0x5f: {  	v2 =	vimm.s32 $0x0;
	s3 =	sadd.s32 s2, s3;
	s11 =	simm.s32 $0x400  }
0x60: {  	v0 =	vor.u32 $0x3, v2;
	[tilespmem:s11], [sflag:$0x3] =	stream.linear.gather [hbm4b:s3+s5], $0x80, $0x38;
	[tilespmem:$0x1FF00] =	vst v63  }
0x61: {  	_ =	swait.ge [sflag:s22], $0x2000  }
0x62: {  	[sflag:s22] =	ssyncset.done $0x0  }
0x63: {  	[sflag:s22] =	ssyncadd.s32 $0xFFFFE000  }
0x64: {  	v1 =	vld.idx.msk [tilespmem:v2+s31+$0x0], $0xffff  }
0x65: {  	s0 =	simm.s32 $0x780;
	v0 =	vld.idx.msk [tilespmem:v0+s31+$0x0], $0xffff  }
0x66: {  	v3 =	vld [tilespmem:s0+$0xF0]  }
0x67: {  	v4 =	vld [tilespmem:s0+$0xFFFFFF00]  }
0x68: {  	v5 =	vld [tilespmem:s0+$0xFFFFFF10]  }
0x69: {  	v6 =	vor.u32 $0x1, v2;
	v7 =	vld [tilespmem:s0+$0xFFFFFF20]  }
0x6a: {  	v8 =	vld [tilespmem:s0+$0xFFFFFF30]  }
0x6b: {  	v11 =	vld [tilespmem:s0+$0xFFFFFF60]  }
0x6c: {  	v9 =	vld [tilespmem:s0+$0xFFFFFF40]  }
0x6d: {  	v10 =	vld [tilespmem:s0+$0xFFFFFF50];
	v4 =	vmul.f32 v4, v1  }
0x6e: {  	v6 =	vld.idx.msk [tilespmem:v6+s31+$0x0], $0xffff;
	v3 =	vmul.f32 v3, v0  }
0x6f: {  	v12 =	vld [tilespmem:s0+$0xFFFFFF80];
	v5 =	vmul.f32 v5, v1;
	[tilespmem:s0+$0xFFFFFF00] =	vst v4  }
0x70: {  	v62 =	vld [tilespmem:s0+$0xFFFFFFD0];
	v11 =	vmul.f32 v11, v1;
	[tilespmem:s0+$0xF0] =	vst v3  }
0x71: {  	v4 =	vld [tilespmem:s0+$0xFFFFFF70];
	v3 =	vmul.f32 v7, v1;
	[tilespmem:s0+$0xFFFFFF10] =	vst v5  }
0x72: {  	v13 =	vor.u32 $0x2, v2;
	v7 =	vld [tilespmem:s0+$0xFFFFFF90];
	v5 =	vmul.f32 v8, v1;
	[tilespmem:s0+$0xFFFFFF60] =	vst v11  }
0x73: {  	v8 =	vld [tilespmem:s0+$0xFFFFFFA0];
	[tilespmem:s0+$0xFFFFFF20] =	vst v3;
	v3 =	vmul.f32 v9, v1  }
0x74: {  	v9 =	vld [tilespmem:s0+$0xFFFFFFB0];
	[tilespmem:s0+$0xFFFFFF30] =	vst v5;
	v5 =	vmul.f32 v10, v1  }
0x75: {  	v10 =	vld [tilespmem:s0+$0xFFFFFFC0];
	[tilespmem:s0+$0xFFFFFF40] =	vst v3;
	v3 =	vmul.f32 v12, v6  }
0x76: {  	[tilespmem:s0+$0xFFFFFF50] =	vst v5;
	v5 =	vld [tilespmem:s0+$0xFFFFFFE0];
	v4 =	vmul.f32 v4, v1  }
0x77: {  	v1 =	vld.idx.msk [tilespmem:v13+s31+$0x0], $0xffff;
	[tilespmem:s0+$0xFFFFFF80] =	vst v3;
	v3 =	vmul.f32 v7, v6  }
0x78: {  	v7 =	vld [tilespmem:s0+$0xFFFFFFF0];
	[tilespmem:s0+$0xFFFFFF70] =	vst v4;
	v4 =	vmul.f32 v8, v6  }
0x79: {  	v8 =	vld [tilespmem:s0+$0x0];
	[tilespmem:s0+$0xFFFFFF90] =	vst v3;
	v3 =	vmul.f32 v9, v6  }
0x7a: {  	v9 =	vld [tilespmem:s0+$0x10];
	[tilespmem:s0+$0xFFFFFFA0] =	vst v4;
	v4 =	vmul.f32 v10, v6  }
0x7b: {  	v10 =	vld [tilespmem:s0+$0x20];
	[tilespmem:s0+$0xFFFFFFB0] =	vst v3;
	v3 =	vmul.f32 v62, v6  }
0x7c: {  	v11 =	vld [tilespmem:s0+$0x30];
	[tilespmem:s0+$0xFFFFFFC0] =	vst v4;
	v4 =	vmul.f32 v5, v6  }
0x7d: {  	v63 =	vld [tilespmem:s0+$0x40];
	v6 =	vmul.f32 v7, v6;
	[tilespmem:s0+$0xFFFFFFD0] =	vst v3  }
0x7e: {  	v5 =	vmul.f32 v8, v1;
	v8 =	vld [tilespmem:s0+$0x50];
	[tilespmem:s0+$0xFFFFFFE0] =	vst v4  }
0x7f: {  	v3 =	vld [tilespmem:s0+$0x60];
	v7 =	vmul.f32 v9, v1;
	[tilespmem:s0+$0xFFFFFFF0] =	vst v6  }
0x80: {  	v4 =	vld [tilespmem:s0+$0x70];
	[tilespmem:s0+$0x0] =	vst v5;
	v5 =	vmul.f32 v10, v1  }
0x81: {  	v6 =	vld [tilespmem:s0+$0x80];
	[tilespmem:s0+$0x10] =	vst v7;
	v7 =	vmul.f32 v11, v1  }
0x82: {  	v9 =	vmul.f32 v63, v1;
	[tilespmem:s0+$0x20] =	vst v5;
	v5 =	vld [tilespmem:s0+$0x90]  }
0x83: {  	s11 =	simm.s32 $0x0;
	s3 =	simm.s32 $0x780;
	v2 =	vadd.s32 $0x4, v2;
	[tilespmem:s0+$0x30] =	vst v7;
	v8 =	vmul.f32 v8, v1;
	v7 =	vld [tilespmem:s0+$0xA0]  }
.LBB2_3:
0x84: {  	v10 =	vor.u32 $0x1, v2;
	v11 =	vor.u32 $0x2, v2;
	v12 =	vor.u32 $0x3, v2;
	s11 =	sadd.s32 $0x4, s11;
	[tilespmem:s0+$0x40] =	vst v9;
	v9 =	vld [tilespmem:s0+$0xB0]  }
0x85: {  	v3 =	vmul.f32 v3, v1;
	p1 =	slt.u32 s11, $0x3C;
	[tilespmem:s0+$0x50] =	vst v8;
	v1 =	vmul.f32 v4, v1;
	v4 =	vld [tilespmem:s0+$0xC0]  }
0x86: {  	v6 =	vmul.f32 v6, v0;
	v8 =	vld [tilespmem:s0+$0xD0]  }
0x87: {  	[tilespmem:s0+$0x60] =	vst v3;
	v3 =	vmul.f32 v5, v0;
	v5 =	vld [tilespmem:s0+$0xE0]  }
0x88: {  	v13 =	vld.idx.msk [tilespmem:v2+s31+$0x0], $0xffff;
	[tilespmem:s0+$0x70] =	vst v1;
	v1 =	vmul.f32 v7, v0  }
0x89: {  	s0 =	sadd.s32 $0x200, s0;
	v7 =	vld.idx.msk [tilespmem:v12+s31+$0x0], $0xffff;
	[tilespmem:s3+$0x80] =	vst v6;
	v6 =	vmul.f32 v9, v0  }
0x8a: {  	v9 =	vld [tilespmem:s0+$0xF0];
	[tilespmem:s3+$0x90] =	vst v3;
	v3 =	vmul.f32 v4, v0  }
0x8b: {  	v4 =	vld.idx.msk [tilespmem:v10+s31+$0x0], $0xffff;
	[tilespmem:s3+$0xA0] =	vst v1;
	v8 =	vmul.f32 v8, v0  }
0x8c: {  	v1 =	vld.idx.msk [tilespmem:v11+s31+$0x0], $0xffff;
	[tilespmem:s3+$0xB0] =	vst v6;
	v10 =	vmul.f32 v5, v0  }
0x8d: {  	v5 =	vld [tilespmem:s0+$0xFFFFFF00];
	[tilespmem:s3+$0xC0] =	vst v3  }
0x8e: {  	v3 =	vld [tilespmem:s0+$0xFFFFFF10];
	[tilespmem:s3+$0xD0] =	vst v8  }
0x8f: {  	v0 =	vmov v7;
	v6 =	vld [tilespmem:s0+$0xFFFFFF20];
	v8 =	vmul.f32 v9, v7;
	[tilespmem:s3+$0xE0] =	vst v10;
	s3 =	smov.u32 s0  }
0x90: {  	v7 =	vld [tilespmem:s0+$0xFFFFFF30]  }
0x91: {  	v9 =	vld [tilespmem:s0+$0xFFFFFF40];
	[tilespmem:s0+$0xF0] =	vst v8  }
0x92: {  	v5 =	vmul.f32 v5, v13;
	v8 =	vld [tilespmem:s0+$0xFFFFFF50]  }
0x93: {  	v3 =	vmul.f32 v3, v13;
	v10 =	vld [tilespmem:s0+$0xFFFFFF60]  }
0x94: {  	[tilespmem:s0+$0xFFFFFF00] =	vst v5;
	v5 =	vmul.f32 v6, v13;
	v6 =	vld [tilespmem:s0+$0xFFFFFF70]  }
0x95: {  	[tilespmem:s0+$0xFFFFFF10] =	vst v3;
	v3 =	vmul.f32 v7, v13;
	v7 =	vld [tilespmem:s0+$0xFFFFFF80]  }
0x96: {  	[tilespmem:s0+$0xFFFFFF20] =	vst v5;
	v5 =	vmul.f32 v9, v13;
	v9 =	vld [tilespmem:s0+$0xFFFFFF90]  }
0x97: {  	[tilespmem:s0+$0xFFFFFF30] =	vst v3;
	v3 =	vmul.f32 v8, v13;
	v8 =	vld [tilespmem:s0+$0xFFFFFFA0]  }
0x98: {  	[tilespmem:s0+$0xFFFFFF40] =	vst v5;
	v5 =	vmul.f32 v10, v13;
	v10 =	vld [tilespmem:s0+$0xFFFFFFB0]  }
0x99: {  	[tilespmem:s0+$0xFFFFFF50] =	vst v3;
	v3 =	vmul.f32 v6, v13;
	v6 =	vld [tilespmem:s0+$0xFFFFFFC0]  }
0x9a: {  	[tilespmem:s0+$0xFFFFFF60] =	vst v5;
	v5 =	vmul.f32 v7, v4;
	v7 =	vld [tilespmem:s0+$0xFFFFFFD0]  }
0x9b: {  	[tilespmem:s0+$0xFFFFFF70] =	vst v3;
	v3 =	vmul.f32 v9, v4;
	v9 =	vld [tilespmem:s0+$0xFFFFFFE0]  }
0x9c: {  	[tilespmem:s0+$0xFFFFFF80] =	vst v5;
	v5 =	vmul.f32 v8, v4;
	v8 =	vld [tilespmem:s0+$0xFFFFFFF0]  }
0x9d: {  	[tilespmem:s0+$0xFFFFFF90] =	vst v3;
	v3 =	vmul.f32 v10, v4;
	v10 =	vld [tilespmem:s0+$0x0]  }
0x9e: {  	[tilespmem:s0+$0xFFFFFFA0] =	vst v5;
	v5 =	vmul.f32 v6, v4;
	v6 =	vld [tilespmem:s0+$0x10]  }
0x9f: {  	[tilespmem:s0+$0xFFFFFFB0] =	vst v3;
	v3 =	vmul.f32 v7, v4;
	v7 =	vld [tilespmem:s0+$0x20]  }
0xa0: {  	[tilespmem:s0+$0xFFFFFFC0] =	vst v5;
	v5 =	vmul.f32 v9, v4;
	v9 =	vld [tilespmem:s0+$0x30]  }
0xa1: {  	[tilespmem:s0+$0xFFFFFFD0] =	vst v3;
	v3 =	vmul.f32 v8, v4;
	v8 =	vld [tilespmem:s0+$0x40]  }
0xa2: {  	[tilespmem:s0+$0xFFFFFFE0] =	vst v5;
	v4 =	vmul.f32 v10, v1;
	v10 =	vld [tilespmem:s0+$0x50]  }
.Ltmp0:
0xa3: {  	[tilespmem:s0+$0xFFFFFFF0] =	vst v3;
	v5 =	vmul.f32 v6, v1;
	v3 =	vld [tilespmem:s0+$0x60];
	(pc) =	sbr.rel @p1 .LBB2_3-.Ltmp0, $4  }
0xa4: {  	[tilespmem:s0+$0x0] =	vst v4;
	v7 =	vmul.f32 v7, v1;
	v4 =	vld [tilespmem:s0+$0x70]  }
0xa5: {  	[tilespmem:s0+$0x10] =	vst v5;
	v11 =	vmul.f32 v9, v1;
	v6 =	vld [tilespmem:s0+$0x80]  }
0xa6: {  	[tilespmem:s0+$0x20] =	vst v7;
	v9 =	vmul.f32 v8, v1;
	v5 =	vld [tilespmem:s0+$0x90]  }
0xa7: {  	v2 =	vadd.s32 $0x4, v2;
	[tilespmem:s0+$0x30] =	vst v11;
	v8 =	vmul.f32 v10, v1;
	v7 =	vld [tilespmem:s0+$0xA0]  }
0xa8: {  	[tilespmem:s0+$0x40] =	vst v9;
	v2 =	vld [tilespmem:s0+$0xB0];
	v3 =	vmul.f32 v3, v1  }
0xa9: {  	[tilespmem:s0+$0x50] =	vst v8;
	v1 =	vmul.f32 v4, v1;
	v4 =	vld [tilespmem:s0+$0xC0]  }
0xaa: {  	v8 =	vld [tilespmem:s0+$0xD0];
	v6 =	vmul.f32 v6, v0;
	[tilespmem:s0+$0x60] =	vst v3  }
0xab: {  	v3 =	vmul.f32 v5, v0;
	v5 =	vld [tilespmem:s0+$0xE0];
	[tilespmem:s0+$0x70] =	vst v1  }
0xac: {  	v1 =	vmul.f32 v7, v0;
	[tilespmem:s3+$0x80] =	vst v6  }
0xad: {  	v2 =	vmul.f32 v2, v0;
	[tilespmem:s3+$0x90] =	vst v3  }
0xae: {  	v3 =	vmul.f32 v4, v0;
	[tilespmem:s3+$0xA0] =	vst v1  }
0xaf: {  	v1 =	vmul.f32 v8, v0;
	[tilespmem:s3+$0xB0] =	vst v2  }
0xb0: {  	v0 =	vmul.f32 v5, v0;
	[tilespmem:s3+$0xC0] =	vst v3  }
0xb1: {  	v2 =	vimm.s32 $0x40;
	[tilespmem:s3+$0xD0] =	vst v1  }
0xb2: {  	[tilespmem:s3+$0xE0] =	vst v0  }
0xb3: {  	_ =	swait.ge [sflag:s23], $0x2000  }
0xb4: {  	[sflag:s23] =	ssyncset.done $0x0  }
0xb5: {  	[sflag:s23] =	ssyncadd.s32 $0xFFFFE000  }
0xb6: {  	s0 =	simm.s32 $0x2870;
	v1 =	vld.idx.msk [tilespmem:v2+s31+$0x0], $0xffff  }
0xb7: {  	v0 =	vor.u32 $0x3, v2;
	v3 =	vld [tilespmem:s0+$0x0]  }
0xb8: {  	v4 =	vld [tilespmem:s0+$0xFFFFFE10]  }
0xb9: {  	v5 =	vld [tilespmem:s0+$0xFFFFFE20]  }
0xba: {  	v7 =	vld [tilespmem:s0+$0xFFFFFE30]  }
0xbb: {  	v6 =	vor.u32 $0x1, v2;
	v8 =	vld [tilespmem:s0+$0xFFFFFE40]  }
0xbc: {  	v0 =	vld.idx.msk [tilespmem:v0+s31+$0x0], $0xffff  }
0xbd: {  	v11 =	vld [tilespmem:s0+$0xFFFFFE70]  }
0xbe: {  	v9 =	vld [tilespmem:s0+$0xFFFFFE50]  }
0xbf: {  	v10 =	vld [tilespmem:s0+$0xFFFFFE60];
	v4 =	vmul.f32 v4, v1  }
0xc0: {  	v6 =	vld.idx.msk [tilespmem:v6+s31+$0x0], $0xffff;
	v5 =	vmul.f32 v5, v1  }
0xc1: {  	v12 =	vld [tilespmem:s0+$0xFFFFFE90];
	v3 =	vmul.f32 v3, v0;
	[tilespmem:s0+$0xFFFFFE10] =	vst v4  }
0xc2: {  	v62 =	vld [tilespmem:s0+$0xFFFFFEE0];
	v11 =	vmul.f32 v11, v1;
	[tilespmem:s0+$0xFFFFFE20] =	vst v5  }
0xc3: {  	v4 =	vld [tilespmem:s0+$0xFFFFFE80];
	[tilespmem:s0+$0x0] =	vst v3;
	v3 =	vmul.f32 v7, v1  }
0xc4: {  	v13 =	vor.u32 $0x2, v2;
	v5 =	vmul.f32 v8, v1;
	[tilespmem:s0+$0xFFFFFE70] =	vst v11;
	v7 =	vld [tilespmem:s0+$0xFFFFFEA0]  }
0xc5: {  	v8 =	vld [tilespmem:s0+$0xFFFFFEB0];
	[tilespmem:s0+$0xFFFFFE30] =	vst v3;
	v3 =	vmul.f32 v9, v1  }
0xc6: {  	[tilespmem:s0+$0xFFFFFE40] =	vst v5;
	v5 =	vmul.f32 v10, v1;
	v9 =	vld [tilespmem:s0+$0xFFFFFEC0]  }
0xc7: {  	v10 =	vld [tilespmem:s0+$0xFFFFFED0];
	[tilespmem:s0+$0xFFFFFE50] =	vst v3;
	v3 =	vmul.f32 v12, v6  }
0xc8: {  	[tilespmem:s0+$0xFFFFFE60] =	vst v5;
	v5 =	vld [tilespmem:s0+$0xFFFFFEF0];
	v4 =	vmul.f32 v4, v1  }
0xc9: {  	v1 =	vld.idx.msk [tilespmem:v13+s31+$0x0], $0xffff;
	[tilespmem:s0+$0xFFFFFE90] =	vst v3;
	v3 =	vmul.f32 v7, v6  }
0xca: {  	[tilespmem:s0+$0xFFFFFE80] =	vst v4;
	v4 =	vmul.f32 v8, v6;
	v8 =	vld [tilespmem:s0+$0xFFFFFF10]  }
0xcb: {  	v7 =	vld [tilespmem:s0+$0xFFFFFF00];
	[tilespmem:s0+$0xFFFFFEA0] =	vst v3;
	v3 =	vmul.f32 v9, v6  }
0xcc: {  	v9 =	vld [tilespmem:s0+$0xFFFFFF20];
	[tilespmem:s0+$0xFFFFFEB0] =	vst v4;
	v4 =	vmul.f32 v10, v6  }
0xcd: {  	v10 =	vld [tilespmem:s0+$0xFFFFFF30];
	[tilespmem:s0+$0xFFFFFEC0] =	vst v3;
	v3 =	vmul.f32 v62, v6  }
0xce: {  	v11 =	vld [tilespmem:s0+$0xFFFFFF40];
	[tilespmem:s0+$0xFFFFFED0] =	vst v4;
	v4 =	vmul.f32 v5, v6  }
0xcf: {  	v63 =	vld [tilespmem:s0+$0xFFFFFF50];
	v5 =	vmul.f32 v8, v1;
	[tilespmem:s0+$0xFFFFFEE0] =	vst v3  }
0xd0: {  	v8 =	vld [tilespmem:s0+$0xFFFFFF60];
	v6 =	vmul.f32 v7, v6;
	[tilespmem:s0+$0xFFFFFEF0] =	vst v4  }
0xd1: {  	v3 =	vld [tilespmem:s0+$0xFFFFFF70];
	v7 =	vmul.f32 v9, v1;
	[tilespmem:s0+$0xFFFFFF10] =	vst v5  }
0xd2: {  	v4 =	vld [tilespmem:s0+$0xFFFFFF80];
	[tilespmem:s0+$0xFFFFFF00] =	vst v6;
	v5 =	vmul.f32 v10, v1  }
0xd3: {  	v6 =	vld [tilespmem:s0+$0xFFFFFF90];
	[tilespmem:s0+$0xFFFFFF20] =	vst v7;
	v7 =	vmul.f32 v11, v1  }
0xd4: {  	v9 =	vmul.f32 v63, v1;
	[tilespmem:s0+$0xFFFFFF30] =	vst v5;
	v5 =	vld [tilespmem:s0+$0xFFFFFFA0]  }
0xd5: {  	s11 =	simm.s32 $0x40;
	s3 =	simm.s32 $0x2870;
	v2 =	vadd.s32 $0x4, v2;
	v8 =	vmul.f32 v8, v1;
	[tilespmem:s0+$0xFFFFFF40] =	vst v7;
	v7 =	vld [tilespmem:s0+$0xFFFFFFB0]  }
.LBB2_5:
0xd6: {  	v10 =	vor.u32 $0x1, v2;
	v11 =	vor.u32 $0x2, v2;
	v12 =	vor.u32 $0x3, v2;
	s11 =	sadd.s32 $0x4, s11;
	[tilespmem:s0+$0xFFFFFF50] =	vst v9;
	v9 =	vld [tilespmem:s0+$0xFFFFFFC0]  }
0xd7: {  	v3 =	vmul.f32 v3, v1;
	p1 =	slt.u32 s11, $0x7C;
	[tilespmem:s0+$0xFFFFFF60] =	vst v8;
	v1 =	vmul.f32 v4, v1;
	v4 =	vld [tilespmem:s0+$0xFFFFFFD0]  }
0xd8: {  	v6 =	vmul.f32 v6, v0;
	v8 =	vld [tilespmem:s0+$0xFFFFFFE0]  }
0xd9: {  	[tilespmem:s0+$0xFFFFFF70] =	vst v3;
	v3 =	vmul.f32 v5, v0;
	v5 =	vld [tilespmem:s0+$0xFFFFFFF0]  }
0xda: {  	v13 =	vld.idx.msk [tilespmem:v2+s31+$0x0], $0xffff;
	[tilespmem:s0+$0xFFFFFF80] =	vst v1;
	v1 =	vmul.f32 v7, v0  }
0xdb: {  	s0 =	sadd.s32 $0x200, s0;
	v7 =	vld.idx.msk [tilespmem:v12+s31+$0x0], $0xffff;
	[tilespmem:s3+$0xFFFFFF90] =	vst v6;
	v6 =	vmul.f32 v9, v0  }
0xdc: {  	v9 =	vld [tilespmem:s0+$0x0];
	[tilespmem:s3+$0xFFFFFFA0] =	vst v3;
	v3 =	vmul.f32 v4, v0  }
0xdd: {  	v4 =	vld.idx.msk [tilespmem:v10+s31+$0x0], $0xffff;
	[tilespmem:s3+$0xFFFFFFB0] =	vst v1;
	v8 =	vmul.f32 v8, v0  }
0xde: {  	v1 =	vld.idx.msk [tilespmem:v11+s31+$0x0], $0xffff;
	[tilespmem:s3+$0xFFFFFFC0] =	vst v6;
	v10 =	vmul.f32 v5, v0  }
0xdf: {  	v5 =	vld [tilespmem:s0+$0xFFFFFE10];
	[tilespmem:s3+$0xFFFFFFD0] =	vst v3  }
0xe0: {  	v3 =	vld [tilespmem:s0+$0xFFFFFE20];
	[tilespmem:s3+$0xFFFFFFE0] =	vst v8  }
0xe1: {  	v0 =	vmov v7;
	v6 =	vld [tilespmem:s0+$0xFFFFFE30];
	v8 =	vmul.f32 v9, v7;
	[tilespmem:s3+$0xFFFFFFF0] =	vst v10;
	s3 =	smov.u32 s0  }
0xe2: {  	v7 =	vld [tilespmem:s0+$0xFFFFFE40]  }
0xe3: {  	v9 =	vld [tilespmem:s0+$0xFFFFFE50];
	[tilespmem:s0+$0x0] =	vst v8  }
0xe4: {  	v5 =	vmul.f32 v5, v13;
	v8 =	vld [tilespmem:s0+$0xFFFFFE60]  }
0xe5: {  	v3 =	vmul.f32 v3, v13;
	v10 =	vld [tilespmem:s0+$0xFFFFFE70]  }
0xe6: {  	[tilespmem:s0+$0xFFFFFE10] =	vst v5;
	v5 =	vmul.f32 v6, v13;
	v6 =	vld [tilespmem:s0+$0xFFFFFE80]  }
0xe7: {  	[tilespmem:s0+$0xFFFFFE20] =	vst v3;
	v3 =	vmul.f32 v7, v13;
	v7 =	vld [tilespmem:s0+$0xFFFFFE90]  }
0xe8: {  	[tilespmem:s0+$0xFFFFFE30] =	vst v5;
	v5 =	vmul.f32 v9, v13;
	v9 =	vld [tilespmem:s0+$0xFFFFFEA0]  }
0xe9: {  	[tilespmem:s0+$0xFFFFFE40] =	vst v3;
	v3 =	vmul.f32 v8, v13;
	v8 =	vld [tilespmem:s0+$0xFFFFFEB0]  }
0xea: {  	[tilespmem:s0+$0xFFFFFE50] =	vst v5;
	v5 =	vmul.f32 v10, v13;
	v10 =	vld [tilespmem:s0+$0xFFFFFEC0]  }
0xeb: {  	[tilespmem:s0+$0xFFFFFE60] =	vst v3;
	v3 =	vmul.f32 v6, v13;
	v6 =	vld [tilespmem:s0+$0xFFFFFED0]  }
0xec: {  	[tilespmem:s0+$0xFFFFFE70] =	vst v5;
	v5 =	vmul.f32 v7, v4;
	v7 =	vld [tilespmem:s0+$0xFFFFFEE0]  }
0xed: {  	[tilespmem:s0+$0xFFFFFE80] =	vst v3;
	v3 =	vmul.f32 v9, v4;
	v9 =	vld [tilespmem:s0+$0xFFFFFEF0]  }
0xee: {  	[tilespmem:s0+$0xFFFFFE90] =	vst v5;
	v5 =	vmul.f32 v8, v4;
	v8 =	vld [tilespmem:s0+$0xFFFFFF00]  }
0xef: {  	[tilespmem:s0+$0xFFFFFEA0] =	vst v3;
	v3 =	vmul.f32 v10, v4;
	v10 =	vld [tilespmem:s0+$0xFFFFFF10]  }
0xf0: {  	[tilespmem:s0+$0xFFFFFEB0] =	vst v5;
	v5 =	vmul.f32 v6, v4;
	v6 =	vld [tilespmem:s0+$0xFFFFFF20]  }
0xf1: {  	[tilespmem:s0+$0xFFFFFEC0] =	vst v3;
	v3 =	vmul.f32 v7, v4;
	v7 =	vld [tilespmem:s0+$0xFFFFFF30]  }
0xf2: {  	[tilespmem:s0+$0xFFFFFED0] =	vst v5;
	v5 =	vmul.f32 v9, v4;
	v9 =	vld [tilespmem:s0+$0xFFFFFF40]  }
0xf3: {  	[tilespmem:s0+$0xFFFFFEE0] =	vst v3;
	v3 =	vmul.f32 v8, v4;
	v8 =	vld [tilespmem:s0+$0xFFFFFF50]  }
0xf4: {  	[tilespmem:s0+$0xFFFFFEF0] =	vst v5;
	v4 =	vmul.f32 v10, v1;
	v10 =	vld [tilespmem:s0+$0xFFFFFF60]  }
.Ltmp1:
0xf5: {  	[tilespmem:s0+$0xFFFFFF00] =	vst v3;
	v5 =	vmul.f32 v6, v1;
	v3 =	vld [tilespmem:s0+$0xFFFFFF70];
	(pc) =	sbr.rel @p1 .LBB2_5-.Ltmp1, $4  }
0xf6: {  	[tilespmem:s0+$0xFFFFFF10] =	vst v4;
	v7 =	vmul.f32 v7, v1;
	v4 =	vld [tilespmem:s0+$0xFFFFFF80]  }
0xf7: {  	[tilespmem:s0+$0xFFFFFF20] =	vst v5;
	v11 =	vmul.f32 v9, v1;
	v6 =	vld [tilespmem:s0+$0xFFFFFF90]  }
0xf8: {  	[tilespmem:s0+$0xFFFFFF30] =	vst v7;
	v9 =	vmul.f32 v8, v1;
	v5 =	vld [tilespmem:s0+$0xFFFFFFA0]  }
0xf9: {  	v2 =	vadd.s32 $0x4, v2;
	[tilespmem:s0+$0xFFFFFF40] =	vst v11;
	v8 =	vmul.f32 v10, v1;
	v7 =	vld [tilespmem:s0+$0xFFFFFFB0]  }
0xfa: {  	[tilespmem:s0+$0xFFFFFF50] =	vst v9;
	v2 =	vld [tilespmem:s0+$0xFFFFFFC0];
	v3 =	vmul.f32 v3, v1  }
0xfb: {  	[tilespmem:s0+$0xFFFFFF60] =	vst v8;
	v1 =	vmul.f32 v4, v1;
	v4 =	vld [tilespmem:s0+$0xFFFFFFD0]  }
0xfc: {  	v8 =	vld [tilespmem:s0+$0xFFFFFFE0];
	v6 =	vmul.f32 v6, v0;
	[tilespmem:s0+$0xFFFFFF70] =	vst v3  }
0xfd: {  	v3 =	vmul.f32 v5, v0;
	v5 =	vld [tilespmem:s0+$0xFFFFFFF0];
	[tilespmem:s0+$0xFFFFFF80] =	vst v1  }
0xfe: {  	v1 =	vmul.f32 v7, v0;
	[tilespmem:s3+$0xFFFFFF90] =	vst v6  }
0xff: {  	v2 =	vmul.f32 v2, v0;
	[tilespmem:s3+$0xFFFFFFA0] =	vst v3  }
0x100: {  	v3 =	vmul.f32 v4, v0;
	[tilespmem:s3+$0xFFFFFFB0] =	vst v1  }
0x101: {  	v1 =	vmul.f32 v8, v0;
	[tilespmem:s3+$0xFFFFFFC0] =	vst v2  }
0x102: {  	v0 =	vmul.f32 v5, v0;
	[tilespmem:s3+$0xFFFFFFD0] =	vst v3  }
0x103: {  	[tilespmem:s3+$0xFFFFFFE0] =	vst v1  }
0x104: {  	[tilespmem:s3+$0xFFFFFFF0] =	vst v0  }
0x105: {  	[spmem:s4] =	stream.indirect.scatter.add.f32 [tilespmem:s17], [sflag:$0xB], $0x80, s5, s30, $0xb8;
	[tilespmem:$0x1FF00] =	vst v63  }
0x106: {  	_ =	swait.ge [sflag:s24], $0x80  }
0x107: {  	[sflag:s24] =	ssyncset.done $0x0  }
0x108: {  	[sflag:s24] =	ssyncadd.s32 $0xFFFFFF80  }
0x109: {  	_ =	swait.ge [sflag:s24], $0x80  }
0x10a: {  	[sflag:s24] =	ssyncset.done $0x0  }
0x10b: {  	[sflag:s24] =	ssyncadd.s32 $0xFFFFFF80  }
0x10c: {  	_ =	swait.ge [sflag:s24], $0x80  }
0x10d: {  	[sflag:s24] =	ssyncset.done $0x0  }
0x10e: {  	[sflag:s24] =	ssyncadd.s32 $0xFFFFFF80  }
0x10f: {  	[tilespmem:s25], [sflag:$0x7] =	stream.indirect.gather [hbm4b:s1+s10], $0x80, s20, s10, $0xb8;
	[tilespmem:$0x1FF00] =	vst v63  }
0x110: {  	s11 =	simm.s32 $0x2C0;
	p1 =	seq.s32 s28, $0x19;
	s17 =	simm.s32 $0xA680  }
0x111: {  	[tilespmem:s17], [sflag:$0xA] =	stream.indirect.gather [hbm4b:s1+s10], $0x80, s11, s10, $0xb8;
	[tilespmem:$0x1FF00] =	vst v63  }
0x112: {  	s0 =	sadd.s32 @!p1 s29, s18;
	_ =	swait.ge [sflag:s26], $0x4000  }
0x113: {  	s0 =	sshrl.u32 @!p1 s0, $0x3;
	[sflag:s26] =	ssyncset.done $0x0  }
0x114: {  	s3 =	sadd.s32 @!p1 s6, s0;
	s11 =	simm.s32 @!p1 $0x0;
	[sflag:s26] =	ssyncadd.s32 $0xFFFFC000  }
0x115: {  	[tilespmem:s11], [sflag:$0x1] =	stream.linear.gather @!p1 [hbm4b:s3+s11], $0x80, $0x38;
	[tilespmem:$0x1FF00] =	vst v63  }
0x116: {  	v2 =	vimm.s32 $0x0;
	s17 =	simm.s32 @!p1 $0x80;
	s3 =	sadd.s32 @!p1 s7, s0  }
0x117: {  	v0 =	vand.u32 $0xFFFFFFFC, v2;
	[tilespmem:s17], [sflag:$0x1] =	stream.linear.gather @!p1 [hbm4b:s3+s11], $0x80, $0x38;
	[tilespmem:$0x1FF00] =	vst v63  }
0x118: {  	v1 =	vadd.s32 $0x80, v0;
	s0 =	sadd.s32 @!p1 s2, s0;
	s3 =	simm.s32 @!p1 $0x300  }
0x119: {  	v0 =	vor.u32 $0x3, v1;
	[tilespmem:s3], [sflag:$0x1] =	stream.linear.gather @!p1 [hbm4b:s0+s11], $0x80, $0x38;
	[tilespmem:$0x1FF00] =	vst v63  }
0x11a: {  	_ =	swait.ge [sflag:s8], $0x2000  }
0x11b: {  	[sflag:s8] =	ssyncset.done $0x0  }
0x11c: {  	[sflag:s8] =	ssyncadd.s32 $0xFFFFE000  }
0x11d: {  	v3 =	vld.idx.msk [tilespmem:v1+s31+$0x0], $0xffff  }
0x11e: {  	s0 =	simm.s32 $0x4680;
	v0 =	vld.idx.msk [tilespmem:v0+s31+$0x0], $0xffff  }
0x11f: {  	v4 =	vld [tilespmem:s0+$0x1F0]  }
0x120: {  	v5 =	vld [tilespmem:s0+$0x0]  }
0x121: {  	v6 =	vld [tilespmem:s0+$0x10]  }
0x122: {  	v7 =	vor.u32 $0x1, v1;
	v8 =	vld [tilespmem:s0+$0x20]  }
0x123: {  	v9 =	vld [tilespmem:s0+$0x30]  }
0x124: {  	v12 =	vld [tilespmem:s0+$0x60]  }
0x125: {  	v10 =	vld [tilespmem:s0+$0x40]  }
0x126: {  	v11 =	vld [tilespmem:s0+$0x50];
	v5 =	vmul.f32 v5, v3  }
0x127: {  	v7 =	vld.idx.msk [tilespmem:v7+s31+$0x0], $0xffff;
	v4 =	vmul.f32 v4, v0  }
0x128: {  	v13 =	vld [tilespmem:s0+$0x80];
	v6 =	vmul.f32 v6, v3;
	[tilespmem:s0+$0x0] =	vst v5  }
0x129: {  	v63 =	vld [tilespmem:s0+$0xD0];
	v12 =	vmul.f32 v12, v3;
	[tilespmem:s0+$0x1F0] =	vst v4  }
0x12a: {  	v1 =	vor.u32 $0x2, v1;
	v5 =	vld [tilespmem:s0+$0x70];
	v4 =	vmul.f32 v8, v3;
	[tilespmem:s0+$0x10] =	vst v6  }
0x12b: {  	v8 =	vld [tilespmem:s0+$0x90];
	v6 =	vmul.f32 v9, v3;
	[tilespmem:s0+$0x60] =	vst v12  }
0x12c: {  	v9 =	vld [tilespmem:s0+$0xA0];
	[tilespmem:s0+$0x20] =	vst v4;
	v4 =	vmul.f32 v10, v3  }
0x12d: {  	v10 =	vld [tilespmem:s0+$0xB0];
	[tilespmem:s0+$0x30] =	vst v6;
	v6 =	vmul.f32 v11, v3  }
0x12e: {  	v11 =	vld [tilespmem:s0+$0xC0];
	[tilespmem:s0+$0x40] =	vst v4;
	v4 =	vmul.f32 v13, v7  }
0x12f: {  	v1 =	vld.idx.msk [tilespmem:v1+s31+$0x0], $0xffff;
	[tilespmem:s0+$0x50] =	vst v6;
	v3 =	vmul.f32 v5, v3  }
0x130: {  	v6 =	vld [tilespmem:s0+$0xE0];
	[tilespmem:s0+$0x80] =	vst v4;
	v4 =	vmul.f32 v8, v7  }
0x131: {  	v8 =	vld [tilespmem:s0+$0xF0];
	[tilespmem:s0+$0x70] =	vst v3;
	v3 =	vmul.f32 v9, v7  }
0x132: {  	v5 =	vld [tilespmem:s0+$0x100];
	[tilespmem:s0+$0x90] =	vst v4;
	v4 =	vmul.f32 v10, v7  }
0x133: {  	v9 =	vld [tilespmem:s0+$0x110];
	[tilespmem:s0+$0xA0] =	vst v3;
	v3 =	vmul.f32 v11, v7  }
0x134: {  	v10 =	vld [tilespmem:s0+$0x120];
	[tilespmem:s0+$0xB0] =	vst v4;
	v4 =	vmul.f32 v63, v7  }
0x135: {  	v11 =	vld [tilespmem:s0+$0x130];
	[tilespmem:s0+$0xC0] =	vst v3;
	v3 =	vmul.f32 v6, v7  }
0x136: {  	v6 =	vld [tilespmem:s0+$0x140];
	v7 =	vmul.f32 v8, v7;
	[tilespmem:s0+$0xD0] =	vst v4  }
0x137: {  	v4 =	vmul.f32 v5, v1;
	v5 =	vld [tilespmem:s0+$0x150];
	[tilespmem:s0+$0xE0] =	vst v3  }
0x138: {  	v8 =	vmul.f32 v9, v1;
	v3 =	vld [tilespmem:s0+$0x160];
	[tilespmem:s0+$0xF0] =	vst v7  }
0x139: {  	v9 =	vmul.f32 v10, v1;
	[tilespmem:s0+$0x100] =	vst v4;
	v4 =	vld [tilespmem:s0+$0x170]  }
0x13a: {  	v2 =	vadd.s32 $0x4, v2;
	s11 =	simm.s32 $0x0;
	s3 =	simm.s32 $0x4680;
	v7 =	vld [tilespmem:s0+$0x180];
	[tilespmem:s0+$0x110] =	vst v8;
	v8 =	vmul.f32 v11, v1  }
.LBB2_7:
0x13b: {  	v10 =	vand.u32 $0xFFFFFFFC, v2;
	s11 =	sadd.s32 $0x4, s11;
	[tilespmem:s0+$0x120] =	vst v9;
	v6 =	vmul.f32 v6, v1;
	v9 =	vld [tilespmem:s0+$0x190]  }
0x13c: {  	v10 =	vadd.s32 $0x80, v10;
	p1 =	slt.u32 s11, $0x3C;
	[tilespmem:s0+$0x130] =	vst v8;
	v5 =	vmul.f32 v5, v1;
	v8 =	vld [tilespmem:s0+$0x1A0]  }
0x13d: {  	v11 =	vor.u32 $0x1, v10;
	v12 =	vor.u32 $0x2, v10;
	v13 =	vor.u32 $0x3, v10;
	[tilespmem:s0+$0x140] =	vst v6;
	v6 =	vld [tilespmem:s0+$0x1B0]  }
0x13e: {  	v3 =	vmul.f32 v3, v1;
	[tilespmem:s0+$0x150] =	vst v5;
	v1 =	vmul.f32 v4, v1;
	v4 =	vld [tilespmem:s0+$0x1C0]  }
0x13f: {  	v5 =	vmul.f32 v7, v0;
	v7 =	vld [tilespmem:s0+$0x1D0]  }
0x140: {  	[tilespmem:s0+$0x160] =	vst v3;
	v3 =	vmul.f32 v9, v0;
	v9 =	vld [tilespmem:s0+$0x1E0]  }
0x141: {  	v10 =	vld.idx.msk [tilespmem:v10+s31+$0x0], $0xffff;
	[tilespmem:s0+$0x170] =	vst v1;
	v1 =	vmul.f32 v8, v0  }
0x142: {  	s0 =	sadd.s32 $0x200, s0;
	v8 =	vld.idx.msk [tilespmem:v13+s31+$0x0], $0xffff;
	[tilespmem:s3+$0x180] =	vst v5;
	v5 =	vmul.f32 v6, v0  }
0x143: {  	v6 =	vld [tilespmem:s0+$0x1F0];
	[tilespmem:s3+$0x190] =	vst v3;
	v3 =	vmul.f32 v4, v0  }
0x144: {  	v4 =	vld.idx.msk [tilespmem:v11+s31+$0x0], $0xffff;
	[tilespmem:s3+$0x1A0] =	vst v1;
	v7 =	vmul.f32 v7, v0  }
0x145: {  	v1 =	vld.idx.msk [tilespmem:v12+s31+$0x0], $0xffff;
	[tilespmem:s3+$0x1B0] =	vst v5;
	v9 =	vmul.f32 v9, v0  }
0x146: {  	v5 =	vld [tilespmem:s0+$0x0];
	[tilespmem:s3+$0x1C0] =	vst v3  }
0x147: {  	v3 =	vld [tilespmem:s0+$0x10];
	[tilespmem:s3+$0x1D0] =	vst v7  }
0x148: {  	v0 =	vmov v8;
	v7 =	vld [tilespmem:s0+$0x20];
	v6 =	vmul.f32 v6, v8;
	[tilespmem:s3+$0x1E0] =	vst v9;
	s3 =	smov.u32 s0  }
0x149: {  	v8 =	vld [tilespmem:s0+$0x30]  }
0x14a: {  	v9 =	vld [tilespmem:s0+$0x40];
	[tilespmem:s0+$0x1F0] =	vst v6  }
0x14b: {  	v5 =	vmul.f32 v5, v10;
	v6 =	vld [tilespmem:s0+$0x50]  }
0x14c: {  	v3 =	vmul.f32 v3, v10;
	v11 =	vld [tilespmem:s0+$0x60]  }
0x14d: {  	[tilespmem:s0+$0x0] =	vst v5;
	v5 =	vmul.f32 v7, v10;
	v7 =	vld [tilespmem:s0+$0x70]  }
0x14e: {  	[tilespmem:s0+$0x10] =	vst v3;
	v3 =	vmul.f32 v8, v10;
	v8 =	vld [tilespmem:s0+$0x80]  }
0x14f: {  	[tilespmem:s0+$0x20] =	vst v5;
	v5 =	vmul.f32 v9, v10;
	v9 =	vld [tilespmem:s0+$0x90]  }
0x150: {  	[tilespmem:s0+$0x30] =	vst v3;
	v3 =	vmul.f32 v6, v10;
	v6 =	vld [tilespmem:s0+$0xA0]  }
0x151: {  	[tilespmem:s0+$0x40] =	vst v5;
	v5 =	vmul.f32 v11, v10;
	v11 =	vld [tilespmem:s0+$0xB0]  }
0x152: {  	[tilespmem:s0+$0x50] =	vst v3;
	v3 =	vmul.f32 v7, v10;
	v7 =	vld [tilespmem:s0+$0xC0]  }
0x153: {  	[tilespmem:s0+$0x60] =	vst v5;
	v5 =	vmul.f32 v8, v4;
	v8 =	vld [tilespmem:s0+$0xD0]  }
0x154: {  	[tilespmem:s0+$0x70] =	vst v3;
	v3 =	vmul.f32 v9, v4;
	v9 =	vld [tilespmem:s0+$0xE0]  }
0x155: {  	[tilespmem:s0+$0x80] =	vst v5;
	v5 =	vmul.f32 v6, v4;
	v6 =	vld [tilespmem:s0+$0xF0]  }
0x156: {  	[tilespmem:s0+$0x90] =	vst v3;
	v3 =	vmul.f32 v11, v4;
	v10 =	vld [tilespmem:s0+$0x100]  }
0x157: {  	[tilespmem:s0+$0xA0] =	vst v5;
	v5 =	vmul.f32 v7, v4;
	v7 =	vld [tilespmem:s0+$0x110]  }
0x158: {  	[tilespmem:s0+$0xB0] =	vst v3;
	v3 =	vmul.f32 v8, v4;
	v8 =	vld [tilespmem:s0+$0x120]  }
0x159: {  	[tilespmem:s0+$0xC0] =	vst v5;
	v5 =	vmul.f32 v9, v4;
	v11 =	vld [tilespmem:s0+$0x130]  }
.Ltmp2:
0x15a: {  	[tilespmem:s0+$0xD0] =	vst v3;
	v3 =	vmul.f32 v6, v4;
	v6 =	vld [tilespmem:s0+$0x140];
	(pc) =	sbr.rel @p1 .LBB2_7-.Ltmp2, $4  }
0x15b: {  	[tilespmem:s0+$0xE0] =	vst v5;
	v4 =	vmul.f32 v10, v1;
	v5 =	vld [tilespmem:s0+$0x150]  }
0x15c: {  	[tilespmem:s0+$0xF0] =	vst v3;
	v7 =	vmul.f32 v7, v1;
	v3 =	vld [tilespmem:s0+$0x160]  }
0x15d: {  	[tilespmem:s0+$0x100] =	vst v4;
	v9 =	vmul.f32 v8, v1;
	v4 =	vld [tilespmem:s0+$0x170]  }
0x15e: {  	v2 =	vadd.s32 $0x4, v2;
	[tilespmem:s0+$0x110] =	vst v7;
	v8 =	vmul.f32 v11, v1;
	v7 =	vld [tilespmem:s0+$0x180]  }
0x15f: {  	[tilespmem:s0+$0x120] =	vst v9;
	v2 =	vmul.f32 v6, v1;
	v6 =	vld [tilespmem:s0+$0x190]  }
0x160: {  	[tilespmem:s0+$0x130] =	vst v8;
	v5 =	vmul.f32 v5, v1;
	v8 =	vld [tilespmem:s0+$0x1A0]  }
0x161: {  	[tilespmem:s0+$0x140] =	vst v2;
	v2 =	vld [tilespmem:s0+$0x1B0];
	v3 =	vmul.f32 v3, v1  }
0x162: {  	[tilespmem:s0+$0x150] =	vst v5;
	v1 =	vmul.f32 v4, v1;
	v4 =	vld [tilespmem:s0+$0x1C0]  }
0x163: {  	v5 =	vmul.f32 v7, v0;
	v7 =	vld [tilespmem:s0+$0x1D0];
	[tilespmem:s0+$0x160] =	vst v3  }
0x164: {  	v3 =	vmul.f32 v6, v0;
	v6 =	vld [tilespmem:s0+$0x1E0];
	[tilespmem:s0+$0x170] =	vst v1  }
0x165: {  	v1 =	vmul.f32 v8, v0;
	[tilespmem:s3+$0x180] =	vst v5  }
0x166: {  	v2 =	vmul.f32 v2, v0;
	[tilespmem:s3+$0x190] =	vst v3  }
0x167: {  	v3 =	vmul.f32 v4, v0;
	[tilespmem:s3+$0x1A0] =	vst v1  }
0x168: {  	v1 =	vmul.f32 v7, v0;
	[tilespmem:s3+$0x1B0] =	vst v2;
	v2 =	vimm.s32 $0x40  }
0x169: {  	v0 =	vmul.f32 v6, v0;
	[tilespmem:s3+$0x1C0] =	vst v3;
	v3 =	vand.u32 $0xFFFFFFFC, v2  }
0x16a: {  	[tilespmem:s3+$0x1D0] =	vst v1;
	v1 =	vadd.s32 $0x80, v3  }
0x16b: {  	[tilespmem:s3+$0x1E0] =	vst v0  }
0x16c: {  	_ =	swait.ge [sflag:s9], $0x2000  }
0x16d: {  	[sflag:s9] =	ssyncset.done $0x0  }
0x16e: {  	[sflag:s9] =	ssyncadd.s32 $0xFFFFE000  }
0x16f: {  	s0 =	simm.s32 $0x6680;
	v3 =	vld.idx.msk [tilespmem:v1+s31+$0x0], $0xffff  }
0x170: {  	v0 =	vor.u32 $0x3, v1;
	v4 =	vld [tilespmem:s0+$0x1F0]  }
0x171: {  	v5 =	vld [tilespmem:s0+$0x0]  }
0x172: {  	v6 =	vld [tilespmem:s0+$0x10]  }
0x173: {  	v8 =	vld [tilespmem:s0+$0x20]  }
0x174: {  	v9 =	vld [tilespmem:s0+$0x30]  }
0x175: {  	v0 =	vld.idx.msk [tilespmem:v0+s31+$0x0], $0xffff  }
0x176: {  	v7 =	vor.u32 $0x1, v1;
	v12 =	vld [tilespmem:s0+$0x60]  }
0x177: {  	v10 =	vld [tilespmem:s0+$0x40]  }
0x178: {  	v11 =	vld [tilespmem:s0+$0x50];
	v5 =	vmul.f32 v5, v3  }
0x179: {  	v13 =	vld [tilespmem:s0+$0x80];
	v6 =	vmul.f32 v6, v3  }
0x17a: {  	v63 =	vld [tilespmem:s0+$0xD0];
	v4 =	vmul.f32 v4, v0;
	[tilespmem:s0+$0x0] =	vst v5  }
0x17b: {  	v7 =	vld.idx.msk [tilespmem:v7+s31+$0x0], $0xffff;
	v12 =	vmul.f32 v12, v3;
	[tilespmem:s0+$0x10] =	vst v6  }
0x17c: {  	v1 =	vor.u32 $0x2, v1;
	v5 =	vld [tilespmem:s0+$0x70];
	[tilespmem:s0+$0x1F0] =	vst v4;
	v4 =	vmul.f32 v8, v3  }
0x17d: {  	v6 =	vmul.f32 v9, v3;
	[tilespmem:s0+$0x60] =	vst v12;
	v8 =	vld [tilespmem:s0+$0x90]  }
0x17e: {  	v9 =	vld [tilespmem:s0+$0xA0];
	[tilespmem:s0+$0x20] =	vst v4;
	v4 =	vmul.f32 v10, v3  }
0x17f: {  	[tilespmem:s0+$0x30] =	vst v6;
	v6 =	vmul.f32 v11, v3;
	v10 =	vld [tilespmem:s0+$0xB0]  }
0x180: {  	v11 =	vld [tilespmem:s0+$0xC0];
	[tilespmem:s0+$0x40] =	vst v4;
	v4 =	vmul.f32 v13, v7  }
0x181: {  	v1 =	vld.idx.msk [tilespmem:v1+s31+$0x0], $0xffff;
	[tilespmem:s0+$0x50] =	vst v6;
	v3 =	vmul.f32 v5, v3  }
0x182: {  	v6 =	vld [tilespmem:s0+$0xE0];
	[tilespmem:s0+$0x80] =	vst v4;
	v4 =	vmul.f32 v8, v7  }
0x183: {  	v8 =	vld [tilespmem:s0+$0xF0];
	[tilespmem:s0+$0x70] =	vst v3;
	v3 =	vmul.f32 v9, v7  }
0x184: {  	v5 =	vld [tilespmem:s0+$0x100];
	[tilespmem:s0+$0x90] =	vst v4;
	v4 =	vmul.f32 v10, v7  }
0x185: {  	v9 =	vld [tilespmem:s0+$0x110];
	[tilespmem:s0+$0xA0] =	vst v3;
	v3 =	vmul.f32 v11, v7  }
0x186: {  	v10 =	vld [tilespmem:s0+$0x120];
	[tilespmem:s0+$0xB0] =	vst v4;
	v4 =	vmul.f32 v63, v7  }
0x187: {  	v11 =	vld [tilespmem:s0+$0x130];
	[tilespmem:s0+$0xC0] =	vst v3;
	v3 =	vmul.f32 v6, v7  }
0x188: {  	v6 =	vld [tilespmem:s0+$0x140];
	v7 =	vmul.f32 v8, v7;
	[tilespmem:s0+$0xD0] =	vst v4  }
0x189: {  	v4 =	vmul.f32 v5, v1;
	v5 =	vld [tilespmem:s0+$0x150];
	[tilespmem:s0+$0xE0] =	vst v3  }
0x18a: {  	v8 =	vmul.f32 v9, v1;
	v3 =	vld [tilespmem:s0+$0x160];
	[tilespmem:s0+$0xF0] =	vst v7  }
0x18b: {  	v9 =	vmul.f32 v10, v1;
	[tilespmem:s0+$0x100] =	vst v4;
	v4 =	vld [tilespmem:s0+$0x170]  }
0x18c: {  	s11 =	simm.s32 $0x40;
	v2 =	vadd.s32 $0x4, v2;
	s3 =	simm.s32 $0x6680;
	[tilespmem:s0+$0x110] =	vst v8;
	v8 =	vmul.f32 v11, v1;
	v7 =	vld [tilespmem:s0+$0x180]  }
.LBB2_9:
0x18d: {  	v10 =	vand.u32 $0xFFFFFFFC, v2;
	s11 =	sadd.s32 $0x4, s11;
	[tilespmem:s0+$0x120] =	vst v9;
	v6 =	vmul.f32 v6, v1;
	v9 =	vld [tilespmem:s0+$0x190]  }
0x18e: {  	v10 =	vadd.s32 $0x80, v10;
	p1 =	slt.u32 s11, $0x7C;
	[tilespmem:s0+$0x130] =	vst v8;
	v5 =	vmul.f32 v5, v1;
	v8 =	vld [tilespmem:s0+$0x1A0]  }
0x18f: {  	v11 =	vor.u32 $0x1, v10;
	v12 =	vor.u32 $0x2, v10;
	v13 =	vor.u32 $0x3, v10;
	[tilespmem:s0+$0x140] =	vst v6;
	v6 =	vld [tilespmem:s0+$0x1B0]  }
0x190: {  	v3 =	vmul.f32 v3, v1;
	[tilespmem:s0+$0x150] =	vst v5;
	v1 =	vmul.f32 v4, v1;
	v4 =	vld [tilespmem:s0+$0x1C0]  }
0x191: {  	v5 =	vmul.f32 v7, v0;
	v7 =	vld [tilespmem:s0+$0x1D0]  }
0x192: {  	[tilespmem:s0+$0x160] =	vst v3;
	v3 =	vmul.f32 v9, v0;
	v9 =	vld [tilespmem:s0+$0x1E0]  }
0x193: {  	v10 =	vld.idx.msk [tilespmem:v10+s31+$0x0], $0xffff;
	[tilespmem:s0+$0x170] =	vst v1;
	v1 =	vmul.f32 v8, v0  }
0x194: {  	s0 =	sadd.s32 $0x200, s0;
	v8 =	vld.idx.msk [tilespmem:v13+s31+$0x0], $0xffff;
	[tilespmem:s3+$0x180] =	vst v5;
	v5 =	vmul.f32 v6, v0  }
0x195: {  	v6 =	vld [tilespmem:s0+$0x1F0];
	[tilespmem:s3+$0x190] =	vst v3;
	v3 =	vmul.f32 v4, v0  }
0x196: {  	v4 =	vld.idx.msk [tilespmem:v11+s31+$0x0], $0xffff;
	[tilespmem:s3+$0x1A0] =	vst v1;
	v7 =	vmul.f32 v7, v0  }
0x197: {  	v1 =	vld.idx.msk [tilespmem:v12+s31+$0x0], $0xffff;
	[tilespmem:s3+$0x1B0] =	vst v5;
	v9 =	vmul.f32 v9, v0  }
0x198: {  	v5 =	vld [tilespmem:s0+$0x0];
	[tilespmem:s3+$0x1C0] =	vst v3  }
0x199: {  	v3 =	vld [tilespmem:s0+$0x10];
	[tilespmem:s3+$0x1D0] =	vst v7  }
0x19a: {  	v0 =	vmov v8;
	v7 =	vld [tilespmem:s0+$0x20];
	v6 =	vmul.f32 v6, v8;
	[tilespmem:s3+$0x1E0] =	vst v9;
	s3 =	smov.u32 s0  }
0x19b: {  	v8 =	vld [tilespmem:s0+$0x30]  }
0x19c: {  	v9 =	vld [tilespmem:s0+$0x40];
	[tilespmem:s0+$0x1F0] =	vst v6  }
0x19d: {  	v5 =	vmul.f32 v5, v10;
	v6 =	vld [tilespmem:s0+$0x50]  }
0x19e: {  	v3 =	vmul.f32 v3, v10;
	v11 =	vld [tilespmem:s0+$0x60]  }
0x19f: {  	[tilespmem:s0+$0x0] =	vst v5;
	v5 =	vmul.f32 v7, v10;
	v7 =	vld [tilespmem:s0+$0x70]  }
0x1a0: {  	[tilespmem:s0+$0x10] =	vst v3;
	v3 =	vmul.f32 v8, v10;
	v8 =	vld [tilespmem:s0+$0x80]  }
0x1a1: {  	[tilespmem:s0+$0x20] =	vst v5;
	v5 =	vmul.f32 v9, v10;
	v9 =	vld [tilespmem:s0+$0x90]  }
0x1a2: {  	[tilespmem:s0+$0x30] =	vst v3;
	v3 =	vmul.f32 v6, v10;
	v6 =	vld [tilespmem:s0+$0xA0]  }
0x1a3: {  	[tilespmem:s0+$0x40] =	vst v5;
	v5 =	vmul.f32 v11, v10;
	v11 =	vld [tilespmem:s0+$0xB0]  }
0x1a4: {  	[tilespmem:s0+$0x50] =	vst v3;
	v3 =	vmul.f32 v7, v10;
	v7 =	vld [tilespmem:s0+$0xC0]  }
0x1a5: {  	[tilespmem:s0+$0x60] =	vst v5;
	v5 =	vmul.f32 v8, v4;
	v8 =	vld [tilespmem:s0+$0xD0]  }
0x1a6: {  	[tilespmem:s0+$0x70] =	vst v3;
	v3 =	vmul.f32 v9, v4;
	v9 =	vld [tilespmem:s0+$0xE0]  }
0x1a7: {  	[tilespmem:s0+$0x80] =	vst v5;
	v5 =	vmul.f32 v6, v4;
	v6 =	vld [tilespmem:s0+$0xF0]  }
0x1a8: {  	[tilespmem:s0+$0x90] =	vst v3;
	v3 =	vmul.f32 v11, v4;
	v10 =	vld [tilespmem:s0+$0x100]  }
0x1a9: {  	[tilespmem:s0+$0xA0] =	vst v5;
	v5 =	vmul.f32 v7, v4;
	v7 =	vld [tilespmem:s0+$0x110]  }
0x1aa: {  	[tilespmem:s0+$0xB0] =	vst v3;
	v3 =	vmul.f32 v8, v4;
	v8 =	vld [tilespmem:s0+$0x120]  }
0x1ab: {  	[tilespmem:s0+$0xC0] =	vst v5;
	v5 =	vmul.f32 v9, v4;
	v11 =	vld [tilespmem:s0+$0x130]  }
.Ltmp3:
0x1ac: {  	[tilespmem:s0+$0xD0] =	vst v3;
	v3 =	vmul.f32 v6, v4;
	v6 =	vld [tilespmem:s0+$0x140];
	(pc) =	sbr.rel @p1 .LBB2_9-.Ltmp3, $4  }
0x1ad: {  	[tilespmem:s0+$0xE0] =	vst v5;
	v4 =	vmul.f32 v10, v1;
	v5 =	vld [tilespmem:s0+$0x150]  }
0x1ae: {  	[tilespmem:s0+$0xF0] =	vst v3;
	v7 =	vmul.f32 v7, v1;
	v3 =	vld [tilespmem:s0+$0x160]  }
0x1af: {  	[tilespmem:s0+$0x100] =	vst v4;
	v9 =	vmul.f32 v8, v1;
	v4 =	vld [tilespmem:s0+$0x170]  }
0x1b0: {  	v2 =	vadd.s32 $0x4, v2;
	[tilespmem:s0+$0x110] =	vst v7;
	v8 =	vmul.f32 v11, v1;
	v7 =	vld [tilespmem:s0+$0x180]  }
0x1b1: {  	[tilespmem:s0+$0x120] =	vst v9;
	v2 =	vmul.f32 v6, v1;
	v6 =	vld [tilespmem:s0+$0x190]  }
0x1b2: {  	[tilespmem:s0+$0x130] =	vst v8;
	v5 =	vmul.f32 v5, v1;
	v8 =	vld [tilespmem:s0+$0x1A0]  }
0x1b3: {  	[tilespmem:s0+$0x140] =	vst v2;
	v2 =	vld [tilespmem:s0+$0x1B0];
	v3 =	vmul.f32 v3, v1  }
0x1b4: {  	[tilespmem:s0+$0x150] =	vst v5;
	v1 =	vmul.f32 v4, v1;
	v4 =	vld [tilespmem:s0+$0x1C0]  }
0x1b5: {  	v5 =	vmul.f32 v7, v0;
	v7 =	vld [tilespmem:s0+$0x1D0];
	[tilespmem:s0+$0x160] =	vst v3  }
0x1b6: {  	v3 =	vmul.f32 v6, v0;
	v6 =	vld [tilespmem:s0+$0x1E0];
	[tilespmem:s0+$0x170] =	vst v1  }
0x1b7: {  	v1 =	vmul.f32 v8, v0;
	[tilespmem:s3+$0x180] =	vst v5  }
0x1b8: {  	v2 =	vmul.f32 v2, v0;
	[tilespmem:s3+$0x190] =	vst v3  }
0x1b9: {  	v3 =	vmul.f32 v4, v0;
	[tilespmem:s3+$0x1A0] =	vst v1  }
0x1ba: {  	v1 =	vmul.f32 v7, v0;
	[tilespmem:s3+$0x1B0] =	vst v2  }
0x1bb: {  	v0 =	vmul.f32 v6, v0;
	[tilespmem:s3+$0x1C0] =	vst v3  }
0x1bc: {  	p1 =	sne.s32 s28, $0x19;
	[tilespmem:s3+$0x1D0] =	vst v1  }
0x1bd: {  	s17 =	simm.s32 $0x100;
	s0 =	simm.s32 @p1 $0x1;
	[tilespmem:s3+$0x1E0] =	vst v0  }
0x1be: {  	[spmem:s4] =	stream.indirect.scatter.add.f32 [tilespmem:s13], [sflag:$0xC], $0x80, s17, s30, $0xb8;
	[tilespmem:$0x1FF00] =	vst v63  }
0x1bf: {  	_ =	swait.ge @p1 [sflag:s0], $0x80  }
0x1c0: {  	[sflag:s0] =	ssyncset.done @p1 $0x0  }
0x1c1: {  	[sflag:s0] =	ssyncadd.s32 @p1 $0xFFFFFF80  }
0x1c2: {  	_ =	swait.ge @p1 [sflag:s0], $0x80  }
0x1c3: {  	[sflag:s0] =	ssyncset.done @p1 $0x0  }
0x1c4: {  	[sflag:s0] =	ssyncadd.s32 @p1 $0xFFFFFF80  }
0x1c5: {  	_ =	swait.ge @p1 [sflag:s0], $0x80  }
0x1c6: {  	s11 =	simm.s32 @p1 $0x680;
	[sflag:s0] =	ssyncset.done @p1 $0x0  }
0x1c7: {  	s3 =	simm.s32 @p1 $0x80;
	[sflag:s0] =	ssyncadd.s32 @p1 $0xFFFFFF80;
	s0 =	simm.s32 @p1 $0x40  }
0x1c8: {  	[tilespmem:s11], [sflag:$0x5] =	stream.indirect.gather @p1 [hbm4b:s1+s0], $0x80, s3, s0, $0xb8;
	[tilespmem:$0x1FF00] =	vst v63  }
0x1c9: {  	s3 =	simm.s32 @p1 $0xC0;
	s11 =	simm.s32 @p1 $0x2680  }
0x1ca: {  	[tilespmem:s11], [sflag:$0x8] =	stream.indirect.gather @p1 [hbm4b:s1+s0], $0x80, s3, s0, $0xb8;
	[tilespmem:$0x1FF00] =	vst v63  }
0x1cb: {  	s0 =	simm.s32 @p1 $0xC  }
0x1cc: {  	_ =	swait.ge @p1 [sflag:s0], $0x4000  }
0x1cd: {  	s3 =	sadd.s32 @p1 s29, s19;
	[sflag:s0] =	ssyncset.done @p1 $0x0  }
0x1ce: {  	[sflag:s0] =	ssyncadd.s32 @p1 $0xFFFFC000;
	s0 =	sshrl.u32 @p1 s3, $0x3  }
0x1cf: {  	s17 =	simm.s32 @p1 $0x100;
	s11 =	simm.s32 @p1 $0x0;
	s3 =	sadd.s32 @p1 s6, s0  }
0x1d0: {  	[tilespmem:s17], [sflag:$0x2] =	stream.linear.gather @p1 [hbm4b:s3+s11], $0x80, $0x38;
	[tilespmem:$0x1FF00] =	vst v63  }
0x1d1: {  	s3 =	sadd.s32 @p1 s7, s0;
	s17 =	simm.s32 @p1 $0x180  }
0x1d2: {  	[tilespmem:s17], [sflag:$0x2] =	stream.linear.gather @p1 [hbm4b:s3+s11], $0x80, $0x38;
	[tilespmem:$0x1FF00] =	vst v63  }
0x1d3: {  	s0 =	sadd.s32 @p1 s2, s0;
	s3 =	simm.s32 @p1 $0x380  }
0x1d4: {  	[tilespmem:s3], [sflag:$0x2] =	stream.linear.gather @p1 [hbm4b:s0+s11], $0x80, $0x38;
	[tilespmem:$0x1FF00] =	vst v63  }
0x1d5: {  	v2 =	vimm.s32 $0x0;
	s0 =	simm.s32 @!p1 $0xC  }
0x1d6: {  	v0 =	vand.u32 $0xFFFFFFFC, v2;
	_ =	swait.ge @!p1 [sflag:s0], $0x4000  }
0x1d7: {  	v1 =	vadd.s32 $0x100, v0;
	[sflag:s0] =	ssyncset.done @!p1 $0x0  }
0x1d8: {  	v0 =	vor.u32 $0x3, v1;
	[sflag:s0] =	ssyncadd.s32 @!p1 $0xFFFFC000  }
0x1d9: {  	_ =	swait.ge [sflag:s14], $0x2000  }
0x1da: {  	[sflag:s14] =	ssyncset.done $0x0  }
0x1db: {  	[sflag:s14] =	ssyncadd.s32 $0xFFFFE000  }
0x1dc: {  	v3 =	vld.idx.msk [tilespmem:v1+s31+$0x0], $0xffff  }
0x1dd: {  	s0 =	simm.s32 $0x8680;
	v0 =	vld.idx.msk [tilespmem:v0+s31+$0x0], $0xffff  }
0x1de: {  	v4 =	vld [tilespmem:s0+$0x1F0]  }
0x1df: {  	v5 =	vld [tilespmem:s0+$0x0]  }
0x1e0: {  	v6 =	vld [tilespmem:s0+$0x10]  }
0x1e1: {  	v7 =	vor.u32 $0x1, v1;
	v8 =	vld [tilespmem:s0+$0x20]  }
0x1e2: {  	v9 =	vld [tilespmem:s0+$0x30]  }
0x1e3: {  	v12 =	vld [tilespmem:s0+$0x60]  }
0x1e4: {  	v10 =	vld [tilespmem:s0+$0x40]  }
0x1e5: {  	v11 =	vld [tilespmem:s0+$0x50];
	v5 =	vmul.f32 v5, v3  }
0x1e6: {  	v7 =	vld.idx.msk [tilespmem:v7+s31+$0x0], $0xffff;
	v4 =	vmul.f32 v4, v0  }
0x1e7: {  	v13 =	vld [tilespmem:s0+$0x80];
	v6 =	vmul.f32 v6, v3;
	[tilespmem:s0+$0x0] =	vst v5  }
0x1e8: {  	v63 =	vld [tilespmem:s0+$0xD0];
	v12 =	vmul.f32 v12, v3;
	[tilespmem:s0+$0x1F0] =	vst v4  }
0x1e9: {  	v1 =	vor.u32 $0x2, v1;
	v5 =	vld [tilespmem:s0+$0x70];
	v4 =	vmul.f32 v8, v3;
	[tilespmem:s0+$0x10] =	vst v6  }
0x1ea: {  	v8 =	vld [tilespmem:s0+$0x90];
	v6 =	vmul.f32 v9, v3;
	[tilespmem:s0+$0x60] =	vst v12  }
0x1eb: {  	v9 =	vld [tilespmem:s0+$0xA0];
	[tilespmem:s0+$0x20] =	vst v4;
	v4 =	vmul.f32 v10, v3  }
0x1ec: {  	v10 =	vld [tilespmem:s0+$0xB0];
	[tilespmem:s0+$0x30] =	vst v6;
	v6 =	vmul.f32 v11, v3  }
0x1ed: {  	v11 =	vld [tilespmem:s0+$0xC0];
	[tilespmem:s0+$0x40] =	vst v4;
	v4 =	vmul.f32 v13, v7  }
0x1ee: {  	v1 =	vld.idx.msk [tilespmem:v1+s31+$0x0], $0xffff;
	[tilespmem:s0+$0x50] =	vst v6;
	v3 =	vmul.f32 v5, v3  }
0x1ef: {  	v6 =	vld [tilespmem:s0+$0xE0];
	[tilespmem:s0+$0x80] =	vst v4;
	v4 =	vmul.f32 v8, v7  }
0x1f0: {  	v8 =	vld [tilespmem:s0+$0xF0];
	[tilespmem:s0+$0x70] =	vst v3;
	v3 =	vmul.f32 v9, v7  }
0x1f1: {  	v5 =	vld [tilespmem:s0+$0x100];
	[tilespmem:s0+$0x90] =	vst v4;
	v4 =	vmul.f32 v10, v7  }
0x1f2: {  	v9 =	vld [tilespmem:s0+$0x110];
	[tilespmem:s0+$0xA0] =	vst v3;
	v3 =	vmul.f32 v11, v7  }
0x1f3: {  	v10 =	vld [tilespmem:s0+$0x120];
	[tilespmem:s0+$0xB0] =	vst v4;
	v4 =	vmul.f32 v63, v7  }
0x1f4: {  	v11 =	vld [tilespmem:s0+$0x130];
	[tilespmem:s0+$0xC0] =	vst v3;
	v3 =	vmul.f32 v6, v7  }
0x1f5: {  	v6 =	vld [tilespmem:s0+$0x140];
	v7 =	vmul.f32 v8, v7;
	[tilespmem:s0+$0xD0] =	vst v4  }
0x1f6: {  	v4 =	vmul.f32 v5, v1;
	v5 =	vld [tilespmem:s0+$0x150];
	[tilespmem:s0+$0xE0] =	vst v3  }
0x1f7: {  	v8 =	vmul.f32 v9, v1;
	v3 =	vld [tilespmem:s0+$0x160];
	[tilespmem:s0+$0xF0] =	vst v7  }
0x1f8: {  	v9 =	vmul.f32 v10, v1;
	[tilespmem:s0+$0x100] =	vst v4;
	v4 =	vld [tilespmem:s0+$0x170]  }
0x1f9: {  	v2 =	vadd.s32 $0x4, v2;
	s11 =	simm.s32 $0x0;
	s3 =	simm.s32 $0x8680;
	v7 =	vld [tilespmem:s0+$0x180];
	[tilespmem:s0+$0x110] =	vst v8;
	v8 =	vmul.f32 v11, v1  }
.LBB2_11:
0x1fa: {  	v10 =	vand.u32 $0xFFFFFFFC, v2;
	s11 =	sadd.s32 $0x4, s11;
	[tilespmem:s0+$0x120] =	vst v9;
	v6 =	vmul.f32 v6, v1;
	v9 =	vld [tilespmem:s0+$0x190]  }
0x1fb: {  	v10 =	vadd.s32 $0x100, v10;
	p1 =	slt.u32 s11, $0x3C;
	[tilespmem:s0+$0x130] =	vst v8;
	v5 =	vmul.f32 v5, v1;
	v8 =	vld [tilespmem:s0+$0x1A0]  }
0x1fc: {  	v11 =	vor.u32 $0x1, v10;
	v12 =	vor.u32 $0x2, v10;
	v13 =	vor.u32 $0x3, v10;
	[tilespmem:s0+$0x140] =	vst v6;
	v6 =	vld [tilespmem:s0+$0x1B0]  }
0x1fd: {  	v3 =	vmul.f32 v3, v1;
	[tilespmem:s0+$0x150] =	vst v5;
	v1 =	vmul.f32 v4, v1;
	v4 =	vld [tilespmem:s0+$0x1C0]  }
0x1fe: {  	v5 =	vmul.f32 v7, v0;
	v7 =	vld [tilespmem:s0+$0x1D0]  }
0x1ff: {  	[tilespmem:s0+$0x160] =	vst v3;
	v3 =	vmul.f32 v9, v0;
	v9 =	vld [tilespmem:s0+$0x1E0]  }
0x200: {  	v10 =	vld.idx.msk [tilespmem:v10+s31+$0x0], $0xffff;
	[tilespmem:s0+$0x170] =	vst v1;
	v1 =	vmul.f32 v8, v0  }
0x201: {  	s0 =	sadd.s32 $0x200, s0;
	v8 =	vld.idx.msk [tilespmem:v13+s31+$0x0], $0xffff;
	[tilespmem:s3+$0x180] =	vst v5;
	v5 =	vmul.f32 v6, v0  }
0x202: {  	v6 =	vld [tilespmem:s0+$0x1F0];
	[tilespmem:s3+$0x190] =	vst v3;
	v3 =	vmul.f32 v4, v0  }
0x203: {  	v4 =	vld.idx.msk [tilespmem:v11+s31+$0x0], $0xffff;
	[tilespmem:s3+$0x1A0] =	vst v1;
	v7 =	vmul.f32 v7, v0  }
0x204: {  	v1 =	vld.idx.msk [tilespmem:v12+s31+$0x0], $0xffff;
	[tilespmem:s3+$0x1B0] =	vst v5;
	v9 =	vmul.f32 v9, v0  }
0x205: {  	v5 =	vld [tilespmem:s0+$0x0];
	[tilespmem:s3+$0x1C0] =	vst v3  }
0x206: {  	v3 =	vld [tilespmem:s0+$0x10];
	[tilespmem:s3+$0x1D0] =	vst v7  }
0x207: {  	v0 =	vmov v8;
	v7 =	vld [tilespmem:s0+$0x20];
	v6 =	vmul.f32 v6, v8;
	[tilespmem:s3+$0x1E0] =	vst v9;
	s3 =	smov.u32 s0  }
0x208: {  	v8 =	vld [tilespmem:s0+$0x30]  }
0x209: {  	v9 =	vld [tilespmem:s0+$0x40];
	[tilespmem:s0+$0x1F0] =	vst v6  }
0x20a: {  	v5 =	vmul.f32 v5, v10;
	v6 =	vld [tilespmem:s0+$0x50]  }
0x20b: {  	v3 =	vmul.f32 v3, v10;
	v11 =	vld [tilespmem:s0+$0x60]  }
0x20c: {  	[tilespmem:s0+$0x0] =	vst v5;
	v5 =	vmul.f32 v7, v10;
	v7 =	vld [tilespmem:s0+$0x70]  }
0x20d: {  	[tilespmem:s0+$0x10] =	vst v3;
	v3 =	vmul.f32 v8, v10;
	v8 =	vld [tilespmem:s0+$0x80]  }
0x20e: {  	[tilespmem:s0+$0x20] =	vst v5;
	v5 =	vmul.f32 v9, v10;
	v9 =	vld [tilespmem:s0+$0x90]  }
0x20f: {  	[tilespmem:s0+$0x30] =	vst v3;
	v3 =	vmul.f32 v6, v10;
	v6 =	vld [tilespmem:s0+$0xA0]  }
0x210: {  	[tilespmem:s0+$0x40] =	vst v5;
	v5 =	vmul.f32 v11, v10;
	v11 =	vld [tilespmem:s0+$0xB0]  }
0x211: {  	[tilespmem:s0+$0x50] =	vst v3;
	v3 =	vmul.f32 v7, v10;
	v7 =	vld [tilespmem:s0+$0xC0]  }
0x212: {  	[tilespmem:s0+$0x60] =	vst v5;
	v5 =	vmul.f32 v8, v4;
	v8 =	vld [tilespmem:s0+$0xD0]  }
0x213: {  	[tilespmem:s0+$0x70] =	vst v3;
	v3 =	vmul.f32 v9, v4;
	v9 =	vld [tilespmem:s0+$0xE0]  }
0x214: {  	[tilespmem:s0+$0x80] =	vst v5;
	v5 =	vmul.f32 v6, v4;
	v6 =	vld [tilespmem:s0+$0xF0]  }
0x215: {  	[tilespmem:s0+$0x90] =	vst v3;
	v3 =	vmul.f32 v11, v4;
	v10 =	vld [tilespmem:s0+$0x100]  }
0x216: {  	[tilespmem:s0+$0xA0] =	vst v5;
	v5 =	vmul.f32 v7, v4;
	v7 =	vld [tilespmem:s0+$0x110]  }
0x217: {  	[tilespmem:s0+$0xB0] =	vst v3;
	v3 =	vmul.f32 v8, v4;
	v8 =	vld [tilespmem:s0+$0x120]  }
0x218: {  	[tilespmem:s0+$0xC0] =	vst v5;
	v5 =	vmul.f32 v9, v4;
	v11 =	vld [tilespmem:s0+$0x130]  }
.Ltmp4:
0x219: {  	[tilespmem:s0+$0xD0] =	vst v3;
	v3 =	vmul.f32 v6, v4;
	v6 =	vld [tilespmem:s0+$0x140];
	(pc) =	sbr.rel @p1 .LBB2_11-.Ltmp4, $4  }
0x21a: {  	[tilespmem:s0+$0xE0] =	vst v5;
	v4 =	vmul.f32 v10, v1;
	v5 =	vld [tilespmem:s0+$0x150]  }
0x21b: {  	[tilespmem:s0+$0xF0] =	vst v3;
	v7 =	vmul.f32 v7, v1;
	v3 =	vld [tilespmem:s0+$0x160]  }
0x21c: {  	[tilespmem:s0+$0x100] =	vst v4;
	v9 =	vmul.f32 v8, v1;
	v4 =	vld [tilespmem:s0+$0x170]  }
0x21d: {  	v2 =	vadd.s32 $0x4, v2;
	[tilespmem:s0+$0x110] =	vst v7;
	v8 =	vmul.f32 v11, v1;
	v7 =	vld [tilespmem:s0+$0x180]  }
0x21e: {  	[tilespmem:s0+$0x120] =	vst v9;
	v2 =	vmul.f32 v6, v1;
	v6 =	vld [tilespmem:s0+$0x190]  }
0x21f: {  	[tilespmem:s0+$0x130] =	vst v8;
	v5 =	vmul.f32 v5, v1;
	v8 =	vld [tilespmem:s0+$0x1A0]  }
0x220: {  	[tilespmem:s0+$0x140] =	vst v2;
	v2 =	vld [tilespmem:s0+$0x1B0];
	v3 =	vmul.f32 v3, v1  }
0x221: {  	[tilespmem:s0+$0x150] =	vst v5;
	v1 =	vmul.f32 v4, v1;
	v4 =	vld [tilespmem:s0+$0x1C0]  }
0x222: {  	v5 =	vmul.f32 v7, v0;
	v7 =	vld [tilespmem:s0+$0x1D0];
	[tilespmem:s0+$0x160] =	vst v3  }
0x223: {  	v3 =	vmul.f32 v6, v0;
	v6 =	vld [tilespmem:s0+$0x1E0];
	[tilespmem:s0+$0x170] =	vst v1  }
0x224: {  	v1 =	vmul.f32 v8, v0;
	[tilespmem:s3+$0x180] =	vst v5  }
0x225: {  	v2 =	vmul.f32 v2, v0;
	[tilespmem:s3+$0x190] =	vst v3  }
0x226: {  	v3 =	vmul.f32 v4, v0;
	[tilespmem:s3+$0x1A0] =	vst v1  }
0x227: {  	v1 =	vmul.f32 v7, v0;
	[tilespmem:s3+$0x1B0] =	vst v2;
	v2 =	vimm.s32 $0x40  }
0x228: {  	v0 =	vmul.f32 v6, v0;
	[tilespmem:s3+$0x1C0] =	vst v3;
	v3 =	vand.u32 $0xFFFFFFFC, v2  }
0x229: {  	[tilespmem:s3+$0x1D0] =	vst v1;
	v1 =	vadd.s32 $0x100, v3  }
0x22a: {  	[tilespmem:s3+$0x1E0] =	vst v0  }
0x22b: {  	_ =	swait.ge [sflag:s15], $0x2000  }
0x22c: {  	[sflag:s15] =	ssyncset.done $0x0  }
0x22d: {  	[sflag:s15] =	ssyncadd.s32 $0xFFFFE000  }
0x22e: {  	s0 =	simm.s32 $0xA680;
	v3 =	vld.idx.msk [tilespmem:v1+s31+$0x0], $0xffff  }
0x22f: {  	v0 =	vor.u32 $0x3, v1;
	v4 =	vld [tilespmem:s0+$0x1F0]  }
0x230: {  	v5 =	vld [tilespmem:s0+$0x0]  }
0x231: {  	v6 =	vld [tilespmem:s0+$0x10]  }
0x232: {  	v8 =	vld [tilespmem:s0+$0x20]  }
0x233: {  	v9 =	vld [tilespmem:s0+$0x30]  }
0x234: {  	v0 =	vld.idx.msk [tilespmem:v0+s31+$0x0], $0xffff  }
0x235: {  	v7 =	vor.u32 $0x1, v1;
	v12 =	vld [tilespmem:s0+$0x60]  }
0x236: {  	v10 =	vld [tilespmem:s0+$0x40]  }
0x237: {  	v11 =	vld [tilespmem:s0+$0x50];
	v5 =	vmul.f32 v5, v3  }
0x238: {  	v13 =	vld [tilespmem:s0+$0x80];
	v6 =	vmul.f32 v6, v3  }
0x239: {  	v63 =	vld [tilespmem:s0+$0xD0];
	v4 =	vmul.f32 v4, v0;
	[tilespmem:s0+$0x0] =	vst v5  }
0x23a: {  	v7 =	vld.idx.msk [tilespmem:v7+s31+$0x0], $0xffff;
	v12 =	vmul.f32 v12, v3;
	[tilespmem:s0+$0x10] =	vst v6  }
0x23b: {  	v1 =	vor.u32 $0x2, v1;
	v5 =	vld [tilespmem:s0+$0x70];
	[tilespmem:s0+$0x1F0] =	vst v4;
	v4 =	vmul.f32 v8, v3  }
0x23c: {  	v6 =	vmul.f32 v9, v3;
	[tilespmem:s0+$0x60] =	vst v12;
	v8 =	vld [tilespmem:s0+$0x90]  }
0x23d: {  	v9 =	vld [tilespmem:s0+$0xA0];
	[tilespmem:s0+$0x20] =	vst v4;
	v4 =	vmul.f32 v10, v3  }
0x23e: {  	[tilespmem:s0+$0x30] =	vst v6;
	v6 =	vmul.f32 v11, v3;
	v10 =	vld [tilespmem:s0+$0xB0]  }
0x23f: {  	v11 =	vld [tilespmem:s0+$0xC0];
	[tilespmem:s0+$0x40] =	vst v4;
	v4 =	vmul.f32 v13, v7  }
0x240: {  	v1 =	vld.idx.msk [tilespmem:v1+s31+$0x0], $0xffff;
	[tilespmem:s0+$0x50] =	vst v6;
	v3 =	vmul.f32 v5, v3  }
0x241: {  	v6 =	vld [tilespmem:s0+$0xE0];
	[tilespmem:s0+$0x80] =	vst v4;
	v4 =	vmul.f32 v8, v7  }
0x242: {  	v8 =	vld [tilespmem:s0+$0xF0];
	[tilespmem:s0+$0x70] =	vst v3;
	v3 =	vmul.f32 v9, v7  }
0x243: {  	v5 =	vld [tilespmem:s0+$0x100];
	[tilespmem:s0+$0x90] =	vst v4;
	v4 =	vmul.f32 v10, v7  }
0x244: {  	v9 =	vld [tilespmem:s0+$0x110];
	[tilespmem:s0+$0xA0] =	vst v3;
	v3 =	vmul.f32 v11, v7  }
0x245: {  	v10 =	vld [tilespmem:s0+$0x120];
	[tilespmem:s0+$0xB0] =	vst v4;
	v4 =	vmul.f32 v63, v7  }
0x246: {  	v11 =	vld [tilespmem:s0+$0x130];
	[tilespmem:s0+$0xC0] =	vst v3;
	v3 =	vmul.f32 v6, v7  }
0x247: {  	v6 =	vld [tilespmem:s0+$0x140];
	v7 =	vmul.f32 v8, v7;
	[tilespmem:s0+$0xD0] =	vst v4  }
0x248: {  	v4 =	vmul.f32 v5, v1;
	v5 =	vld [tilespmem:s0+$0x150];
	[tilespmem:s0+$0xE0] =	vst v3  }
0x249: {  	v8 =	vmul.f32 v9, v1;
	v3 =	vld [tilespmem:s0+$0x160];
	[tilespmem:s0+$0xF0] =	vst v7  }
0x24a: {  	v9 =	vmul.f32 v10, v1;
	[tilespmem:s0+$0x100] =	vst v4;
	v4 =	vld [tilespmem:s0+$0x170]  }
0x24b: {  	s11 =	simm.s32 $0x40;
	s17 =	simm.s32 $0x680;
	v2 =	vadd.s32 $0x4, v2;
	s3 =	simm.s32 $0xA680;
	[tilespmem:s0+$0x110] =	vst v8;
	v8 =	vmul.f32 v11, v1;
	v7 =	vld [tilespmem:s0+$0x180]  }
.LBB2_13:
0x24c: {  	v10 =	vand.u32 $0xFFFFFFFC, v2;
	s11 =	sadd.s32 $0x4, s11;
	[tilespmem:s0+$0x120] =	vst v9;
	v6 =	vmul.f32 v6, v1;
	v9 =	vld [tilespmem:s0+$0x190]  }
0x24d: {  	v10 =	vadd.s32 $0x100, v10;
	p1 =	slt.u32 s11, $0x7C;
	[tilespmem:s0+$0x130] =	vst v8;
	v5 =	vmul.f32 v5, v1;
	v8 =	vld [tilespmem:s0+$0x1A0]  }
0x24e: {  	v11 =	vor.u32 $0x1, v10;
	v12 =	vor.u32 $0x2, v10;
	v13 =	vor.u32 $0x3, v10;
	[tilespmem:s0+$0x140] =	vst v6;
	v6 =	vld [tilespmem:s0+$0x1B0]  }
0x24f: {  	v3 =	vmul.f32 v3, v1;
	[tilespmem:s0+$0x150] =	vst v5;
	v1 =	vmul.f32 v4, v1;
	v4 =	vld [tilespmem:s0+$0x1C0]  }
0x250: {  	v5 =	vmul.f32 v7, v0;
	v7 =	vld [tilespmem:s0+$0x1D0]  }
0x251: {  	[tilespmem:s0+$0x160] =	vst v3;
	v3 =	vmul.f32 v9, v0;
	v9 =	vld [tilespmem:s0+$0x1E0]  }
0x252: {  	v10 =	vld.idx.msk [tilespmem:v10+s31+$0x0], $0xffff;
	[tilespmem:s0+$0x170] =	vst v1;
	v1 =	vmul.f32 v8, v0  }
0x253: {  	s0 =	sadd.s32 $0x200, s0;
	v8 =	vld.idx.msk [tilespmem:v13+s31+$0x0], $0xffff;
	[tilespmem:s3+$0x180] =	vst v5;
	v5 =	vmul.f32 v6, v0  }
0x254: {  	v6 =	vld [tilespmem:s0+$0x1F0];
	[tilespmem:s3+$0x190] =	vst v3;
	v3 =	vmul.f32 v4, v0  }
0x255: {  	v4 =	vld.idx.msk [tilespmem:v11+s31+$0x0], $0xffff;
	[tilespmem:s3+$0x1A0] =	vst v1;
	v7 =	vmul.f32 v7, v0  }
0x256: {  	v1 =	vld.idx.msk [tilespmem:v12+s31+$0x0], $0xffff;
	[tilespmem:s3+$0x1B0] =	vst v5;
	v9 =	vmul.f32 v9, v0  }
0x257: {  	v5 =	vld [tilespmem:s0+$0x0];
	[tilespmem:s3+$0x1C0] =	vst v3  }
0x258: {  	v3 =	vld [tilespmem:s0+$0x10];
	[tilespmem:s3+$0x1D0] =	vst v7  }
0x259: {  	v0 =	vmov v8;
	v7 =	vld [tilespmem:s0+$0x20];
	v6 =	vmul.f32 v6, v8;
	[tilespmem:s3+$0x1E0] =	vst v9;
	s3 =	smov.u32 s0  }
0x25a: {  	v8 =	vld [tilespmem:s0+$0x30]  }
0x25b: {  	v9 =	vld [tilespmem:s0+$0x40];
	[tilespmem:s0+$0x1F0] =	vst v6  }
0x25c: {  	v5 =	vmul.f32 v5, v10;
	v6 =	vld [tilespmem:s0+$0x50]  }
0x25d: {  	v3 =	vmul.f32 v3, v10;
	v11 =	vld [tilespmem:s0+$0x60]  }
0x25e: {  	[tilespmem:s0+$0x0] =	vst v5;
	v5 =	vmul.f32 v7, v10;
	v7 =	vld [tilespmem:s0+$0x70]  }
0x25f: {  	[tilespmem:s0+$0x10] =	vst v3;
	v3 =	vmul.f32 v8, v10;
	v8 =	vld [tilespmem:s0+$0x80]  }
0x260: {  	[tilespmem:s0+$0x20] =	vst v5;
	v5 =	vmul.f32 v9, v10;
	v9 =	vld [tilespmem:s0+$0x90]  }
0x261: {  	[tilespmem:s0+$0x30] =	vst v3;
	v3 =	vmul.f32 v6, v10;
	v6 =	vld [tilespmem:s0+$0xA0]  }
0x262: {  	[tilespmem:s0+$0x40] =	vst v5;
	v5 =	vmul.f32 v11, v10;
	v11 =	vld [tilespmem:s0+$0xB0]  }
0x263: {  	[tilespmem:s0+$0x50] =	vst v3;
	v3 =	vmul.f32 v7, v10;
	v7 =	vld [tilespmem:s0+$0xC0]  }
0x264: {  	[tilespmem:s0+$0x60] =	vst v5;
	v5 =	vmul.f32 v8, v4;
	v8 =	vld [tilespmem:s0+$0xD0]  }
0x265: {  	[tilespmem:s0+$0x70] =	vst v3;
	v3 =	vmul.f32 v9, v4;
	v9 =	vld [tilespmem:s0+$0xE0]  }
0x266: {  	[tilespmem:s0+$0x80] =	vst v5;
	v5 =	vmul.f32 v6, v4;
	v6 =	vld [tilespmem:s0+$0xF0]  }
0x267: {  	[tilespmem:s0+$0x90] =	vst v3;
	v3 =	vmul.f32 v11, v4;
	v10 =	vld [tilespmem:s0+$0x100]  }
0x268: {  	[tilespmem:s0+$0xA0] =	vst v5;
	v5 =	vmul.f32 v7, v4;
	v7 =	vld [tilespmem:s0+$0x110]  }
0x269: {  	[tilespmem:s0+$0xB0] =	vst v3;
	v3 =	vmul.f32 v8, v4;
	v8 =	vld [tilespmem:s0+$0x120]  }
0x26a: {  	[tilespmem:s0+$0xC0] =	vst v5;
	v5 =	vmul.f32 v9, v4;
	v11 =	vld [tilespmem:s0+$0x130]  }
.Ltmp5:
0x26b: {  	[tilespmem:s0+$0xD0] =	vst v3;
	v3 =	vmul.f32 v6, v4;
	v6 =	vld [tilespmem:s0+$0x140];
	(pc) =	sbr.rel @p1 .LBB2_13-.Ltmp5, $4  }
0x26c: {  	[tilespmem:s0+$0xE0] =	vst v5;
	v4 =	vmul.f32 v10, v1;
	v5 =	vld [tilespmem:s0+$0x150]  }
0x26d: {  	[tilespmem:s0+$0xF0] =	vst v3;
	v7 =	vmul.f32 v7, v1;
	v3 =	vld [tilespmem:s0+$0x160]  }
0x26e: {  	[tilespmem:s0+$0x100] =	vst v4;
	v9 =	vmul.f32 v8, v1;
	v4 =	vld [tilespmem:s0+$0x170]  }
0x26f: {  	v2 =	vadd.s32 $0x4, v2;
	[tilespmem:s0+$0x110] =	vst v7;
	v8 =	vmul.f32 v11, v1;
	v7 =	vld [tilespmem:s0+$0x180]  }
0x270: {  	[tilespmem:s0+$0x120] =	vst v9;
	v2 =	vmul.f32 v6, v1;
	v51 =	vld [tilespmem:s0+$0x190]  }
0x271: {  	v52 =	vld [tilespmem:s0+$0x1A0];
	[tilespmem:s0+$0x130] =	vst v8;
	v5 =	vmul.f32 v5, v1  }
0x272: {  	v53 =	vld [tilespmem:s0+$0x1B0];
	[tilespmem:s0+$0x140] =	vst v2;
	v3 =	vmul.f32 v3, v1  }
0x273: {  	v55 =	vld [tilespmem:s0+$0x1C0];
	[tilespmem:s0+$0x150] =	vst v5;
	v54 =	vmul.f32 v4, v1  }
0x274: {  	v57 =	vld [tilespmem:s0+$0x1D0];
	v56 =	vmul.f32 v7, v0;
	[tilespmem:s0+$0x160] =	vst v3  }
0x275: {  	v59 =	vld [tilespmem:s0+$0x1E0];
	v58 =	vmul.f32 v51, v0;
	[tilespmem:s0+$0x170] =	vst v54  }
0x276: {  	v60 =	vmul.f32 v52, v0;
	[tilespmem:s3+$0x180] =	vst v56  }
0x277: {  	s28 =	sadd.s32 $0x1, s28;
	v2 =	vmul.f32 v53, v0;
	[tilespmem:s3+$0x190] =	vst v58  }
0x278: {  	p1 =	sne.s32 s28, $0x1A;
	v61 =	vmul.f32 v55, v0;
	[tilespmem:s3+$0x1A0] =	vst v60  }
.Ltmp6:
0x279: {  	v62 =	vmul.f32 v57, v0;
	[tilespmem:s3+$0x1B0] =	vst v2;
	(pc) =	sbr.rel @p1 .LBB2_2-.Ltmp6, $4  }
0x27a: {  	v63 =	vmul.f32 v59, v0;
	[tilespmem:s3+$0x1C0] =	vst v61  }
0x27b: {  	[tilespmem:s3+$0x1D0] =	vst v62  }
0x27c: {  	[tilespmem:s3+$0x1E0] =	vst v63  }
0x27d: {  	[spmem:s4] =	stream.indirect.scatter.add.f32 [tilespmem:s25], [sflag:$0xD], $0x80, s16, s30, $0xb8;
	[tilespmem:$0x1FF00] =	vst v63  }
0x27e: {  	s0 =	simm.s32 $0xD  }
0x27f: {  	_ =	swait.ge [sflag:s0], $0x4000  }
0x280: {  	s11 =	simm.s32 $0x500;
	[sflag:s0] =	ssyncset.done $0x0  }
0x281: {  	s3 =	rddreg [dreg:$0xf];
	[sflag:s0] =	ssyncadd.s32 $0xFFFFC000;
	s0 =	simm.s32 $0x0  }
0x282: {  	[tilespmem:s11], [sflag:$0xE] =	stream.linear.gather [hbm4b:s3+s0], $0x10, $0x38;
	[tilespmem:$0x1FF00] =	vst v63  }
0x283: {  	s11 =	simm.s32 $0xE  }
0x284: {  	_ =	swait.ge [sflag:s11], $0x10  }
0x285: {  	[sflag:s11] =	ssyncset.done $0x0  }
0x286: {  	s28 =	simm.s32 $0x580;
	s29 =	rddreg [dreg:$0x11];
	[sflag:s11] =	ssyncadd.s32 $0xFFFFFFF0  }
0x287: {  	[tilespmem:s28], [sflag:$0xE] =	stream.linear.gather [hbm4b:s29+s0], $0x10, $0x38;
	[tilespmem:$0x1FF00] =	vst v63  }
0x288: {  	_ =	swait.ge [sflag:s11], $0x10  }
0x289: {  	[sflag:s11] =	ssyncset.done $0x0  }
0x28a: {  	s29 =	rddreg [dreg:$0x12];
	[sflag:s11] =	ssyncadd.s32 $0xFFFFFFF0  }
0x28b: {  	v0 =	vmov s0;
	[tilespmem:s21], [sflag:$0xE] =	stream.linear.gather [hbm4b:s29+s0], $0x10, $0x38;
	[tilespmem:$0x1FF00] =	vst v63  }
0x28c: {  	v0 =	vand.u32 $0xFFFFFFFE, v0;
	_ =	swait.ge [sflag:s11], $0x10  }
0x28d: {  	v0 =	vbroadcast v0, $0x0;
	[sflag:s11] =	ssyncset.done $0x0  }
0x28e: {  	[sflag:s11] =	ssyncadd.s32 $0xFFFFFFF0;
	s11 =	simm.s32 $0x10  }
0x28f: {  	[tilespmem:s17], [sflag:$0x5] =	stream.indirect.gather [hbm4b:s1+s11], $0x80, s28, s11, $0xb8;
	[tilespmem:$0x1FF00] =	vst v63  }
0x290: {  	_ =	swait.ge [sflag:s22], $0x800  }
0x291: {  	[sflag:s22] =	ssyncset.done $0x0  }
0x292: {  	[sflag:s22] =	ssyncadd.s32 $0xFFFFF800  }
0x293: {  	s0 =	simm.s32 $0x700;
	v1 =	vld.idx.msk [tilespmem:v0+s21+$0x0], $0xffff  }
0x294: {  	v0 =	vld [tilespmem:s0+$0xFFFFFFF0]  }
0x295: {  	v2 =	vld [tilespmem:s0+$0xFFFFFF80]  }
0x296: {  	s29 =	simm.s32 $0x1;
	v5 =	vld [tilespmem:s0+$0xFFFFFF90]  }
0x297: {  	v6 =	vmov s29;
	v7 =	vld [tilespmem:s0+$0xFFFFFFA0]  }
0x298: {  	v10 =	vld [tilespmem:s0+$0xFFFFFFB0]  }
0x299: {  	v4 =	vld [tilespmem:s0+$0xFFFFFFC0]  }
0x29a: {  	v3 =	vld [tilespmem:s0+$0xFFFFFFD0];
	v8 =	vmul.f32 v0, v1  }
0x29b: {  	v9 =	vmul.f32 v2, v1;
	v2 =	vld [tilespmem:s0+$0xFFFFFFE0]  }
0x29c: {  	v0 =	vld.idx.msk [tilespmem:v6+s21+$0x0], $0xffff;
	v5 =	vmul.f32 v5, v1;
	[tilespmem:s0+$0xFFFFFFF0] =	vst v8  }
0x29d: {  	s11 =	simm.s32 $0x2;
	v6 =	vld [tilespmem:s0+$0x0];
	[tilespmem:s0+$0xFFFFFF80] =	vst v9;
	v8 =	vmul.f32 v7, v1  }
0x29e: {  	s3 =	simm.s32 $0x700;
	s28 =	simm.s32 $0x4;
	v9 =	vmov s11;
	[tilespmem:s0+$0xFFFFFF90] =	vst v5;
	v7 =	vmul.f32 v10, v1;
	v5 =	vld [tilespmem:s0+$0x10]  }
.LBB2_16:
0x29f: {  	p1 =	slt.u32 s28, $0xE;
	v9 =	vand.u32 $0xFFFFFFFE, v9;
	s17 =	sadd.s32 $0x1, s11;
	[tilespmem:s0+$0xFFFFFFA0] =	vst v8;
	v4 =	vmul.f32 v4, v1;
	v8 =	vld [tilespmem:s0+$0x20];
	s11 =	smov.u32 s28  }
0x2a0: {  	v9 =	vbroadcast v9, $0x0;
	v10 =	vmov s17;
	[tilespmem:s0+$0xFFFFFFB0] =	vst v7;
	v3 =	vmul.f32 v3, v1;
	v7 =	vld [tilespmem:s0+$0x30]  }
0x2a1: {  	[tilespmem:s0+$0xFFFFFFC0] =	vst v4;
	v1 =	vmul.f32 v2, v1;
	v2 =	vld [tilespmem:s0+$0x40]  }
0x2a2: {  	[tilespmem:s0+$0xFFFFFFD0] =	vst v3;
	v3 =	vmul.f32 v6, v0;
	v4 =	vld [tilespmem:s0+$0x50]  }
0x2a3: {  	[tilespmem:s0+$0xFFFFFFE0] =	vst v1;
	v1 =	vmul.f32 v5, v0;
	v5 =	vld [tilespmem:s0+$0x60]  }
0x2a4: {  	[tilespmem:s0+$0x0] =	vst v3;
	v3 =	vmul.f32 v8, v0;
	v6 =	vld [tilespmem:s0+$0x70]  }
0x2a5: {  	v8 =	vld.idx.msk [tilespmem:v10+s21+$0x0], $0xffff;
	[tilespmem:s0+$0x10] =	vst v1;
	v7 =	vmul.f32 v7, v0  }
0x2a6: {  	s0 =	sadd.s32 $0x100, s0;
	v1 =	vld.idx.msk [tilespmem:v9+s21+$0x0], $0xffff;
	[tilespmem:s3+$0x20] =	vst v3;
	v2 =	vmul.f32 v2, v0  }
0x2a7: {  	v3 =	vld [tilespmem:s0+$0xFFFFFFF0];
	[tilespmem:s3+$0x30] =	vst v7;
	v4 =	vmul.f32 v4, v0  }
0x2a8: {  	v7 =	vld [tilespmem:s0+$0xFFFFFF80];
	[tilespmem:s3+$0x40] =	vst v2;
	v2 =	vmul.f32 v5, v0  }
0x2a9: {  	v5 =	vld [tilespmem:s0+$0xFFFFFF90];
	[tilespmem:s3+$0x50] =	vst v4;
	v4 =	vmul.f32 v6, v0  }
0x2aa: {  	v6 =	vld [tilespmem:s0+$0xFFFFFFA0];
	[tilespmem:s3+$0x60] =	vst v2  }
0x2ab: {  	v0 =	vmov v8;
	v10 =	vld [tilespmem:s0+$0xFFFFFFB0];
	[tilespmem:s3+$0x70] =	vst v4;
	s3 =	smov.u32 s0  }
.Ltmp7:
0x2ac: {  	v4 =	vld [tilespmem:s0+$0xFFFFFFC0];
	v8 =	vmul.f32 v3, v1;
	(pc) =	sbr.rel @p1 .LBB2_16-.Ltmp7, $4  }
0x2ad: {  	v7 =	vmul.f32 v7, v1;
	v3 =	vld [tilespmem:s0+$0xFFFFFFD0]  }
0x2ae: {  	v5 =	vmul.f32 v5, v1;
	v2 =	vld [tilespmem:s0+$0xFFFFFFE0];
	[tilespmem:s0+$0xFFFFFFF0] =	vst v8  }
0x2af: {  	[tilespmem:s0+$0xFFFFFF80] =	vst v7;
	v8 =	vmul.f32 v6, v1;
	v6 =	vld [tilespmem:s0+$0x0]  }
0x2b0: {  	s28 =	sadd.s32 $0x2, s28;
	v9 =	vmov s11;
	[tilespmem:s0+$0xFFFFFF90] =	vst v5;
	v7 =	vmul.f32 v10, v1;
	v5 =	vld [tilespmem:s0+$0x10]  }
0x2b1: {  	v10 =	vld [tilespmem:s0+$0x20]  }
0x2b2: {  	v11 =	vld [tilespmem:s0+$0x30]  }
0x2b3: {  	s11 =	sadd.s32 $0x1, s11;
	v13 =	vld [tilespmem:s0+$0x40];
	[tilespmem:s0+$0xFFFFFFA0] =	vst v8;
	v4 =	vmul.f32 v4, v1  }
0x2b4: {  	v22 =	vld [tilespmem:s0+$0x50];
	v12 =	vmov s11;
	[tilespmem:s0+$0xFFFFFFB0] =	vst v7;
	v3 =	vmul.f32 v3, v1  }
0x2b5: {  	v23 =	vld [tilespmem:s0+$0x60];
	[tilespmem:s0+$0xFFFFFFC0] =	vst v4;
	v24 =	vmul.f32 v2, v1  }
0x2b6: {  	v25 =	vld [tilespmem:s0+$0x70];
	s17 =	sadd.s32 $0x100, s0;
	v6 =	vmul.f32 v6, v0;
	[tilespmem:s0+$0xFFFFFFD0] =	vst v3  }
0x2b7: {  	v31 =	vld [tilespmem:s17+$0xFFFFFFF0];
	v26 =	vmul.f32 v5, v0;
	[tilespmem:s0+$0xFFFFFFE0] =	vst v24  }
0x2b8: {  	v46 =	vld [tilespmem:s17+$0x0];
	[tilespmem:s0+$0x0] =	vst v6;
	v28 =	vmul.f32 v10, v0  }
0x2b9: {  	v30 =	vmul.f32 v11, v0;
	v27 =	vld.idx.msk [tilespmem:v12+s21+$0x0], $0xffff;
	[tilespmem:s0+$0x10] =	vst v26  }
0x2ba: {  	v9 =	vand.u32 $0xFFFFFFFE, v9;
	v47 =	vld [tilespmem:s17+$0x10];
	v32 =	vmul.f32 v13, v0;
	[tilespmem:s3+$0x20] =	vst v28  }
0x2bb: {  	v9 =	vbroadcast v9, $0x0;
	v49 =	vld [tilespmem:s17+$0x20];
	v34 =	vmul.f32 v22, v0;
	[tilespmem:s3+$0x30] =	vst v30  }
0x2bc: {  	v51 =	vld [tilespmem:s17+$0x30];
	v36 =	vmul.f32 v23, v0;
	[tilespmem:s3+$0x40] =	vst v32  }
0x2bd: {  	v53 =	vld [tilespmem:s17+$0x40];
	v38 =	vmul.f32 v25, v0;
	[tilespmem:s3+$0x50] =	vst v34  }
0x2be: {  	v55 =	vld [tilespmem:s17+$0x50];
	[tilespmem:s3+$0x60] =	vst v36;
	v54 =	vmul.f32 v46, v27  }
0x2bf: {  	v57 =	vld [tilespmem:s17+$0x60];
	[tilespmem:s3+$0x70] =	vst v38;
	v56 =	vmul.f32 v47, v27  }
0x2c0: {  	v58 =	vld [tilespmem:s17+$0x70];
	v1 =	vmul.f32 v49, v27;
	[tilespmem:s17+$0x0] =	vst v54  }
0x2c1: {  	v29 =	vld.idx.msk [tilespmem:v9+s21+$0x0], $0xffff;
	v59 =	vmul.f32 v51, v27;
	[tilespmem:s17+$0x10] =	vst v56  }
0x2c2: {  	v33 =	vld [tilespmem:s17+$0xFFFFFF80];
	v60 =	vmul.f32 v53, v27;
	[tilespmem:s17+$0x20] =	vst v1  }
0x2c3: {  	v35 =	vld [tilespmem:s17+$0xFFFFFF90];
	v61 =	vmul.f32 v55, v27;
	[tilespmem:s17+$0x30] =	vst v59  }
0x2c4: {  	v37 =	vld [tilespmem:s17+$0xFFFFFFA0];
	v62 =	vmul.f32 v57, v27;
	[tilespmem:s17+$0x40] =	vst v60  }
0x2c5: {  	v39 =	vld [tilespmem:s17+$0xFFFFFFB0];
	v63 =	vmul.f32 v58, v27;
	[tilespmem:s17+$0x50] =	vst v61  }
0x2c6: {  	v40 =	vld [tilespmem:s17+$0xFFFFFFC0];
	v41 =	vmul.f32 v31, v29;
	[tilespmem:s17+$0x60] =	vst v62  }
0x2c7: {  	v43 =	vld [tilespmem:s17+$0xFFFFFFD0];
	v42 =	vmul.f32 v33, v29;
	[tilespmem:s17+$0x70] =	vst v63  }
0x2c8: {  	v44 =	vld [tilespmem:s17+$0xFFFFFFE0];
	v8 =	vmul.f32 v35, v29;
	[tilespmem:s17+$0xFFFFFFF0] =	vst v41  }
0x2c9: {  	v45 =	vmul.f32 v37, v29;
	[tilespmem:s17+$0xFFFFFF80] =	vst v42  }
0x2ca: {  	v2 =	vmul.f32 v39, v29;
	[tilespmem:s17+$0xFFFFFF90] =	vst v8  }
0x2cb: {  	v48 =	vmul.f32 v40, v29;
	[tilespmem:s17+$0xFFFFFFA0] =	vst v45  }
0x2cc: {  	v50 =	vmul.f32 v43, v29;
	[tilespmem:s17+$0xFFFFFFB0] =	vst v2  }
0x2cd: {  	v52 =	vmul.f32 v44, v29;
	[tilespmem:s17+$0xFFFFFFC0] =	vst v48  }
0x2ce: {  	[tilespmem:s17+$0xFFFFFFD0] =	vst v50  }
0x2cf: {  	s28 =	simm.s32 $0x500;
	s29 =	simm.s32 $0x10;
	[tilespmem:s17+$0xFFFFFFE0] =	vst v52;
	s17 =	simm.s32 $0x680  }
0x2d0: {  	[spmem:s4] =	stream.indirect.scatter.add.f32 [tilespmem:s17], [sflag:$0xB], $0x80, s28, s29, $0xb8;
	[tilespmem:$0x1FF00] =	vst v63  }
0x2d1: {  	_ =	swait.ge [sflag:s26], $0x800  }
0x2d2: {  	[sflag:s26] =	ssyncset.done $0x0  }
0x2d3: {  	[sflag:s26] =	ssyncadd.s32 $0xFFFFF800  }
0x2d4: {  	[bflag:$0x0] =	sbarrier.arrive $0xFFFF  }
0x2d5: {  	s11 =	rddreg [dreg:$0x15]  }
0x2d6: {  	s28 =	rddreg [dreg:$0x10]  }
0x2d7: {  	s29 =	rddreg [dreg:$0x1a];
	s0 =	sor.u32 $0x1C0E, s11;
	s11 =	simm.s32 $0xE  }
0x2d8: {  	[hbm:s28], [sflag:s0] =	dma.local [spmem:s29], $0x2700  }
0x2d9: {  	_ =	swait.ge [sflag:s11], $0x2700  }
0x2da: {  	[sflag:s11] =	ssyncset.done $0x0;
	s3 =	rddreg [dreg:$0x13]  }
0x2db: {  	[sflag:s11] =	ssyncadd.s32 $0xFFFFD900;
	s11 =	rddreg [dreg:$0x19]  }
0x2dc: {  	[hbm:s3], [sflag:s0] =	dma.local @!p0 [spmem:s11], $0x100  }
0x2dd: {  	s0 =	simm.s32 @!p0 $0xE  }
0x2de: {  	_ =	swait.ge @!p0 [sflag:s0], $0x100  }
0x2df: {  	s28 =	rddreg [dreg:$0x18]  }
0x2e0: {  	s29 =	rddreg [dreg:$0x14];
	s11 =	sadd.s32 $0x1, s28  }
0x2e1: {  	p1 =	sne.s32 s11, s29  }
.Ltmp8:
0x2e2: {  	_ = 	snop;
	(pc) =	sbr.rel @p1 .LBB2_1-.Ltmp8, $3  }
0x2e3: {  	_ =	sdelay $0x1  }
0x2e4: {  	[sflag:s0] =	ssyncset.done @!p0 $0x0  }
0x2e5: {  	[sflag:s0] =	ssyncadd.s32 @!p0 $0xFFFFFF00  }
0x2e6: {  	_ =	sfence.sel $0x180000  }
0x2e7: {  	[bflag:$0x0] =	sbarrier.arrive $0xFFFF  }
0x2e8: {  	_ =	strace $0x90000047  }
0x2e9: {  	s0 =	stileid.u32;
	[bflag:$0x2] =	sbarrier.arrive $0xFFFF  }
0x2ea: {  	p0 =	sne.s32 s0, $0x0;
	s0 =	rddreg [dreg:$0x4]  }
0x2eb: {  	s0 =	sadd.s32 @!p0 $0x100000, s0  }
0x2ec: {  	[sflag:s0] =	ssyncadd.tile.s32 @!p0 $0x1;
	_ =	shalt  }
.Lfunc_end2:
_tile_overlayer_lowered:
.L_overlay_start_2:
0x2ed: {  	(tag) =	ssettag $0x2  }
0x2ee: {  	s0 =	rddreg [dreg:$0x0];
	s2 =	stileid.u32  }
0x2ef: {  	s1 =	rddreg [dreg:$0x1];
	p0 =	sne.s32 s2, $0x0  }
0x2f0: {  	s3 =	rddreg [dreg:$0x2];
	[bflag:$0x3] =	sbarrier.arrive $0xFFFF;
	s2 =	simm.s32 @!p0 $0x1C0E  }
0x2f1: {  	[timem:s3], [sflag:s2] =	dma.local @!p0 [hbm:s0], s1  }
0x2f2: {  	s0 =	simm.s32 @!p0 $0xE  }
0x2f3: {  	_ =	swait.ge @!p0 [sflag:s0], s1  }
0x2f4: {  	s1 =	ssub.s32 @!p0 $0x0, s1;
	[sflag:s0] =	ssyncset.done @!p0 $0x0  }
0x2f5: {  	[sflag:s0] =	ssyncadd.s32 @!p0 s1  }
0x2f6: {  	[bflag:$0x3] =	sbarrier.arrive $0xFFFF  }
0x2f7: {  	_ =	shalt  }

</sc_bundles>
